<compile_context>
chip_gen: v7x
topology: tpu7x:2x2x1
jax: 0.10.2.dev20260603
libtpu: 0.0.44.dev20260713+nightly
codegen_flags: <defaults>
</compile_context>

<pallas_src>
import jax
import jax.numpy as jnp
from jax import lax
from jax.experimental import pallas as pl
from jax.experimental.pallas import tpu as pltpu
from jax.experimental.pallas import tpu_sc as plsc

N = 10000
D = 128
E = 320000
EPS = 1e-5
NC, NS = 2, 16
NW = NC * NS
C = 128
GS = 8
NG = 10
NCH = GS * NG
FAST_CORE = 0
NG_F, NG_S = 19, 1
NG_MAX = 19
EP = NW * NCH * C
NP = 10112
R = NP // NS

_mesh = plsc.VectorSubcoreMesh(
    core_axis_name="c", subcore_axis_name="s", num_cores=NC, num_subcores=NS)


def _deg_body(dst_hbm, zeros_hbm, ones_hbm, out_hbm, acc, dst_v, ones_v):
    c = lax.axis_index("c")
    s = lax.axis_index("s")
    wid = s * NC + c
    base = s * R
    pltpu.sync_copy(zeros_hbm.at[pl.ds(0, R)], acc.at[pl.ds(base, R)])
    pltpu.sync_copy(ones_hbm, ones_v)
    pltpu.sync_copy(dst_hbm.at[wid], dst_v)
    plsc.subcore_barrier()

    def body(j, carry):
        pltpu.sync_copy(ones_v, acc.at[dst_v.at[j]], add=True)
        return carry

    lax.fori_loop(0, NCH, body, 0)
    plsc.subcore_barrier()
    pltpu.sync_copy(acc.at[pl.ds(base, R)], out_hbm.at[pl.ds(c * NP + base, R)])


_deg_call = pl.kernel(
    _deg_body,
    out_type=jax.ShapeDtypeStruct((2 * NP, D), jnp.float32),
    mesh=_mesh,
    scratch_types=[
        pltpu.VMEM_SHARED((NP, D), jnp.float32),
        pltpu.VMEM((NCH, C), jnp.int32),
        pltpu.VMEM((C, D), jnp.float32),
    ],
)


_GB = C * D * 4


def _agg_body(g_hbm, src_hbm, dst_hbm, zeros_hbm, out_hbm,
              acc, sidx, didx, rows_a, rows_b, sem_a, sem_b):
    c = lax.axis_index("c")
    s = lax.axis_index("s")
    wid = c * NS + s
    base = s * R
    ng = jnp.where(c == FAST_CORE, NG_F, NG_S)
    pltpu.sync_copy(zeros_hbm.at[pl.ds(0, R)], acc.at[pl.ds(base, R)])
    pltpu.sync_copy(src_hbm.at[wid, 0], sidx)
    pltpu.sync_copy(dst_hbm.at[wid, 0], didx)
    plsc.subcore_barrier()

    pltpu.async_copy(g_hbm.at[sidx.at[0]], rows_a, sem_a)
    pltpu.async_copy(g_hbm.at[sidx.at[1]], rows_b, sem_b)

    def group(g_idx, refill):
        for k in range(GS):
            rows, sem = (rows_a, sem_a) if k % 2 == 0 else (rows_b, sem_b)
            pltpu.make_async_copy(zeros_hbm.at[pl.ds(0, C)], rows, sem).wait()
            pltpu.sync_copy(rows, acc.at[didx.at[k]], add=True)
            if k < GS - 2:
                pltpu.async_copy(g_hbm.at[sidx.at[k + 2]], rows, sem)
        if refill:
            pltpu.sync_copy(src_hbm.at[wid, g_idx + 1], sidx)
            pltpu.async_copy(g_hbm.at[sidx.at[0]], rows_a, sem_a)
            pltpu.async_copy(g_hbm.at[sidx.at[1]], rows_b, sem_b)
            pltpu.sync_copy(dst_hbm.at[wid, g_idx + 1], didx)

    def body(g_idx, carry):
        group(g_idx, True)
        return carry

    lax.fori_loop(0, ng - 1, body, 0)
    group(ng - 1, False)
    plsc.subcore_barrier()
    pltpu.sync_copy(acc.at[pl.ds(base, R)], out_hbm.at[pl.ds(c * NP + base, R)])


_agg_call = pl.kernel(
    _agg_body,
    out_type=jax.ShapeDtypeStruct((2 * NP, D), jnp.float32),
    mesh=_mesh,
    scratch_types=[
        pltpu.VMEM_SHARED((NP, D), jnp.float32),
        pltpu.VMEM((GS, C), jnp.int32),
        pltpu.VMEM((GS, C), jnp.int32),
        pltpu.VMEM((C, D), jnp.float32),
        pltpu.VMEM((C, D), jnp.float32),
        pltpu.SemaphoreType.DMA,
        pltpu.SemaphoreType.DMA,
    ],
)


def _tc0_body(degp_ref, x_ref, w_ref, dinv_ref, g_ref):
    dg = degp_ref[0:N, 0:1] + degp_ref[NP:NP + N, 0:1]
    dinv = lax.rsqrt(dg + 1.0)
    dinv_ref[...] = dinv
    g_ref[...] = jnp.dot(x_ref[...], w_ref[...],
                         preferred_element_type=jnp.float32) * dinv


_tc0 = pl.pallas_call(
    _tc0_body,
    out_shape=(jax.ShapeDtypeStruct((N, 1), jnp.float32),
               jax.ShapeDtypeStruct((N, D), jnp.float32)),
)


def _bn(sp_ref, g_ref, dinv_ref, b_ref, ga_ref, be_ref):
    s = sp_ref[0:N, :] + sp_ref[NP:NP + N, :]
    t = dinv_ref[...] * (s + g_ref[...]) + b_ref[...]
    mu = jnp.mean(t, axis=0, keepdims=True)
    xc = t - mu
    var = jnp.mean(xc * xc, axis=0, keepdims=True)
    return ga_ref[...] * xc * lax.rsqrt(var + EPS) + be_ref[...]


def _tc_mid_body(sp_ref, g_ref, dinv_ref, b_ref, ga_ref, be_ref, w_ref,
                 gn_ref):
    h = jnp.maximum(_bn(sp_ref, g_ref, dinv_ref, b_ref, ga_ref, be_ref), 0.0)
    gn_ref[...] = jnp.dot(h, w_ref[...],
                          preferred_element_type=jnp.float32) * dinv_ref[...]


_tc_mid = pl.pallas_call(
    _tc_mid_body,
    out_shape=jax.ShapeDtypeStruct((N, D), jnp.float32),
)


def _tc_fin_body(sp_ref, g_ref, dinv_ref, b_ref, ga_ref, be_ref, h_ref):
    h_ref[...] = _bn(sp_ref, g_ref, dinv_ref, b_ref, ga_ref, be_ref)


_tc_fin = pl.pallas_call(
    _tc_fin_body,
    out_shape=jax.ShapeDtypeStruct((N, D), jnp.float32),
)


def kernel(x, edge_index, W0, b0, gamma0, beta0, W1, b1, gamma1, beta1,
           W2, b2, gamma2, beta2):
    src = edge_index[0].astype(jnp.int32)
    dst = edge_index[1].astype(jnp.int32)
    padn = EP - E
    srcp = jnp.concatenate([src, jnp.zeros((padn,), jnp.int32)])
    dstp = jnp.concatenate([dst, jnp.full((padn,), N, jnp.int32)])
    dst3 = dstp.reshape(NW, NCH, C)

    def _split(flat):
        ef = NS * NG_F * GS * C
        f = flat[:ef].reshape(NS, NG_F, GS, C)
        sl = flat[ef:].reshape(NS, NG_S, GS, C)
        f = jnp.pad(f, ((0, 0), (0, NG_MAX - NG_F), (0, 0), (0, 0)))
        sl = jnp.pad(sl, ((0, 0), (0, NG_MAX - NG_S), (0, 0), (0, 0)))
        parts = (f, sl) if FAST_CORE == 0 else (sl, f)
        return jnp.concatenate(parts, axis=0)

    src4 = _split(srcp)
    dst4 = _split(dstp)
    zeros_d = jnp.zeros((NP, D), jnp.float32)
    ones_d = jnp.ones((C, D), jnp.float32)

    degp = _deg_call(dst3, zeros_d, ones_d)
    dinv, g = _tc0(degp, x, W0)

    for (b, ga, be, wn) in ((b0, gamma0, beta0, W1), (b1, gamma1, beta1, W2)):
        sp = _agg_call(g, src4, dst4, zeros_d)
        g = _tc_mid(sp, g, dinv, b.reshape(1, D), ga.reshape(1, D),
                    be.reshape(1, D), wn)

    sp = _agg_call(g, src4, dst4, zeros_d)
    return _tc_fin(sp, g, dinv, b2.reshape(1, D), gamma2.reshape(1, D),
                   beta2.reshape(1, D))

# --- scband reference (transcript-rebuilt; emitter-appended) ---
"""Pipeline reference for scband-custom-generaic-gnn-83726092468974 (READ-ONLY COPY).

The authoritative reference and input builder live on the scoring server;
editing this copy changes nothing except your own understanding.
"""

import jax, jax.numpy as jnp
import numpy as np

N = 10000
E = 320000
D = 128
L = 3
EPS = 1e-5


def setup_inputs(seed: int = 0) -> dict:
    key = jax.random.key(seed)
    ks = jax.random.split(key, 2 + L)
    x = jax.random.normal(ks[0], (N, D), dtype=jnp.float32)
    edge_index = jax.random.randint(ks[1], (2, E), 0, N, dtype=jnp.int64) if jax.config.jax_enable_x64 else jax.random.randint(ks[1], (2, E), 0, N, dtype=jnp.int32)
    inp = {"x": x, "edge_index": edge_index}
    for l in range(L):
        wk = jax.random.fold_in(ks[2 + l], l)
        inp[f"W{l}"] = jax.random.normal(wk, (D, D), dtype=jnp.float32) * (1.0 / np.sqrt(D))
        inp[f"b{l}"] = jnp.zeros((D,), dtype=jnp.float32)
        inp[f"gamma{l}"] = jnp.ones((D,), dtype=jnp.float32)
        inp[f"beta{l}"] = jnp.zeros((D,), dtype=jnp.float32)
    return inp


def _gcn_conv(h, edge_index, W, b):
    # GCNConv: out = D^-1/2 (A + I) D^-1/2 (h W) + b
    n = h.shape[0]
    h = h @ W
    loop = jnp.arange(n, dtype=edge_index.dtype)
    src = jnp.concatenate([edge_index[0], loop])
    dst = jnp.concatenate([edge_index[1], loop])
    deg = jnp.zeros((n,), dtype=h.dtype).at[dst].add(1.0)
    dinv = jnp.where(deg > 0, 1.0 / jnp.sqrt(deg), 0.0)
    norm = dinv[src] * dinv[dst]
    msg = jnp.take(h, src, axis=0) * norm[:, None]
    out = jnp.zeros_like(h).at[dst].add(msg)
    return out + b


def _batchnorm(h, gamma, beta):
    # BatchNorm1d, training-mode batch statistics (biased variance)
    mu = jnp.mean(h, axis=0)
    var = jnp.mean((h - mu) ** 2, axis=0)
    return gamma * (h - mu) / jnp.sqrt(var + EPS) + beta


def reference(x, edge_index, W0, b0, gamma0, beta0, W1, b1, gamma1, beta1, W2, b2, gamma2, beta2):
    params = [(W0, b0, gamma0, beta0), (W1, b1, gamma1, beta1), (W2, b2, gamma2, beta2)]
    h = x
    for l, (W, b, g, be) in enumerate(params):
        h = _gcn_conv(h, edge_index, W, b)
        h = _batchnorm(h, g, be)
        if l < L - 1:
            h = jax.nn.relu(h)
        # dropout with drop_ratio=0 is identity
    return h  # JK == 'last'

if __name__ == "__main__":
    import jax
    _d = setup_inputs()
    print(jax.jit(kernel)(*tuple(_d.values())))

</pallas_src>

<mosaic_0001>
#map = affine_map<(d0, d1) -> (0, 0, 0)>
#map1 = affine_map<(d0, d1) -> (0, 0)>
module attributes {stable_mosaic.version = 14 : i64} {
  func.func @_deg_body(%arg0: i32, %arg1: i32, %arg2: memref<32x80x128xi32, #tpu.memory_space<hbm>>, %arg3: memref<10112x128xf32, #tpu.memory_space<hbm>>, %arg4: memref<128x128xf32, #tpu.memory_space<hbm>>, %arg5: memref<20224x128xf32, #tpu.memory_space<hbm>>, %arg6: memref<10112x128xf32, #tpu.memory_space<vmem_shared>>, %arg7: memref<80x128xi32, #tpu.memory_space<vmem>>, %arg8: memref<128x128xf32, #tpu.memory_space<vmem>>) attributes {dimension_semantics = [#tpu.dimension_semantics<core_parallel>, #tpu.dimension_semantics<subcore_parallel>], iteration_bounds = array<i64: 2, 16>, scalar_prefetch = 0 : i64, scratch_operands = 3 : i64, tpu.core_type = #tpu.core_type<sc_vector_subcore>, window_params = [{transform_indices = #map}, {transform_indices = #map1}, {transform_indices = #map1}, {transform_indices = #map1}]} {
    %mul3A = arith.constant 2 : i32
    %mul3A_0 = arith.muli %arg1, %mul3A : i32
    %add3A = arith.addi %mul3A_0, %arg0 : i32
    %mul3A_1 = arith.constant 632 : i32
    %mul3A_2 = arith.muli %arg1, %mul3A_1 : i32
    "tpu.region"() ({
      %run_scoped3A = tpu.sem_alloc : memref<!tpu.dma_semaphore, #tpu.memory_space<semaphore_mem>>
      %dma_start3A = arith.constant 0 : i32
      %dma_start3A_12 = tpu.memref_slice %arg6[%mul3A_2, %dma_start3A] : memref<10112x128xf32, #tpu.memory_space<vmem_shared>> -> memref<632x128xf32, #tpu.memory_space<vmem_shared>>
      %dma_start3A_13 = arith.constant 0 : i32
      %dma_start3A_14 = arith.constant 0 : i32
      %dma_start3A_15 = tpu.memref_slice %arg3[%dma_start3A_13, %dma_start3A_14] : memref<10112x128xf32, #tpu.memory_space<hbm>> -> memref<632x128xf32, #tpu.memory_space<hbm>>
      tpu.enqueue_dma source(%dma_start3A_15 : memref<632x128xf32, #tpu.memory_space<hbm>>) target(%dma_start3A_12 : memref<632x128xf32, #tpu.memory_space<vmem_shared>>) target_semaphore(%run_scoped3A : memref<!tpu.dma_semaphore, #tpu.memory_space<semaphore_mem>>)
      %dma_wait3A = arith.constant 0 : i32
      %dma_wait3A_16 = tpu.memref_slice %arg6[%mul3A_2, %dma_wait3A] : memref<10112x128xf32, #tpu.memory_space<vmem_shared>> -> memref<632x128xf32, #tpu.memory_space<vmem_shared>>
      %dma_wait3A_17 = arith.constant 0 : i32
      %dma_wait3A_18 = arith.constant 0 : i32
      %dma_wait3A_19 = tpu.memref_slice %arg3[%dma_wait3A_17, %dma_wait3A_18] : memref<10112x128xf32, #tpu.memory_space<hbm>> -> memref<632x128xf32, #tpu.memory_space<hbm>>
      tpu.wait_dma2 semaphore(%run_scoped3A : memref<!tpu.dma_semaphore, #tpu.memory_space<semaphore_mem>>) src(%dma_wait3A_19 : memref<632x128xf32, #tpu.memory_space<hbm>>) dst(%dma_wait3A_16 : memref<632x128xf32, #tpu.memory_space<vmem_shared>>)
      tpu.yield
    }) : () -> ()
    "tpu.region"() ({
      %run_scoped3A = tpu.sem_alloc : memref<!tpu.dma_semaphore, #tpu.memory_space<semaphore_mem>>
      tpu.enqueue_dma source(%arg4 : memref<128x128xf32, #tpu.memory_space<hbm>>) target(%arg8 : memref<128x128xf32, #tpu.memory_space<vmem>>) target_semaphore(%run_scoped3A : memref<!tpu.dma_semaphore, #tpu.memory_space<semaphore_mem>>)
      tpu.wait_dma2 semaphore(%run_scoped3A : memref<!tpu.dma_semaphore, #tpu.memory_space<semaphore_mem>>) src(%arg4 : memref<128x128xf32, #tpu.memory_space<hbm>>) dst(%arg8 : memref<128x128xf32, #tpu.memory_space<vmem>>)
      tpu.yield
    }) : () -> ()
    "tpu.region"() ({
      %run_scoped3A = tpu.sem_alloc : memref<!tpu.dma_semaphore, #tpu.memory_space<semaphore_mem>>
      %dma_start3A = arith.constant 0 : i32
      %dma_start3A_12 = arith.constant 0 : i32
      %dma_start3A_13 = tpu.memref_slice %arg2[%add3A, %dma_start3A, %dma_start3A_12] : memref<32x80x128xi32, #tpu.memory_space<hbm>> -> memref<1x80x128xi32, #tpu.memory_space<hbm>>
      %dma_start3A_14 = tpu.memref_squeeze %dma_start3A_13 : memref<1x80x128xi32, #tpu.memory_space<hbm>> -> memref<80x128xi32, #tpu.memory_space<hbm>>
      %dma_start3A_15 = arith.constant 0 : i32
      %dma_start3A_16 = arith.constant 0 : i32
      %dma_start3A_17 = tpu.memref_slice %arg2[%add3A, %dma_start3A_15, %dma_start3A_16] : memref<32x80x128xi32, #tpu.memory_space<hbm>> -> memref<1x80x128xi32, #tpu.memory_space<hbm>>
      %dma_start3A_18 = tpu.memref_squeeze %dma_start3A_17 : memref<1x80x128xi32, #tpu.memory_space<hbm>> -> memref<80x128xi32, #tpu.memory_space<hbm>>
      tpu.enqueue_dma source(%dma_start3A_18 : memref<80x128xi32, #tpu.memory_space<hbm>>) target(%arg7 : memref<80x128xi32, #tpu.memory_space<vmem>>) target_semaphore(%run_scoped3A : memref<!tpu.dma_semaphore, #tpu.memory_space<semaphore_mem>>)
      %dma_wait3A = arith.constant 0 : i32
      %dma_wait3A_19 = arith.constant 0 : i32
      %dma_wait3A_20 = tpu.memref_slice %arg2[%add3A, %dma_wait3A, %dma_wait3A_19] : memref<32x80x128xi32, #tpu.memory_space<hbm>> -> memref<1x80x128xi32, #tpu.memory_space<hbm>>
      %dma_wait3A_21 = tpu.memref_squeeze %dma_wait3A_20 : memref<1x80x128xi32, #tpu.memory_space<hbm>> -> memref<80x128xi32, #tpu.memory_space<hbm>>
      %dma_wait3A_22 = arith.constant 0 : i32
      %dma_wait3A_23 = arith.constant 0 : i32
      %dma_wait3A_24 = tpu.memref_slice %arg2[%add3A, %dma_wait3A_22, %dma_wait3A_23] : memref<32x80x128xi32, #tpu.memory_space<hbm>> -> memref<1x80x128xi32, #tpu.memory_space<hbm>>
      %dma_wait3A_25 = tpu.memref_squeeze %dma_wait3A_24 : memref<1x80x128xi32, #tpu.memory_space<hbm>> -> memref<80x128xi32, #tpu.memory_space<hbm>>
      tpu.wait_dma2 semaphore(%run_scoped3A : memref<!tpu.dma_semaphore, #tpu.memory_space<semaphore_mem>>) src(%dma_wait3A_25 : memref<80x128xi32, #tpu.memory_space<hbm>>) dst(%arg7 : memref<80x128xi32, #tpu.memory_space<vmem>>)
      tpu.yield
    }) : () -> ()
    %barrier3A = arith.constant 0 : index
    tpu.barrier barrier_id(%barrier3A)
    %scan3A = arith.constant 0 : i32
    %scan3A_3 = arith.constant 0 : i32
    %scan3A_4 = arith.constant 80 : i32
    %scan3A_5 = arith.addi %scan3A_3, %scan3A_4 : i32
    %scan3A_6 = arith.constant 1 : i32
    scf.for %scan3A_12 = %scan3A_3 to %scan3A_5 step %scan3A_6  : i32 {
      "tpu.region"() ({
        %run_scoped3A = tpu.sem_alloc : memref<!tpu.dma_semaphore, #tpu.memory_space<semaphore_mem>>
        %dma_start3A = arith.constant 0 : i32
        %dma_start3A_13 = tpu.memref_slice %arg7[%scan3A_12, %dma_start3A] : memref<80x128xi32, #tpu.memory_space<vmem>> -> memref<1x128xi32, #tpu.memory_space<vmem>>
        %dma_start3A_14 = tpu.memref_squeeze %dma_start3A_13 : memref<1x128xi32, #tpu.memory_space<vmem>> -> memref<128xi32, #tpu.memory_space<vmem>>
        %dma_start3A_15 = arith.constant 0 : i32
        %dma_start3A_16 = arith.constant 0 : i32
        %dma_start3A_17 = tpu.memref_slice %arg6[%dma_start3A_15, %dma_start3A_16] : memref<10112x128xf32, #tpu.memory_space<vmem_shared>> -> memref<10112x128xf32, #tpu.memory_space<vmem_shared>>
        tpu.enqueue_indirect_dma source(%arg8 : memref<128x128xf32, #tpu.memory_space<vmem>>) target(%dma_start3A_17 : memref<10112x128xf32, #tpu.memory_space<vmem_shared>>) offsets(%dma_start3A_14 : memref<128xi32, #tpu.memory_space<vmem>>) semaphore(%run_scoped3A : memref<!tpu.dma_semaphore, #tpu.memory_space<semaphore_mem>>) {add = true}
        %dma_wait3A = arith.constant 0 : i32
        %dma_wait3A_18 = tpu.memref_slice %arg7[%scan3A_12, %dma_wait3A] : memref<80x128xi32, #tpu.memory_space<vmem>> -> memref<1x128xi32, #tpu.memory_space<vmem>>
        %dma_wait3A_19 = tpu.memref_squeeze %dma_wait3A_18 : memref<1x128xi32, #tpu.memory_space<vmem>> -> memref<128xi32, #tpu.memory_space<vmem>>
        %dma_wait3A_20 = arith.constant 0 : i32
        %dma_wait3A_21 = arith.constant 0 : i32
        %dma_wait3A_22 = tpu.memref_slice %arg6[%dma_wait3A_20, %dma_wait3A_21] : memref<10112x128xf32, #tpu.memory_space<vmem_shared>> -> memref<10112x128xf32, #tpu.memory_space<vmem_shared>>
        tpu.wait_indirect_dma semaphore(%run_scoped3A : memref<!tpu.dma_semaphore, #tpu.memory_space<semaphore_mem>>) src(%arg8 : memref<128x128xf32, #tpu.memory_space<vmem>>) dst(%dma_wait3A_22 : memref<10112x128xf32, #tpu.memory_space<vmem_shared>>)
        tpu.yield
      }) : () -> ()
    }
    %scan3A_7 = arith.constant 80 : i32
    %barrier3A_8 = arith.constant 0 : index
    tpu.barrier barrier_id(%barrier3A_8)
    %mul3A_9 = arith.constant 10112 : i32
    %mul3A_10 = arith.muli %arg0, %mul3A_9 : i32
    %add3A_11 = arith.addi %mul3A_10, %mul3A_2 : i32
    "tpu.region"() ({
      %run_scoped3A = tpu.sem_alloc : memref<!tpu.dma_semaphore, #tpu.memory_space<semaphore_mem>>
      %dma_start3A = arith.constant 0 : i32
      %dma_start3A_12 = tpu.memref_slice %arg5[%add3A_11, %dma_start3A] : memref<20224x128xf32, #tpu.memory_space<hbm>> -> memref<632x128xf32, #tpu.memory_space<hbm>>
      %dma_start3A_13 = arith.constant 0 : i32
      %dma_start3A_14 = tpu.memref_slice %arg6[%mul3A_2, %dma_start3A_13] : memref<10112x128xf32, #tpu.memory_space<vmem_shared>> -> memref<632x128xf32, #tpu.memory_space<vmem_shared>>
      tpu.enqueue_dma source(%dma_start3A_14 : memref<632x128xf32, #tpu.memory_space<vmem_shared>>) target(%dma_start3A_12 : memref<632x128xf32, #tpu.memory_space<hbm>>) target_semaphore(%run_scoped3A : memref<!tpu.dma_semaphore, #tpu.memory_space<semaphore_mem>>)
      %dma_wait3A = arith.constant 0 : i32
      %dma_wait3A_15 = tpu.memref_slice %arg5[%add3A_11, %dma_wait3A] : memref<20224x128xf32, #tpu.memory_space<hbm>> -> memref<632x128xf32, #tpu.memory_space<hbm>>
      %dma_wait3A_16 = arith.constant 0 : i32
      %dma_wait3A_17 = tpu.memref_slice %arg6[%mul3A_2, %dma_wait3A_16] : memref<10112x128xf32, #tpu.memory_space<vmem_shared>> -> memref<632x128xf32, #tpu.memory_space<vmem_shared>>
      tpu.wait_dma2 semaphore(%run_scoped3A : memref<!tpu.dma_semaphore, #tpu.memory_space<semaphore_mem>>) src(%dma_wait3A_17 : memref<632x128xf32, #tpu.memory_space<vmem_shared>>) dst(%dma_wait3A_15 : memref<632x128xf32, #tpu.memory_space<hbm>>)
      tpu.yield
    }) : () -> ()
    return
  }
}

#map = affine_map<(d0, d1) -> (0, 0)>
#map1 = affine_map<(d0, d1) -> (0, 0, 0, 0)>
module attributes {stable_mosaic.version = 14 : i64} {
  func.func @_agg_body(%arg0: i32, %arg1: i32, %arg2: memref<10000x128xf32, #tpu.memory_space<hbm>>, %arg3: memref<32x19x8x128xi32, #tpu.memory_space<hbm>>, %arg4: memref<32x19x8x128xi32, #tpu.memory_space<hbm>>, %arg5: memref<10112x128xf32, #tpu.memory_space<hbm>>, %arg6: memref<20224x128xf32, #tpu.memory_space<hbm>>, %arg7: memref<10112x128xf32, #tpu.memory_space<vmem_shared>>, %arg8: memref<8x128xi32, #tpu.memory_space<vmem>>, %arg9: memref<8x128xi32, #tpu.memory_space<vmem>>, %arg10: memref<128x128xf32, #tpu.memory_space<vmem>>, %arg11: memref<128x128xf32, #tpu.memory_space<vmem>>, %arg12: memref<!tpu.dma_semaphore, #tpu.memory_space<semaphore_mem>>, %arg13: memref<!tpu.dma_semaphore, #tpu.memory_space<semaphore_mem>>) attributes {dimension_semantics = [#tpu.dimension_semantics<core_parallel>, #tpu.dimension_semantics<subcore_parallel>], iteration_bounds = array<i64: 2, 16>, scalar_prefetch = 0 : i64, scratch_operands = 7 : i64, tpu.core_type = #tpu.core_type<sc_vector_subcore>, window_params = [{transform_indices = #map}, {transform_indices = #map1}, {transform_indices = #map1}, {transform_indices = #map}, {transform_indices = #map}]} {
    %mul3A = arith.constant 16 : i32
    %mul3A_0 = arith.muli %arg0, %mul3A : i32
    %add3A = arith.addi %mul3A_0, %arg1 : i32
    %mul3A_1 = arith.constant 632 : i32
    %mul3A_2 = arith.muli %arg1, %mul3A_1 : i32
    %eq3A = arith.constant 0 : i32
    %eq3A_3 = arith.cmpi eq, %arg0, %eq3A : i32
    %jit3A = arith.constant 19 : i32
    %jit3A_4 = arith.constant 1 : i32
    %select_n3A = arith.select %eq3A_3, %jit3A, %jit3A_4 : i32
    "tpu.region"() ({
      %run_scoped3A_132 = tpu.sem_alloc : memref<!tpu.dma_semaphore, #tpu.memory_space<semaphore_mem>>
      %dma_start3A_133 = arith.constant 0 : i32
      %dma_start3A_134 = tpu.memref_slice %arg7[%mul3A_2, %dma_start3A_133] : memref<10112x128xf32, #tpu.memory_space<vmem_shared>> -> memref<632x128xf32, #tpu.memory_space<vmem_shared>>
      %dma_start3A_135 = arith.constant 0 : i32
      %dma_start3A_136 = arith.constant 0 : i32
      %dma_start3A_137 = tpu.memref_slice %arg5[%dma_start3A_135, %dma_start3A_136] : memref<10112x128xf32, #tpu.memory_space<hbm>> -> memref<632x128xf32, #tpu.memory_space<hbm>>
      tpu.enqueue_dma source(%dma_start3A_137 : memref<632x128xf32, #tpu.memory_space<hbm>>) target(%dma_start3A_134 : memref<632x128xf32, #tpu.memory_space<vmem_shared>>) target_semaphore(%run_scoped3A_132 : memref<!tpu.dma_semaphore, #tpu.memory_space<semaphore_mem>>)
      %dma_wait3A_138 = arith.constant 0 : i32
      %dma_wait3A_139 = tpu.memref_slice %arg7[%mul3A_2, %dma_wait3A_138] : memref<10112x128xf32, #tpu.memory_space<vmem_shared>> -> memref<632x128xf32, #tpu.memory_space<vmem_shared>>
      %dma_wait3A_140 = arith.constant 0 : i32
      %dma_wait3A_141 = arith.constant 0 : i32
      %dma_wait3A_142 = tpu.memref_slice %arg5[%dma_wait3A_140, %dma_wait3A_141] : memref<10112x128xf32, #tpu.memory_space<hbm>> -> memref<632x128xf32, #tpu.memory_space<hbm>>
      tpu.wait_dma2 semaphore(%run_scoped3A_132 : memref<!tpu.dma_semaphore, #tpu.memory_space<semaphore_mem>>) src(%dma_wait3A_142 : memref<632x128xf32, #tpu.memory_space<hbm>>) dst(%dma_wait3A_139 : memref<632x128xf32, #tpu.memory_space<vmem_shared>>)
      tpu.yield
    }) : () -> ()
    %run_scoped3A = arith.constant 0 : i32
    "tpu.region"() ({
      %run_scoped3A_132 = tpu.sem_alloc : memref<!tpu.dma_semaphore, #tpu.memory_space<semaphore_mem>>
      %dma_start3A_133 = arith.constant 0 : i32
      %dma_start3A_134 = arith.constant 0 : i32
      %dma_start3A_135 = tpu.memref_slice %arg3[%add3A, %run_scoped3A, %dma_start3A_133, %dma_start3A_134] : memref<32x19x8x128xi32, #tpu.memory_space<hbm>> -> memref<1x1x8x128xi32, #tpu.memory_space<hbm>>
      %dma_start3A_136 = tpu.memref_squeeze %dma_start3A_135 : memref<1x1x8x128xi32, #tpu.memory_space<hbm>> -> memref<8x128xi32, #tpu.memory_space<hbm>>
      %dma_start3A_137 = arith.constant 0 : i32
      %dma_start3A_138 = arith.constant 0 : i32
      %dma_start3A_139 = tpu.memref_slice %arg3[%add3A, %run_scoped3A, %dma_start3A_137, %dma_start3A_138] : memref<32x19x8x128xi32, #tpu.memory_space<hbm>> -> memref<1x1x8x128xi32, #tpu.memory_space<hbm>>
      %dma_start3A_140 = tpu.memref_squeeze %dma_start3A_139 : memref<1x1x8x128xi32, #tpu.memory_space<hbm>> -> memref<8x128xi32, #tpu.memory_space<hbm>>
      tpu.enqueue_dma source(%dma_start3A_140 : memref<8x128xi32, #tpu.memory_space<hbm>>) target(%arg8 : memref<8x128xi32, #tpu.memory_space<vmem>>) target_semaphore(%run_scoped3A_132 : memref<!tpu.dma_semaphore, #tpu.memory_space<semaphore_mem>>)
      %dma_wait3A_141 = arith.constant 0 : i32
      %dma_wait3A_142 = arith.constant 0 : i32
      %dma_wait3A_143 = tpu.memref_slice %arg3[%add3A, %run_scoped3A, %dma_wait3A_141, %dma_wait3A_142] : memref<32x19x8x128xi32, #tpu.memory_space<hbm>> -> memref<1x1x8x128xi32, #tpu.memory_space<hbm>>
      %dma_wait3A_144 = tpu.memref_squeeze %dma_wait3A_143 : memref<1x1x8x128xi32, #tpu.memory_space<hbm>> -> memref<8x128xi32, #tpu.memory_space<hbm>>
      %dma_wait3A_145 = arith.constant 0 : i32
      %dma_wait3A_146 = arith.constant 0 : i32
      %dma_wait3A_147 = tpu.memref_slice %arg3[%add3A, %run_scoped3A, %dma_wait3A_145, %dma_wait3A_146] : memref<32x19x8x128xi32, #tpu.memory_space<hbm>> -> memref<1x1x8x128xi32, #tpu.memory_space<hbm>>
      %dma_wait3A_148 = tpu.memref_squeeze %dma_wait3A_147 : memref<1x1x8x128xi32, #tpu.memory_space<hbm>> -> memref<8x128xi32, #tpu.memory_space<hbm>>
      tpu.wait_dma2 semaphore(%run_scoped3A_132 : memref<!tpu.dma_semaphore, #tpu.memory_space<semaphore_mem>>) src(%dma_wait3A_148 : memref<8x128xi32, #tpu.memory_space<hbm>>) dst(%arg8 : memref<8x128xi32, #tpu.memory_space<vmem>>)
      tpu.yield
    }) : () -> ()
    %run_scoped3A_5 = arith.constant 0 : i32
    "tpu.region"() ({
      %run_scoped3A_132 = tpu.sem_alloc : memref<!tpu.dma_semaphore, #tpu.memory_space<semaphore_mem>>
      %dma_start3A_133 = arith.constant 0 : i32
      %dma_start3A_134 = arith.constant 0 : i32
      %dma_start3A_135 = tpu.memref_slice %arg4[%add3A, %run_scoped3A_5, %dma_start3A_133, %dma_start3A_134] : memref<32x19x8x128xi32, #tpu.memory_space<hbm>> -> memref<1x1x8x128xi32, #tpu.memory_space<hbm>>
      %dma_start3A_136 = tpu.memref_squeeze %dma_start3A_135 : memref<1x1x8x128xi32, #tpu.memory_space<hbm>> -> memref<8x128xi32, #tpu.memory_space<hbm>>
      %dma_start3A_137 = arith.constant 0 : i32
      %dma_start3A_138 = arith.constant 0 : i32
      %dma_start3A_139 = tpu.memref_slice %arg4[%add3A, %run_scoped3A_5, %dma_start3A_137, %dma_start3A_138] : memref<32x19x8x128xi32, #tpu.memory_space<hbm>> -> memref<1x1x8x128xi32, #tpu.memory_space<hbm>>
      %dma_start3A_140 = tpu.memref_squeeze %dma_start3A_139 : memref<1x1x8x128xi32, #tpu.memory_space<hbm>> -> memref<8x128xi32, #tpu.memory_space<hbm>>
      tpu.enqueue_dma source(%dma_start3A_140 : memref<8x128xi32, #tpu.memory_space<hbm>>) target(%arg9 : memref<8x128xi32, #tpu.memory_space<vmem>>) target_semaphore(%run_scoped3A_132 : memref<!tpu.dma_semaphore, #tpu.memory_space<semaphore_mem>>)
      %dma_wait3A_141 = arith.constant 0 : i32
      %dma_wait3A_142 = arith.constant 0 : i32
      %dma_wait3A_143 = tpu.memref_slice %arg4[%add3A, %run_scoped3A_5, %dma_wait3A_141, %dma_wait3A_142] : memref<32x19x8x128xi32, #tpu.memory_space<hbm>> -> memref<1x1x8x128xi32, #tpu.memory_space<hbm>>
      %dma_wait3A_144 = tpu.memref_squeeze %dma_wait3A_143 : memref<1x1x8x128xi32, #tpu.memory_space<hbm>> -> memref<8x128xi32, #tpu.memory_space<hbm>>
      %dma_wait3A_145 = arith.constant 0 : i32
      %dma_wait3A_146 = arith.constant 0 : i32
      %dma_wait3A_147 = tpu.memref_slice %arg4[%add3A, %run_scoped3A_5, %dma_wait3A_145, %dma_wait3A_146] : memref<32x19x8x128xi32, #tpu.memory_space<hbm>> -> memref<1x1x8x128xi32, #tpu.memory_space<hbm>>
      %dma_wait3A_148 = tpu.memref_squeeze %dma_wait3A_147 : memref<1x1x8x128xi32, #tpu.memory_space<hbm>> -> memref<8x128xi32, #tpu.memory_space<hbm>>
      tpu.wait_dma2 semaphore(%run_scoped3A_132 : memref<!tpu.dma_semaphore, #tpu.memory_space<semaphore_mem>>) src(%dma_wait3A_148 : memref<8x128xi32, #tpu.memory_space<hbm>>) dst(%arg9 : memref<8x128xi32, #tpu.memory_space<vmem>>)
      tpu.yield
    }) : () -> ()
    %barrier3A = arith.constant 0 : index
    tpu.barrier barrier_id(%barrier3A)
    %dma_start3A = arith.constant 0 : i32
    %dma_start3A_6 = arith.constant 0 : i32
    %dma_start3A_7 = tpu.memref_slice %arg8[%dma_start3A, %dma_start3A_6] : memref<8x128xi32, #tpu.memory_space<vmem>> -> memref<1x128xi32, #tpu.memory_space<vmem>>
    %dma_start3A_8 = tpu.memref_squeeze %dma_start3A_7 : memref<1x128xi32, #tpu.memory_space<vmem>> -> memref<128xi32, #tpu.memory_space<vmem>>
    %dma_start3A_9 = arith.constant 0 : i32
    %dma_start3A_10 = arith.constant 0 : i32
    %dma_start3A_11 = tpu.memref_slice %arg2[%dma_start3A_9, %dma_start3A_10] : memref<10000x128xf32, #tpu.memory_space<hbm>> -> memref<10000x128xf32, #tpu.memory_space<hbm>>
    tpu.enqueue_indirect_dma source(%dma_start3A_11 : memref<10000x128xf32, #tpu.memory_space<hbm>>) target(%arg10 : memref<128x128xf32, #tpu.memory_space<vmem>>) offsets(%dma_start3A_8 : memref<128xi32, #tpu.memory_space<vmem>>) semaphore(%arg12 : memref<!tpu.dma_semaphore, #tpu.memory_space<semaphore_mem>>)
    %dma_start3A_12 = arith.constant 1 : i32
    %dma_start3A_13 = arith.constant 0 : i32
    %dma_start3A_14 = tpu.memref_slice %arg8[%dma_start3A_12, %dma_start3A_13] : memref<8x128xi32, #tpu.memory_space<vmem>> -> memref<1x128xi32, #tpu.memory_space<vmem>>
    %dma_start3A_15 = tpu.memref_squeeze %dma_start3A_14 : memref<1x128xi32, #tpu.memory_space<vmem>> -> memref<128xi32, #tpu.memory_space<vmem>>
    %dma_start3A_16 = arith.constant 0 : i32
    %dma_start3A_17 = arith.constant 0 : i32
    %dma_start3A_18 = tpu.memref_slice %arg2[%dma_start3A_16, %dma_start3A_17] : memref<10000x128xf32, #tpu.memory_space<hbm>> -> memref<10000x128xf32, #tpu.memory_space<hbm>>
    tpu.enqueue_indirect_dma source(%dma_start3A_18 : memref<10000x128xf32, #tpu.memory_space<hbm>>) target(%arg11 : memref<128x128xf32, #tpu.memory_space<vmem>>) offsets(%dma_start3A_15 : memref<128xi32, #tpu.memory_space<vmem>>) semaphore(%arg13 : memref<!tpu.dma_semaphore, #tpu.memory_space<semaphore_mem>>)
    %sub3A = arith.constant 1 : i32
    %sub3A_19 = arith.subi %select_n3A, %sub3A : i32
    %while3A = arith.constant 0 : i32
    %while3A_20 = arith.constant 0 : i32
    %while3A_21 = arith.subi %sub3A_19, %while3A_20 : i32
    %while3A_22 = arith.addi %while3A_20, %while3A_21 : i32
    %while3A_23 = arith.constant 1 : i32
    %while3A_24 = arith.divsi %while3A_21, %while3A_23 : i32
    %while3A_25 = arith.muli %while3A_24, %while3A_23 : i32
    %while3A_26 = arith.addi %while3A_20, %while3A_25 : i32
    %while3A_27 = arith.constant 1 : i32
    scf.for %while3A_132 = %while3A_20 to %while3A_26 step %while3A_27  : i32 {
      %dma_wait3A_133 = arith.constant 0 : i32
      %dma_wait3A_134 = arith.constant 0 : i32
      %dma_wait3A_135 = tpu.memref_slice %arg5[%dma_wait3A_133, %dma_wait3A_134] : memref<10112x128xf32, #tpu.memory_space<hbm>> -> memref<128x128xf32, #tpu.memory_space<hbm>>
      %dma_wait3A_136 = arith.constant 0 : i32
      %dma_wait3A_137 = arith.constant 0 : i32
      %dma_wait3A_138 = tpu.memref_slice %arg5[%dma_wait3A_136, %dma_wait3A_137] : memref<10112x128xf32, #tpu.memory_space<hbm>> -> memref<128x128xf32, #tpu.memory_space<hbm>>
      tpu.wait_dma2 semaphore(%arg12 : memref<!tpu.dma_semaphore, #tpu.memory_space<semaphore_mem>>) src(%dma_wait3A_138 : memref<128x128xf32, #tpu.memory_space<hbm>>) dst(%arg10 : memref<128x128xf32, #tpu.memory_space<vmem>>)
      %run_scoped3A_139 = arith.constant 0 : i32
      "tpu.region"() ({
        %run_scoped3A_249 = tpu.sem_alloc : memref<!tpu.dma_semaphore, #tpu.memory_space<semaphore_mem>>
        %dma_start3A_250 = arith.constant 0 : i32
        %dma_start3A_251 = tpu.memref_slice %arg9[%run_scoped3A_139, %dma_start3A_250] : memref<8x128xi32, #tpu.memory_space<vmem>> -> memref<1x128xi32, #tpu.memory_space<vmem>>
        %dma_start3A_252 = tpu.memref_squeeze %dma_start3A_251 : memref<1x128xi32, #tpu.memory_space<vmem>> -> memref<128xi32, #tpu.memory_space<vmem>>
        %dma_start3A_253 = arith.constant 0 : i32
        %dma_start3A_254 = arith.constant 0 : i32
        %dma_start3A_255 = tpu.memref_slice %arg7[%dma_start3A_253, %dma_start3A_254] : memref<10112x128xf32, #tpu.memory_space<vmem_shared>> -> memref<10112x128xf32, #tpu.memory_space<vmem_shared>>
        tpu.enqueue_indirect_dma source(%arg10 : memref<128x128xf32, #tpu.memory_space<vmem>>) target(%dma_start3A_255 : memref<10112x128xf32, #tpu.memory_space<vmem_shared>>) offsets(%dma_start3A_252 : memref<128xi32, #tpu.memory_space<vmem>>) semaphore(%run_scoped3A_249 : memref<!tpu.dma_semaphore, #tpu.memory_space<semaphore_mem>>) {add = true}
        %dma_wait3A_256 = arith.constant 0 : i32
        %dma_wait3A_257 = tpu.memref_slice %arg9[%run_scoped3A_139, %dma_wait3A_256] : memref<8x128xi32, #tpu.memory_space<vmem>> -> memref<1x128xi32, #tpu.memory_space<vmem>>
        %dma_wait3A_258 = tpu.memref_squeeze %dma_wait3A_257 : memref<1x128xi32, #tpu.memory_space<vmem>> -> memref<128xi32, #tpu.memory_space<vmem>>
        %dma_wait3A_259 = arith.constant 0 : i32
        %dma_wait3A_260 = arith.constant 0 : i32
        %dma_wait3A_261 = tpu.memref_slice %arg7[%dma_wait3A_259, %dma_wait3A_260] : memref<10112x128xf32, #tpu.memory_space<vmem_shared>> -> memref<10112x128xf32, #tpu.memory_space<vmem_shared>>
        tpu.wait_indirect_dma semaphore(%run_scoped3A_249 : memref<!tpu.dma_semaphore, #tpu.memory_space<semaphore_mem>>) src(%arg10 : memref<128x128xf32, #tpu.memory_space<vmem>>) dst(%dma_wait3A_261 : memref<10112x128xf32, #tpu.memory_space<vmem_shared>>)
        tpu.yield
      }) : () -> ()
      %dma_start3A_140 = arith.constant 2 : i32
      %dma_start3A_141 = arith.constant 0 : i32
      %dma_start3A_142 = tpu.memref_slice %arg8[%dma_start3A_140, %dma_start3A_141] : memref<8x128xi32, #tpu.memory_space<vmem>> -> memref<1x128xi32, #tpu.memory_space<vmem>>
      %dma_start3A_143 = tpu.memref_squeeze %dma_start3A_142 : memref<1x128xi32, #tpu.memory_space<vmem>> -> memref<128xi32, #tpu.memory_space<vmem>>
      %dma_start3A_144 = arith.constant 0 : i32
      %dma_start3A_145 = arith.constant 0 : i32
      %dma_start3A_146 = tpu.memref_slice %arg2[%dma_start3A_144, %dma_start3A_145] : memref<10000x128xf32, #tpu.memory_space<hbm>> -> memref<10000x128xf32, #tpu.memory_space<hbm>>
      tpu.enqueue_indirect_dma source(%dma_start3A_146 : memref<10000x128xf32, #tpu.memory_space<hbm>>) target(%arg10 : memref<128x128xf32, #tpu.memory_space<vmem>>) offsets(%dma_start3A_143 : memref<128xi32, #tpu.memory_space<vmem>>) semaphore(%arg12 : memref<!tpu.dma_semaphore, #tpu.memory_space<semaphore_mem>>)
      %dma_wait3A_147 = arith.constant 0 : i32
      %dma_wait3A_148 = arith.constant 0 : i32
      %dma_wait3A_149 = tpu.memref_slice %arg5[%dma_wait3A_147, %dma_wait3A_148] : memref<10112x128xf32, #tpu.memory_space<hbm>> -> memref<128x128xf32, #tpu.memory_space<hbm>>
      %dma_wait3A_150 = arith.constant 0 : i32
      %dma_wait3A_151 = arith.constant 0 : i32
      %dma_wait3A_152 = tpu.memref_slice %arg5[%dma_wait3A_150, %dma_wait3A_151] : memref<10112x128xf32, #tpu.memory_space<hbm>> -> memref<128x128xf32, #tpu.memory_space<hbm>>
      tpu.wait_dma2 semaphore(%arg13 : memref<!tpu.dma_semaphore, #tpu.memory_space<semaphore_mem>>) src(%dma_wait3A_152 : memref<128x128xf32, #tpu.memory_space<hbm>>) dst(%arg11 : memref<128x128xf32, #tpu.memory_space<vmem>>)
      %run_scoped3A_153 = arith.constant 1 : i32
      "tpu.region"() ({
        %run_scoped3A_249 = tpu.sem_alloc : memref<!tpu.dma_semaphore, #tpu.memory_space<semaphore_mem>>
        %dma_start3A_250 = arith.constant 0 : i32
        %dma_start3A_251 = tpu.memref_slice %arg9[%run_scoped3A_153, %dma_start3A_250] : memref<8x128xi32, #tpu.memory_space<vmem>> -> memref<1x128xi32, #tpu.memory_space<vmem>>
        %dma_start3A_252 = tpu.memref_squeeze %dma_start3A_251 : memref<1x128xi32, #tpu.memory_space<vmem>> -> memref<128xi32, #tpu.memory_space<vmem>>
        %dma_start3A_253 = arith.constant 0 : i32
        %dma_start3A_254 = arith.constant 0 : i32
        %dma_start3A_255 = tpu.memref_slice %arg7[%dma_start3A_253, %dma_start3A_254] : memref<10112x128xf32, #tpu.memory_space<vmem_shared>> -> memref<10112x128xf32, #tpu.memory_space<vmem_shared>>
        tpu.enqueue_indirect_dma source(%arg11 : memref<128x128xf32, #tpu.memory_space<vmem>>) target(%dma_start3A_255 : memref<10112x128xf32, #tpu.memory_space<vmem_shared>>) offsets(%dma_start3A_252 : memref<128xi32, #tpu.memory_space<vmem>>) semaphore(%run_scoped3A_249 : memref<!tpu.dma_semaphore, #tpu.memory_space<semaphore_mem>>) {add = true}
        %dma_wait3A_256 = arith.constant 0 : i32
        %dma_wait3A_257 = tpu.memref_slice %arg9[%run_scoped3A_153, %dma_wait3A_256] : memref<8x128xi32, #tpu.memory_space<vmem>> -> memref<1x128xi32, #tpu.memory_space<vmem>>
        %dma_wait3A_258 = tpu.memref_squeeze %dma_wait3A_257 : memref<1x128xi32, #tpu.memory_space<vmem>> -> memref<128xi32, #tpu.memory_space<vmem>>
        %dma_wait3A_259 = arith.constant 0 : i32
        %dma_wait3A_260 = arith.constant 0 : i32
        %dma_wait3A_261 = tpu.memref_slice %arg7[%dma_wait3A_259, %dma_wait3A_260] : memref<10112x128xf32, #tpu.memory_space<vmem_shared>> -> memref<10112x128xf32, #tpu.memory_space<vmem_shared>>
        tpu.wait_indirect_dma semaphore(%run_scoped3A_249 : memref<!tpu.dma_semaphore, #tpu.memory_space<semaphore_mem>>) src(%arg11 : memref<128x128xf32, #tpu.memory_space<vmem>>) dst(%dma_wait3A_261 : memref<10112x128xf32, #tpu.memory_space<vmem_shared>>)
        tpu.yield
      }) : () -> ()
      %dma_start3A_154 = arith.constant 3 : i32
      %dma_start3A_155 = arith.constant 0 : i32
      %dma_start3A_156 = tpu.memref_slice %arg8[%dma_start3A_154, %dma_start3A_155] : memref<8x128xi32, #tpu.memory_space<vmem>> -> memref<1x128xi32, #tpu.memory_space<vmem>>
      %dma_start3A_157 = tpu.memref_squeeze %dma_start3A_156 : memref<1x128xi32, #tpu.memory_space<vmem>> -> memref<128xi32, #tpu.memory_space<vmem>>
      %dma_start3A_158 = arith.constant 0 : i32
      %dma_start3A_159 = arith.constant 0 : i32
      %dma_start3A_160 = tpu.memref_slice %arg2[%dma_start3A_158, %dma_start3A_159] : memref<10000x128xf32, #tpu.memory_space<hbm>> -> memref<10000x128xf32, #tpu.memory_space<hbm>>
      tpu.enqueue_indirect_dma source(%dma_start3A_160 : memref<10000x128xf32, #tpu.memory_space<hbm>>) target(%arg11 : memref<128x128xf32, #tpu.memory_space<vmem>>) offsets(%dma_start3A_157 : memref<128xi32, #tpu.memory_space<vmem>>) semaphore(%arg13 : memref<!tpu.dma_semaphore, #tpu.memory_space<semaphore_mem>>)
      %dma_wait3A_161 = arith.constant 0 : i32
      %dma_wait3A_162 = arith.constant 0 : i32
      %dma_wait3A_163 = tpu.memref_slice %arg5[%dma_wait3A_161, %dma_wait3A_162] : memref<10112x128xf32, #tpu.memory_space<hbm>> -> memref<128x128xf32, #tpu.memory_space<hbm>>
      %dma_wait3A_164 = arith.constant 0 : i32
      %dma_wait3A_165 = arith.constant 0 : i32
      %dma_wait3A_166 = tpu.memref_slice %arg5[%dma_wait3A_164, %dma_wait3A_165] : memref<10112x128xf32, #tpu.memory_space<hbm>> -> memref<128x128xf32, #tpu.memory_space<hbm>>
      tpu.wait_dma2 semaphore(%arg12 : memref<!tpu.dma_semaphore, #tpu.memory_space<semaphore_mem>>) src(%dma_wait3A_166 : memref<128x128xf32, #tpu.memory_space<hbm>>) dst(%arg10 : memref<128x128xf32, #tpu.memory_space<vmem>>)
      %run_scoped3A_167 = arith.constant 2 : i32
      "tpu.region"() ({
        %run_scoped3A_249 = tpu.sem_alloc : memref<!tpu.dma_semaphore, #tpu.memory_space<semaphore_mem>>
        %dma_start3A_250 = arith.constant 0 : i32
        %dma_start3A_251 = tpu.memref_slice %arg9[%run_scoped3A_167, %dma_start3A_250] : memref<8x128xi32, #tpu.memory_space<vmem>> -> memref<1x128xi32, #tpu.memory_space<vmem>>
        %dma_start3A_252 = tpu.memref_squeeze %dma_start3A_251 : memref<1x128xi32, #tpu.memory_space<vmem>> -> memref<128xi32, #tpu.memory_space<vmem>>
        %dma_start3A_253 = arith.constant 0 : i32
        %dma_start3A_254 = arith.constant 0 : i32
        %dma_start3A_255 = tpu.memref_slice %arg7[%dma_start3A_253, %dma_start3A_254] : memref<10112x128xf32, #tpu.memory_space<vmem_shared>> -> memref<10112x128xf32, #tpu.memory_space<vmem_shared>>
        tpu.enqueue_indirect_dma source(%arg10 : memref<128x128xf32, #tpu.memory_space<vmem>>) target(%dma_start3A_255 : memref<10112x128xf32, #tpu.memory_space<vmem_shared>>) offsets(%dma_start3A_252 : memref<128xi32, #tpu.memory_space<vmem>>) semaphore(%run_scoped3A_249 : memref<!tpu.dma_semaphore, #tpu.memory_space<semaphore_mem>>) {add = true}
        %dma_wait3A_256 = arith.constant 0 : i32
        %dma_wait3A_257 = tpu.memref_slice %arg9[%run_scoped3A_167, %dma_wait3A_256] : memref<8x128xi32, #tpu.memory_space<vmem>> -> memref<1x128xi32, #tpu.memory_space<vmem>>
        %dma_wait3A_258 = tpu.memref_squeeze %dma_wait3A_257 : memref<1x128xi32, #tpu.memory_space<vmem>> -> memref<128xi32, #tpu.memory_space<vmem>>
        %dma_wait3A_259 = arith.constant 0 : i32
        %dma_wait3A_260 = arith.constant 0 : i32
        %dma_wait3A_261 = tpu.memref_slice %arg7[%dma_wait3A_259, %dma_wait3A_260] : memref<10112x128xf32, #tpu.memory_space<vmem_shared>> -> memref<10112x128xf32, #tpu.memory_space<vmem_shared>>
        tpu.wait_indirect_dma semaphore(%run_scoped3A_249 : memref<!tpu.dma_semaphore, #tpu.memory_space<semaphore_mem>>) src(%arg10 : memref<128x128xf32, #tpu.memory_space<vmem>>) dst(%dma_wait3A_261 : memref<10112x128xf32, #tpu.memory_space<vmem_shared>>)
        tpu.yield
      }) : () -> ()
      %dma_start3A_168 = arith.constant 4 : i32
      %dma_start3A_169 = arith.constant 0 : i32
      %dma_start3A_170 = tpu.memref_slice %arg8[%dma_start3A_168, %dma_start3A_169] : memref<8x128xi32, #tpu.memory_space<vmem>> -> memref<1x128xi32, #tpu.memory_space<vmem>>
      %dma_start3A_171 = tpu.memref_squeeze %dma_start3A_170 : memref<1x128xi32, #tpu.memory_space<vmem>> -> memref<128xi32, #tpu.memory_space<vmem>>
      %dma_start3A_172 = arith.constant 0 : i32
      %dma_start3A_173 = arith.constant 0 : i32
      %dma_start3A_174 = tpu.memref_slice %arg2[%dma_start3A_172, %dma_start3A_173] : memref<10000x128xf32, #tpu.memory_space<hbm>> -> memref<10000x128xf32, #tpu.memory_space<hbm>>
      tpu.enqueue_indirect_dma source(%dma_start3A_174 : memref<10000x128xf32, #tpu.memory_space<hbm>>) target(%arg10 : memref<128x128xf32, #tpu.memory_space<vmem>>) offsets(%dma_start3A_171 : memref<128xi32, #tpu.memory_space<vmem>>) semaphore(%arg12 : memref<!tpu.dma_semaphore, #tpu.memory_space<semaphore_mem>>)
      %dma_wait3A_175 = arith.constant 0 : i32
      %dma_wait3A_176 = arith.constant 0 : i32
      %dma_wait3A_177 = tpu.memref_slice %arg5[%dma_wait3A_175, %dma_wait3A_176] : memref<10112x128xf32, #tpu.memory_space<hbm>> -> memref<128x128xf32, #tpu.memory_space<hbm>>
      %dma_wait3A_178 = arith.constant 0 : i32
      %dma_wait3A_179 = arith.constant 0 : i32
      %dma_wait3A_180 = tpu.memref_slice %arg5[%dma_wait3A_178, %dma_wait3A_179] : memref<10112x128xf32, #tpu.memory_space<hbm>> -> memref<128x128xf32, #tpu.memory_space<hbm>>
      tpu.wait_dma2 semaphore(%arg13 : memref<!tpu.dma_semaphore, #tpu.memory_space<semaphore_mem>>) src(%dma_wait3A_180 : memref<128x128xf32, #tpu.memory_space<hbm>>) dst(%arg11 : memref<128x128xf32, #tpu.memory_space<vmem>>)
      %run_scoped3A_181 = arith.constant 3 : i32
      "tpu.region"() ({
        %run_scoped3A_249 = tpu.sem_alloc : memref<!tpu.dma_semaphore, #tpu.memory_space<semaphore_mem>>
        %dma_start3A_250 = arith.constant 0 : i32
        %dma_start3A_251 = tpu.memref_slice %arg9[%run_scoped3A_181, %dma_start3A_250] : memref<8x128xi32, #tpu.memory_space<vmem>> -> memref<1x128xi32, #tpu.memory_space<vmem>>
        %dma_start3A_252 = tpu.memref_squeeze %dma_start3A_251 : memref<1x128xi32, #tpu.memory_space<vmem>> -> memref<128xi32, #tpu.memory_space<vmem>>
        %dma_start3A_253 = arith.constant 0 : i32
        %dma_start3A_254 = arith.constant 0 : i32
        %dma_start3A_255 = tpu.memref_slice %arg7[%dma_start3A_253, %dma_start3A_254] : memref<10112x128xf32, #tpu.memory_space<vmem_shared>> -> memref<10112x128xf32, #tpu.memory_space<vmem_shared>>
        tpu.enqueue_indirect_dma source(%arg11 : memref<128x128xf32, #tpu.memory_space<vmem>>) target(%dma_start3A_255 : memref<10112x128xf32, #tpu.memory_space<vmem_shared>>) offsets(%dma_start3A_252 : memref<128xi32, #tpu.memory_space<vmem>>) semaphore(%run_scoped3A_249 : memref<!tpu.dma_semaphore, #tpu.memory_space<semaphore_mem>>) {add = true}
        %dma_wait3A_256 = arith.constant 0 : i32
        %dma_wait3A_257 = tpu.memref_slice %arg9[%run_scoped3A_181, %dma_wait3A_256] : memref<8x128xi32, #tpu.memory_space<vmem>> -> memref<1x128xi32, #tpu.memory_space<vmem>>
        %dma_wait3A_258 = tpu.memref_squeeze %dma_wait3A_257 : memref<1x128xi32, #tpu.memory_space<vmem>> -> memref<128xi32, #tpu.memory_space<vmem>>
        %dma_wait3A_259 = arith.constant 0 : i32
        %dma_wait3A_260 = arith.constant 0 : i32
        %dma_wait3A_261 = tpu.memref_slice %arg7[%dma_wait3A_259, %dma_wait3A_260] : memref<10112x128xf32, #tpu.memory_space<vmem_shared>> -> memref<10112x128xf32, #tpu.memory_space<vmem_shared>>
        tpu.wait_indirect_dma semaphore(%run_scoped3A_249 : memref<!tpu.dma_semaphore, #tpu.memory_space<semaphore_mem>>) src(%arg11 : memref<128x128xf32, #tpu.memory_space<vmem>>) dst(%dma_wait3A_261 : memref<10112x128xf32, #tpu.memory_space<vmem_shared>>)
        tpu.yield
      }) : () -> ()
      %dma_start3A_182 = arith.constant 5 : i32
      %dma_start3A_183 = arith.constant 0 : i32
      %dma_start3A_184 = tpu.memref_slice %arg8[%dma_start3A_182, %dma_start3A_183] : memref<8x128xi32, #tpu.memory_space<vmem>> -> memref<1x128xi32, #tpu.memory_space<vmem>>
      %dma_start3A_185 = tpu.memref_squeeze %dma_start3A_184 : memref<1x128xi32, #tpu.memory_space<vmem>> -> memref<128xi32, #tpu.memory_space<vmem>>
      %dma_start3A_186 = arith.constant 0 : i32
      %dma_start3A_187 = arith.constant 0 : i32
      %dma_start3A_188 = tpu.memref_slice %arg2[%dma_start3A_186, %dma_start3A_187] : memref<10000x128xf32, #tpu.memory_space<hbm>> -> memref<10000x128xf32, #tpu.memory_space<hbm>>
      tpu.enqueue_indirect_dma source(%dma_start3A_188 : memref<10000x128xf32, #tpu.memory_space<hbm>>) target(%arg11 : memref<128x128xf32, #tpu.memory_space<vmem>>) offsets(%dma_start3A_185 : memref<128xi32, #tpu.memory_space<vmem>>) semaphore(%arg13 : memref<!tpu.dma_semaphore, #tpu.memory_space<semaphore_mem>>)
      %dma_wait3A_189 = arith.constant 0 : i32
      %dma_wait3A_190 = arith.constant 0 : i32
      %dma_wait3A_191 = tpu.memref_slice %arg5[%dma_wait3A_189, %dma_wait3A_190] : memref<10112x128xf32, #tpu.memory_space<hbm>> -> memref<128x128xf32, #tpu.memory_space<hbm>>
      %dma_wait3A_192 = arith.constant 0 : i32
      %dma_wait3A_193 = arith.constant 0 : i32
      %dma_wait3A_194 = tpu.memref_slice %arg5[%dma_wait3A_192, %dma_wait3A_193] : memref<10112x128xf32, #tpu.memory_space<hbm>> -> memref<128x128xf32, #tpu.memory_space<hbm>>
      tpu.wait_dma2 semaphore(%arg12 : memref<!tpu.dma_semaphore, #tpu.memory_space<semaphore_mem>>) src(%dma_wait3A_194 : memref<128x128xf32, #tpu.memory_space<hbm>>) dst(%arg10 : memref<128x128xf32, #tpu.memory_space<vmem>>)
      %run_scoped3A_195 = arith.constant 4 : i32
      "tpu.region"() ({
        %run_scoped3A_249 = tpu.sem_alloc : memref<!tpu.dma_semaphore, #tpu.memory_space<semaphore_mem>>
        %dma_start3A_250 = arith.constant 0 : i32
        %dma_start3A_251 = tpu.memref_slice %arg9[%run_scoped3A_195, %dma_start3A_250] : memref<8x128xi32, #tpu.memory_space<vmem>> -> memref<1x128xi32, #tpu.memory_space<vmem>>
        %dma_start3A_252 = tpu.memref_squeeze %dma_start3A_251 : memref<1x128xi32, #tpu.memory_space<vmem>> -> memref<128xi32, #tpu.memory_space<vmem>>
        %dma_start3A_253 = arith.constant 0 : i32
        %dma_start3A_254 = arith.constant 0 : i32
        %dma_start3A_255 = tpu.memref_slice %arg7[%dma_start3A_253, %dma_start3A_254] : memref<10112x128xf32, #tpu.memory_space<vmem_shared>> -> memref<10112x128xf32, #tpu.memory_space<vmem_shared>>
        tpu.enqueue_indirect_dma source(%arg10 : memref<128x128xf32, #tpu.memory_space<vmem>>) target(%dma_start3A_255 : memref<10112x128xf32, #tpu.memory_space<vmem_shared>>) offsets(%dma_start3A_252 : memref<128xi32, #tpu.memory_space<vmem>>) semaphore(%run_scoped3A_249 : memref<!tpu.dma_semaphore, #tpu.memory_space<semaphore_mem>>) {add = true}
        %dma_wait3A_256 = arith.constant 0 : i32
        %dma_wait3A_257 = tpu.memref_slice %arg9[%run_scoped3A_195, %dma_wait3A_256] : memref<8x128xi32, #tpu.memory_space<vmem>> -> memref<1x128xi32, #tpu.memory_space<vmem>>
        %dma_wait3A_258 = tpu.memref_squeeze %dma_wait3A_257 : memref<1x128xi32, #tpu.memory_space<vmem>> -> memref<128xi32, #tpu.memory_space<vmem>>
        %dma_wait3A_259 = arith.constant 0 : i32
        %dma_wait3A_260 = arith.constant 0 : i32
        %dma_wait3A_261 = tpu.memref_slice %arg7[%dma_wait3A_259, %dma_wait3A_260] : memref<10112x128xf32, #tpu.memory_space<vmem_shared>> -> memref<10112x128xf32, #tpu.memory_space<vmem_shared>>
        tpu.wait_indirect_dma semaphore(%run_scoped3A_249 : memref<!tpu.dma_semaphore, #tpu.memory_space<semaphore_mem>>) src(%arg10 : memref<128x128xf32, #tpu.memory_space<vmem>>) dst(%dma_wait3A_261 : memref<10112x128xf32, #tpu.memory_space<vmem_shared>>)
        tpu.yield
      }) : () -> ()
      %dma_start3A_196 = arith.constant 6 : i32
      %dma_start3A_197 = arith.constant 0 : i32
      %dma_start3A_198 = tpu.memref_slice %arg8[%dma_start3A_196, %dma_start3A_197] : memref<8x128xi32, #tpu.memory_space<vmem>> -> memref<1x128xi32, #tpu.memory_space<vmem>>
      %dma_start3A_199 = tpu.memref_squeeze %dma_start3A_198 : memref<1x128xi32, #tpu.memory_space<vmem>> -> memref<128xi32, #tpu.memory_space<vmem>>
      %dma_start3A_200 = arith.constant 0 : i32
      %dma_start3A_201 = arith.constant 0 : i32
      %dma_start3A_202 = tpu.memref_slice %arg2[%dma_start3A_200, %dma_start3A_201] : memref<10000x128xf32, #tpu.memory_space<hbm>> -> memref<10000x128xf32, #tpu.memory_space<hbm>>
      tpu.enqueue_indirect_dma source(%dma_start3A_202 : memref<10000x128xf32, #tpu.memory_space<hbm>>) target(%arg10 : memref<128x128xf32, #tpu.memory_space<vmem>>) offsets(%dma_start3A_199 : memref<128xi32, #tpu.memory_space<vmem>>) semaphore(%arg12 : memref<!tpu.dma_semaphore, #tpu.memory_space<semaphore_mem>>)
      %dma_wait3A_203 = arith.constant 0 : i32
      %dma_wait3A_204 = arith.constant 0 : i32
      %dma_wait3A_205 = tpu.memref_slice %arg5[%dma_wait3A_203, %dma_wait3A_204] : memref<10112x128xf32, #tpu.memory_space<hbm>> -> memref<128x128xf32, #tpu.memory_space<hbm>>
      %dma_wait3A_206 = arith.constant 0 : i32
      %dma_wait3A_207 = arith.constant 0 : i32
      %dma_wait3A_208 = tpu.memref_slice %arg5[%dma_wait3A_206, %dma_wait3A_207] : memref<10112x128xf32, #tpu.memory_space<hbm>> -> memref<128x128xf32, #tpu.memory_space<hbm>>
      tpu.wait_dma2 semaphore(%arg13 : memref<!tpu.dma_semaphore, #tpu.memory_space<semaphore_mem>>) src(%dma_wait3A_208 : memref<128x128xf32, #tpu.memory_space<hbm>>) dst(%arg11 : memref<128x128xf32, #tpu.memory_space<vmem>>)
      %run_scoped3A_209 = arith.constant 5 : i32
      "tpu.region"() ({
        %run_scoped3A_249 = tpu.sem_alloc : memref<!tpu.dma_semaphore, #tpu.memory_space<semaphore_mem>>
        %dma_start3A_250 = arith.constant 0 : i32
        %dma_start3A_251 = tpu.memref_slice %arg9[%run_scoped3A_209, %dma_start3A_250] : memref<8x128xi32, #tpu.memory_space<vmem>> -> memref<1x128xi32, #tpu.memory_space<vmem>>
        %dma_start3A_252 = tpu.memref_squeeze %dma_start3A_251 : memref<1x128xi32, #tpu.memory_space<vmem>> -> memref<128xi32, #tpu.memory_space<vmem>>
        %dma_start3A_253 = arith.constant 0 : i32
        %dma_start3A_254 = arith.constant 0 : i32
        %dma_start3A_255 = tpu.memref_slice %arg7[%dma_start3A_253, %dma_start3A_254] : memref<10112x128xf32, #tpu.memory_space<vmem_shared>> -> memref<10112x128xf32, #tpu.memory_space<vmem_shared>>
        tpu.enqueue_indirect_dma source(%arg11 : memref<128x128xf32, #tpu.memory_space<vmem>>) target(%dma_start3A_255 : memref<10112x128xf32, #tpu.memory_space<vmem_shared>>) offsets(%dma_start3A_252 : memref<128xi32, #tpu.memory_space<vmem>>) semaphore(%run_scoped3A_249 : memref<!tpu.dma_semaphore, #tpu.memory_space<semaphore_mem>>) {add = true}
        %dma_wait3A_256 = arith.constant 0 : i32
        %dma_wait3A_257 = tpu.memref_slice %arg9[%run_scoped3A_209, %dma_wait3A_256] : memref<8x128xi32, #tpu.memory_space<vmem>> -> memref<1x128xi32, #tpu.memory_space<vmem>>
        %dma_wait3A_258 = tpu.memref_squeeze %dma_wait3A_257 : memref<1x128xi32, #tpu.memory_space<vmem>> -> memref<128xi32, #tpu.memory_space<vmem>>
        %dma_wait3A_259 = arith.constant 0 : i32
        %dma_wait3A_260 = arith.constant 0 : i32
        %dma_wait3A_261 = tpu.memref_slice %arg7[%dma_wait3A_259, %dma_wait3A_260] : memref<10112x128xf32, #tpu.memory_space<vmem_shared>> -> memref<10112x128xf32, #tpu.memory_space<vmem_shared>>
        tpu.wait_indirect_dma semaphore(%run_scoped3A_249 : memref<!tpu.dma_semaphore, #tpu.memory_space<semaphore_mem>>) src(%arg11 : memref<128x128xf32, #tpu.memory_space<vmem>>) dst(%dma_wait3A_261 : memref<10112x128xf32, #tpu.memory_space<vmem_shared>>)
        tpu.yield
      }) : () -> ()
      %dma_start3A_210 = arith.constant 7 : i32
      %dma_start3A_211 = arith.constant 0 : i32
      %dma_start3A_212 = tpu.memref_slice %arg8[%dma_start3A_210, %dma_start3A_211] : memref<8x128xi32, #tpu.memory_space<vmem>> -> memref<1x128xi32, #tpu.memory_space<vmem>>
      %dma_start3A_213 = tpu.memref_squeeze %dma_start3A_212 : memref<1x128xi32, #tpu.memory_space<vmem>> -> memref<128xi32, #tpu.memory_space<vmem>>
      %dma_start3A_214 = arith.constant 0 : i32
      %dma_start3A_215 = arith.constant 0 : i32
      %dma_start3A_216 = tpu.memref_slice %arg2[%dma_start3A_214, %dma_start3A_215] : memref<10000x128xf32, #tpu.memory_space<hbm>> -> memref<10000x128xf32, #tpu.memory_space<hbm>>
      tpu.enqueue_indirect_dma source(%dma_start3A_216 : memref<10000x128xf32, #tpu.memory_space<hbm>>) target(%arg11 : memref<128x128xf32, #tpu.memory_space<vmem>>) offsets(%dma_start3A_213 : memref<128xi32, #tpu.memory_space<vmem>>) semaphore(%arg13 : memref<!tpu.dma_semaphore, #tpu.memory_space<semaphore_mem>>)
      %dma_wait3A_217 = arith.constant 0 : i32
      %dma_wait3A_218 = arith.constant 0 : i32
      %dma_wait3A_219 = tpu.memref_slice %arg5[%dma_wait3A_217, %dma_wait3A_218] : memref<10112x128xf32, #tpu.memory_space<hbm>> -> memref<128x128xf32, #tpu.memory_space<hbm>>
      %dma_wait3A_220 = arith.constant 0 : i32
      %dma_wait3A_221 = arith.constant 0 : i32
      %dma_wait3A_222 = tpu.memref_slice %arg5[%dma_wait3A_220, %dma_wait3A_221] : memref<10112x128xf32, #tpu.memory_space<hbm>> -> memref<128x128xf32, #tpu.memory_space<hbm>>
      tpu.wait_dma2 semaphore(%arg12 : memref<!tpu.dma_semaphore, #tpu.memory_space<semaphore_mem>>) src(%dma_wait3A_222 : memref<128x128xf32, #tpu.memory_space<hbm>>) dst(%arg10 : memref<128x128xf32, #tpu.memory_space<vmem>>)
      %run_scoped3A_223 = arith.constant 6 : i32
      "tpu.region"() ({
        %run_scoped3A_249 = tpu.sem_alloc : memref<!tpu.dma_semaphore, #tpu.memory_space<semaphore_mem>>
        %dma_start3A_250 = arith.constant 0 : i32
        %dma_start3A_251 = tpu.memref_slice %arg9[%run_scoped3A_223, %dma_start3A_250] : memref<8x128xi32, #tpu.memory_space<vmem>> -> memref<1x128xi32, #tpu.memory_space<vmem>>
        %dma_start3A_252 = tpu.memref_squeeze %dma_start3A_251 : memref<1x128xi32, #tpu.memory_space<vmem>> -> memref<128xi32, #tpu.memory_space<vmem>>
        %dma_start3A_253 = arith.constant 0 : i32
        %dma_start3A_254 = arith.constant 0 : i32
        %dma_start3A_255 = tpu.memref_slice %arg7[%dma_start3A_253, %dma_start3A_254] : memref<10112x128xf32, #tpu.memory_space<vmem_shared>> -> memref<10112x128xf32, #tpu.memory_space<vmem_shared>>
        tpu.enqueue_indirect_dma source(%arg10 : memref<128x128xf32, #tpu.memory_space<vmem>>) target(%dma_start3A_255 : memref<10112x128xf32, #tpu.memory_space<vmem_shared>>) offsets(%dma_start3A_252 : memref<128xi32, #tpu.memory_space<vmem>>) semaphore(%run_scoped3A_249 : memref<!tpu.dma_semaphore, #tpu.memory_space<semaphore_mem>>) {add = true}
        %dma_wait3A_256 = arith.constant 0 : i32
        %dma_wait3A_257 = tpu.memref_slice %arg9[%run_scoped3A_223, %dma_wait3A_256] : memref<8x128xi32, #tpu.memory_space<vmem>> -> memref<1x128xi32, #tpu.memory_space<vmem>>
        %dma_wait3A_258 = tpu.memref_squeeze %dma_wait3A_257 : memref<1x128xi32, #tpu.memory_space<vmem>> -> memref<128xi32, #tpu.memory_space<vmem>>
        %dma_wait3A_259 = arith.constant 0 : i32
        %dma_wait3A_260 = arith.constant 0 : i32
        %dma_wait3A_261 = tpu.memref_slice %arg7[%dma_wait3A_259, %dma_wait3A_260] : memref<10112x128xf32, #tpu.memory_space<vmem_shared>> -> memref<10112x128xf32, #tpu.memory_space<vmem_shared>>
        tpu.wait_indirect_dma semaphore(%run_scoped3A_249 : memref<!tpu.dma_semaphore, #tpu.memory_space<semaphore_mem>>) src(%arg10 : memref<128x128xf32, #tpu.memory_space<vmem>>) dst(%dma_wait3A_261 : memref<10112x128xf32, #tpu.memory_space<vmem_shared>>)
        tpu.yield
      }) : () -> ()
      %dma_wait3A_224 = arith.constant 0 : i32
      %dma_wait3A_225 = arith.constant 0 : i32
      %dma_wait3A_226 = tpu.memref_slice %arg5[%dma_wait3A_224, %dma_wait3A_225] : memref<10112x128xf32, #tpu.memory_space<hbm>> -> memref<128x128xf32, #tpu.memory_space<hbm>>
      %dma_wait3A_227 = arith.constant 0 : i32
      %dma_wait3A_228 = arith.constant 0 : i32
      %dma_wait3A_229 = tpu.memref_slice %arg5[%dma_wait3A_227, %dma_wait3A_228] : memref<10112x128xf32, #tpu.memory_space<hbm>> -> memref<128x128xf32, #tpu.memory_space<hbm>>
      tpu.wait_dma2 semaphore(%arg13 : memref<!tpu.dma_semaphore, #tpu.memory_space<semaphore_mem>>) src(%dma_wait3A_229 : memref<128x128xf32, #tpu.memory_space<hbm>>) dst(%arg11 : memref<128x128xf32, #tpu.memory_space<vmem>>)
      %run_scoped3A_230 = arith.constant 7 : i32
      "tpu.region"() ({
        %run_scoped3A_249 = tpu.sem_alloc : memref<!tpu.dma_semaphore, #tpu.memory_space<semaphore_mem>>
        %dma_start3A_250 = arith.constant 0 : i32
        %dma_start3A_251 = tpu.memref_slice %arg9[%run_scoped3A_230, %dma_start3A_250] : memref<8x128xi32, #tpu.memory_space<vmem>> -> memref<1x128xi32, #tpu.memory_space<vmem>>
        %dma_start3A_252 = tpu.memref_squeeze %dma_start3A_251 : memref<1x128xi32, #tpu.memory_space<vmem>> -> memref<128xi32, #tpu.memory_space<vmem>>
        %dma_start3A_253 = arith.constant 0 : i32
        %dma_start3A_254 = arith.constant 0 : i32
        %dma_start3A_255 = tpu.memref_slice %arg7[%dma_start3A_253, %dma_start3A_254] : memref<10112x128xf32, #tpu.memory_space<vmem_shared>> -> memref<10112x128xf32, #tpu.memory_space<vmem_shared>>
        tpu.enqueue_indirect_dma source(%arg11 : memref<128x128xf32, #tpu.memory_space<vmem>>) target(%dma_start3A_255 : memref<10112x128xf32, #tpu.memory_space<vmem_shared>>) offsets(%dma_start3A_252 : memref<128xi32, #tpu.memory_space<vmem>>) semaphore(%run_scoped3A_249 : memref<!tpu.dma_semaphore, #tpu.memory_space<semaphore_mem>>) {add = true}
        %dma_wait3A_256 = arith.constant 0 : i32
        %dma_wait3A_257 = tpu.memref_slice %arg9[%run_scoped3A_230, %dma_wait3A_256] : memref<8x128xi32, #tpu.memory_space<vmem>> -> memref<1x128xi32, #tpu.memory_space<vmem>>
        %dma_wait3A_258 = tpu.memref_squeeze %dma_wait3A_257 : memref<1x128xi32, #tpu.memory_space<vmem>> -> memref<128xi32, #tpu.memory_space<vmem>>
        %dma_wait3A_259 = arith.constant 0 : i32
        %dma_wait3A_260 = arith.constant 0 : i32
        %dma_wait3A_261 = tpu.memref_slice %arg7[%dma_wait3A_259, %dma_wait3A_260] : memref<10112x128xf32, #tpu.memory_space<vmem_shared>> -> memref<10112x128xf32, #tpu.memory_space<vmem_shared>>
        tpu.wait_indirect_dma semaphore(%run_scoped3A_249 : memref<!tpu.dma_semaphore, #tpu.memory_space<semaphore_mem>>) src(%arg11 : memref<128x128xf32, #tpu.memory_space<vmem>>) dst(%dma_wait3A_261 : memref<10112x128xf32, #tpu.memory_space<vmem_shared>>)
        tpu.yield
      }) : () -> ()
      %add3A_231 = arith.constant 1 : i32
      %add3A_232 = arith.addi %while3A_132, %add3A_231 : i32
      "tpu.region"() ({
        %run_scoped3A_249 = tpu.sem_alloc : memref<!tpu.dma_semaphore, #tpu.memory_space<semaphore_mem>>
        %dma_start3A_250 = arith.constant 0 : i32
        %dma_start3A_251 = arith.constant 0 : i32
        %dma_start3A_252 = tpu.memref_slice %arg3[%add3A, %add3A_232, %dma_start3A_250, %dma_start3A_251] : memref<32x19x8x128xi32, #tpu.memory_space<hbm>> -> memref<1x1x8x128xi32, #tpu.memory_space<hbm>>
        %dma_start3A_253 = tpu.memref_squeeze %dma_start3A_252 : memref<1x1x8x128xi32, #tpu.memory_space<hbm>> -> memref<8x128xi32, #tpu.memory_space<hbm>>
        %dma_start3A_254 = arith.constant 0 : i32
        %dma_start3A_255 = arith.constant 0 : i32
        %dma_start3A_256 = tpu.memref_slice %arg3[%add3A, %add3A_232, %dma_start3A_254, %dma_start3A_255] : memref<32x19x8x128xi32, #tpu.memory_space<hbm>> -> memref<1x1x8x128xi32, #tpu.memory_space<hbm>>
        %dma_start3A_257 = tpu.memref_squeeze %dma_start3A_256 : memref<1x1x8x128xi32, #tpu.memory_space<hbm>> -> memref<8x128xi32, #tpu.memory_space<hbm>>
        tpu.enqueue_dma source(%dma_start3A_257 : memref<8x128xi32, #tpu.memory_space<hbm>>) target(%arg8 : memref<8x128xi32, #tpu.memory_space<vmem>>) target_semaphore(%run_scoped3A_249 : memref<!tpu.dma_semaphore, #tpu.memory_space<semaphore_mem>>)
        %dma_wait3A_258 = arith.constant 0 : i32
        %dma_wait3A_259 = arith.constant 0 : i32
        %dma_wait3A_260 = tpu.memref_slice %arg3[%add3A, %add3A_232, %dma_wait3A_258, %dma_wait3A_259] : memref<32x19x8x128xi32, #tpu.memory_space<hbm>> -> memref<1x1x8x128xi32, #tpu.memory_space<hbm>>
        %dma_wait3A_261 = tpu.memref_squeeze %dma_wait3A_260 : memref<1x1x8x128xi32, #tpu.memory_space<hbm>> -> memref<8x128xi32, #tpu.memory_space<hbm>>
        %dma_wait3A_262 = arith.constant 0 : i32
        %dma_wait3A_263 = arith.constant 0 : i32
        %dma_wait3A_264 = tpu.memref_slice %arg3[%add3A, %add3A_232, %dma_wait3A_262, %dma_wait3A_263] : memref<32x19x8x128xi32, #tpu.memory_space<hbm>> -> memref<1x1x8x128xi32, #tpu.memory_space<hbm>>
        %dma_wait3A_265 = tpu.memref_squeeze %dma_wait3A_264 : memref<1x1x8x128xi32, #tpu.memory_space<hbm>> -> memref<8x128xi32, #tpu.memory_space<hbm>>
        tpu.wait_dma2 semaphore(%run_scoped3A_249 : memref<!tpu.dma_semaphore, #tpu.memory_space<semaphore_mem>>) src(%dma_wait3A_265 : memref<8x128xi32, #tpu.memory_space<hbm>>) dst(%arg8 : memref<8x128xi32, #tpu.memory_space<vmem>>)
        tpu.yield
      }) : () -> ()
      %dma_start3A_233 = arith.constant 0 : i32
      %dma_start3A_234 = arith.constant 0 : i32
      %dma_start3A_235 = tpu.memref_slice %arg8[%dma_start3A_233, %dma_start3A_234] : memref<8x128xi32, #tpu.memory_space<vmem>> -> memref<1x128xi32, #tpu.memory_space<vmem>>
      %dma_start3A_236 = tpu.memref_squeeze %dma_start3A_235 : memref<1x128xi32, #tpu.memory_space<vmem>> -> memref<128xi32, #tpu.memory_space<vmem>>
      %dma_start3A_237 = arith.constant 0 : i32
      %dma_start3A_238 = arith.constant 0 : i32
      %dma_start3A_239 = tpu.memref_slice %arg2[%dma_start3A_237, %dma_start3A_238] : memref<10000x128xf32, #tpu.memory_space<hbm>> -> memref<10000x128xf32, #tpu.memory_space<hbm>>
      tpu.enqueue_indirect_dma source(%dma_start3A_239 : memref<10000x128xf32, #tpu.memory_space<hbm>>) target(%arg10 : memref<128x128xf32, #tpu.memory_space<vmem>>) offsets(%dma_start3A_236 : memref<128xi32, #tpu.memory_space<vmem>>) semaphore(%arg12 : memref<!tpu.dma_semaphore, #tpu.memory_space<semaphore_mem>>)
      %dma_start3A_240 = arith.constant 1 : i32
      %dma_start3A_241 = arith.constant 0 : i32
      %dma_start3A_242 = tpu.memref_slice %arg8[%dma_start3A_240, %dma_start3A_241] : memref<8x128xi32, #tpu.memory_space<vmem>> -> memref<1x128xi32, #tpu.memory_space<vmem>>
      %dma_start3A_243 = tpu.memref_squeeze %dma_start3A_242 : memref<1x128xi32, #tpu.memory_space<vmem>> -> memref<128xi32, #tpu.memory_space<vmem>>
      %dma_start3A_244 = arith.constant 0 : i32
      %dma_start3A_245 = arith.constant 0 : i32
      %dma_start3A_246 = tpu.memref_slice %arg2[%dma_start3A_244, %dma_start3A_245] : memref<10000x128xf32, #tpu.memory_space<hbm>> -> memref<10000x128xf32, #tpu.memory_space<hbm>>
      tpu.enqueue_indirect_dma source(%dma_start3A_246 : memref<10000x128xf32, #tpu.memory_space<hbm>>) target(%arg11 : memref<128x128xf32, #tpu.memory_space<vmem>>) offsets(%dma_start3A_243 : memref<128xi32, #tpu.memory_space<vmem>>) semaphore(%arg13 : memref<!tpu.dma_semaphore, #tpu.memory_space<semaphore_mem>>)
      %add3A_247 = arith.constant 1 : i32
      %add3A_248 = arith.addi %while3A_132, %add3A_247 : i32
      "tpu.region"() ({
        %run_scoped3A_249 = tpu.sem_alloc : memref<!tpu.dma_semaphore, #tpu.memory_space<semaphore_mem>>
        %dma_start3A_250 = arith.constant 0 : i32
        %dma_start3A_251 = arith.constant 0 : i32
        %dma_start3A_252 = tpu.memref_slice %arg4[%add3A, %add3A_248, %dma_start3A_250, %dma_start3A_251] : memref<32x19x8x128xi32, #tpu.memory_space<hbm>> -> memref<1x1x8x128xi32, #tpu.memory_space<hbm>>
        %dma_start3A_253 = tpu.memref_squeeze %dma_start3A_252 : memref<1x1x8x128xi32, #tpu.memory_space<hbm>> -> memref<8x128xi32, #tpu.memory_space<hbm>>
        %dma_start3A_254 = arith.constant 0 : i32
        %dma_start3A_255 = arith.constant 0 : i32
        %dma_start3A_256 = tpu.memref_slice %arg4[%add3A, %add3A_248, %dma_start3A_254, %dma_start3A_255] : memref<32x19x8x128xi32, #tpu.memory_space<hbm>> -> memref<1x1x8x128xi32, #tpu.memory_space<hbm>>
        %dma_start3A_257 = tpu.memref_squeeze %dma_start3A_256 : memref<1x1x8x128xi32, #tpu.memory_space<hbm>> -> memref<8x128xi32, #tpu.memory_space<hbm>>
        tpu.enqueue_dma source(%dma_start3A_257 : memref<8x128xi32, #tpu.memory_space<hbm>>) target(%arg9 : memref<8x128xi32, #tpu.memory_space<vmem>>) target_semaphore(%run_scoped3A_249 : memref<!tpu.dma_semaphore, #tpu.memory_space<semaphore_mem>>)
        %dma_wait3A_258 = arith.constant 0 : i32
        %dma_wait3A_259 = arith.constant 0 : i32
        %dma_wait3A_260 = tpu.memref_slice %arg4[%add3A, %add3A_248, %dma_wait3A_258, %dma_wait3A_259] : memref<32x19x8x128xi32, #tpu.memory_space<hbm>> -> memref<1x1x8x128xi32, #tpu.memory_space<hbm>>
        %dma_wait3A_261 = tpu.memref_squeeze %dma_wait3A_260 : memref<1x1x8x128xi32, #tpu.memory_space<hbm>> -> memref<8x128xi32, #tpu.memory_space<hbm>>
        %dma_wait3A_262 = arith.constant 0 : i32
        %dma_wait3A_263 = arith.constant 0 : i32
        %dma_wait3A_264 = tpu.memref_slice %arg4[%add3A, %add3A_248, %dma_wait3A_262, %dma_wait3A_263] : memref<32x19x8x128xi32, #tpu.memory_space<hbm>> -> memref<1x1x8x128xi32, #tpu.memory_space<hbm>>
        %dma_wait3A_265 = tpu.memref_squeeze %dma_wait3A_264 : memref<1x1x8x128xi32, #tpu.memory_space<hbm>> -> memref<8x128xi32, #tpu.memory_space<hbm>>
        tpu.wait_dma2 semaphore(%run_scoped3A_249 : memref<!tpu.dma_semaphore, #tpu.memory_space<semaphore_mem>>) src(%dma_wait3A_265 : memref<8x128xi32, #tpu.memory_space<hbm>>) dst(%arg9 : memref<8x128xi32, #tpu.memory_space<vmem>>)
        tpu.yield
      }) : () -> ()
    }
    %while3A_28 = arith.constant 1 : i32
    scf.for %while3A_132 = %while3A_26 to %while3A_22 step %while3A_28  : i32 {
      %dma_wait3A_133 = arith.constant 0 : i32
      %dma_wait3A_134 = arith.constant 0 : i32
      %dma_wait3A_135 = tpu.memref_slice %arg5[%dma_wait3A_133, %dma_wait3A_134] : memref<10112x128xf32, #tpu.memory_space<hbm>> -> memref<128x128xf32, #tpu.memory_space<hbm>>
      %dma_wait3A_136 = arith.constant 0 : i32
      %dma_wait3A_137 = arith.constant 0 : i32
      %dma_wait3A_138 = tpu.memref_slice %arg5[%dma_wait3A_136, %dma_wait3A_137] : memref<10112x128xf32, #tpu.memory_space<hbm>> -> memref<128x128xf32, #tpu.memory_space<hbm>>
      tpu.wait_dma2 semaphore(%arg12 : memref<!tpu.dma_semaphore, #tpu.memory_space<semaphore_mem>>) src(%dma_wait3A_138 : memref<128x128xf32, #tpu.memory_space<hbm>>) dst(%arg10 : memref<128x128xf32, #tpu.memory_space<vmem>>)
      %run_scoped3A_139 = arith.constant 0 : i32
      "tpu.region"() ({
        %run_scoped3A_249 = tpu.sem_alloc : memref<!tpu.dma_semaphore, #tpu.memory_space<semaphore_mem>>
        %dma_start3A_250 = arith.constant 0 : i32
        %dma_start3A_251 = tpu.memref_slice %arg9[%run_scoped3A_139, %dma_start3A_250] : memref<8x128xi32, #tpu.memory_space<vmem>> -> memref<1x128xi32, #tpu.memory_space<vmem>>
        %dma_start3A_252 = tpu.memref_squeeze %dma_start3A_251 : memref<1x128xi32, #tpu.memory_space<vmem>> -> memref<128xi32, #tpu.memory_space<vmem>>
        %dma_start3A_253 = arith.constant 0 : i32
        %dma_start3A_254 = arith.constant 0 : i32
        %dma_start3A_255 = tpu.memref_slice %arg7[%dma_start3A_253, %dma_start3A_254] : memref<10112x128xf32, #tpu.memory_space<vmem_shared>> -> memref<10112x128xf32, #tpu.memory_space<vmem_shared>>
        tpu.enqueue_indirect_dma source(%arg10 : memref<128x128xf32, #tpu.memory_space<vmem>>) target(%dma_start3A_255 : memref<10112x128xf32, #tpu.memory_space<vmem_shared>>) offsets(%dma_start3A_252 : memref<128xi32, #tpu.memory_space<vmem>>) semaphore(%run_scoped3A_249 : memref<!tpu.dma_semaphore, #tpu.memory_space<semaphore_mem>>) {add = true}
        %dma_wait3A_256 = arith.constant 0 : i32
        %dma_wait3A_257 = tpu.memref_slice %arg9[%run_scoped3A_139, %dma_wait3A_256] : memref<8x128xi32, #tpu.memory_space<vmem>> -> memref<1x128xi32, #tpu.memory_space<vmem>>
        %dma_wait3A_258 = tpu.memref_squeeze %dma_wait3A_257 : memref<1x128xi32, #tpu.memory_space<vmem>> -> memref<128xi32, #tpu.memory_space<vmem>>
        %dma_wait3A_259 = arith.constant 0 : i32
        %dma_wait3A_260 = arith.constant 0 : i32
        %dma_wait3A_261 = tpu.memref_slice %arg7[%dma_wait3A_259, %dma_wait3A_260] : memref<10112x128xf32, #tpu.memory_space<vmem_shared>> -> memref<10112x128xf32, #tpu.memory_space<vmem_shared>>
        tpu.wait_indirect_dma semaphore(%run_scoped3A_249 : memref<!tpu.dma_semaphore, #tpu.memory_space<semaphore_mem>>) src(%arg10 : memref<128x128xf32, #tpu.memory_space<vmem>>) dst(%dma_wait3A_261 : memref<10112x128xf32, #tpu.memory_space<vmem_shared>>)
        tpu.yield
      }) : () -> ()
      %dma_start3A_140 = arith.constant 2 : i32
      %dma_start3A_141 = arith.constant 0 : i32
      %dma_start3A_142 = tpu.memref_slice %arg8[%dma_start3A_140, %dma_start3A_141] : memref<8x128xi32, #tpu.memory_space<vmem>> -> memref<1x128xi32, #tpu.memory_space<vmem>>
      %dma_start3A_143 = tpu.memref_squeeze %dma_start3A_142 : memref<1x128xi32, #tpu.memory_space<vmem>> -> memref<128xi32, #tpu.memory_space<vmem>>
      %dma_start3A_144 = arith.constant 0 : i32
      %dma_start3A_145 = arith.constant 0 : i32
      %dma_start3A_146 = tpu.memref_slice %arg2[%dma_start3A_144, %dma_start3A_145] : memref<10000x128xf32, #tpu.memory_space<hbm>> -> memref<10000x128xf32, #tpu.memory_space<hbm>>
      tpu.enqueue_indirect_dma source(%dma_start3A_146 : memref<10000x128xf32, #tpu.memory_space<hbm>>) target(%arg10 : memref<128x128xf32, #tpu.memory_space<vmem>>) offsets(%dma_start3A_143 : memref<128xi32, #tpu.memory_space<vmem>>) semaphore(%arg12 : memref<!tpu.dma_semaphore, #tpu.memory_space<semaphore_mem>>)
      %dma_wait3A_147 = arith.constant 0 : i32
      %dma_wait3A_148 = arith.constant 0 : i32
      %dma_wait3A_149 = tpu.memref_slice %arg5[%dma_wait3A_147, %dma_wait3A_148] : memref<10112x128xf32, #tpu.memory_space<hbm>> -> memref<128x128xf32, #tpu.memory_space<hbm>>
      %dma_wait3A_150 = arith.constant 0 : i32
      %dma_wait3A_151 = arith.constant 0 : i32
      %dma_wait3A_152 = tpu.memref_slice %arg5[%dma_wait3A_150, %dma_wait3A_151] : memref<10112x128xf32, #tpu.memory_space<hbm>> -> memref<128x128xf32, #tpu.memory_space<hbm>>
      tpu.wait_dma2 semaphore(%arg13 : memref<!tpu.dma_semaphore, #tpu.memory_space<semaphore_mem>>) src(%dma_wait3A_152 : memref<128x128xf32, #tpu.memory_space<hbm>>) dst(%arg11 : memref<128x128xf32, #tpu.memory_space<vmem>>)
      %run_scoped3A_153 = arith.constant 1 : i32
      "tpu.region"() ({
        %run_scoped3A_249 = tpu.sem_alloc : memref<!tpu.dma_semaphore, #tpu.memory_space<semaphore_mem>>
        %dma_start3A_250 = arith.constant 0 : i32
        %dma_start3A_251 = tpu.memref_slice %arg9[%run_scoped3A_153, %dma_start3A_250] : memref<8x128xi32, #tpu.memory_space<vmem>> -> memref<1x128xi32, #tpu.memory_space<vmem>>
        %dma_start3A_252 = tpu.memref_squeeze %dma_start3A_251 : memref<1x128xi32, #tpu.memory_space<vmem>> -> memref<128xi32, #tpu.memory_space<vmem>>
        %dma_start3A_253 = arith.constant 0 : i32
        %dma_start3A_254 = arith.constant 0 : i32
        %dma_start3A_255 = tpu.memref_slice %arg7[%dma_start3A_253, %dma_start3A_254] : memref<10112x128xf32, #tpu.memory_space<vmem_shared>> -> memref<10112x128xf32, #tpu.memory_space<vmem_shared>>
        tpu.enqueue_indirect_dma source(%arg11 : memref<128x128xf32, #tpu.memory_space<vmem>>) target(%dma_start3A_255 : memref<10112x128xf32, #tpu.memory_space<vmem_shared>>) offsets(%dma_start3A_252 : memref<128xi32, #tpu.memory_space<vmem>>) semaphore(%run_scoped3A_249 : memref<!tpu.dma_semaphore, #tpu.memory_space<semaphore_mem>>) {add = true}
        %dma_wait3A_256 = arith.constant 0 : i32
        %dma_wait3A_257 = tpu.memref_slice %arg9[%run_scoped3A_153, %dma_wait3A_256] : memref<8x128xi32, #tpu.memory_space<vmem>> -> memref<1x128xi32, #tpu.memory_space<vmem>>
        %dma_wait3A_258 = tpu.memref_squeeze %dma_wait3A_257 : memref<1x128xi32, #tpu.memory_space<vmem>> -> memref<128xi32, #tpu.memory_space<vmem>>
        %dma_wait3A_259 = arith.constant 0 : i32
        %dma_wait3A_260 = arith.constant 0 : i32
        %dma_wait3A_261 = tpu.memref_slice %arg7[%dma_wait3A_259, %dma_wait3A_260] : memref<10112x128xf32, #tpu.memory_space<vmem_shared>> -> memref<10112x128xf32, #tpu.memory_space<vmem_shared>>
        tpu.wait_indirect_dma semaphore(%run_scoped3A_249 : memref<!tpu.dma_semaphore, #tpu.memory_space<semaphore_mem>>) src(%arg11 : memref<128x128xf32, #tpu.memory_space<vmem>>) dst(%dma_wait3A_261 : memref<10112x128xf32, #tpu.memory_space<vmem_shared>>)
        tpu.yield
      }) : () -> ()
      %dma_start3A_154 = arith.constant 3 : i32
      %dma_start3A_155 = arith.constant 0 : i32
      %dma_start3A_156 = tpu.memref_slice %arg8[%dma_start3A_154, %dma_start3A_155] : memref<8x128xi32, #tpu.memory_space<vmem>> -> memref<1x128xi32, #tpu.memory_space<vmem>>
      %dma_start3A_157 = tpu.memref_squeeze %dma_start3A_156 : memref<1x128xi32, #tpu.memory_space<vmem>> -> memref<128xi32, #tpu.memory_space<vmem>>
      %dma_start3A_158 = arith.constant 0 : i32
      %dma_start3A_159 = arith.constant 0 : i32
      %dma_start3A_160 = tpu.memref_slice %arg2[%dma_start3A_158, %dma_start3A_159] : memref<10000x128xf32, #tpu.memory_space<hbm>> -> memref<10000x128xf32, #tpu.memory_space<hbm>>
      tpu.enqueue_indirect_dma source(%dma_start3A_160 : memref<10000x128xf32, #tpu.memory_space<hbm>>) target(%arg11 : memref<128x128xf32, #tpu.memory_space<vmem>>) offsets(%dma_start3A_157 : memref<128xi32, #tpu.memory_space<vmem>>) semaphore(%arg13 : memref<!tpu.dma_semaphore, #tpu.memory_space<semaphore_mem>>)
      %dma_wait3A_161 = arith.constant 0 : i32
      %dma_wait3A_162 = arith.constant 0 : i32
      %dma_wait3A_163 = tpu.memref_slice %arg5[%dma_wait3A_161, %dma_wait3A_162] : memref<10112x128xf32, #tpu.memory_space<hbm>> -> memref<128x128xf32, #tpu.memory_space<hbm>>
      %dma_wait3A_164 = arith.constant 0 : i32
      %dma_wait3A_165 = arith.constant 0 : i32
      %dma_wait3A_166 = tpu.memref_slice %arg5[%dma_wait3A_164, %dma_wait3A_165] : memref<10112x128xf32, #tpu.memory_space<hbm>> -> memref<128x128xf32, #tpu.memory_space<hbm>>
      tpu.wait_dma2 semaphore(%arg12 : memref<!tpu.dma_semaphore, #tpu.memory_space<semaphore_mem>>) src(%dma_wait3A_166 : memref<128x128xf32, #tpu.memory_space<hbm>>) dst(%arg10 : memref<128x128xf32, #tpu.memory_space<vmem>>)
      %run_scoped3A_167 = arith.constant 2 : i32
      "tpu.region"() ({
        %run_scoped3A_249 = tpu.sem_alloc : memref<!tpu.dma_semaphore, #tpu.memory_space<semaphore_mem>>
        %dma_start3A_250 = arith.constant 0 : i32
        %dma_start3A_251 = tpu.memref_slice %arg9[%run_scoped3A_167, %dma_start3A_250] : memref<8x128xi32, #tpu.memory_space<vmem>> -> memref<1x128xi32, #tpu.memory_space<vmem>>
        %dma_start3A_252 = tpu.memref_squeeze %dma_start3A_251 : memref<1x128xi32, #tpu.memory_space<vmem>> -> memref<128xi32, #tpu.memory_space<vmem>>
        %dma_start3A_253 = arith.constant 0 : i32
        %dma_start3A_254 = arith.constant 0 : i32
        %dma_start3A_255 = tpu.memref_slice %arg7[%dma_start3A_253, %dma_start3A_254] : memref<10112x128xf32, #tpu.memory_space<vmem_shared>> -> memref<10112x128xf32, #tpu.memory_space<vmem_shared>>
        tpu.enqueue_indirect_dma source(%arg10 : memref<128x128xf32, #tpu.memory_space<vmem>>) target(%dma_start3A_255 : memref<10112x128xf32, #tpu.memory_space<vmem_shared>>) offsets(%dma_start3A_252 : memref<128xi32, #tpu.memory_space<vmem>>) semaphore(%run_scoped3A_249 : memref<!tpu.dma_semaphore, #tpu.memory_space<semaphore_mem>>) {add = true}
        %dma_wait3A_256 = arith.constant 0 : i32
        %dma_wait3A_257 = tpu.memref_slice %arg9[%run_scoped3A_167, %dma_wait3A_256] : memref<8x128xi32, #tpu.memory_space<vmem>> -> memref<1x128xi32, #tpu.memory_space<vmem>>
        %dma_wait3A_258 = tpu.memref_squeeze %dma_wait3A_257 : memref<1x128xi32, #tpu.memory_space<vmem>> -> memref<128xi32, #tpu.memory_space<vmem>>
        %dma_wait3A_259 = arith.constant 0 : i32
        %dma_wait3A_260 = arith.constant 0 : i32
        %dma_wait3A_261 = tpu.memref_slice %arg7[%dma_wait3A_259, %dma_wait3A_260] : memref<10112x128xf32, #tpu.memory_space<vmem_shared>> -> memref<10112x128xf32, #tpu.memory_space<vmem_shared>>
        tpu.wait_indirect_dma semaphore(%run_scoped3A_249 : memref<!tpu.dma_semaphore, #tpu.memory_space<semaphore_mem>>) src(%arg10 : memref<128x128xf32, #tpu.memory_space<vmem>>) dst(%dma_wait3A_261 : memref<10112x128xf32, #tpu.memory_space<vmem_shared>>)
        tpu.yield
      }) : () -> ()
      %dma_start3A_168 = arith.constant 4 : i32
      %dma_start3A_169 = arith.constant 0 : i32
      %dma_start3A_170 = tpu.memref_slice %arg8[%dma_start3A_168, %dma_start3A_169] : memref<8x128xi32, #tpu.memory_space<vmem>> -> memref<1x128xi32, #tpu.memory_space<vmem>>
      %dma_start3A_171 = tpu.memref_squeeze %dma_start3A_170 : memref<1x128xi32, #tpu.memory_space<vmem>> -> memref<128xi32, #tpu.memory_space<vmem>>
      %dma_start3A_172 = arith.constant 0 : i32
      %dma_start3A_173 = arith.constant 0 : i32
      %dma_start3A_174 = tpu.memref_slice %arg2[%dma_start3A_172, %dma_start3A_173] : memref<10000x128xf32, #tpu.memory_space<hbm>> -> memref<10000x128xf32, #tpu.memory_space<hbm>>
      tpu.enqueue_indirect_dma source(%dma_start3A_174 : memref<10000x128xf32, #tpu.memory_space<hbm>>) target(%arg10 : memref<128x128xf32, #tpu.memory_space<vmem>>) offsets(%dma_start3A_171 : memref<128xi32, #tpu.memory_space<vmem>>) semaphore(%arg12 : memref<!tpu.dma_semaphore, #tpu.memory_space<semaphore_mem>>)
      %dma_wait3A_175 = arith.constant 0 : i32
      %dma_wait3A_176 = arith.constant 0 : i32
      %dma_wait3A_177 = tpu.memref_slice %arg5[%dma_wait3A_175, %dma_wait3A_176] : memref<10112x128xf32, #tpu.memory_space<hbm>> -> memref<128x128xf32, #tpu.memory_space<hbm>>
      %dma_wait3A_178 = arith.constant 0 : i32
      %dma_wait3A_179 = arith.constant 0 : i32
      %dma_wait3A_180 = tpu.memref_slice %arg5[%dma_wait3A_178, %dma_wait3A_179] : memref<10112x128xf32, #tpu.memory_space<hbm>> -> memref<128x128xf32, #tpu.memory_space<hbm>>
      tpu.wait_dma2 semaphore(%arg13 : memref<!tpu.dma_semaphore, #tpu.memory_space<semaphore_mem>>) src(%dma_wait3A_180 : memref<128x128xf32, #tpu.memory_space<hbm>>) dst(%arg11 : memref<128x128xf32, #tpu.memory_space<vmem>>)
      %run_scoped3A_181 = arith.constant 3 : i32
      "tpu.region"() ({
        %run_scoped3A_249 = tpu.sem_alloc : memref<!tpu.dma_semaphore, #tpu.memory_space<semaphore_mem>>
        %dma_start3A_250 = arith.constant 0 : i32
        %dma_start3A_251 = tpu.memref_slice %arg9[%run_scoped3A_181, %dma_start3A_250] : memref<8x128xi32, #tpu.memory_space<vmem>> -> memref<1x128xi32, #tpu.memory_space<vmem>>
        %dma_start3A_252 = tpu.memref_squeeze %dma_start3A_251 : memref<1x128xi32, #tpu.memory_space<vmem>> -> memref<128xi32, #tpu.memory_space<vmem>>
        %dma_start3A_253 = arith.constant 0 : i32
        %dma_start3A_254 = arith.constant 0 : i32
        %dma_start3A_255 = tpu.memref_slice %arg7[%dma_start3A_253, %dma_start3A_254] : memref<10112x128xf32, #tpu.memory_space<vmem_shared>> -> memref<10112x128xf32, #tpu.memory_space<vmem_shared>>
        tpu.enqueue_indirect_dma source(%arg11 : memref<128x128xf32, #tpu.memory_space<vmem>>) target(%dma_start3A_255 : memref<10112x128xf32, #tpu.memory_space<vmem_shared>>) offsets(%dma_start3A_252 : memref<128xi32, #tpu.memory_space<vmem>>) semaphore(%run_scoped3A_249 : memref<!tpu.dma_semaphore, #tpu.memory_space<semaphore_mem>>) {add = true}
        %dma_wait3A_256 = arith.constant 0 : i32
        %dma_wait3A_257 = tpu.memref_slice %arg9[%run_scoped3A_181, %dma_wait3A_256] : memref<8x128xi32, #tpu.memory_space<vmem>> -> memref<1x128xi32, #tpu.memory_space<vmem>>
        %dma_wait3A_258 = tpu.memref_squeeze %dma_wait3A_257 : memref<1x128xi32, #tpu.memory_space<vmem>> -> memref<128xi32, #tpu.memory_space<vmem>>
        %dma_wait3A_259 = arith.constant 0 : i32
        %dma_wait3A_260 = arith.constant 0 : i32
        %dma_wait3A_261 = tpu.memref_slice %arg7[%dma_wait3A_259, %dma_wait3A_260] : memref<10112x128xf32, #tpu.memory_space<vmem_shared>> -> memref<10112x128xf32, #tpu.memory_space<vmem_shared>>
        tpu.wait_indirect_dma semaphore(%run_scoped3A_249 : memref<!tpu.dma_semaphore, #tpu.memory_space<semaphore_mem>>) src(%arg11 : memref<128x128xf32, #tpu.memory_space<vmem>>) dst(%dma_wait3A_261 : memref<10112x128xf32, #tpu.memory_space<vmem_shared>>)
        tpu.yield
      }) : () -> ()
      %dma_start3A_182 = arith.constant 5 : i32
      %dma_start3A_183 = arith.constant 0 : i32
      %dma_start3A_184 = tpu.memref_slice %arg8[%dma_start3A_182, %dma_start3A_183] : memref<8x128xi32, #tpu.memory_space<vmem>> -> memref<1x128xi32, #tpu.memory_space<vmem>>
      %dma_start3A_185 = tpu.memref_squeeze %dma_start3A_184 : memref<1x128xi32, #tpu.memory_space<vmem>> -> memref<128xi32, #tpu.memory_space<vmem>>
      %dma_start3A_186 = arith.constant 0 : i32
      %dma_start3A_187 = arith.constant 0 : i32
      %dma_start3A_188 = tpu.memref_slice %arg2[%dma_start3A_186, %dma_start3A_187] : memref<10000x128xf32, #tpu.memory_space<hbm>> -> memref<10000x128xf32, #tpu.memory_space<hbm>>
      tpu.enqueue_indirect_dma source(%dma_start3A_188 : memref<10000x128xf32, #tpu.memory_space<hbm>>) target(%arg11 : memref<128x128xf32, #tpu.memory_space<vmem>>) offsets(%dma_start3A_185 : memref<128xi32, #tpu.memory_space<vmem>>) semaphore(%arg13 : memref<!tpu.dma_semaphore, #tpu.memory_space<semaphore_mem>>)
      %dma_wait3A_189 = arith.constant 0 : i32
      %dma_wait3A_190 = arith.constant 0 : i32
      %dma_wait3A_191 = tpu.memref_slice %arg5[%dma_wait3A_189, %dma_wait3A_190] : memref<10112x128xf32, #tpu.memory_space<hbm>> -> memref<128x128xf32, #tpu.memory_space<hbm>>
      %dma_wait3A_192 = arith.constant 0 : i32
      %dma_wait3A_193 = arith.constant 0 : i32
      %dma_wait3A_194 = tpu.memref_slice %arg5[%dma_wait3A_192, %dma_wait3A_193] : memref<10112x128xf32, #tpu.memory_space<hbm>> -> memref<128x128xf32, #tpu.memory_space<hbm>>
      tpu.wait_dma2 semaphore(%arg12 : memref<!tpu.dma_semaphore, #tpu.memory_space<semaphore_mem>>) src(%dma_wait3A_194 : memref<128x128xf32, #tpu.memory_space<hbm>>) dst(%arg10 : memref<128x128xf32, #tpu.memory_space<vmem>>)
      %run_scoped3A_195 = arith.constant 4 : i32
      "tpu.region"() ({
        %run_scoped3A_249 = tpu.sem_alloc : memref<!tpu.dma_semaphore, #tpu.memory_space<semaphore_mem>>
        %dma_start3A_250 = arith.constant 0 : i32
        %dma_start3A_251 = tpu.memref_slice %arg9[%run_scoped3A_195, %dma_start3A_250] : memref<8x128xi32, #tpu.memory_space<vmem>> -> memref<1x128xi32, #tpu.memory_space<vmem>>
        %dma_start3A_252 = tpu.memref_squeeze %dma_start3A_251 : memref<1x128xi32, #tpu.memory_space<vmem>> -> memref<128xi32, #tpu.memory_space<vmem>>
        %dma_start3A_253 = arith.constant 0 : i32
        %dma_start3A_254 = arith.constant 0 : i32
        %dma_start3A_255 = tpu.memref_slice %arg7[%dma_start3A_253, %dma_start3A_254] : memref<10112x128xf32, #tpu.memory_space<vmem_shared>> -> memref<10112x128xf32, #tpu.memory_space<vmem_shared>>
        tpu.enqueue_indirect_dma source(%arg10 : memref<128x128xf32, #tpu.memory_space<vmem>>) target(%dma_start3A_255 : memref<10112x128xf32, #tpu.memory_space<vmem_shared>>) offsets(%dma_start3A_252 : memref<128xi32, #tpu.memory_space<vmem>>) semaphore(%run_scoped3A_249 : memref<!tpu.dma_semaphore, #tpu.memory_space<semaphore_mem>>) {add = true}
        %dma_wait3A_256 = arith.constant 0 : i32
        %dma_wait3A_257 = tpu.memref_slice %arg9[%run_scoped3A_195, %dma_wait3A_256] : memref<8x128xi32, #tpu.memory_space<vmem>> -> memref<1x128xi32, #tpu.memory_space<vmem>>
        %dma_wait3A_258 = tpu.memref_squeeze %dma_wait3A_257 : memref<1x128xi32, #tpu.memory_space<vmem>> -> memref<128xi32, #tpu.memory_space<vmem>>
        %dma_wait3A_259 = arith.constant 0 : i32
        %dma_wait3A_260 = arith.constant 0 : i32
        %dma_wait3A_261 = tpu.memref_slice %arg7[%dma_wait3A_259, %dma_wait3A_260] : memref<10112x128xf32, #tpu.memory_space<vmem_shared>> -> memref<10112x128xf32, #tpu.memory_space<vmem_shared>>
        tpu.wait_indirect_dma semaphore(%run_scoped3A_249 : memref<!tpu.dma_semaphore, #tpu.memory_space<semaphore_mem>>) src(%arg10 : memref<128x128xf32, #tpu.memory_space<vmem>>) dst(%dma_wait3A_261 : memref<10112x128xf32, #tpu.memory_space<vmem_shared>>)
        tpu.yield
      }) : () -> ()
      %dma_start3A_196 = arith.constant 6 : i32
      %dma_start3A_197 = arith.constant 0 : i32
      %dma_start3A_198 = tpu.memref_slice %arg8[%dma_start3A_196, %dma_start3A_197] : memref<8x128xi32, #tpu.memory_space<vmem>> -> memref<1x128xi32, #tpu.memory_space<vmem>>
      %dma_start3A_199 = tpu.memref_squeeze %dma_start3A_198 : memref<1x128xi32, #tpu.memory_space<vmem>> -> memref<128xi32, #tpu.memory_space<vmem>>
      %dma_start3A_200 = arith.constant 0 : i32
      %dma_start3A_201 = arith.constant 0 : i32
      %dma_start3A_202 = tpu.memref_slice %arg2[%dma_start3A_200, %dma_start3A_201] : memref<10000x128xf32, #tpu.memory_space<hbm>> -> memref<10000x128xf32, #tpu.memory_space<hbm>>
      tpu.enqueue_indirect_dma source(%dma_start3A_202 : memref<10000x128xf32, #tpu.memory_space<hbm>>) target(%arg10 : memref<128x128xf32, #tpu.memory_space<vmem>>) offsets(%dma_start3A_199 : memref<128xi32, #tpu.memory_space<vmem>>) semaphore(%arg12 : memref<!tpu.dma_semaphore, #tpu.memory_space<semaphore_mem>>)
      %dma_wait3A_203 = arith.constant 0 : i32
      %dma_wait3A_204 = arith.constant 0 : i32
      %dma_wait3A_205 = tpu.memref_slice %arg5[%dma_wait3A_203, %dma_wait3A_204] : memref<10112x128xf32, #tpu.memory_space<hbm>> -> memref<128x128xf32, #tpu.memory_space<hbm>>
      %dma_wait3A_206 = arith.constant 0 : i32
      %dma_wait3A_207 = arith.constant 0 : i32
      %dma_wait3A_208 = tpu.memref_slice %arg5[%dma_wait3A_206, %dma_wait3A_207] : memref<10112x128xf32, #tpu.memory_space<hbm>> -> memref<128x128xf32, #tpu.memory_space<hbm>>
      tpu.wait_dma2 semaphore(%arg13 : memref<!tpu.dma_semaphore, #tpu.memory_space<semaphore_mem>>) src(%dma_wait3A_208 : memref<128x128xf32, #tpu.memory_space<hbm>>) dst(%arg11 : memref<128x128xf32, #tpu.memory_space<vmem>>)
      %run_scoped3A_209 = arith.constant 5 : i32
      "tpu.region"() ({
        %run_scoped3A_249 = tpu.sem_alloc : memref<!tpu.dma_semaphore, #tpu.memory_space<semaphore_mem>>
        %dma_start3A_250 = arith.constant 0 : i32
        %dma_start3A_251 = tpu.memref_slice %arg9[%run_scoped3A_209, %dma_start3A_250] : memref<8x128xi32, #tpu.memory_space<vmem>> -> memref<1x128xi32, #tpu.memory_space<vmem>>
        %dma_start3A_252 = tpu.memref_squeeze %dma_start3A_251 : memref<1x128xi32, #tpu.memory_space<vmem>> -> memref<128xi32, #tpu.memory_space<vmem>>
        %dma_start3A_253 = arith.constant 0 : i32
        %dma_start3A_254 = arith.constant 0 : i32
        %dma_start3A_255 = tpu.memref_slice %arg7[%dma_start3A_253, %dma_start3A_254] : memref<10112x128xf32, #tpu.memory_space<vmem_shared>> -> memref<10112x128xf32, #tpu.memory_space<vmem_shared>>
        tpu.enqueue_indirect_dma source(%arg11 : memref<128x128xf32, #tpu.memory_space<vmem>>) target(%dma_start3A_255 : memref<10112x128xf32, #tpu.memory_space<vmem_shared>>) offsets(%dma_start3A_252 : memref<128xi32, #tpu.memory_space<vmem>>) semaphore(%run_scoped3A_249 : memref<!tpu.dma_semaphore, #tpu.memory_space<semaphore_mem>>) {add = true}
        %dma_wait3A_256 = arith.constant 0 : i32
        %dma_wait3A_257 = tpu.memref_slice %arg9[%run_scoped3A_209, %dma_wait3A_256] : memref<8x128xi32, #tpu.memory_space<vmem>> -> memref<1x128xi32, #tpu.memory_space<vmem>>
        %dma_wait3A_258 = tpu.memref_squeeze %dma_wait3A_257 : memref<1x128xi32, #tpu.memory_space<vmem>> -> memref<128xi32, #tpu.memory_space<vmem>>
        %dma_wait3A_259 = arith.constant 0 : i32
        %dma_wait3A_260 = arith.constant 0 : i32
        %dma_wait3A_261 = tpu.memref_slice %arg7[%dma_wait3A_259, %dma_wait3A_260] : memref<10112x128xf32, #tpu.memory_space<vmem_shared>> -> memref<10112x128xf32, #tpu.memory_space<vmem_shared>>
        tpu.wait_indirect_dma semaphore(%run_scoped3A_249 : memref<!tpu.dma_semaphore, #tpu.memory_space<semaphore_mem>>) src(%arg11 : memref<128x128xf32, #tpu.memory_space<vmem>>) dst(%dma_wait3A_261 : memref<10112x128xf32, #tpu.memory_space<vmem_shared>>)
        tpu.yield
      }) : () -> ()
      %dma_start3A_210 = arith.constant 7 : i32
      %dma_start3A_211 = arith.constant 0 : i32
      %dma_start3A_212 = tpu.memref_slice %arg8[%dma_start3A_210, %dma_start3A_211] : memref<8x128xi32, #tpu.memory_space<vmem>> -> memref<1x128xi32, #tpu.memory_space<vmem>>
      %dma_start3A_213 = tpu.memref_squeeze %dma_start3A_212 : memref<1x128xi32, #tpu.memory_space<vmem>> -> memref<128xi32, #tpu.memory_space<vmem>>
      %dma_start3A_214 = arith.constant 0 : i32
      %dma_start3A_215 = arith.constant 0 : i32
      %dma_start3A_216 = tpu.memref_slice %arg2[%dma_start3A_214, %dma_start3A_215] : memref<10000x128xf32, #tpu.memory_space<hbm>> -> memref<10000x128xf32, #tpu.memory_space<hbm>>
      tpu.enqueue_indirect_dma source(%dma_start3A_216 : memref<10000x128xf32, #tpu.memory_space<hbm>>) target(%arg11 : memref<128x128xf32, #tpu.memory_space<vmem>>) offsets(%dma_start3A_213 : memref<128xi32, #tpu.memory_space<vmem>>) semaphore(%arg13 : memref<!tpu.dma_semaphore, #tpu.memory_space<semaphore_mem>>)
      %dma_wait3A_217 = arith.constant 0 : i32
      %dma_wait3A_218 = arith.constant 0 : i32
      %dma_wait3A_219 = tpu.memref_slice %arg5[%dma_wait3A_217, %dma_wait3A_218] : memref<10112x128xf32, #tpu.memory_space<hbm>> -> memref<128x128xf32, #tpu.memory_space<hbm>>
      %dma_wait3A_220 = arith.constant 0 : i32
      %dma_wait3A_221 = arith.constant 0 : i32
      %dma_wait3A_222 = tpu.memref_slice %arg5[%dma_wait3A_220, %dma_wait3A_221] : memref<10112x128xf32, #tpu.memory_space<hbm>> -> memref<128x128xf32, #tpu.memory_space<hbm>>
      tpu.wait_dma2 semaphore(%arg12 : memref<!tpu.dma_semaphore, #tpu.memory_space<semaphore_mem>>) src(%dma_wait3A_222 : memref<128x128xf32, #tpu.memory_space<hbm>>) dst(%arg10 : memref<128x128xf32, #tpu.memory_space<vmem>>)
      %run_scoped3A_223 = arith.constant 6 : i32
      "tpu.region"() ({
        %run_scoped3A_249 = tpu.sem_alloc : memref<!tpu.dma_semaphore, #tpu.memory_space<semaphore_mem>>
        %dma_start3A_250 = arith.constant 0 : i32
        %dma_start3A_251 = tpu.memref_slice %arg9[%run_scoped3A_223, %dma_start3A_250] : memref<8x128xi32, #tpu.memory_space<vmem>> -> memref<1x128xi32, #tpu.memory_space<vmem>>
        %dma_start3A_252 = tpu.memref_squeeze %dma_start3A_251 : memref<1x128xi32, #tpu.memory_space<vmem>> -> memref<128xi32, #tpu.memory_space<vmem>>
        %dma_start3A_253 = arith.constant 0 : i32
        %dma_start3A_254 = arith.constant 0 : i32
        %dma_start3A_255 = tpu.memref_slice %arg7[%dma_start3A_253, %dma_start3A_254] : memref<10112x128xf32, #tpu.memory_space<vmem_shared>> -> memref<10112x128xf32, #tpu.memory_space<vmem_shared>>
        tpu.enqueue_indirect_dma source(%arg10 : memref<128x128xf32, #tpu.memory_space<vmem>>) target(%dma_start3A_255 : memref<10112x128xf32, #tpu.memory_space<vmem_shared>>) offsets(%dma_start3A_252 : memref<128xi32, #tpu.memory_space<vmem>>) semaphore(%run_scoped3A_249 : memref<!tpu.dma_semaphore, #tpu.memory_space<semaphore_mem>>) {add = true}
        %dma_wait3A_256 = arith.constant 0 : i32
        %dma_wait3A_257 = tpu.memref_slice %arg9[%run_scoped3A_223, %dma_wait3A_256] : memref<8x128xi32, #tpu.memory_space<vmem>> -> memref<1x128xi32, #tpu.memory_space<vmem>>
        %dma_wait3A_258 = tpu.memref_squeeze %dma_wait3A_257 : memref<1x128xi32, #tpu.memory_space<vmem>> -> memref<128xi32, #tpu.memory_space<vmem>>
        %dma_wait3A_259 = arith.constant 0 : i32
        %dma_wait3A_260 = arith.constant 0 : i32
        %dma_wait3A_261 = tpu.memref_slice %arg7[%dma_wait3A_259, %dma_wait3A_260] : memref<10112x128xf32, #tpu.memory_space<vmem_shared>> -> memref<10112x128xf32, #tpu.memory_space<vmem_shared>>
        tpu.wait_indirect_dma semaphore(%run_scoped3A_249 : memref<!tpu.dma_semaphore, #tpu.memory_space<semaphore_mem>>) src(%arg10 : memref<128x128xf32, #tpu.memory_space<vmem>>) dst(%dma_wait3A_261 : memref<10112x128xf32, #tpu.memory_space<vmem_shared>>)
        tpu.yield
      }) : () -> ()
      %dma_wait3A_224 = arith.constant 0 : i32
      %dma_wait3A_225 = arith.constant 0 : i32
      %dma_wait3A_226 = tpu.memref_slice %arg5[%dma_wait3A_224, %dma_wait3A_225] : memref<10112x128xf32, #tpu.memory_space<hbm>> -> memref<128x128xf32, #tpu.memory_space<hbm>>
      %dma_wait3A_227 = arith.constant 0 : i32
      %dma_wait3A_228 = arith.constant 0 : i32
      %dma_wait3A_229 = tpu.memref_slice %arg5[%dma_wait3A_227, %dma_wait3A_228] : memref<10112x128xf32, #tpu.memory_space<hbm>> -> memref<128x128xf32, #tpu.memory_space<hbm>>
      tpu.wait_dma2 semaphore(%arg13 : memref<!tpu.dma_semaphore, #tpu.memory_space<semaphore_mem>>) src(%dma_wait3A_229 : memref<128x128xf32, #tpu.memory_space<hbm>>) dst(%arg11 : memref<128x128xf32, #tpu.memory_space<vmem>>)
      %run_scoped3A_230 = arith.constant 7 : i32
      "tpu.region"() ({
        %run_scoped3A_249 = tpu.sem_alloc : memref<!tpu.dma_semaphore, #tpu.memory_space<semaphore_mem>>
        %dma_start3A_250 = arith.constant 0 : i32
        %dma_start3A_251 = tpu.memref_slice %arg9[%run_scoped3A_230, %dma_start3A_250] : memref<8x128xi32, #tpu.memory_space<vmem>> -> memref<1x128xi32, #tpu.memory_space<vmem>>
        %dma_start3A_252 = tpu.memref_squeeze %dma_start3A_251 : memref<1x128xi32, #tpu.memory_space<vmem>> -> memref<128xi32, #tpu.memory_space<vmem>>
        %dma_start3A_253 = arith.constant 0 : i32
        %dma_start3A_254 = arith.constant 0 : i32
        %dma_start3A_255 = tpu.memref_slice %arg7[%dma_start3A_253, %dma_start3A_254] : memref<10112x128xf32, #tpu.memory_space<vmem_shared>> -> memref<10112x128xf32, #tpu.memory_space<vmem_shared>>
        tpu.enqueue_indirect_dma source(%arg11 : memref<128x128xf32, #tpu.memory_space<vmem>>) target(%dma_start3A_255 : memref<10112x128xf32, #tpu.memory_space<vmem_shared>>) offsets(%dma_start3A_252 : memref<128xi32, #tpu.memory_space<vmem>>) semaphore(%run_scoped3A_249 : memref<!tpu.dma_semaphore, #tpu.memory_space<semaphore_mem>>) {add = true}
        %dma_wait3A_256 = arith.constant 0 : i32
        %dma_wait3A_257 = tpu.memref_slice %arg9[%run_scoped3A_230, %dma_wait3A_256] : memref<8x128xi32, #tpu.memory_space<vmem>> -> memref<1x128xi32, #tpu.memory_space<vmem>>
        %dma_wait3A_258 = tpu.memref_squeeze %dma_wait3A_257 : memref<1x128xi32, #tpu.memory_space<vmem>> -> memref<128xi32, #tpu.memory_space<vmem>>
        %dma_wait3A_259 = arith.constant 0 : i32
        %dma_wait3A_260 = arith.constant 0 : i32
        %dma_wait3A_261 = tpu.memref_slice %arg7[%dma_wait3A_259, %dma_wait3A_260] : memref<10112x128xf32, #tpu.memory_space<vmem_shared>> -> memref<10112x128xf32, #tpu.memory_space<vmem_shared>>
        tpu.wait_indirect_dma semaphore(%run_scoped3A_249 : memref<!tpu.dma_semaphore, #tpu.memory_space<semaphore_mem>>) src(%arg11 : memref<128x128xf32, #tpu.memory_space<vmem>>) dst(%dma_wait3A_261 : memref<10112x128xf32, #tpu.memory_space<vmem_shared>>)
        tpu.yield
      }) : () -> ()
      %add3A_231 = arith.constant 1 : i32
      %add3A_232 = arith.addi %while3A_132, %add3A_231 : i32
      "tpu.region"() ({
        %run_scoped3A_249 = tpu.sem_alloc : memref<!tpu.dma_semaphore, #tpu.memory_space<semaphore_mem>>
        %dma_start3A_250 = arith.constant 0 : i32
        %dma_start3A_251 = arith.constant 0 : i32
        %dma_start3A_252 = tpu.memref_slice %arg3[%add3A, %add3A_232, %dma_start3A_250, %dma_start3A_251] : memref<32x19x8x128xi32, #tpu.memory_space<hbm>> -> memref<1x1x8x128xi32, #tpu.memory_space<hbm>>
        %dma_start3A_253 = tpu.memref_squeeze %dma_start3A_252 : memref<1x1x8x128xi32, #tpu.memory_space<hbm>> -> memref<8x128xi32, #tpu.memory_space<hbm>>
        %dma_start3A_254 = arith.constant 0 : i32
        %dma_start3A_255 = arith.constant 0 : i32
        %dma_start3A_256 = tpu.memref_slice %arg3[%add3A, %add3A_232, %dma_start3A_254, %dma_start3A_255] : memref<32x19x8x128xi32, #tpu.memory_space<hbm>> -> memref<1x1x8x128xi32, #tpu.memory_space<hbm>>
        %dma_start3A_257 = tpu.memref_squeeze %dma_start3A_256 : memref<1x1x8x128xi32, #tpu.memory_space<hbm>> -> memref<8x128xi32, #tpu.memory_space<hbm>>
        tpu.enqueue_dma source(%dma_start3A_257 : memref<8x128xi32, #tpu.memory_space<hbm>>) target(%arg8 : memref<8x128xi32, #tpu.memory_space<vmem>>) target_semaphore(%run_scoped3A_249 : memref<!tpu.dma_semaphore, #tpu.memory_space<semaphore_mem>>)
        %dma_wait3A_258 = arith.constant 0 : i32
        %dma_wait3A_259 = arith.constant 0 : i32
        %dma_wait3A_260 = tpu.memref_slice %arg3[%add3A, %add3A_232, %dma_wait3A_258, %dma_wait3A_259] : memref<32x19x8x128xi32, #tpu.memory_space<hbm>> -> memref<1x1x8x128xi32, #tpu.memory_space<hbm>>
        %dma_wait3A_261 = tpu.memref_squeeze %dma_wait3A_260 : memref<1x1x8x128xi32, #tpu.memory_space<hbm>> -> memref<8x128xi32, #tpu.memory_space<hbm>>
        %dma_wait3A_262 = arith.constant 0 : i32
        %dma_wait3A_263 = arith.constant 0 : i32
        %dma_wait3A_264 = tpu.memref_slice %arg3[%add3A, %add3A_232, %dma_wait3A_262, %dma_wait3A_263] : memref<32x19x8x128xi32, #tpu.memory_space<hbm>> -> memref<1x1x8x128xi32, #tpu.memory_space<hbm>>
        %dma_wait3A_265 = tpu.memref_squeeze %dma_wait3A_264 : memref<1x1x8x128xi32, #tpu.memory_space<hbm>> -> memref<8x128xi32, #tpu.memory_space<hbm>>
        tpu.wait_dma2 semaphore(%run_scoped3A_249 : memref<!tpu.dma_semaphore, #tpu.memory_space<semaphore_mem>>) src(%dma_wait3A_265 : memref<8x128xi32, #tpu.memory_space<hbm>>) dst(%arg8 : memref<8x128xi32, #tpu.memory_space<vmem>>)
        tpu.yield
      }) : () -> ()
      %dma_start3A_233 = arith.constant 0 : i32
      %dma_start3A_234 = arith.constant 0 : i32
      %dma_start3A_235 = tpu.memref_slice %arg8[%dma_start3A_233, %dma_start3A_234] : memref<8x128xi32, #tpu.memory_space<vmem>> -> memref<1x128xi32, #tpu.memory_space<vmem>>
      %dma_start3A_236 = tpu.memref_squeeze %dma_start3A_235 : memref<1x128xi32, #tpu.memory_space<vmem>> -> memref<128xi32, #tpu.memory_space<vmem>>
      %dma_start3A_237 = arith.constant 0 : i32
      %dma_start3A_238 = arith.constant 0 : i32
      %dma_start3A_239 = tpu.memref_slice %arg2[%dma_start3A_237, %dma_start3A_238] : memref<10000x128xf32, #tpu.memory_space<hbm>> -> memref<10000x128xf32, #tpu.memory_space<hbm>>
      tpu.enqueue_indirect_dma source(%dma_start3A_239 : memref<10000x128xf32, #tpu.memory_space<hbm>>) target(%arg10 : memref<128x128xf32, #tpu.memory_space<vmem>>) offsets(%dma_start3A_236 : memref<128xi32, #tpu.memory_space<vmem>>) semaphore(%arg12 : memref<!tpu.dma_semaphore, #tpu.memory_space<semaphore_mem>>)
      %dma_start3A_240 = arith.constant 1 : i32
      %dma_start3A_241 = arith.constant 0 : i32
      %dma_start3A_242 = tpu.memref_slice %arg8[%dma_start3A_240, %dma_start3A_241] : memref<8x128xi32, #tpu.memory_space<vmem>> -> memref<1x128xi32, #tpu.memory_space<vmem>>
      %dma_start3A_243 = tpu.memref_squeeze %dma_start3A_242 : memref<1x128xi32, #tpu.memory_space<vmem>> -> memref<128xi32, #tpu.memory_space<vmem>>
      %dma_start3A_244 = arith.constant 0 : i32
      %dma_start3A_245 = arith.constant 0 : i32
      %dma_start3A_246 = tpu.memref_slice %arg2[%dma_start3A_244, %dma_start3A_245] : memref<10000x128xf32, #tpu.memory_space<hbm>> -> memref<10000x128xf32, #tpu.memory_space<hbm>>
      tpu.enqueue_indirect_dma source(%dma_start3A_246 : memref<10000x128xf32, #tpu.memory_space<hbm>>) target(%arg11 : memref<128x128xf32, #tpu.memory_space<vmem>>) offsets(%dma_start3A_243 : memref<128xi32, #tpu.memory_space<vmem>>) semaphore(%arg13 : memref<!tpu.dma_semaphore, #tpu.memory_space<semaphore_mem>>)
      %add3A_247 = arith.constant 1 : i32
      %add3A_248 = arith.addi %while3A_132, %add3A_247 : i32
      "tpu.region"() ({
        %run_scoped3A_249 = tpu.sem_alloc : memref<!tpu.dma_semaphore, #tpu.memory_space<semaphore_mem>>
        %dma_start3A_250 = arith.constant 0 : i32
        %dma_start3A_251 = arith.constant 0 : i32
        %dma_start3A_252 = tpu.memref_slice %arg4[%add3A, %add3A_248, %dma_start3A_250, %dma_start3A_251] : memref<32x19x8x128xi32, #tpu.memory_space<hbm>> -> memref<1x1x8x128xi32, #tpu.memory_space<hbm>>
        %dma_start3A_253 = tpu.memref_squeeze %dma_start3A_252 : memref<1x1x8x128xi32, #tpu.memory_space<hbm>> -> memref<8x128xi32, #tpu.memory_space<hbm>>
        %dma_start3A_254 = arith.constant 0 : i32
        %dma_start3A_255 = arith.constant 0 : i32
        %dma_start3A_256 = tpu.memref_slice %arg4[%add3A, %add3A_248, %dma_start3A_254, %dma_start3A_255] : memref<32x19x8x128xi32, #tpu.memory_space<hbm>> -> memref<1x1x8x128xi32, #tpu.memory_space<hbm>>
        %dma_start3A_257 = tpu.memref_squeeze %dma_start3A_256 : memref<1x1x8x128xi32, #tpu.memory_space<hbm>> -> memref<8x128xi32, #tpu.memory_space<hbm>>
        tpu.enqueue_dma source(%dma_start3A_257 : memref<8x128xi32, #tpu.memory_space<hbm>>) target(%arg9 : memref<8x128xi32, #tpu.memory_space<vmem>>) target_semaphore(%run_scoped3A_249 : memref<!tpu.dma_semaphore, #tpu.memory_space<semaphore_mem>>)
        %dma_wait3A_258 = arith.constant 0 : i32
        %dma_wait3A_259 = arith.constant 0 : i32
        %dma_wait3A_260 = tpu.memref_slice %arg4[%add3A, %add3A_248, %dma_wait3A_258, %dma_wait3A_259] : memref<32x19x8x128xi32, #tpu.memory_space<hbm>> -> memref<1x1x8x128xi32, #tpu.memory_space<hbm>>
        %dma_wait3A_261 = tpu.memref_squeeze %dma_wait3A_260 : memref<1x1x8x128xi32, #tpu.memory_space<hbm>> -> memref<8x128xi32, #tpu.memory_space<hbm>>
        %dma_wait3A_262 = arith.constant 0 : i32
        %dma_wait3A_263 = arith.constant 0 : i32
        %dma_wait3A_264 = tpu.memref_slice %arg4[%add3A, %add3A_248, %dma_wait3A_262, %dma_wait3A_263] : memref<32x19x8x128xi32, #tpu.memory_space<hbm>> -> memref<1x1x8x128xi32, #tpu.memory_space<hbm>>
        %dma_wait3A_265 = tpu.memref_squeeze %dma_wait3A_264 : memref<1x1x8x128xi32, #tpu.memory_space<hbm>> -> memref<8x128xi32, #tpu.memory_space<hbm>>
        tpu.wait_dma2 semaphore(%run_scoped3A_249 : memref<!tpu.dma_semaphore, #tpu.memory_space<semaphore_mem>>) src(%dma_wait3A_265 : memref<8x128xi32, #tpu.memory_space<hbm>>) dst(%arg9 : memref<8x128xi32, #tpu.memory_space<vmem>>)
        tpu.yield
      }) : () -> ()
    }
    %sub3A_29 = arith.constant 1 : i32
    %sub3A_30 = arith.subi %select_n3A, %sub3A_29 : i32
    %dma_wait3A = arith.constant 0 : i32
    %dma_wait3A_31 = arith.constant 0 : i32
    %dma_wait3A_32 = tpu.memref_slice %arg5[%dma_wait3A, %dma_wait3A_31] : memref<10112x128xf32, #tpu.memory_space<hbm>> -> memref<128x128xf32, #tpu.memory_space<hbm>>
    %dma_wait3A_33 = arith.constant 0 : i32
    %dma_wait3A_34 = arith.constant 0 : i32
    %dma_wait3A_35 = tpu.memref_slice %arg5[%dma_wait3A_33, %dma_wait3A_34] : memref<10112x128xf32, #tpu.memory_space<hbm>> -> memref<128x128xf32, #tpu.memory_space<hbm>>
    tpu.wait_dma2 semaphore(%arg12 : memref<!tpu.dma_semaphore, #tpu.memory_space<semaphore_mem>>) src(%dma_wait3A_35 : memref<128x128xf32, #tpu.memory_space<hbm>>) dst(%arg10 : memref<128x128xf32, #tpu.memory_space<vmem>>)
    %run_scoped3A_36 = arith.constant 0 : i32
    "tpu.region"() ({
      %run_scoped3A_132 = tpu.sem_alloc : memref<!tpu.dma_semaphore, #tpu.memory_space<semaphore_mem>>
      %dma_start3A_133 = arith.constant 0 : i32
      %dma_start3A_134 = tpu.memref_slice %arg9[%run_scoped3A_36, %dma_start3A_133] : memref<8x128xi32, #tpu.memory_space<vmem>> -> memref<1x128xi32, #tpu.memory_space<vmem>>
      %dma_start3A_135 = tpu.memref_squeeze %dma_start3A_134 : memref<1x128xi32, #tpu.memory_space<vmem>> -> memref<128xi32, #tpu.memory_space<vmem>>
      %dma_start3A_136 = arith.constant 0 : i32
      %dma_start3A_137 = arith.constant 0 : i32
      %dma_start3A_138 = tpu.memref_slice %arg7[%dma_start3A_136, %dma_start3A_137] : memref<10112x128xf32, #tpu.memory_space<vmem_shared>> -> memref<10112x128xf32, #tpu.memory_space<vmem_shared>>
      tpu.enqueue_indirect_dma source(%arg10 : memref<128x128xf32, #tpu.memory_space<vmem>>) target(%dma_start3A_138 : memref<10112x128xf32, #tpu.memory_space<vmem_shared>>) offsets(%dma_start3A_135 : memref<128xi32, #tpu.memory_space<vmem>>) semaphore(%run_scoped3A_132 : memref<!tpu.dma_semaphore, #tpu.memory_space<semaphore_mem>>) {add = true}
      %dma_wait3A_139 = arith.constant 0 : i32
      %dma_wait3A_140 = tpu.memref_slice %arg9[%run_scoped3A_36, %dma_wait3A_139] : memref<8x128xi32, #tpu.memory_space<vmem>> -> memref<1x128xi32, #tpu.memory_space<vmem>>
      %dma_wait3A_141 = tpu.memref_squeeze %dma_wait3A_140 : memref<1x128xi32, #tpu.memory_space<vmem>> -> memref<128xi32, #tpu.memory_space<vmem>>
      %dma_wait3A_142 = arith.constant 0 : i32
      %dma_wait3A_143 = arith.constant 0 : i32
      %dma_wait3A_144 = tpu.memref_slice %arg7[%dma_wait3A_142, %dma_wait3A_143] : memref<10112x128xf32, #tpu.memory_space<vmem_shared>> -> memref<10112x128xf32, #tpu.memory_space<vmem_shared>>
      tpu.wait_indirect_dma semaphore(%run_scoped3A_132 : memref<!tpu.dma_semaphore, #tpu.memory_space<semaphore_mem>>) src(%arg10 : memref<128x128xf32, #tpu.memory_space<vmem>>) dst(%dma_wait3A_144 : memref<10112x128xf32, #tpu.memory_space<vmem_shared>>)
      tpu.yield
    }) : () -> ()
    %dma_start3A_37 = arith.constant 2 : i32
    %dma_start3A_38 = arith.constant 0 : i32
    %dma_start3A_39 = tpu.memref_slice %arg8[%dma_start3A_37, %dma_start3A_38] : memref<8x128xi32, #tpu.memory_space<vmem>> -> memref<1x128xi32, #tpu.memory_space<vmem>>
    %dma_start3A_40 = tpu.memref_squeeze %dma_start3A_39 : memref<1x128xi32, #tpu.memory_space<vmem>> -> memref<128xi32, #tpu.memory_space<vmem>>
    %dma_start3A_41 = arith.constant 0 : i32
    %dma_start3A_42 = arith.constant 0 : i32
    %dma_start3A_43 = tpu.memref_slice %arg2[%dma_start3A_41, %dma_start3A_42] : memref<10000x128xf32, #tpu.memory_space<hbm>> -> memref<10000x128xf32, #tpu.memory_space<hbm>>
    tpu.enqueue_indirect_dma source(%dma_start3A_43 : memref<10000x128xf32, #tpu.memory_space<hbm>>) target(%arg10 : memref<128x128xf32, #tpu.memory_space<vmem>>) offsets(%dma_start3A_40 : memref<128xi32, #tpu.memory_space<vmem>>) semaphore(%arg12 : memref<!tpu.dma_semaphore, #tpu.memory_space<semaphore_mem>>)
    %dma_wait3A_44 = arith.constant 0 : i32
    %dma_wait3A_45 = arith.constant 0 : i32
    %dma_wait3A_46 = tpu.memref_slice %arg5[%dma_wait3A_44, %dma_wait3A_45] : memref<10112x128xf32, #tpu.memory_space<hbm>> -> memref<128x128xf32, #tpu.memory_space<hbm>>
    %dma_wait3A_47 = arith.constant 0 : i32
    %dma_wait3A_48 = arith.constant 0 : i32
    %dma_wait3A_49 = tpu.memref_slice %arg5[%dma_wait3A_47, %dma_wait3A_48] : memref<10112x128xf32, #tpu.memory_space<hbm>> -> memref<128x128xf32, #tpu.memory_space<hbm>>
    tpu.wait_dma2 semaphore(%arg13 : memref<!tpu.dma_semaphore, #tpu.memory_space<semaphore_mem>>) src(%dma_wait3A_49 : memref<128x128xf32, #tpu.memory_space<hbm>>) dst(%arg11 : memref<128x128xf32, #tpu.memory_space<vmem>>)
    %run_scoped3A_50 = arith.constant 1 : i32
    "tpu.region"() ({
      %run_scoped3A_132 = tpu.sem_alloc : memref<!tpu.dma_semaphore, #tpu.memory_space<semaphore_mem>>
      %dma_start3A_133 = arith.constant 0 : i32
      %dma_start3A_134 = tpu.memref_slice %arg9[%run_scoped3A_50, %dma_start3A_133] : memref<8x128xi32, #tpu.memory_space<vmem>> -> memref<1x128xi32, #tpu.memory_space<vmem>>
      %dma_start3A_135 = tpu.memref_squeeze %dma_start3A_134 : memref<1x128xi32, #tpu.memory_space<vmem>> -> memref<128xi32, #tpu.memory_space<vmem>>
      %dma_start3A_136 = arith.constant 0 : i32
      %dma_start3A_137 = arith.constant 0 : i32
      %dma_start3A_138 = tpu.memref_slice %arg7[%dma_start3A_136, %dma_start3A_137] : memref<10112x128xf32, #tpu.memory_space<vmem_shared>> -> memref<10112x128xf32, #tpu.memory_space<vmem_shared>>
      tpu.enqueue_indirect_dma source(%arg11 : memref<128x128xf32, #tpu.memory_space<vmem>>) target(%dma_start3A_138 : memref<10112x128xf32, #tpu.memory_space<vmem_shared>>) offsets(%dma_start3A_135 : memref<128xi32, #tpu.memory_space<vmem>>) semaphore(%run_scoped3A_132 : memref<!tpu.dma_semaphore, #tpu.memory_space<semaphore_mem>>) {add = true}
      %dma_wait3A_139 = arith.constant 0 : i32
      %dma_wait3A_140 = tpu.memref_slice %arg9[%run_scoped3A_50, %dma_wait3A_139] : memref<8x128xi32, #tpu.memory_space<vmem>> -> memref<1x128xi32, #tpu.memory_space<vmem>>
      %dma_wait3A_141 = tpu.memref_squeeze %dma_wait3A_140 : memref<1x128xi32, #tpu.memory_space<vmem>> -> memref<128xi32, #tpu.memory_space<vmem>>
      %dma_wait3A_142 = arith.constant 0 : i32
      %dma_wait3A_143 = arith.constant 0 : i32
      %dma_wait3A_144 = tpu.memref_slice %arg7[%dma_wait3A_142, %dma_wait3A_143] : memref<10112x128xf32, #tpu.memory_space<vmem_shared>> -> memref<10112x128xf32, #tpu.memory_space<vmem_shared>>
      tpu.wait_indirect_dma semaphore(%run_scoped3A_132 : memref<!tpu.dma_semaphore, #tpu.memory_space<semaphore_mem>>) src(%arg11 : memref<128x128xf32, #tpu.memory_space<vmem>>) dst(%dma_wait3A_144 : memref<10112x128xf32, #tpu.memory_space<vmem_shared>>)
      tpu.yield
    }) : () -> ()
    %dma_start3A_51 = arith.constant 3 : i32
    %dma_start3A_52 = arith.constant 0 : i32
    %dma_start3A_53 = tpu.memref_slice %arg8[%dma_start3A_51, %dma_start3A_52] : memref<8x128xi32, #tpu.memory_space<vmem>> -> memref<1x128xi32, #tpu.memory_space<vmem>>
    %dma_start3A_54 = tpu.memref_squeeze %dma_start3A_53 : memref<1x128xi32, #tpu.memory_space<vmem>> -> memref<128xi32, #tpu.memory_space<vmem>>
    %dma_start3A_55 = arith.constant 0 : i32
    %dma_start3A_56 = arith.constant 0 : i32
    %dma_start3A_57 = tpu.memref_slice %arg2[%dma_start3A_55, %dma_start3A_56] : memref<10000x128xf32, #tpu.memory_space<hbm>> -> memref<10000x128xf32, #tpu.memory_space<hbm>>
    tpu.enqueue_indirect_dma source(%dma_start3A_57 : memref<10000x128xf32, #tpu.memory_space<hbm>>) target(%arg11 : memref<128x128xf32, #tpu.memory_space<vmem>>) offsets(%dma_start3A_54 : memref<128xi32, #tpu.memory_space<vmem>>) semaphore(%arg13 : memref<!tpu.dma_semaphore, #tpu.memory_space<semaphore_mem>>)
    %dma_wait3A_58 = arith.constant 0 : i32
    %dma_wait3A_59 = arith.constant 0 : i32
    %dma_wait3A_60 = tpu.memref_slice %arg5[%dma_wait3A_58, %dma_wait3A_59] : memref<10112x128xf32, #tpu.memory_space<hbm>> -> memref<128x128xf32, #tpu.memory_space<hbm>>
    %dma_wait3A_61 = arith.constant 0 : i32
    %dma_wait3A_62 = arith.constant 0 : i32
    %dma_wait3A_63 = tpu.memref_slice %arg5[%dma_wait3A_61, %dma_wait3A_62] : memref<10112x128xf32, #tpu.memory_space<hbm>> -> memref<128x128xf32, #tpu.memory_space<hbm>>
    tpu.wait_dma2 semaphore(%arg12 : memref<!tpu.dma_semaphore, #tpu.memory_space<semaphore_mem>>) src(%dma_wait3A_63 : memref<128x128xf32, #tpu.memory_space<hbm>>) dst(%arg10 : memref<128x128xf32, #tpu.memory_space<vmem>>)
    %run_scoped3A_64 = arith.constant 2 : i32
    "tpu.region"() ({
      %run_scoped3A_132 = tpu.sem_alloc : memref<!tpu.dma_semaphore, #tpu.memory_space<semaphore_mem>>
      %dma_start3A_133 = arith.constant 0 : i32
      %dma_start3A_134 = tpu.memref_slice %arg9[%run_scoped3A_64, %dma_start3A_133] : memref<8x128xi32, #tpu.memory_space<vmem>> -> memref<1x128xi32, #tpu.memory_space<vmem>>
      %dma_start3A_135 = tpu.memref_squeeze %dma_start3A_134 : memref<1x128xi32, #tpu.memory_space<vmem>> -> memref<128xi32, #tpu.memory_space<vmem>>
      %dma_start3A_136 = arith.constant 0 : i32
      %dma_start3A_137 = arith.constant 0 : i32
      %dma_start3A_138 = tpu.memref_slice %arg7[%dma_start3A_136, %dma_start3A_137] : memref<10112x128xf32, #tpu.memory_space<vmem_shared>> -> memref<10112x128xf32, #tpu.memory_space<vmem_shared>>
      tpu.enqueue_indirect_dma source(%arg10 : memref<128x128xf32, #tpu.memory_space<vmem>>) target(%dma_start3A_138 : memref<10112x128xf32, #tpu.memory_space<vmem_shared>>) offsets(%dma_start3A_135 : memref<128xi32, #tpu.memory_space<vmem>>) semaphore(%run_scoped3A_132 : memref<!tpu.dma_semaphore, #tpu.memory_space<semaphore_mem>>) {add = true}
      %dma_wait3A_139 = arith.constant 0 : i32
      %dma_wait3A_140 = tpu.memref_slice %arg9[%run_scoped3A_64, %dma_wait3A_139] : memref<8x128xi32, #tpu.memory_space<vmem>> -> memref<1x128xi32, #tpu.memory_space<vmem>>
      %dma_wait3A_141 = tpu.memref_squeeze %dma_wait3A_140 : memref<1x128xi32, #tpu.memory_space<vmem>> -> memref<128xi32, #tpu.memory_space<vmem>>
      %dma_wait3A_142 = arith.constant 0 : i32
      %dma_wait3A_143 = arith.constant 0 : i32
      %dma_wait3A_144 = tpu.memref_slice %arg7[%dma_wait3A_142, %dma_wait3A_143] : memref<10112x128xf32, #tpu.memory_space<vmem_shared>> -> memref<10112x128xf32, #tpu.memory_space<vmem_shared>>
      tpu.wait_indirect_dma semaphore(%run_scoped3A_132 : memref<!tpu.dma_semaphore, #tpu.memory_space<semaphore_mem>>) src(%arg10 : memref<128x128xf32, #tpu.memory_space<vmem>>) dst(%dma_wait3A_144 : memref<10112x128xf32, #tpu.memory_space<vmem_shared>>)
      tpu.yield
    }) : () -> ()
    %dma_start3A_65 = arith.constant 4 : i32
    %dma_start3A_66 = arith.constant 0 : i32
    %dma_start3A_67 = tpu.memref_slice %arg8[%dma_start3A_65, %dma_start3A_66] : memref<8x128xi32, #tpu.memory_space<vmem>> -> memref<1x128xi32, #tpu.memory_space<vmem>>
    %dma_start3A_68 = tpu.memref_squeeze %dma_start3A_67 : memref<1x128xi32, #tpu.memory_space<vmem>> -> memref<128xi32, #tpu.memory_space<vmem>>
    %dma_start3A_69 = arith.constant 0 : i32
    %dma_start3A_70 = arith.constant 0 : i32
    %dma_start3A_71 = tpu.memref_slice %arg2[%dma_start3A_69, %dma_start3A_70] : memref<10000x128xf32, #tpu.memory_space<hbm>> -> memref<10000x128xf32, #tpu.memory_space<hbm>>
    tpu.enqueue_indirect_dma source(%dma_start3A_71 : memref<10000x128xf32, #tpu.memory_space<hbm>>) target(%arg10 : memref<128x128xf32, #tpu.memory_space<vmem>>) offsets(%dma_start3A_68 : memref<128xi32, #tpu.memory_space<vmem>>) semaphore(%arg12 : memref<!tpu.dma_semaphore, #tpu.memory_space<semaphore_mem>>)
    %dma_wait3A_72 = arith.constant 0 : i32
    %dma_wait3A_73 = arith.constant 0 : i32
    %dma_wait3A_74 = tpu.memref_slice %arg5[%dma_wait3A_72, %dma_wait3A_73] : memref<10112x128xf32, #tpu.memory_space<hbm>> -> memref<128x128xf32, #tpu.memory_space<hbm>>
    %dma_wait3A_75 = arith.constant 0 : i32
    %dma_wait3A_76 = arith.constant 0 : i32
    %dma_wait3A_77 = tpu.memref_slice %arg5[%dma_wait3A_75, %dma_wait3A_76] : memref<10112x128xf32, #tpu.memory_space<hbm>> -> memref<128x128xf32, #tpu.memory_space<hbm>>
    tpu.wait_dma2 semaphore(%arg13 : memref<!tpu.dma_semaphore, #tpu.memory_space<semaphore_mem>>) src(%dma_wait3A_77 : memref<128x128xf32, #tpu.memory_space<hbm>>) dst(%arg11 : memref<128x128xf32, #tpu.memory_space<vmem>>)
    %run_scoped3A_78 = arith.constant 3 : i32
    "tpu.region"() ({
      %run_scoped3A_132 = tpu.sem_alloc : memref<!tpu.dma_semaphore, #tpu.memory_space<semaphore_mem>>
      %dma_start3A_133 = arith.constant 0 : i32
      %dma_start3A_134 = tpu.memref_slice %arg9[%run_scoped3A_78, %dma_start3A_133] : memref<8x128xi32, #tpu.memory_space<vmem>> -> memref<1x128xi32, #tpu.memory_space<vmem>>
      %dma_start3A_135 = tpu.memref_squeeze %dma_start3A_134 : memref<1x128xi32, #tpu.memory_space<vmem>> -> memref<128xi32, #tpu.memory_space<vmem>>
      %dma_start3A_136 = arith.constant 0 : i32
      %dma_start3A_137 = arith.constant 0 : i32
      %dma_start3A_138 = tpu.memref_slice %arg7[%dma_start3A_136, %dma_start3A_137] : memref<10112x128xf32, #tpu.memory_space<vmem_shared>> -> memref<10112x128xf32, #tpu.memory_space<vmem_shared>>
      tpu.enqueue_indirect_dma source(%arg11 : memref<128x128xf32, #tpu.memory_space<vmem>>) target(%dma_start3A_138 : memref<10112x128xf32, #tpu.memory_space<vmem_shared>>) offsets(%dma_start3A_135 : memref<128xi32, #tpu.memory_space<vmem>>) semaphore(%run_scoped3A_132 : memref<!tpu.dma_semaphore, #tpu.memory_space<semaphore_mem>>) {add = true}
      %dma_wait3A_139 = arith.constant 0 : i32
      %dma_wait3A_140 = tpu.memref_slice %arg9[%run_scoped3A_78, %dma_wait3A_139] : memref<8x128xi32, #tpu.memory_space<vmem>> -> memref<1x128xi32, #tpu.memory_space<vmem>>
      %dma_wait3A_141 = tpu.memref_squeeze %dma_wait3A_140 : memref<1x128xi32, #tpu.memory_space<vmem>> -> memref<128xi32, #tpu.memory_space<vmem>>
      %dma_wait3A_142 = arith.constant 0 : i32
      %dma_wait3A_143 = arith.constant 0 : i32
      %dma_wait3A_144 = tpu.memref_slice %arg7[%dma_wait3A_142, %dma_wait3A_143] : memref<10112x128xf32, #tpu.memory_space<vmem_shared>> -> memref<10112x128xf32, #tpu.memory_space<vmem_shared>>
      tpu.wait_indirect_dma semaphore(%run_scoped3A_132 : memref<!tpu.dma_semaphore, #tpu.memory_space<semaphore_mem>>) src(%arg11 : memref<128x128xf32, #tpu.memory_space<vmem>>) dst(%dma_wait3A_144 : memref<10112x128xf32, #tpu.memory_space<vmem_shared>>)
      tpu.yield
    }) : () -> ()
    %dma_start3A_79 = arith.constant 5 : i32
    %dma_start3A_80 = arith.constant 0 : i32
    %dma_start3A_81 = tpu.memref_slice %arg8[%dma_start3A_79, %dma_start3A_80] : memref<8x128xi32, #tpu.memory_space<vmem>> -> memref<1x128xi32, #tpu.memory_space<vmem>>
    %dma_start3A_82 = tpu.memref_squeeze %dma_start3A_81 : memref<1x128xi32, #tpu.memory_space<vmem>> -> memref<128xi32, #tpu.memory_space<vmem>>
    %dma_start3A_83 = arith.constant 0 : i32
    %dma_start3A_84 = arith.constant 0 : i32
    %dma_start3A_85 = tpu.memref_slice %arg2[%dma_start3A_83, %dma_start3A_84] : memref<10000x128xf32, #tpu.memory_space<hbm>> -> memref<10000x128xf32, #tpu.memory_space<hbm>>
    tpu.enqueue_indirect_dma source(%dma_start3A_85 : memref<10000x128xf32, #tpu.memory_space<hbm>>) target(%arg11 : memref<128x128xf32, #tpu.memory_space<vmem>>) offsets(%dma_start3A_82 : memref<128xi32, #tpu.memory_space<vmem>>) semaphore(%arg13 : memref<!tpu.dma_semaphore, #tpu.memory_space<semaphore_mem>>)
    %dma_wait3A_86 = arith.constant 0 : i32
    %dma_wait3A_87 = arith.constant 0 : i32
    %dma_wait3A_88 = tpu.memref_slice %arg5[%dma_wait3A_86, %dma_wait3A_87] : memref<10112x128xf32, #tpu.memory_space<hbm>> -> memref<128x128xf32, #tpu.memory_space<hbm>>
    %dma_wait3A_89 = arith.constant 0 : i32
    %dma_wait3A_90 = arith.constant 0 : i32
    %dma_wait3A_91 = tpu.memref_slice %arg5[%dma_wait3A_89, %dma_wait3A_90] : memref<10112x128xf32, #tpu.memory_space<hbm>> -> memref<128x128xf32, #tpu.memory_space<hbm>>
    tpu.wait_dma2 semaphore(%arg12 : memref<!tpu.dma_semaphore, #tpu.memory_space<semaphore_mem>>) src(%dma_wait3A_91 : memref<128x128xf32, #tpu.memory_space<hbm>>) dst(%arg10 : memref<128x128xf32, #tpu.memory_space<vmem>>)
    %run_scoped3A_92 = arith.constant 4 : i32
    "tpu.region"() ({
      %run_scoped3A_132 = tpu.sem_alloc : memref<!tpu.dma_semaphore, #tpu.memory_space<semaphore_mem>>
      %dma_start3A_133 = arith.constant 0 : i32
      %dma_start3A_134 = tpu.memref_slice %arg9[%run_scoped3A_92, %dma_start3A_133] : memref<8x128xi32, #tpu.memory_space<vmem>> -> memref<1x128xi32, #tpu.memory_space<vmem>>
      %dma_start3A_135 = tpu.memref_squeeze %dma_start3A_134 : memref<1x128xi32, #tpu.memory_space<vmem>> -> memref<128xi32, #tpu.memory_space<vmem>>
      %dma_start3A_136 = arith.constant 0 : i32
      %dma_start3A_137 = arith.constant 0 : i32
      %dma_start3A_138 = tpu.memref_slice %arg7[%dma_start3A_136, %dma_start3A_137] : memref<10112x128xf32, #tpu.memory_space<vmem_shared>> -> memref<10112x128xf32, #tpu.memory_space<vmem_shared>>
      tpu.enqueue_indirect_dma source(%arg10 : memref<128x128xf32, #tpu.memory_space<vmem>>) target(%dma_start3A_138 : memref<10112x128xf32, #tpu.memory_space<vmem_shared>>) offsets(%dma_start3A_135 : memref<128xi32, #tpu.memory_space<vmem>>) semaphore(%run_scoped3A_132 : memref<!tpu.dma_semaphore, #tpu.memory_space<semaphore_mem>>) {add = true}
      %dma_wait3A_139 = arith.constant 0 : i32
      %dma_wait3A_140 = tpu.memref_slice %arg9[%run_scoped3A_92, %dma_wait3A_139] : memref<8x128xi32, #tpu.memory_space<vmem>> -> memref<1x128xi32, #tpu.memory_space<vmem>>
      %dma_wait3A_141 = tpu.memref_squeeze %dma_wait3A_140 : memref<1x128xi32, #tpu.memory_space<vmem>> -> memref<128xi32, #tpu.memory_space<vmem>>
      %dma_wait3A_142 = arith.constant 0 : i32
      %dma_wait3A_143 = arith.constant 0 : i32
      %dma_wait3A_144 = tpu.memref_slice %arg7[%dma_wait3A_142, %dma_wait3A_143] : memref<10112x128xf32, #tpu.memory_space<vmem_shared>> -> memref<10112x128xf32, #tpu.memory_space<vmem_shared>>
      tpu.wait_indirect_dma semaphore(%run_scoped3A_132 : memref<!tpu.dma_semaphore, #tpu.memory_space<semaphore_mem>>) src(%arg10 : memref<128x128xf32, #tpu.memory_space<vmem>>) dst(%dma_wait3A_144 : memref<10112x128xf32, #tpu.memory_space<vmem_shared>>)
      tpu.yield
    }) : () -> ()
    %dma_start3A_93 = arith.constant 6 : i32
    %dma_start3A_94 = arith.constant 0 : i32
    %dma_start3A_95 = tpu.memref_slice %arg8[%dma_start3A_93, %dma_start3A_94] : memref<8x128xi32, #tpu.memory_space<vmem>> -> memref<1x128xi32, #tpu.memory_space<vmem>>
    %dma_start3A_96 = tpu.memref_squeeze %dma_start3A_95 : memref<1x128xi32, #tpu.memory_space<vmem>> -> memref<128xi32, #tpu.memory_space<vmem>>
    %dma_start3A_97 = arith.constant 0 : i32
    %dma_start3A_98 = arith.constant 0 : i32
    %dma_start3A_99 = tpu.memref_slice %arg2[%dma_start3A_97, %dma_start3A_98] : memref<10000x128xf32, #tpu.memory_space<hbm>> -> memref<10000x128xf32, #tpu.memory_space<hbm>>
    tpu.enqueue_indirect_dma source(%dma_start3A_99 : memref<10000x128xf32, #tpu.memory_space<hbm>>) target(%arg10 : memref<128x128xf32, #tpu.memory_space<vmem>>) offsets(%dma_start3A_96 : memref<128xi32, #tpu.memory_space<vmem>>) semaphore(%arg12 : memref<!tpu.dma_semaphore, #tpu.memory_space<semaphore_mem>>)
    %dma_wait3A_100 = arith.constant 0 : i32
    %dma_wait3A_101 = arith.constant 0 : i32
    %dma_wait3A_102 = tpu.memref_slice %arg5[%dma_wait3A_100, %dma_wait3A_101] : memref<10112x128xf32, #tpu.memory_space<hbm>> -> memref<128x128xf32, #tpu.memory_space<hbm>>
    %dma_wait3A_103 = arith.constant 0 : i32
    %dma_wait3A_104 = arith.constant 0 : i32
    %dma_wait3A_105 = tpu.memref_slice %arg5[%dma_wait3A_103, %dma_wait3A_104] : memref<10112x128xf32, #tpu.memory_space<hbm>> -> memref<128x128xf32, #tpu.memory_space<hbm>>
    tpu.wait_dma2 semaphore(%arg13 : memref<!tpu.dma_semaphore, #tpu.memory_space<semaphore_mem>>) src(%dma_wait3A_105 : memref<128x128xf32, #tpu.memory_space<hbm>>) dst(%arg11 : memref<128x128xf32, #tpu.memory_space<vmem>>)
    %run_scoped3A_106 = arith.constant 5 : i32
    "tpu.region"() ({
      %run_scoped3A_132 = tpu.sem_alloc : memref<!tpu.dma_semaphore, #tpu.memory_space<semaphore_mem>>
      %dma_start3A_133 = arith.constant 0 : i32
      %dma_start3A_134 = tpu.memref_slice %arg9[%run_scoped3A_106, %dma_start3A_133] : memref<8x128xi32, #tpu.memory_space<vmem>> -> memref<1x128xi32, #tpu.memory_space<vmem>>
      %dma_start3A_135 = tpu.memref_squeeze %dma_start3A_134 : memref<1x128xi32, #tpu.memory_space<vmem>> -> memref<128xi32, #tpu.memory_space<vmem>>
      %dma_start3A_136 = arith.constant 0 : i32
      %dma_start3A_137 = arith.constant 0 : i32
      %dma_start3A_138 = tpu.memref_slice %arg7[%dma_start3A_136, %dma_start3A_137] : memref<10112x128xf32, #tpu.memory_space<vmem_shared>> -> memref<10112x128xf32, #tpu.memory_space<vmem_shared>>
      tpu.enqueue_indirect_dma source(%arg11 : memref<128x128xf32, #tpu.memory_space<vmem>>) target(%dma_start3A_138 : memref<10112x128xf32, #tpu.memory_space<vmem_shared>>) offsets(%dma_start3A_135 : memref<128xi32, #tpu.memory_space<vmem>>) semaphore(%run_scoped3A_132 : memref<!tpu.dma_semaphore, #tpu.memory_space<semaphore_mem>>) {add = true}
      %dma_wait3A_139 = arith.constant 0 : i32
      %dma_wait3A_140 = tpu.memref_slice %arg9[%run_scoped3A_106, %dma_wait3A_139] : memref<8x128xi32, #tpu.memory_space<vmem>> -> memref<1x128xi32, #tpu.memory_space<vmem>>
      %dma_wait3A_141 = tpu.memref_squeeze %dma_wait3A_140 : memref<1x128xi32, #tpu.memory_space<vmem>> -> memref<128xi32, #tpu.memory_space<vmem>>
      %dma_wait3A_142 = arith.constant 0 : i32
      %dma_wait3A_143 = arith.constant 0 : i32
      %dma_wait3A_144 = tpu.memref_slice %arg7[%dma_wait3A_142, %dma_wait3A_143] : memref<10112x128xf32, #tpu.memory_space<vmem_shared>> -> memref<10112x128xf32, #tpu.memory_space<vmem_shared>>
      tpu.wait_indirect_dma semaphore(%run_scoped3A_132 : memref<!tpu.dma_semaphore, #tpu.memory_space<semaphore_mem>>) src(%arg11 : memref<128x128xf32, #tpu.memory_space<vmem>>) dst(%dma_wait3A_144 : memref<10112x128xf32, #tpu.memory_space<vmem_shared>>)
      tpu.yield
    }) : () -> ()
    %dma_start3A_107 = arith.constant 7 : i32
    %dma_start3A_108 = arith.constant 0 : i32
    %dma_start3A_109 = tpu.memref_slice %arg8[%dma_start3A_107, %dma_start3A_108] : memref<8x128xi32, #tpu.memory_space<vmem>> -> memref<1x128xi32, #tpu.memory_space<vmem>>
    %dma_start3A_110 = tpu.memref_squeeze %dma_start3A_109 : memref<1x128xi32, #tpu.memory_space<vmem>> -> memref<128xi32, #tpu.memory_space<vmem>>
    %dma_start3A_111 = arith.constant 0 : i32
    %dma_start3A_112 = arith.constant 0 : i32
    %dma_start3A_113 = tpu.memref_slice %arg2[%dma_start3A_111, %dma_start3A_112] : memref<10000x128xf32, #tpu.memory_space<hbm>> -> memref<10000x128xf32, #tpu.memory_space<hbm>>
    tpu.enqueue_indirect_dma source(%dma_start3A_113 : memref<10000x128xf32, #tpu.memory_space<hbm>>) target(%arg11 : memref<128x128xf32, #tpu.memory_space<vmem>>) offsets(%dma_start3A_110 : memref<128xi32, #tpu.memory_space<vmem>>) semaphore(%arg13 : memref<!tpu.dma_semaphore, #tpu.memory_space<semaphore_mem>>)
    %dma_wait3A_114 = arith.constant 0 : i32
    %dma_wait3A_115 = arith.constant 0 : i32
    %dma_wait3A_116 = tpu.memref_slice %arg5[%dma_wait3A_114, %dma_wait3A_115] : memref<10112x128xf32, #tpu.memory_space<hbm>> -> memref<128x128xf32, #tpu.memory_space<hbm>>
    %dma_wait3A_117 = arith.constant 0 : i32
    %dma_wait3A_118 = arith.constant 0 : i32
    %dma_wait3A_119 = tpu.memref_slice %arg5[%dma_wait3A_117, %dma_wait3A_118] : memref<10112x128xf32, #tpu.memory_space<hbm>> -> memref<128x128xf32, #tpu.memory_space<hbm>>
    tpu.wait_dma2 semaphore(%arg12 : memref<!tpu.dma_semaphore, #tpu.memory_space<semaphore_mem>>) src(%dma_wait3A_119 : memref<128x128xf32, #tpu.memory_space<hbm>>) dst(%arg10 : memref<128x128xf32, #tpu.memory_space<vmem>>)
    %run_scoped3A_120 = arith.constant 6 : i32
    "tpu.region"() ({
      %run_scoped3A_132 = tpu.sem_alloc : memref<!tpu.dma_semaphore, #tpu.memory_space<semaphore_mem>>
      %dma_start3A_133 = arith.constant 0 : i32
      %dma_start3A_134 = tpu.memref_slice %arg9[%run_scoped3A_120, %dma_start3A_133] : memref<8x128xi32, #tpu.memory_space<vmem>> -> memref<1x128xi32, #tpu.memory_space<vmem>>
      %dma_start3A_135 = tpu.memref_squeeze %dma_start3A_134 : memref<1x128xi32, #tpu.memory_space<vmem>> -> memref<128xi32, #tpu.memory_space<vmem>>
      %dma_start3A_136 = arith.constant 0 : i32
      %dma_start3A_137 = arith.constant 0 : i32
      %dma_start3A_138 = tpu.memref_slice %arg7[%dma_start3A_136, %dma_start3A_137] : memref<10112x128xf32, #tpu.memory_space<vmem_shared>> -> memref<10112x128xf32, #tpu.memory_space<vmem_shared>>
      tpu.enqueue_indirect_dma source(%arg10 : memref<128x128xf32, #tpu.memory_space<vmem>>) target(%dma_start3A_138 : memref<10112x128xf32, #tpu.memory_space<vmem_shared>>) offsets(%dma_start3A_135 : memref<128xi32, #tpu.memory_space<vmem>>) semaphore(%run_scoped3A_132 : memref<!tpu.dma_semaphore, #tpu.memory_space<semaphore_mem>>) {add = true}
      %dma_wait3A_139 = arith.constant 0 : i32
      %dma_wait3A_140 = tpu.memref_slice %arg9[%run_scoped3A_120, %dma_wait3A_139] : memref<8x128xi32, #tpu.memory_space<vmem>> -> memref<1x128xi32, #tpu.memory_space<vmem>>
      %dma_wait3A_141 = tpu.memref_squeeze %dma_wait3A_140 : memref<1x128xi32, #tpu.memory_space<vmem>> -> memref<128xi32, #tpu.memory_space<vmem>>
      %dma_wait3A_142 = arith.constant 0 : i32
      %dma_wait3A_143 = arith.constant 0 : i32
      %dma_wait3A_144 = tpu.memref_slice %arg7[%dma_wait3A_142, %dma_wait3A_143] : memref<10112x128xf32, #tpu.memory_space<vmem_shared>> -> memref<10112x128xf32, #tpu.memory_space<vmem_shared>>
      tpu.wait_indirect_dma semaphore(%run_scoped3A_132 : memref<!tpu.dma_semaphore, #tpu.memory_space<semaphore_mem>>) src(%arg10 : memref<128x128xf32, #tpu.memory_space<vmem>>) dst(%dma_wait3A_144 : memref<10112x128xf32, #tpu.memory_space<vmem_shared>>)
      tpu.yield
    }) : () -> ()
    %dma_wait3A_121 = arith.constant 0 : i32
    %dma_wait3A_122 = arith.constant 0 : i32
    %dma_wait3A_123 = tpu.memref_slice %arg5[%dma_wait3A_121, %dma_wait3A_122] : memref<10112x128xf32, #tpu.memory_space<hbm>> -> memref<128x128xf32, #tpu.memory_space<hbm>>
    %dma_wait3A_124 = arith.constant 0 : i32
    %dma_wait3A_125 = arith.constant 0 : i32
    %dma_wait3A_126 = tpu.memref_slice %arg5[%dma_wait3A_124, %dma_wait3A_125] : memref<10112x128xf32, #tpu.memory_space<hbm>> -> memref<128x128xf32, #tpu.memory_space<hbm>>
    tpu.wait_dma2 semaphore(%arg13 : memref<!tpu.dma_semaphore, #tpu.memory_space<semaphore_mem>>) src(%dma_wait3A_126 : memref<128x128xf32, #tpu.memory_space<hbm>>) dst(%arg11 : memref<128x128xf32, #tpu.memory_space<vmem>>)
    %run_scoped3A_127 = arith.constant 7 : i32
    "tpu.region"() ({
      %run_scoped3A_132 = tpu.sem_alloc : memref<!tpu.dma_semaphore, #tpu.memory_space<semaphore_mem>>
      %dma_start3A_133 = arith.constant 0 : i32
      %dma_start3A_134 = tpu.memref_slice %arg9[%run_scoped3A_127, %dma_start3A_133] : memref<8x128xi32, #tpu.memory_space<vmem>> -> memref<1x128xi32, #tpu.memory_space<vmem>>
      %dma_start3A_135 = tpu.memref_squeeze %dma_start3A_134 : memref<1x128xi32, #tpu.memory_space<vmem>> -> memref<128xi32, #tpu.memory_space<vmem>>
      %dma_start3A_136 = arith.constant 0 : i32
      %dma_start3A_137 = arith.constant 0 : i32
      %dma_start3A_138 = tpu.memref_slice %arg7[%dma_start3A_136, %dma_start3A_137] : memref<10112x128xf32, #tpu.memory_space<vmem_shared>> -> memref<10112x128xf32, #tpu.memory_space<vmem_shared>>
      tpu.enqueue_indirect_dma source(%arg11 : memref<128x128xf32, #tpu.memory_space<vmem>>) target(%dma_start3A_138 : memref<10112x128xf32, #tpu.memory_space<vmem_shared>>) offsets(%dma_start3A_135 : memref<128xi32, #tpu.memory_space<vmem>>) semaphore(%run_scoped3A_132 : memref<!tpu.dma_semaphore, #tpu.memory_space<semaphore_mem>>) {add = true}
      %dma_wait3A_139 = arith.constant 0 : i32
      %dma_wait3A_140 = tpu.memref_slice %arg9[%run_scoped3A_127, %dma_wait3A_139] : memref<8x128xi32, #tpu.memory_space<vmem>> -> memref<1x128xi32, #tpu.memory_space<vmem>>
      %dma_wait3A_141 = tpu.memref_squeeze %dma_wait3A_140 : memref<1x128xi32, #tpu.memory_space<vmem>> -> memref<128xi32, #tpu.memory_space<vmem>>
      %dma_wait3A_142 = arith.constant 0 : i32
      %dma_wait3A_143 = arith.constant 0 : i32
      %dma_wait3A_144 = tpu.memref_slice %arg7[%dma_wait3A_142, %dma_wait3A_143] : memref<10112x128xf32, #tpu.memory_space<vmem_shared>> -> memref<10112x128xf32, #tpu.memory_space<vmem_shared>>
      tpu.wait_indirect_dma semaphore(%run_scoped3A_132 : memref<!tpu.dma_semaphore, #tpu.memory_space<semaphore_mem>>) src(%arg11 : memref<128x128xf32, #tpu.memory_space<vmem>>) dst(%dma_wait3A_144 : memref<10112x128xf32, #tpu.memory_space<vmem_shared>>)
      tpu.yield
    }) : () -> ()
    %barrier3A_128 = arith.constant 0 : index
    tpu.barrier barrier_id(%barrier3A_128)
    %mul3A_129 = arith.constant 10112 : i32
    %mul3A_130 = arith.muli %arg0, %mul3A_129 : i32
    %add3A_131 = arith.addi %mul3A_130, %mul3A_2 : i32
    "tpu.region"() ({
      %run_scoped3A_132 = tpu.sem_alloc : memref<!tpu.dma_semaphore, #tpu.memory_space<semaphore_mem>>
      %dma_start3A_133 = arith.constant 0 : i32
      %dma_start3A_134 = tpu.memref_slice %arg6[%add3A_131, %dma_start3A_133] : memref<20224x128xf32, #tpu.memory_space<hbm>> -> memref<632x128xf32, #tpu.memory_space<hbm>>
      %dma_start3A_135 = arith.constant 0 : i32
      %dma_start3A_136 = tpu.memref_slice %arg7[%mul3A_2, %dma_start3A_135] : memref<10112x128xf32, #tpu.memory_space<vmem_shared>> -> memref<632x128xf32, #tpu.memory_space<vmem_shared>>
      tpu.enqueue_dma source(%dma_start3A_136 : memref<632x128xf32, #tpu.memory_space<vmem_shared>>) target(%dma_start3A_134 : memref<632x128xf32, #tpu.memory_space<hbm>>) target_semaphore(%run_scoped3A_132 : memref<!tpu.dma_semaphore, #tpu.memory_space<semaphore_mem>>)
      %dma_wait3A_137 = arith.constant 0 : i32
      %dma_wait3A_138 = tpu.memref_slice %arg6[%add3A_131, %dma_wait3A_137] : memref<20224x128xf32, #tpu.memory_space<hbm>> -> memref<632x128xf32, #tpu.memory_space<hbm>>
      %dma_wait3A_139 = arith.constant 0 : i32
      %dma_wait3A_140 = tpu.memref_slice %arg7[%mul3A_2, %dma_wait3A_139] : memref<10112x128xf32, #tpu.memory_space<vmem_shared>> -> memref<632x128xf32, #tpu.memory_space<vmem_shared>>
      tpu.wait_dma2 semaphore(%run_scoped3A_132 : memref<!tpu.dma_semaphore, #tpu.memory_space<semaphore_mem>>) src(%dma_wait3A_140 : memref<632x128xf32, #tpu.memory_space<vmem_shared>>) dst(%dma_wait3A_138 : memref<632x128xf32, #tpu.memory_space<hbm>>)
      tpu.yield
    }) : () -> ()
    return
  }
}

#map = affine_map<(d0, d1) -> (0, 0)>
#map1 = affine_map<(d0, d1) -> (0, 0, 0, 0)>
module attributes {stable_mosaic.version = 14 : i64} {
  func.func @_agg_body(%arg0: i32, %arg1: i32, %arg2: memref<10000x128xf32, #tpu.memory_space<hbm>>, %arg3: memref<32x19x8x128xi32, #tpu.memory_space<hbm>>, %arg4: memref<32x19x8x128xi32, #tpu.memory_space<hbm>>, %arg5: memref<10112x128xf32, #tpu.memory_space<hbm>>, %arg6: memref<20224x128xf32, #tpu.memory_space<hbm>>, %arg7: memref<10112x128xf32, #tpu.memory_space<vmem_shared>>, %arg8: memref<8x128xi32, #tpu.memory_space<vmem>>, %arg9: memref<8x128xi32, #tpu.memory_space<vmem>>, %arg10: memref<128x128xf32, #tpu.memory_space<vmem>>, %arg11: memref<128x128xf32, #tpu.memory_space<vmem>>, %arg12: memref<!tpu.dma_semaphore, #tpu.memory_space<semaphore_mem>>, %arg13: memref<!tpu.dma_semaphore, #tpu.memory_space<semaphore_mem>>) attributes {dimension_semantics = [#tpu.dimension_semantics<core_parallel>, #tpu.dimension_semantics<subcore_parallel>], iteration_bounds = array<i64: 2, 16>, scalar_prefetch = 0 : i64, scratch_operands = 7 : i64, tpu.core_type = #tpu.core_type<sc_vector_subcore>, window_params = [{transform_indices = #map}, {transform_indices = #map1}, {transform_indices = #map1}, {transform_indices = #map}, {transform_indices = #map}]} {
    %mul3A = arith.constant 16 : i32
    %mul3A_0 = arith.muli %arg0, %mul3A : i32
    %add3A = arith.addi %mul3A_0, %arg1 : i32
    %mul3A_1 = arith.constant 632 : i32
    %mul3A_2 = arith.muli %arg1, %mul3A_1 : i32
    %eq3A = arith.constant 0 : i32
    %eq3A_3 = arith.cmpi eq, %arg0, %eq3A : i32
    %jit3A = arith.constant 19 : i32
    %jit3A_4 = arith.constant 1 : i32
    %select_n3A = arith.select %eq3A_3, %jit3A, %jit3A_4 : i32
    "tpu.region"() ({
      %run_scoped3A_132 = tpu.sem_alloc : memref<!tpu.dma_semaphore, #tpu.memory_space<semaphore_mem>>
      %dma_start3A_133 = arith.constant 0 : i32
      %dma_start3A_134 = tpu.memref_slice %arg7[%mul3A_2, %dma_start3A_133] : memref<10112x128xf32, #tpu.memory_space<vmem_shared>> -> memref<632x128xf32, #tpu.memory_space<vmem_shared>>
      %dma_start3A_135 = arith.constant 0 : i32
      %dma_start3A_136 = arith.constant 0 : i32
      %dma_start3A_137 = tpu.memref_slice %arg5[%dma_start3A_135, %dma_start3A_136] : memref<10112x128xf32, #tpu.memory_space<hbm>> -> memref<632x128xf32, #tpu.memory_space<hbm>>
      tpu.enqueue_dma source(%dma_start3A_137 : memref<632x128xf32, #tpu.memory_space<hbm>>) target(%dma_start3A_134 : memref<632x128xf32, #tpu.memory_space<vmem_shared>>) target_semaphore(%run_scoped3A_132 : memref<!tpu.dma_semaphore, #tpu.memory_space<semaphore_mem>>)
      %dma_wait3A_138 = arith.constant 0 : i32
      %dma_wait3A_139 = tpu.memref_slice %arg7[%mul3A_2, %dma_wait3A_138] : memref<10112x128xf32, #tpu.memory_space<vmem_shared>> -> memref<632x128xf32, #tpu.memory_space<vmem_shared>>
      %dma_wait3A_140 = arith.constant 0 : i32
      %dma_wait3A_141 = arith.constant 0 : i32
      %dma_wait3A_142 = tpu.memref_slice %arg5[%dma_wait3A_140, %dma_wait3A_141] : memref<10112x128xf32, #tpu.memory_space<hbm>> -> memref<632x128xf32, #tpu.memory_space<hbm>>
      tpu.wait_dma2 semaphore(%run_scoped3A_132 : memref<!tpu.dma_semaphore, #tpu.memory_space<semaphore_mem>>) src(%dma_wait3A_142 : memref<632x128xf32, #tpu.memory_space<hbm>>) dst(%dma_wait3A_139 : memref<632x128xf32, #tpu.memory_space<vmem_shared>>)
      tpu.yield
    }) : () -> ()
    %run_scoped3A = arith.constant 0 : i32
    "tpu.region"() ({
      %run_scoped3A_132 = tpu.sem_alloc : memref<!tpu.dma_semaphore, #tpu.memory_space<semaphore_mem>>
      %dma_start3A_133 = arith.constant 0 : i32
      %dma_start3A_134 = arith.constant 0 : i32
      %dma_start3A_135 = tpu.memref_slice %arg3[%add3A, %run_scoped3A, %dma_start3A_133, %dma_start3A_134] : memref<32x19x8x128xi32, #tpu.memory_space<hbm>> -> memref<1x1x8x128xi32, #tpu.memory_space<hbm>>
      %dma_start3A_136 = tpu.memref_squeeze %dma_start3A_135 : memref<1x1x8x128xi32, #tpu.memory_space<hbm>> -> memref<8x128xi32, #tpu.memory_space<hbm>>
      %dma_start3A_137 = arith.constant 0 : i32
      %dma_start3A_138 = arith.constant 0 : i32
      %dma_start3A_139 = tpu.memref_slice %arg3[%add3A, %run_scoped3A, %dma_start3A_137, %dma_start3A_138] : memref<32x19x8x128xi32, #tpu.memory_space<hbm>> -> memref<1x1x8x128xi32, #tpu.memory_space<hbm>>
      %dma_start3A_140 = tpu.memref_squeeze %dma_start3A_139 : memref<1x1x8x128xi32, #tpu.memory_space<hbm>> -> memref<8x128xi32, #tpu.memory_space<hbm>>
      tpu.enqueue_dma source(%dma_start3A_140 : memref<8x128xi32, #tpu.memory_space<hbm>>) target(%arg8 : memref<8x128xi32, #tpu.memory_space<vmem>>) target_semaphore(%run_scoped3A_132 : memref<!tpu.dma_semaphore, #tpu.memory_space<semaphore_mem>>)
      %dma_wait3A_141 = arith.constant 0 : i32
      %dma_wait3A_142 = arith.constant 0 : i32
      %dma_wait3A_143 = tpu.memref_slice %arg3[%add3A, %run_scoped3A, %dma_wait3A_141, %dma_wait3A_142] : memref<32x19x8x128xi32, #tpu.memory_space<hbm>> -> memref<1x1x8x128xi32, #tpu.memory_space<hbm>>
      %dma_wait3A_144 = tpu.memref_squeeze %dma_wait3A_143 : memref<1x1x8x128xi32, #tpu.memory_space<hbm>> -> memref<8x128xi32, #tpu.memory_space<hbm>>
      %dma_wait3A_145 = arith.constant 0 : i32
      %dma_wait3A_146 = arith.constant 0 : i32
      %dma_wait3A_147 = tpu.memref_slice %arg3[%add3A, %run_scoped3A, %dma_wait3A_145, %dma_wait3A_146] : memref<32x19x8x128xi32, #tpu.memory_space<hbm>> -> memref<1x1x8x128xi32, #tpu.memory_space<hbm>>
      %dma_wait3A_148 = tpu.memref_squeeze %dma_wait3A_147 : memref<1x1x8x128xi32, #tpu.memory_space<hbm>> -> memref<8x128xi32, #tpu.memory_space<hbm>>
      tpu.wait_dma2 semaphore(%run_scoped3A_132 : memref<!tpu.dma_semaphore, #tpu.memory_space<semaphore_mem>>) src(%dma_wait3A_148 : memref<8x128xi32, #tpu.memory_space<hbm>>) dst(%arg8 : memref<8x128xi32, #tpu.memory_space<vmem>>)
      tpu.yield
    }) : () -> ()
    %run_scoped3A_5 = arith.constant 0 : i32
    "tpu.region"() ({
      %run_scoped3A_132 = tpu.sem_alloc : memref<!tpu.dma_semaphore, #tpu.memory_space<semaphore_mem>>
      %dma_start3A_133 = arith.constant 0 : i32
      %dma_start3A_134 = arith.constant 0 : i32
      %dma_start3A_135 = tpu.memref_slice %arg4[%add3A, %run_scoped3A_5, %dma_start3A_133, %dma_start3A_134] : memref<32x19x8x128xi32, #tpu.memory_space<hbm>> -> memref<1x1x8x128xi32, #tpu.memory_space<hbm>>
      %dma_start3A_136 = tpu.memref_squeeze %dma_start3A_135 : memref<1x1x8x128xi32, #tpu.memory_space<hbm>> -> memref<8x128xi32, #tpu.memory_space<hbm>>
      %dma_start3A_137 = arith.constant 0 : i32
      %dma_start3A_138 = arith.constant 0 : i32
      %dma_start3A_139 = tpu.memref_slice %arg4[%add3A, %run_scoped3A_5, %dma_start3A_137, %dma_start3A_138] : memref<32x19x8x128xi32, #tpu.memory_space<hbm>> -> memref<1x1x8x128xi32, #tpu.memory_space<hbm>>
      %dma_start3A_140 = tpu.memref_squeeze %dma_start3A_139 : memref<1x1x8x128xi32, #tpu.memory_space<hbm>> -> memref<8x128xi32, #tpu.memory_space<hbm>>
      tpu.enqueue_dma source(%dma_start3A_140 : memref<8x128xi32, #tpu.memory_space<hbm>>) target(%arg9 : memref<8x128xi32, #tpu.memory_space<vmem>>) target_semaphore(%run_scoped3A_132 : memref<!tpu.dma_semaphore, #tpu.memory_space<semaphore_mem>>)
      %dma_wait3A_141 = arith.constant 0 : i32
      %dma_wait3A_142 = arith.constant 0 : i32
      %dma_wait3A_143 = tpu.memref_slice %arg4[%add3A, %run_scoped3A_5, %dma_wait3A_141, %dma_wait3A_142] : memref<32x19x8x128xi32, #tpu.memory_space<hbm>> -> memref<1x1x8x128xi32, #tpu.memory_space<hbm>>
      %dma_wait3A_144 = tpu.memref_squeeze %dma_wait3A_143 : memref<1x1x8x128xi32, #tpu.memory_space<hbm>> -> memref<8x128xi32, #tpu.memory_space<hbm>>
      %dma_wait3A_145 = arith.constant 0 : i32
      %dma_wait3A_146 = arith.constant 0 : i32
      %dma_wait3A_147 = tpu.memref_slice %arg4[%add3A, %run_scoped3A_5, %dma_wait3A_145, %dma_wait3A_146] : memref<32x19x8x128xi32, #tpu.memory_space<hbm>> -> memref<1x1x8x128xi32, #tpu.memory_space<hbm>>
      %dma_wait3A_148 = tpu.memref_squeeze %dma_wait3A_147 : memref<1x1x8x128xi32, #tpu.memory_space<hbm>> -> memref<8x128xi32, #tpu.memory_space<hbm>>
      tpu.wait_dma2 semaphore(%run_scoped3A_132 : memref<!tpu.dma_semaphore, #tpu.memory_space<semaphore_mem>>) src(%dma_wait3A_148 : memref<8x128xi32, #tpu.memory_space<hbm>>) dst(%arg9 : memref<8x128xi32, #tpu.memory_space<vmem>>)
      tpu.yield
    }) : () -> ()
    %barrier3A = arith.constant 0 : index
    tpu.barrier barrier_id(%barrier3A)
    %dma_start3A = arith.constant 0 : i32
    %dma_start3A_6 = arith.constant 0 : i32
    %dma_start3A_7 = tpu.memref_slice %arg8[%dma_start3A, %dma_start3A_6] : memref<8x128xi32, #tpu.memory_space<vmem>> -> memref<1x128xi32, #tpu.memory_space<vmem>>
    %dma_start3A_8 = tpu.memref_squeeze %dma_start3A_7 : memref<1x128xi32, #tpu.memory_space<vmem>> -> memref<128xi32, #tpu.memory_space<vmem>>
    %dma_start3A_9 = arith.constant 0 : i32
    %dma_start3A_10 = arith.constant 0 : i32
    %dma_start3A_11 = tpu.memref_slice %arg2[%dma_start3A_9, %dma_start3A_10] : memref<10000x128xf32, #tpu.memory_space<hbm>> -> memref<10000x128xf32, #tpu.memory_space<hbm>>
    tpu.enqueue_indirect_dma source(%dma_start3A_11 : memref<10000x128xf32, #tpu.memory_space<hbm>>) target(%arg10 : memref<128x128xf32, #tpu.memory_space<vmem>>) offsets(%dma_start3A_8 : memref<128xi32, #tpu.memory_space<vmem>>) semaphore(%arg12 : memref<!tpu.dma_semaphore, #tpu.memory_space<semaphore_mem>>)
    %dma_start3A_12 = arith.constant 1 : i32
    %dma_start3A_13 = arith.constant 0 : i32
    %dma_start3A_14 = tpu.memref_slice %arg8[%dma_start3A_12, %dma_start3A_13] : memref<8x128xi32, #tpu.memory_space<vmem>> -> memref<1x128xi32, #tpu.memory_space<vmem>>
    %dma_start3A_15 = tpu.memref_squeeze %dma_start3A_14 : memref<1x128xi32, #tpu.memory_space<vmem>> -> memref<128xi32, #tpu.memory_space<vmem>>
    %dma_start3A_16 = arith.constant 0 : i32
    %dma_start3A_17 = arith.constant 0 : i32
    %dma_start3A_18 = tpu.memref_slice %arg2[%dma_start3A_16, %dma_start3A_17] : memref<10000x128xf32, #tpu.memory_space<hbm>> -> memref<10000x128xf32, #tpu.memory_space<hbm>>
    tpu.enqueue_indirect_dma source(%dma_start3A_18 : memref<10000x128xf32, #tpu.memory_space<hbm>>) target(%arg11 : memref<128x128xf32, #tpu.memory_space<vmem>>) offsets(%dma_start3A_15 : memref<128xi32, #tpu.memory_space<vmem>>) semaphore(%arg13 : memref<!tpu.dma_semaphore, #tpu.memory_space<semaphore_mem>>)
    %sub3A = arith.constant 1 : i32
    %sub3A_19 = arith.subi %select_n3A, %sub3A : i32
    %while3A = arith.constant 0 : i32
    %while3A_20 = arith.constant 0 : i32
    %while3A_21 = arith.subi %sub3A_19, %while3A_20 : i32
    %while3A_22 = arith.addi %while3A_20, %while3A_21 : i32
    %while3A_23 = arith.constant 1 : i32
    %while3A_24 = arith.divsi %while3A_21, %while3A_23 : i32
    %while3A_25 = arith.muli %while3A_24, %while3A_23 : i32
    %while3A_26 = arith.addi %while3A_20, %while3A_25 : i32
    %while3A_27 = arith.constant 1 : i32
    scf.for %while3A_132 = %while3A_20 to %while3A_26 step %while3A_27  : i32 {
      %dma_wait3A_133 = arith.constant 0 : i32
      %dma_wait3A_134 = arith.constant 0 : i32
      %dma_wait3A_135 = tpu.memref_slice %arg5[%dma_wait3A_133, %dma_wait3A_134] : memref<10112x128xf32, #tpu.memory_space<hbm>> -> memref<128x128xf32, #tpu.memory_space<hbm>>
      %dma_wait3A_136 = arith.constant 0 : i32
      %dma_wait3A_137 = arith.constant 0 : i32
      %dma_wait3A_138 = tpu.memref_slice %arg5[%dma_wait3A_136, %dma_wait3A_137] : memref<10112x128xf32, #tpu.memory_space<hbm>> -> memref<128x128xf32, #tpu.memory_space<hbm>>
      tpu.wait_dma2 semaphore(%arg12 : memref<!tpu.dma_semaphore, #tpu.memory_space<semaphore_mem>>) src(%dma_wait3A_138 : memref<128x128xf32, #tpu.memory_space<hbm>>) dst(%arg10 : memref<128x128xf32, #tpu.memory_space<vmem>>)
      %run_scoped3A_139 = arith.constant 0 : i32
      "tpu.region"() ({
        %run_scoped3A_249 = tpu.sem_alloc : memref<!tpu.dma_semaphore, #tpu.memory_space<semaphore_mem>>
        %dma_start3A_250 = arith.constant 0 : i32
        %dma_start3A_251 = tpu.memref_slice %arg9[%run_scoped3A_139, %dma_start3A_250] : memref<8x128xi32, #tpu.memory_space<vmem>> -> memref<1x128xi32, #tpu.memory_space<vmem>>
        %dma_start3A_252 = tpu.memref_squeeze %dma_start3A_251 : memref<1x128xi32, #tpu.memory_space<vmem>> -> memref<128xi32, #tpu.memory_space<vmem>>
        %dma_start3A_253 = arith.constant 0 : i32
        %dma_start3A_254 = arith.constant 0 : i32
        %dma_start3A_255 = tpu.memref_slice %arg7[%dma_start3A_253, %dma_start3A_254] : memref<10112x128xf32, #tpu.memory_space<vmem_shared>> -> memref<10112x128xf32, #tpu.memory_space<vmem_shared>>
        tpu.enqueue_indirect_dma source(%arg10 : memref<128x128xf32, #tpu.memory_space<vmem>>) target(%dma_start3A_255 : memref<10112x128xf32, #tpu.memory_space<vmem_shared>>) offsets(%dma_start3A_252 : memref<128xi32, #tpu.memory_space<vmem>>) semaphore(%run_scoped3A_249 : memref<!tpu.dma_semaphore, #tpu.memory_space<semaphore_mem>>) {add = true}
        %dma_wait3A_256 = arith.constant 0 : i32
        %dma_wait3A_257 = tpu.memref_slice %arg9[%run_scoped3A_139, %dma_wait3A_256] : memref<8x128xi32, #tpu.memory_space<vmem>> -> memref<1x128xi32, #tpu.memory_space<vmem>>
        %dma_wait3A_258 = tpu.memref_squeeze %dma_wait3A_257 : memref<1x128xi32, #tpu.memory_space<vmem>> -> memref<128xi32, #tpu.memory_space<vmem>>
        %dma_wait3A_259 = arith.constant 0 : i32
        %dma_wait3A_260 = arith.constant 0 : i32
        %dma_wait3A_261 = tpu.memref_slice %arg7[%dma_wait3A_259, %dma_wait3A_260] : memref<10112x128xf32, #tpu.memory_space<vmem_shared>> -> memref<10112x128xf32, #tpu.memory_space<vmem_shared>>
        tpu.wait_indirect_dma semaphore(%run_scoped3A_249 : memref<!tpu.dma_semaphore, #tpu.memory_space<semaphore_mem>>) src(%arg10 : memref<128x128xf32, #tpu.memory_space<vmem>>) dst(%dma_wait3A_261 : memref<10112x128xf32, #tpu.memory_space<vmem_shared>>)
        tpu.yield
      }) : () -> ()
      %dma_start3A_140 = arith.constant 2 : i32
      %dma_start3A_141 = arith.constant 0 : i32
      %dma_start3A_142 = tpu.memref_slice %arg8[%dma_start3A_140, %dma_start3A_141] : memref<8x128xi32, #tpu.memory_space<vmem>> -> memref<1x128xi32, #tpu.memory_space<vmem>>
      %dma_start3A_143 = tpu.memref_squeeze %dma_start3A_142 : memref<1x128xi32, #tpu.memory_space<vmem>> -> memref<128xi32, #tpu.memory_space<vmem>>
      %dma_start3A_144 = arith.constant 0 : i32
      %dma_start3A_145 = arith.constant 0 : i32
      %dma_start3A_146 = tpu.memref_slice %arg2[%dma_start3A_144, %dma_start3A_145] : memref<10000x128xf32, #tpu.memory_space<hbm>> -> memref<10000x128xf32, #tpu.memory_space<hbm>>
      tpu.enqueue_indirect_dma source(%dma_start3A_146 : memref<10000x128xf32, #tpu.memory_space<hbm>>) target(%arg10 : memref<128x128xf32, #tpu.memory_space<vmem>>) offsets(%dma_start3A_143 : memref<128xi32, #tpu.memory_space<vmem>>) semaphore(%arg12 : memref<!tpu.dma_semaphore, #tpu.memory_space<semaphore_mem>>)
      %dma_wait3A_147 = arith.constant 0 : i32
      %dma_wait3A_148 = arith.constant 0 : i32
      %dma_wait3A_149 = tpu.memref_slice %arg5[%dma_wait3A_147, %dma_wait3A_148] : memref<10112x128xf32, #tpu.memory_space<hbm>> -> memref<128x128xf32, #tpu.memory_space<hbm>>
      %dma_wait3A_150 = arith.constant 0 : i32
      %dma_wait3A_151 = arith.constant 0 : i32
      %dma_wait3A_152 = tpu.memref_slice %arg5[%dma_wait3A_150, %dma_wait3A_151] : memref<10112x128xf32, #tpu.memory_space<hbm>> -> memref<128x128xf32, #tpu.memory_space<hbm>>
      tpu.wait_dma2 semaphore(%arg13 : memref<!tpu.dma_semaphore, #tpu.memory_space<semaphore_mem>>) src(%dma_wait3A_152 : memref<128x128xf32, #tpu.memory_space<hbm>>) dst(%arg11 : memref<128x128xf32, #tpu.memory_space<vmem>>)
      %run_scoped3A_153 = arith.constant 1 : i32
      "tpu.region"() ({
        %run_scoped3A_249 = tpu.sem_alloc : memref<!tpu.dma_semaphore, #tpu.memory_space<semaphore_mem>>
        %dma_start3A_250 = arith.constant 0 : i32
        %dma_start3A_251 = tpu.memref_slice %arg9[%run_scoped3A_153, %dma_start3A_250] : memref<8x128xi32, #tpu.memory_space<vmem>> -> memref<1x128xi32, #tpu.memory_space<vmem>>
        %dma_start3A_252 = tpu.memref_squeeze %dma_start3A_251 : memref<1x128xi32, #tpu.memory_space<vmem>> -> memref<128xi32, #tpu.memory_space<vmem>>
        %dma_start3A_253 = arith.constant 0 : i32
        %dma_start3A_254 = arith.constant 0 : i32
        %dma_start3A_255 = tpu.memref_slice %arg7[%dma_start3A_253, %dma_start3A_254] : memref<10112x128xf32, #tpu.memory_space<vmem_shared>> -> memref<10112x128xf32, #tpu.memory_space<vmem_shared>>
        tpu.enqueue_indirect_dma source(%arg11 : memref<128x128xf32, #tpu.memory_space<vmem>>) target(%dma_start3A_255 : memref<10112x128xf32, #tpu.memory_space<vmem_shared>>) offsets(%dma_start3A_252 : memref<128xi32, #tpu.memory_space<vmem>>) semaphore(%run_scoped3A_249 : memref<!tpu.dma_semaphore, #tpu.memory_space<semaphore_mem>>) {add = true}
        %dma_wait3A_256 = arith.constant 0 : i32
        %dma_wait3A_257 = tpu.memref_slice %arg9[%run_scoped3A_153, %dma_wait3A_256] : memref<8x128xi32, #tpu.memory_space<vmem>> -> memref<1x128xi32, #tpu.memory_space<vmem>>
        %dma_wait3A_258 = tpu.memref_squeeze %dma_wait3A_257 : memref<1x128xi32, #tpu.memory_space<vmem>> -> memref<128xi32, #tpu.memory_space<vmem>>
        %dma_wait3A_259 = arith.constant 0 : i32
        %dma_wait3A_260 = arith.constant 0 : i32
        %dma_wait3A_261 = tpu.memref_slice %arg7[%dma_wait3A_259, %dma_wait3A_260] : memref<10112x128xf32, #tpu.memory_space<vmem_shared>> -> memref<10112x128xf32, #tpu.memory_space<vmem_shared>>
        tpu.wait_indirect_dma semaphore(%run_scoped3A_249 : memref<!tpu.dma_semaphore, #tpu.memory_space<semaphore_mem>>) src(%arg11 : memref<128x128xf32, #tpu.memory_space<vmem>>) dst(%dma_wait3A_261 : memref<10112x128xf32, #tpu.memory_space<vmem_shared>>)
        tpu.yield
      }) : () -> ()
      %dma_start3A_154 = arith.constant 3 : i32
      %dma_start3A_155 = arith.constant 0 : i32
      %dma_start3A_156 = tpu.memref_slice %arg8[%dma_start3A_154, %dma_start3A_155] : memref<8x128xi32, #tpu.memory_space<vmem>> -> memref<1x128xi32, #tpu.memory_space<vmem>>
      %dma_start3A_157 = tpu.memref_squeeze %dma_start3A_156 : memref<1x128xi32, #tpu.memory_space<vmem>> -> memref<128xi32, #tpu.memory_space<vmem>>
      %dma_start3A_158 = arith.constant 0 : i32
      %dma_start3A_159 = arith.constant 0 : i32
      %dma_start3A_160 = tpu.memref_slice %arg2[%dma_start3A_158, %dma_start3A_159] : memref<10000x128xf32, #tpu.memory_space<hbm>> -> memref<10000x128xf32, #tpu.memory_space<hbm>>
      tpu.enqueue_indirect_dma source(%dma_start3A_160 : memref<10000x128xf32, #tpu.memory_space<hbm>>) target(%arg11 : memref<128x128xf32, #tpu.memory_space<vmem>>) offsets(%dma_start3A_157 : memref<128xi32, #tpu.memory_space<vmem>>) semaphore(%arg13 : memref<!tpu.dma_semaphore, #tpu.memory_space<semaphore_mem>>)
      %dma_wait3A_161 = arith.constant 0 : i32
      %dma_wait3A_162 = arith.constant 0 : i32
      %dma_wait3A_163 = tpu.memref_slice %arg5[%dma_wait3A_161, %dma_wait3A_162] : memref<10112x128xf32, #tpu.memory_space<hbm>> -> memref<128x128xf32, #tpu.memory_space<hbm>>
      %dma_wait3A_164 = arith.constant 0 : i32
      %dma_wait3A_165 = arith.constant 0 : i32
      %dma_wait3A_166 = tpu.memref_slice %arg5[%dma_wait3A_164, %dma_wait3A_165] : memref<10112x128xf32, #tpu.memory_space<hbm>> -> memref<128x128xf32, #tpu.memory_space<hbm>>
      tpu.wait_dma2 semaphore(%arg12 : memref<!tpu.dma_semaphore, #tpu.memory_space<semaphore_mem>>) src(%dma_wait3A_166 : memref<128x128xf32, #tpu.memory_space<hbm>>) dst(%arg10 : memref<128x128xf32, #tpu.memory_space<vmem>>)
      %run_scoped3A_167 = arith.constant 2 : i32
      "tpu.region"() ({
        %run_scoped3A_249 = tpu.sem_alloc : memref<!tpu.dma_semaphore, #tpu.memory_space<semaphore_mem>>
        %dma_start3A_250 = arith.constant 0 : i32
        %dma_start3A_251 = tpu.memref_slice %arg9[%run_scoped3A_167, %dma_start3A_250] : memref<8x128xi32, #tpu.memory_space<vmem>> -> memref<1x128xi32, #tpu.memory_space<vmem>>
        %dma_start3A_252 = tpu.memref_squeeze %dma_start3A_251 : memref<1x128xi32, #tpu.memory_space<vmem>> -> memref<128xi32, #tpu.memory_space<vmem>>
        %dma_start3A_253 = arith.constant 0 : i32
        %dma_start3A_254 = arith.constant 0 : i32
        %dma_start3A_255 = tpu.memref_slice %arg7[%dma_start3A_253, %dma_start3A_254] : memref<10112x128xf32, #tpu.memory_space<vmem_shared>> -> memref<10112x128xf32, #tpu.memory_space<vmem_shared>>
        tpu.enqueue_indirect_dma source(%arg10 : memref<128x128xf32, #tpu.memory_space<vmem>>) target(%dma_start3A_255 : memref<10112x128xf32, #tpu.memory_space<vmem_shared>>) offsets(%dma_start3A_252 : memref<128xi32, #tpu.memory_space<vmem>>) semaphore(%run_scoped3A_249 : memref<!tpu.dma_semaphore, #tpu.memory_space<semaphore_mem>>) {add = true}
        %dma_wait3A_256 = arith.constant 0 : i32
        %dma_wait3A_257 = tpu.memref_slice %arg9[%run_scoped3A_167, %dma_wait3A_256] : memref<8x128xi32, #tpu.memory_space<vmem>> -> memref<1x128xi32, #tpu.memory_space<vmem>>
        %dma_wait3A_258 = tpu.memref_squeeze %dma_wait3A_257 : memref<1x128xi32, #tpu.memory_space<vmem>> -> memref<128xi32, #tpu.memory_space<vmem>>
        %dma_wait3A_259 = arith.constant 0 : i32
        %dma_wait3A_260 = arith.constant 0 : i32
        %dma_wait3A_261 = tpu.memref_slice %arg7[%dma_wait3A_259, %dma_wait3A_260] : memref<10112x128xf32, #tpu.memory_space<vmem_shared>> -> memref<10112x128xf32, #tpu.memory_space<vmem_shared>>
        tpu.wait_indirect_dma semaphore(%run_scoped3A_249 : memref<!tpu.dma_semaphore, #tpu.memory_space<semaphore_mem>>) src(%arg10 : memref<128x128xf32, #tpu.memory_space<vmem>>) dst(%dma_wait3A_261 : memref<10112x128xf32, #tpu.memory_space<vmem_shared>>)
        tpu.yield
      }) : () -> ()
      %dma_start3A_168 = arith.constant 4 : i32
      %dma_start3A_169 = arith.constant 0 : i32
      %dma_start3A_170 = tpu.memref_slice %arg8[%dma_start3A_168, %dma_start3A_169] : memref<8x128xi32, #tpu.memory_space<vmem>> -> memref<1x128xi32, #tpu.memory_space<vmem>>
      %dma_start3A_171 = tpu.memref_squeeze %dma_start3A_170 : memref<1x128xi32, #tpu.memory_space<vmem>> -> memref<128xi32, #tpu.memory_space<vmem>>
      %dma_start3A_172 = arith.constant 0 : i32
      %dma_start3A_173 = arith.constant 0 : i32
      %dma_start3A_174 = tpu.memref_slice %arg2[%dma_start3A_172, %dma_start3A_173] : memref<10000x128xf32, #tpu.memory_space<hbm>> -> memref<10000x128xf32, #tpu.memory_space<hbm>>
      tpu.enqueue_indirect_dma source(%dma_start3A_174 : memref<10000x128xf32, #tpu.memory_space<hbm>>) target(%arg10 : memref<128x128xf32, #tpu.memory_space<vmem>>) offsets(%dma_start3A_171 : memref<128xi32, #tpu.memory_space<vmem>>) semaphore(%arg12 : memref<!tpu.dma_semaphore, #tpu.memory_space<semaphore_mem>>)
      %dma_wait3A_175 = arith.constant 0 : i32
      %dma_wait3A_176 = arith.constant 0 : i32
      %dma_wait3A_177 = tpu.memref_slice %arg5[%dma_wait3A_175, %dma_wait3A_176] : memref<10112x128xf32, #tpu.memory_space<hbm>> -> memref<128x128xf32, #tpu.memory_space<hbm>>
      %dma_wait3A_178 = arith.constant 0 : i32
      %dma_wait3A_179 = arith.constant 0 : i32
      %dma_wait3A_180 = tpu.memref_slice %arg5[%dma_wait3A_178, %dma_wait3A_179] : memref<10112x128xf32, #tpu.memory_space<hbm>> -> memref<128x128xf32, #tpu.memory_space<hbm>>
      tpu.wait_dma2 semaphore(%arg13 : memref<!tpu.dma_semaphore, #tpu.memory_space<semaphore_mem>>) src(%dma_wait3A_180 : memref<128x128xf32, #tpu.memory_space<hbm>>) dst(%arg11 : memref<128x128xf32, #tpu.memory_space<vmem>>)
      %run_scoped3A_181 = arith.constant 3 : i32
      "tpu.region"() ({
        %run_scoped3A_249 = tpu.sem_alloc : memref<!tpu.dma_semaphore, #tpu.memory_space<semaphore_mem>>
        %dma_start3A_250 = arith.constant 0 : i32
        %dma_start3A_251 = tpu.memref_slice %arg9[%run_scoped3A_181, %dma_start3A_250] : memref<8x128xi32, #tpu.memory_space<vmem>> -> memref<1x128xi32, #tpu.memory_space<vmem>>
        %dma_start3A_252 = tpu.memref_squeeze %dma_start3A_251 : memref<1x128xi32, #tpu.memory_space<vmem>> -> memref<128xi32, #tpu.memory_space<vmem>>
        %dma_start3A_253 = arith.constant 0 : i32
        %dma_start3A_254 = arith.constant 0 : i32
        %dma_start3A_255 = tpu.memref_slice %arg7[%dma_start3A_253, %dma_start3A_254] : memref<10112x128xf32, #tpu.memory_space<vmem_shared>> -> memref<10112x128xf32, #tpu.memory_space<vmem_shared>>
        tpu.enqueue_indirect_dma source(%arg11 : memref<128x128xf32, #tpu.memory_space<vmem>>) target(%dma_start3A_255 : memref<10112x128xf32, #tpu.memory_space<vmem_shared>>) offsets(%dma_start3A_252 : memref<128xi32, #tpu.memory_space<vmem>>) semaphore(%run_scoped3A_249 : memref<!tpu.dma_semaphore, #tpu.memory_space<semaphore_mem>>) {add = true}
        %dma_wait3A_256 = arith.constant 0 : i32
        %dma_wait3A_257 = tpu.memref_slice %arg9[%run_scoped3A_181, %dma_wait3A_256] : memref<8x128xi32, #tpu.memory_space<vmem>> -> memref<1x128xi32, #tpu.memory_space<vmem>>
        %dma_wait3A_258 = tpu.memref_squeeze %dma_wait3A_257 : memref<1x128xi32, #tpu.memory_space<vmem>> -> memref<128xi32, #tpu.memory_space<vmem>>
        %dma_wait3A_259 = arith.constant 0 : i32
        %dma_wait3A_260 = arith.constant 0 : i32
        %dma_wait3A_261 = tpu.memref_slice %arg7[%dma_wait3A_259, %dma_wait3A_260] : memref<10112x128xf32, #tpu.memory_space<vmem_shared>> -> memref<10112x128xf32, #tpu.memory_space<vmem_shared>>
        tpu.wait_indirect_dma semaphore(%run_scoped3A_249 : memref<!tpu.dma_semaphore, #tpu.memory_space<semaphore_mem>>) src(%arg11 : memref<128x128xf32, #tpu.memory_space<vmem>>) dst(%dma_wait3A_261 : memref<10112x128xf32, #tpu.memory_space<vmem_shared>>)
        tpu.yield
      }) : () -> ()
      %dma_start3A_182 = arith.constant 5 : i32
      %dma_start3A_183 = arith.constant 0 : i32
      %dma_start3A_184 = tpu.memref_slice %arg8[%dma_start3A_182, %dma_start3A_183] : memref<8x128xi32, #tpu.memory_space<vmem>> -> memref<1x128xi32, #tpu.memory_space<vmem>>
      %dma_start3A_185 = tpu.memref_squeeze %dma_start3A_184 : memref<1x128xi32, #tpu.memory_space<vmem>> -> memref<128xi32, #tpu.memory_space<vmem>>
      %dma_start3A_186 = arith.constant 0 : i32
      %dma_start3A_187 = arith.constant 0 : i32
      %dma_start3A_188 = tpu.memref_slice %arg2[%dma_start3A_186, %dma_start3A_187] : memref<10000x128xf32, #tpu.memory_space<hbm>> -> memref<10000x128xf32, #tpu.memory_space<hbm>>
      tpu.enqueue_indirect_dma source(%dma_start3A_188 : memref<10000x128xf32, #tpu.memory_space<hbm>>) target(%arg11 : memref<128x128xf32, #tpu.memory_space<vmem>>) offsets(%dma_start3A_185 : memref<128xi32, #tpu.memory_space<vmem>>) semaphore(%arg13 : memref<!tpu.dma_semaphore, #tpu.memory_space<semaphore_mem>>)
      %dma_wait3A_189 = arith.constant 0 : i32
      %dma_wait3A_190 = arith.constant 0 : i32
      %dma_wait3A_191 = tpu.memref_slice %arg5[%dma_wait3A_189, %dma_wait3A_190] : memref<10112x128xf32, #tpu.memory_space<hbm>> -> memref<128x128xf32, #tpu.memory_space<hbm>>
      %dma_wait3A_192 = arith.constant 0 : i32
      %dma_wait3A_193 = arith.constant 0 : i32
      %dma_wait3A_194 = tpu.memref_slice %arg5[%dma_wait3A_192, %dma_wait3A_193] : memref<10112x128xf32, #tpu.memory_space<hbm>> -> memref<128x128xf32, #tpu.memory_space<hbm>>
      tpu.wait_dma2 semaphore(%arg12 : memref<!tpu.dma_semaphore, #tpu.memory_space<semaphore_mem>>) src(%dma_wait3A_194 : memref<128x128xf32, #tpu.memory_space<hbm>>) dst(%arg10 : memref<128x128xf32, #tpu.memory_space<vmem>>)
      %run_scoped3A_195 = arith.constant 4 : i32
      "tpu.region"() ({
        %run_scoped3A_249 = tpu.sem_alloc : memref<!tpu.dma_semaphore, #tpu.memory_space<semaphore_mem>>
        %dma_start3A_250 = arith.constant 0 : i32
        %dma_start3A_251 = tpu.memref_slice %arg9[%run_scoped3A_195, %dma_start3A_250] : memref<8x128xi32, #tpu.memory_space<vmem>> -> memref<1x128xi32, #tpu.memory_space<vmem>>
        %dma_start3A_252 = tpu.memref_squeeze %dma_start3A_251 : memref<1x128xi32, #tpu.memory_space<vmem>> -> memref<128xi32, #tpu.memory_space<vmem>>
        %dma_start3A_253 = arith.constant 0 : i32
        %dma_start3A_254 = arith.constant 0 : i32
        %dma_start3A_255 = tpu.memref_slice %arg7[%dma_start3A_253, %dma_start3A_254] : memref<10112x128xf32, #tpu.memory_space<vmem_shared>> -> memref<10112x128xf32, #tpu.memory_space<vmem_shared>>
        tpu.enqueue_indirect_dma source(%arg10 : memref<128x128xf32, #tpu.memory_space<vmem>>) target(%dma_start3A_255 : memref<10112x128xf32, #tpu.memory_space<vmem_shared>>) offsets(%dma_start3A_252 : memref<128xi32, #tpu.memory_space<vmem>>) semaphore(%run_scoped3A_249 : memref<!tpu.dma_semaphore, #tpu.memory_space<semaphore_mem>>) {add = true}
        %dma_wait3A_256 = arith.constant 0 : i32
        %dma_wait3A_257 = tpu.memref_slice %arg9[%run_scoped3A_195, %dma_wait3A_256] : memref<8x128xi32, #tpu.memory_space<vmem>> -> memref<1x128xi32, #tpu.memory_space<vmem>>
        %dma_wait3A_258 = tpu.memref_squeeze %dma_wait3A_257 : memref<1x128xi32, #tpu.memory_space<vmem>> -> memref<128xi32, #tpu.memory_space<vmem>>
        %dma_wait3A_259 = arith.constant 0 : i32
        %dma_wait3A_260 = arith.constant 0 : i32
        %dma_wait3A_261 = tpu.memref_slice %arg7[%dma_wait3A_259, %dma_wait3A_260] : memref<10112x128xf32, #tpu.memory_space<vmem_shared>> -> memref<10112x128xf32, #tpu.memory_space<vmem_shared>>
        tpu.wait_indirect_dma semaphore(%run_scoped3A_249 : memref<!tpu.dma_semaphore, #tpu.memory_space<semaphore_mem>>) src(%arg10 : memref<128x128xf32, #tpu.memory_space<vmem>>) dst(%dma_wait3A_261 : memref<10112x128xf32, #tpu.memory_space<vmem_shared>>)
        tpu.yield
      }) : () -> ()
      %dma_start3A_196 = arith.constant 6 : i32
      %dma_start3A_197 = arith.constant 0 : i32
      %dma_start3A_198 = tpu.memref_slice %arg8[%dma_start3A_196, %dma_start3A_197] : memref<8x128xi32, #tpu.memory_space<vmem>> -> memref<1x128xi32, #tpu.memory_space<vmem>>
      %dma_start3A_199 = tpu.memref_squeeze %dma_start3A_198 : memref<1x128xi32, #tpu.memory_space<vmem>> -> memref<128xi32, #tpu.memory_space<vmem>>
      %dma_start3A_200 = arith.constant 0 : i32
      %dma_start3A_201 = arith.constant 0 : i32
      %dma_start3A_202 = tpu.memref_slice %arg2[%dma_start3A_200, %dma_start3A_201] : memref<10000x128xf32, #tpu.memory_space<hbm>> -> memref<10000x128xf32, #tpu.memory_space<hbm>>
      tpu.enqueue_indirect_dma source(%dma_start3A_202 : memref<10000x128xf32, #tpu.memory_space<hbm>>) target(%arg10 : memref<128x128xf32, #tpu.memory_space<vmem>>) offsets(%dma_start3A_199 : memref<128xi32, #tpu.memory_space<vmem>>) semaphore(%arg12 : memref<!tpu.dma_semaphore, #tpu.memory_space<semaphore_mem>>)
      %dma_wait3A_203 = arith.constant 0 : i32
      %dma_wait3A_204 = arith.constant 0 : i32
      %dma_wait3A_205 = tpu.memref_slice %arg5[%dma_wait3A_203, %dma_wait3A_204] : memref<10112x128xf32, #tpu.memory_space<hbm>> -> memref<128x128xf32, #tpu.memory_space<hbm>>
      %dma_wait3A_206 = arith.constant 0 : i32
      %dma_wait3A_207 = arith.constant 0 : i32
      %dma_wait3A_208 = tpu.memref_slice %arg5[%dma_wait3A_206, %dma_wait3A_207] : memref<10112x128xf32, #tpu.memory_space<hbm>> -> memref<128x128xf32, #tpu.memory_space<hbm>>
      tpu.wait_dma2 semaphore(%arg13 : memref<!tpu.dma_semaphore, #tpu.memory_space<semaphore_mem>>) src(%dma_wait3A_208 : memref<128x128xf32, #tpu.memory_space<hbm>>) dst(%arg11 : memref<128x128xf32, #tpu.memory_space<vmem>>)
      %run_scoped3A_209 = arith.constant 5 : i32
      "tpu.region"() ({
        %run_scoped3A_249 = tpu.sem_alloc : memref<!tpu.dma_semaphore, #tpu.memory_space<semaphore_mem>>
        %dma_start3A_250 = arith.constant 0 : i32
        %dma_start3A_251 = tpu.memref_slice %arg9[%run_scoped3A_209, %dma_start3A_250] : memref<8x128xi32, #tpu.memory_space<vmem>> -> memref<1x128xi32, #tpu.memory_space<vmem>>
        %dma_start3A_252 = tpu.memref_squeeze %dma_start3A_251 : memref<1x128xi32, #tpu.memory_space<vmem>> -> memref<128xi32, #tpu.memory_space<vmem>>
        %dma_start3A_253 = arith.constant 0 : i32
        %dma_start3A_254 = arith.constant 0 : i32
        %dma_start3A_255 = tpu.memref_slice %arg7[%dma_start3A_253, %dma_start3A_254] : memref<10112x128xf32, #tpu.memory_space<vmem_shared>> -> memref<10112x128xf32, #tpu.memory_space<vmem_shared>>
        tpu.enqueue_indirect_dma source(%arg11 : memref<128x128xf32, #tpu.memory_space<vmem>>) target(%dma_start3A_255 : memref<10112x128xf32, #tpu.memory_space<vmem_shared>>) offsets(%dma_start3A_252 : memref<128xi32, #tpu.memory_space<vmem>>) semaphore(%run_scoped3A_249 : memref<!tpu.dma_semaphore, #tpu.memory_space<semaphore_mem>>) {add = true}
        %dma_wait3A_256 = arith.constant 0 : i32
        %dma_wait3A_257 = tpu.memref_slice %arg9[%run_scoped3A_209, %dma_wait3A_256] : memref<8x128xi32, #tpu.memory_space<vmem>> -> memref<1x128xi32, #tpu.memory_space<vmem>>
        %dma_wait3A_258 = tpu.memref_squeeze %dma_wait3A_257 : memref<1x128xi32, #tpu.memory_space<vmem>> -> memref<128xi32, #tpu.memory_space<vmem>>
        %dma_wait3A_259 = arith.constant 0 : i32
        %dma_wait3A_260 = arith.constant 0 : i32
        %dma_wait3A_261 = tpu.memref_slice %arg7[%dma_wait3A_259, %dma_wait3A_260] : memref<10112x128xf32, #tpu.memory_space<vmem_shared>> -> memref<10112x128xf32, #tpu.memory_space<vmem_shared>>
        tpu.wait_indirect_dma semaphore(%run_scoped3A_249 : memref<!tpu.dma_semaphore, #tpu.memory_space<semaphore_mem>>) src(%arg11 : memref<128x128xf32, #tpu.memory_space<vmem>>) dst(%dma_wait3A_261 : memref<10112x128xf32, #tpu.memory_space<vmem_shared>>)
        tpu.yield
      }) : () -> ()
      %dma_start3A_210 = arith.constant 7 : i32
      %dma_start3A_211 = arith.constant 0 : i32
      %dma_start3A_212 = tpu.memref_slice %arg8[%dma_start3A_210, %dma_start3A_211] : memref<8x128xi32, #tpu.memory_space<vmem>> -> memref<1x128xi32, #tpu.memory_space<vmem>>
      %dma_start3A_213 = tpu.memref_squeeze %dma_start3A_212 : memref<1x128xi32, #tpu.memory_space<vmem>> -> memref<128xi32, #tpu.memory_space<vmem>>
      %dma_start3A_214 = arith.constant 0 : i32
      %dma_start3A_215 = arith.constant 0 : i32
      %dma_start3A_216 = tpu.memref_slice %arg2[%dma_start3A_214, %dma_start3A_215] : memref<10000x128xf32, #tpu.memory_space<hbm>> -> memref<10000x128xf32, #tpu.memory_space<hbm>>
      tpu.enqueue_indirect_dma source(%dma_start3A_216 : memref<10000x128xf32, #tpu.memory_space<hbm>>) target(%arg11 : memref<128x128xf32, #tpu.memory_space<vmem>>) offsets(%dma_start3A_213 : memref<128xi32, #tpu.memory_space<vmem>>) semaphore(%arg13 : memref<!tpu.dma_semaphore, #tpu.memory_space<semaphore_mem>>)
      %dma_wait3A_217 = arith.constant 0 : i32
      %dma_wait3A_218 = arith.constant 0 : i32
      %dma_wait3A_219 = tpu.memref_slice %arg5[%dma_wait3A_217, %dma_wait3A_218] : memref<10112x128xf32, #tpu.memory_space<hbm>> -> memref<128x128xf32, #tpu.memory_space<hbm>>
      %dma_wait3A_220 = arith.constant 0 : i32
      %dma_wait3A_221 = arith.constant 0 : i32
      %dma_wait3A_222 = tpu.memref_slice %arg5[%dma_wait3A_220, %dma_wait3A_221] : memref<10112x128xf32, #tpu.memory_space<hbm>> -> memref<128x128xf32, #tpu.memory_space<hbm>>
      tpu.wait_dma2 semaphore(%arg12 : memref<!tpu.dma_semaphore, #tpu.memory_space<semaphore_mem>>) src(%dma_wait3A_222 : memref<128x128xf32, #tpu.memory_space<hbm>>) dst(%arg10 : memref<128x128xf32, #tpu.memory_space<vmem>>)
      %run_scoped3A_223 = arith.constant 6 : i32
      "tpu.region"() ({
        %run_scoped3A_249 = tpu.sem_alloc : memref<!tpu.dma_semaphore, #tpu.memory_space<semaphore_mem>>
        %dma_start3A_250 = arith.constant 0 : i32
        %dma_start3A_251 = tpu.memref_slice %arg9[%run_scoped3A_223, %dma_start3A_250] : memref<8x128xi32, #tpu.memory_space<vmem>> -> memref<1x128xi32, #tpu.memory_space<vmem>>
        %dma_start3A_252 = tpu.memref_squeeze %dma_start3A_251 : memref<1x128xi32, #tpu.memory_space<vmem>> -> memref<128xi32, #tpu.memory_space<vmem>>
        %dma_start3A_253 = arith.constant 0 : i32
        %dma_start3A_254 = arith.constant 0 : i32
        %dma_start3A_255 = tpu.memref_slice %arg7[%dma_start3A_253, %dma_start3A_254] : memref<10112x128xf32, #tpu.memory_space<vmem_shared>> -> memref<10112x128xf32, #tpu.memory_space<vmem_shared>>
        tpu.enqueue_indirect_dma source(%arg10 : memref<128x128xf32, #tpu.memory_space<vmem>>) target(%dma_start3A_255 : memref<10112x128xf32, #tpu.memory_space<vmem_shared>>) offsets(%dma_start3A_252 : memref<128xi32, #tpu.memory_space<vmem>>) semaphore(%run_scoped3A_249 : memref<!tpu.dma_semaphore, #tpu.memory_space<semaphore_mem>>) {add = true}
        %dma_wait3A_256 = arith.constant 0 : i32
        %dma_wait3A_257 = tpu.memref_slice %arg9[%run_scoped3A_223, %dma_wait3A_256] : memref<8x128xi32, #tpu.memory_space<vmem>> -> memref<1x128xi32, #tpu.memory_space<vmem>>
        %dma_wait3A_258 = tpu.memref_squeeze %dma_wait3A_257 : memref<1x128xi32, #tpu.memory_space<vmem>> -> memref<128xi32, #tpu.memory_space<vmem>>
        %dma_wait3A_259 = arith.constant 0 : i32
        %dma_wait3A_260 = arith.constant 0 : i32
        %dma_wait3A_261 = tpu.memref_slice %arg7[%dma_wait3A_259, %dma_wait3A_260] : memref<10112x128xf32, #tpu.memory_space<vmem_shared>> -> memref<10112x128xf32, #tpu.memory_space<vmem_shared>>
        tpu.wait_indirect_dma semaphore(%run_scoped3A_249 : memref<!tpu.dma_semaphore, #tpu.memory_space<semaphore_mem>>) src(%arg10 : memref<128x128xf32, #tpu.memory_space<vmem>>) dst(%dma_wait3A_261 : memref<10112x128xf32, #tpu.memory_space<vmem_shared>>)
        tpu.yield
      }) : () -> ()
      %dma_wait3A_224 = arith.constant 0 : i32
      %dma_wait3A_225 = arith.constant 0 : i32
      %dma_wait3A_226 = tpu.memref_slice %arg5[%dma_wait3A_224, %dma_wait3A_225] : memref<10112x128xf32, #tpu.memory_space<hbm>> -> memref<128x128xf32, #tpu.memory_space<hbm>>
      %dma_wait3A_227 = arith.constant 0 : i32
      %dma_wait3A_228 = arith.constant 0 : i32
      %dma_wait3A_229 = tpu.memref_slice %arg5[%dma_wait3A_227, %dma_wait3A_228] : memref<10112x128xf32, #tpu.memory_space<hbm>> -> memref<128x128xf32, #tpu.memory_space<hbm>>
      tpu.wait_dma2 semaphore(%arg13 : memref<!tpu.dma_semaphore, #tpu.memory_space<semaphore_mem>>) src(%dma_wait3A_229 : memref<128x128xf32, #tpu.memory_space<hbm>>) dst(%arg11 : memref<128x128xf32, #tpu.memory_space<vmem>>)
      %run_scoped3A_230 = arith.constant 7 : i32
      "tpu.region"() ({
        %run_scoped3A_249 = tpu.sem_alloc : memref<!tpu.dma_semaphore, #tpu.memory_space<semaphore_mem>>
        %dma_start3A_250 = arith.constant 0 : i32
        %dma_start3A_251 = tpu.memref_slice %arg9[%run_scoped3A_230, %dma_start3A_250] : memref<8x128xi32, #tpu.memory_space<vmem>> -> memref<1x128xi32, #tpu.memory_space<vmem>>
        %dma_start3A_252 = tpu.memref_squeeze %dma_start3A_251 : memref<1x128xi32, #tpu.memory_space<vmem>> -> memref<128xi32, #tpu.memory_space<vmem>>
        %dma_start3A_253 = arith.constant 0 : i32
        %dma_start3A_254 = arith.constant 0 : i32
        %dma_start3A_255 = tpu.memref_slice %arg7[%dma_start3A_253, %dma_start3A_254] : memref<10112x128xf32, #tpu.memory_space<vmem_shared>> -> memref<10112x128xf32, #tpu.memory_space<vmem_shared>>
        tpu.enqueue_indirect_dma source(%arg11 : memref<128x128xf32, #tpu.memory_space<vmem>>) target(%dma_start3A_255 : memref<10112x128xf32, #tpu.memory_space<vmem_shared>>) offsets(%dma_start3A_252 : memref<128xi32, #tpu.memory_space<vmem>>) semaphore(%run_scoped3A_249 : memref<!tpu.dma_semaphore, #tpu.memory_space<semaphore_mem>>) {add = true}
        %dma_wait3A_256 = arith.constant 0 : i32
        %dma_wait3A_257 = tpu.memref_slice %arg9[%run_scoped3A_230, %dma_wait3A_256] : memref<8x128xi32, #tpu.memory_space<vmem>> -> memref<1x128xi32, #tpu.memory_space<vmem>>
        %dma_wait3A_258 = tpu.memref_squeeze %dma_wait3A_257 : memref<1x128xi32, #tpu.memory_space<vmem>> -> memref<128xi32, #tpu.memory_space<vmem>>
        %dma_wait3A_259 = arith.constant 0 : i32
        %dma_wait3A_260 = arith.constant 0 : i32
        %dma_wait3A_261 = tpu.memref_slice %arg7[%dma_wait3A_259, %dma_wait3A_260] : memref<10112x128xf32, #tpu.memory_space<vmem_shared>> -> memref<10112x128xf32, #tpu.memory_space<vmem_shared>>
        tpu.wait_indirect_dma semaphore(%run_scoped3A_249 : memref<!tpu.dma_semaphore, #tpu.memory_space<semaphore_mem>>) src(%arg11 : memref<128x128xf32, #tpu.memory_space<vmem>>) dst(%dma_wait3A_261 : memref<10112x128xf32, #tpu.memory_space<vmem_shared>>)
        tpu.yield
      }) : () -> ()
      %add3A_231 = arith.constant 1 : i32
      %add3A_232 = arith.addi %while3A_132, %add3A_231 : i32
      "tpu.region"() ({
        %run_scoped3A_249 = tpu.sem_alloc : memref<!tpu.dma_semaphore, #tpu.memory_space<semaphore_mem>>
        %dma_start3A_250 = arith.constant 0 : i32
        %dma_start3A_251 = arith.constant 0 : i32
        %dma_start3A_252 = tpu.memref_slice %arg3[%add3A, %add3A_232, %dma_start3A_250, %dma_start3A_251] : memref<32x19x8x128xi32, #tpu.memory_space<hbm>> -> memref<1x1x8x128xi32, #tpu.memory_space<hbm>>
        %dma_start3A_253 = tpu.memref_squeeze %dma_start3A_252 : memref<1x1x8x128xi32, #tpu.memory_space<hbm>> -> memref<8x128xi32, #tpu.memory_space<hbm>>
        %dma_start3A_254 = arith.constant 0 : i32
        %dma_start3A_255 = arith.constant 0 : i32
        %dma_start3A_256 = tpu.memref_slice %arg3[%add3A, %add3A_232, %dma_start3A_254, %dma_start3A_255] : memref<32x19x8x128xi32, #tpu.memory_space<hbm>> -> memref<1x1x8x128xi32, #tpu.memory_space<hbm>>
        %dma_start3A_257 = tpu.memref_squeeze %dma_start3A_256 : memref<1x1x8x128xi32, #tpu.memory_space<hbm>> -> memref<8x128xi32, #tpu.memory_space<hbm>>
        tpu.enqueue_dma source(%dma_start3A_257 : memref<8x128xi32, #tpu.memory_space<hbm>>) target(%arg8 : memref<8x128xi32, #tpu.memory_space<vmem>>) target_semaphore(%run_scoped3A_249 : memref<!tpu.dma_semaphore, #tpu.memory_space<semaphore_mem>>)
        %dma_wait3A_258 = arith.constant 0 : i32
        %dma_wait3A_259 = arith.constant 0 : i32
        %dma_wait3A_260 = tpu.memref_slice %arg3[%add3A, %add3A_232, %dma_wait3A_258, %dma_wait3A_259] : memref<32x19x8x128xi32, #tpu.memory_space<hbm>> -> memref<1x1x8x128xi32, #tpu.memory_space<hbm>>
        %dma_wait3A_261 = tpu.memref_squeeze %dma_wait3A_260 : memref<1x1x8x128xi32, #tpu.memory_space<hbm>> -> memref<8x128xi32, #tpu.memory_space<hbm>>
        %dma_wait3A_262 = arith.constant 0 : i32
        %dma_wait3A_263 = arith.constant 0 : i32
        %dma_wait3A_264 = tpu.memref_slice %arg3[%add3A, %add3A_232, %dma_wait3A_262, %dma_wait3A_263] : memref<32x19x8x128xi32, #tpu.memory_space<hbm>> -> memref<1x1x8x128xi32, #tpu.memory_space<hbm>>
        %dma_wait3A_265 = tpu.memref_squeeze %dma_wait3A_264 : memref<1x1x8x128xi32, #tpu.memory_space<hbm>> -> memref<8x128xi32, #tpu.memory_space<hbm>>
        tpu.wait_dma2 semaphore(%run_scoped3A_249 : memref<!tpu.dma_semaphore, #tpu.memory_space<semaphore_mem>>) src(%dma_wait3A_265 : memref<8x128xi32, #tpu.memory_space<hbm>>) dst(%arg8 : memref<8x128xi32, #tpu.memory_space<vmem>>)
        tpu.yield
      }) : () -> ()
      %dma_start3A_233 = arith.constant 0 : i32
      %dma_start3A_234 = arith.constant 0 : i32
      %dma_start3A_235 = tpu.memref_slice %arg8[%dma_start3A_233, %dma_start3A_234] : memref<8x128xi32, #tpu.memory_space<vmem>> -> memref<1x128xi32, #tpu.memory_space<vmem>>
      %dma_start3A_236 = tpu.memref_squeeze %dma_start3A_235 : memref<1x128xi32, #tpu.memory_space<vmem>> -> memref<128xi32, #tpu.memory_space<vmem>>
      %dma_start3A_237 = arith.constant 0 : i32
      %dma_start3A_238 = arith.constant 0 : i32
      %dma_start3A_239 = tpu.memref_slice %arg2[%dma_start3A_237, %dma_start3A_238] : memref<10000x128xf32, #tpu.memory_space<hbm>> -> memref<10000x128xf32, #tpu.memory_space<hbm>>
      tpu.enqueue_indirect_dma source(%dma_start3A_239 : memref<10000x128xf32, #tpu.memory_space<hbm>>) target(%arg10 : memref<128x128xf32, #tpu.memory_space<vmem>>) offsets(%dma_start3A_236 : memref<128xi32, #tpu.memory_space<vmem>>) semaphore(%arg12 : memref<!tpu.dma_semaphore, #tpu.memory_space<semaphore_mem>>)
      %dma_start3A_240 = arith.constant 1 : i32
      %dma_start3A_241 = arith.constant 0 : i32
      %dma_start3A_242 = tpu.memref_slice %arg8[%dma_start3A_240, %dma_start3A_241] : memref<8x128xi32, #tpu.memory_space<vmem>> -> memref<1x128xi32, #tpu.memory_space<vmem>>
      %dma_start3A_243 = tpu.memref_squeeze %dma_start3A_242 : memref<1x128xi32, #tpu.memory_space<vmem>> -> memref<128xi32, #tpu.memory_space<vmem>>
      %dma_start3A_244 = arith.constant 0 : i32
      %dma_start3A_245 = arith.constant 0 : i32
      %dma_start3A_246 = tpu.memref_slice %arg2[%dma_start3A_244, %dma_start3A_245] : memref<10000x128xf32, #tpu.memory_space<hbm>> -> memref<10000x128xf32, #tpu.memory_space<hbm>>
      tpu.enqueue_indirect_dma source(%dma_start3A_246 : memref<10000x128xf32, #tpu.memory_space<hbm>>) target(%arg11 : memref<128x128xf32, #tpu.memory_space<vmem>>) offsets(%dma_start3A_243 : memref<128xi32, #tpu.memory_space<vmem>>) semaphore(%arg13 : memref<!tpu.dma_semaphore, #tpu.memory_space<semaphore_mem>>)
      %add3A_247 = arith.constant 1 : i32
      %add3A_248 = arith.addi %while3A_132, %add3A_247 : i32
      "tpu.region"() ({
        %run_scoped3A_249 = tpu.sem_alloc : memref<!tpu.dma_semaphore, #tpu.memory_space<semaphore_mem>>
        %dma_start3A_250 = arith.constant 0 : i32
        %dma_start3A_251 = arith.constant 0 : i32
        %dma_start3A_252 = tpu.memref_slice %arg4[%add3A, %add3A_248, %dma_start3A_250, %dma_start3A_251] : memref<32x19x8x128xi32, #tpu.memory_space<hbm>> -> memref<1x1x8x128xi32, #tpu.memory_space<hbm>>
        %dma_start3A_253 = tpu.memref_squeeze %dma_start3A_252 : memref<1x1x8x128xi32, #tpu.memory_space<hbm>> -> memref<8x128xi32, #tpu.memory_space<hbm>>
        %dma_start3A_254 = arith.constant 0 : i32
        %dma_start3A_255 = arith.constant 0 : i32
        %dma_start3A_256 = tpu.memref_slice %arg4[%add3A, %add3A_248, %dma_start3A_254, %dma_start3A_255] : memref<32x19x8x128xi32, #tpu.memory_space<hbm>> -> memref<1x1x8x128xi32, #tpu.memory_space<hbm>>
        %dma_start3A_257 = tpu.memref_squeeze %dma_start3A_256 : memref<1x1x8x128xi32, #tpu.memory_space<hbm>> -> memref<8x128xi32, #tpu.memory_space<hbm>>
        tpu.enqueue_dma source(%dma_start3A_257 : memref<8x128xi32, #tpu.memory_space<hbm>>) target(%arg9 : memref<8x128xi32, #tpu.memory_space<vmem>>) target_semaphore(%run_scoped3A_249 : memref<!tpu.dma_semaphore, #tpu.memory_space<semaphore_mem>>)
        %dma_wait3A_258 = arith.constant 0 : i32
        %dma_wait3A_259 = arith.constant 0 : i32
        %dma_wait3A_260 = tpu.memref_slice %arg4[%add3A, %add3A_248, %dma_wait3A_258, %dma_wait3A_259] : memref<32x19x8x128xi32, #tpu.memory_space<hbm>> -> memref<1x1x8x128xi32, #tpu.memory_space<hbm>>
        %dma_wait3A_261 = tpu.memref_squeeze %dma_wait3A_260 : memref<1x1x8x128xi32, #tpu.memory_space<hbm>> -> memref<8x128xi32, #tpu.memory_space<hbm>>
        %dma_wait3A_262 = arith.constant 0 : i32
        %dma_wait3A_263 = arith.constant 0 : i32
        %dma_wait3A_264 = tpu.memref_slice %arg4[%add3A, %add3A_248, %dma_wait3A_262, %dma_wait3A_263] : memref<32x19x8x128xi32, #tpu.memory_space<hbm>> -> memref<1x1x8x128xi32, #tpu.memory_space<hbm>>
        %dma_wait3A_265 = tpu.memref_squeeze %dma_wait3A_264 : memref<1x1x8x128xi32, #tpu.memory_space<hbm>> -> memref<8x128xi32, #tpu.memory_space<hbm>>
        tpu.wait_dma2 semaphore(%run_scoped3A_249 : memref<!tpu.dma_semaphore, #tpu.memory_space<semaphore_mem>>) src(%dma_wait3A_265 : memref<8x128xi32, #tpu.memory_space<hbm>>) dst(%arg9 : memref<8x128xi32, #tpu.memory_space<vmem>>)
        tpu.yield
      }) : () -> ()
    }
    %while3A_28 = arith.constant 1 : i32
    scf.for %while3A_132 = %while3A_26 to %while3A_22 step %while3A_28  : i32 {
      %dma_wait3A_133 = arith.constant 0 : i32
      %dma_wait3A_134 = arith.constant 0 : i32
      %dma_wait3A_135 = tpu.memref_slice %arg5[%dma_wait3A_133, %dma_wait3A_134] : memref<10112x128xf32, #tpu.memory_space<hbm>> -> memref<128x128xf32, #tpu.memory_space<hbm>>
      %dma_wait3A_136 = arith.constant 0 : i32
      %dma_wait3A_137 = arith.constant 0 : i32
      %dma_wait3A_138 = tpu.memref_slice %arg5[%dma_wait3A_136, %dma_wait3A_137] : memref<10112x128xf32, #tpu.memory_space<hbm>> -> memref<128x128xf32, #tpu.memory_space<hbm>>
      tpu.wait_dma2 semaphore(%arg12 : memref<!tpu.dma_semaphore, #tpu.memory_space<semaphore_mem>>) src(%dma_wait3A_138 : memref<128x128xf32, #tpu.memory_space<hbm>>) dst(%arg10 : memref<128x128xf32, #tpu.memory_space<vmem>>)
      %run_scoped3A_139 = arith.constant 0 : i32
      "tpu.region"() ({
        %run_scoped3A_249 = tpu.sem_alloc : memref<!tpu.dma_semaphore, #tpu.memory_space<semaphore_mem>>
        %dma_start3A_250 = arith.constant 0 : i32
        %dma_start3A_251 = tpu.memref_slice %arg9[%run_scoped3A_139, %dma_start3A_250] : memref<8x128xi32, #tpu.memory_space<vmem>> -> memref<1x128xi32, #tpu.memory_space<vmem>>
        %dma_start3A_252 = tpu.memref_squeeze %dma_start3A_251 : memref<1x128xi32, #tpu.memory_space<vmem>> -> memref<128xi32, #tpu.memory_space<vmem>>
        %dma_start3A_253 = arith.constant 0 : i32
        %dma_start3A_254 = arith.constant 0 : i32
        %dma_start3A_255 = tpu.memref_slice %arg7[%dma_start3A_253, %dma_start3A_254] : memref<10112x128xf32, #tpu.memory_space<vmem_shared>> -> memref<10112x128xf32, #tpu.memory_space<vmem_shared>>
        tpu.enqueue_indirect_dma source(%arg10 : memref<128x128xf32, #tpu.memory_space<vmem>>) target(%dma_start3A_255 : memref<10112x128xf32, #tpu.memory_space<vmem_shared>>) offsets(%dma_start3A_252 : memref<128xi32, #tpu.memory_space<vmem>>) semaphore(%run_scoped3A_249 : memref<!tpu.dma_semaphore, #tpu.memory_space<semaphore_mem>>) {add = true}
        %dma_wait3A_256 = arith.constant 0 : i32
        %dma_wait3A_257 = tpu.memref_slice %arg9[%run_scoped3A_139, %dma_wait3A_256] : memref<8x128xi32, #tpu.memory_space<vmem>> -> memref<1x128xi32, #tpu.memory_space<vmem>>
        %dma_wait3A_258 = tpu.memref_squeeze %dma_wait3A_257 : memref<1x128xi32, #tpu.memory_space<vmem>> -> memref<128xi32, #tpu.memory_space<vmem>>
        %dma_wait3A_259 = arith.constant 0 : i32
        %dma_wait3A_260 = arith.constant 0 : i32
        %dma_wait3A_261 = tpu.memref_slice %arg7[%dma_wait3A_259, %dma_wait3A_260] : memref<10112x128xf32, #tpu.memory_space<vmem_shared>> -> memref<10112x128xf32, #tpu.memory_space<vmem_shared>>
        tpu.wait_indirect_dma semaphore(%run_scoped3A_249 : memref<!tpu.dma_semaphore, #tpu.memory_space<semaphore_mem>>) src(%arg10 : memref<128x128xf32, #tpu.memory_space<vmem>>) dst(%dma_wait3A_261 : memref<10112x128xf32, #tpu.memory_space<vmem_shared>>)
        tpu.yield
      }) : () -> ()
      %dma_start3A_140 = arith.constant 2 : i32
      %dma_start3A_141 = arith.constant 0 : i32
      %dma_start3A_142 = tpu.memref_slice %arg8[%dma_start3A_140, %dma_start3A_141] : memref<8x128xi32, #tpu.memory_space<vmem>> -> memref<1x128xi32, #tpu.memory_space<vmem>>
      %dma_start3A_143 = tpu.memref_squeeze %dma_start3A_142 : memref<1x128xi32, #tpu.memory_space<vmem>> -> memref<128xi32, #tpu.memory_space<vmem>>
      %dma_start3A_144 = arith.constant 0 : i32
      %dma_start3A_145 = arith.constant 0 : i32
      %dma_start3A_146 = tpu.memref_slice %arg2[%dma_start3A_144, %dma_start3A_145] : memref<10000x128xf32, #tpu.memory_space<hbm>> -> memref<10000x128xf32, #tpu.memory_space<hbm>>
      tpu.enqueue_indirect_dma source(%dma_start3A_146 : memref<10000x128xf32, #tpu.memory_space<hbm>>) target(%arg10 : memref<128x128xf32, #tpu.memory_space<vmem>>) offsets(%dma_start3A_143 : memref<128xi32, #tpu.memory_space<vmem>>) semaphore(%arg12 : memref<!tpu.dma_semaphore, #tpu.memory_space<semaphore_mem>>)
      %dma_wait3A_147 = arith.constant 0 : i32
      %dma_wait3A_148 = arith.constant 0 : i32
      %dma_wait3A_149 = tpu.memref_slice %arg5[%dma_wait3A_147, %dma_wait3A_148] : memref<10112x128xf32, #tpu.memory_space<hbm>> -> memref<128x128xf32, #tpu.memory_space<hbm>>
      %dma_wait3A_150 = arith.constant 0 : i32
      %dma_wait3A_151 = arith.constant 0 : i32
      %dma_wait3A_152 = tpu.memref_slice %arg5[%dma_wait3A_150, %dma_wait3A_151] : memref<10112x128xf32, #tpu.memory_space<hbm>> -> memref<128x128xf32, #tpu.memory_space<hbm>>
      tpu.wait_dma2 semaphore(%arg13 : memref<!tpu.dma_semaphore, #tpu.memory_space<semaphore_mem>>) src(%dma_wait3A_152 : memref<128x128xf32, #tpu.memory_space<hbm>>) dst(%arg11 : memref<128x128xf32, #tpu.memory_space<vmem>>)
      %run_scoped3A_153 = arith.constant 1 : i32
      "tpu.region"() ({
        %run_scoped3A_249 = tpu.sem_alloc : memref<!tpu.dma_semaphore, #tpu.memory_space<semaphore_mem>>
        %dma_start3A_250 = arith.constant 0 : i32
        %dma_start3A_251 = tpu.memref_slice %arg9[%run_scoped3A_153, %dma_start3A_250] : memref<8x128xi32, #tpu.memory_space<vmem>> -> memref<1x128xi32, #tpu.memory_space<vmem>>
        %dma_start3A_252 = tpu.memref_squeeze %dma_start3A_251 : memref<1x128xi32, #tpu.memory_space<vmem>> -> memref<128xi32, #tpu.memory_space<vmem>>
        %dma_start3A_253 = arith.constant 0 : i32
        %dma_start3A_254 = arith.constant 0 : i32
        %dma_start3A_255 = tpu.memref_slice %arg7[%dma_start3A_253, %dma_start3A_254] : memref<10112x128xf32, #tpu.memory_space<vmem_shared>> -> memref<10112x128xf32, #tpu.memory_space<vmem_shared>>
        tpu.enqueue_indirect_dma source(%arg11 : memref<128x128xf32, #tpu.memory_space<vmem>>) target(%dma_start3A_255 : memref<10112x128xf32, #tpu.memory_space<vmem_shared>>) offsets(%dma_start3A_252 : memref<128xi32, #tpu.memory_space<vmem>>) semaphore(%run_scoped3A_249 : memref<!tpu.dma_semaphore, #tpu.memory_space<semaphore_mem>>) {add = true}
        %dma_wait3A_256 = arith.constant 0 : i32
        %dma_wait3A_257 = tpu.memref_slice %arg9[%run_scoped3A_153, %dma_wait3A_256] : memref<8x128xi32, #tpu.memory_space<vmem>> -> memref<1x128xi32, #tpu.memory_space<vmem>>
        %dma_wait3A_258 = tpu.memref_squeeze %dma_wait3A_257 : memref<1x128xi32, #tpu.memory_space<vmem>> -> memref<128xi32, #tpu.memory_space<vmem>>
        %dma_wait3A_259 = arith.constant 0 : i32
        %dma_wait3A_260 = arith.constant 0 : i32
        %dma_wait3A_261 = tpu.memref_slice %arg7[%dma_wait3A_259, %dma_wait3A_260] : memref<10112x128xf32, #tpu.memory_space<vmem_shared>> -> memref<10112x128xf32, #tpu.memory_space<vmem_shared>>
        tpu.wait_indirect_dma semaphore(%run_scoped3A_249 : memref<!tpu.dma_semaphore, #tpu.memory_space<semaphore_mem>>) src(%arg11 : memref<128x128xf32, #tpu.memory_space<vmem>>) dst(%dma_wait3A_261 : memref<10112x128xf32, #tpu.memory_space<vmem_shared>>)
        tpu.yield
      }) : () -> ()
      %dma_start3A_154 = arith.constant 3 : i32
      %dma_start3A_155 = arith.constant 0 : i32
      %dma_start3A_156 = tpu.memref_slice %arg8[%dma_start3A_154, %dma_start3A_155] : memref<8x128xi32, #tpu.memory_space<vmem>> -> memref<1x128xi32, #tpu.memory_space<vmem>>
      %dma_start3A_157 = tpu.memref_squeeze %dma_start3A_156 : memref<1x128xi32, #tpu.memory_space<vmem>> -> memref<128xi32, #tpu.memory_space<vmem>>
      %dma_start3A_158 = arith.constant 0 : i32
      %dma_start3A_159 = arith.constant 0 : i32
      %dma_start3A_160 = tpu.memref_slice %arg2[%dma_start3A_158, %dma_start3A_159] : memref<10000x128xf32, #tpu.memory_space<hbm>> -> memref<10000x128xf32, #tpu.memory_space<hbm>>
      tpu.enqueue_indirect_dma source(%dma_start3A_160 : memref<10000x128xf32, #tpu.memory_space<hbm>>) target(%arg11 : memref<128x128xf32, #tpu.memory_space<vmem>>) offsets(%dma_start3A_157 : memref<128xi32, #tpu.memory_space<vmem>>) semaphore(%arg13 : memref<!tpu.dma_semaphore, #tpu.memory_space<semaphore_mem>>)
      %dma_wait3A_161 = arith.constant 0 : i32
      %dma_wait3A_162 = arith.constant 0 : i32
      %dma_wait3A_163 = tpu.memref_slice %arg5[%dma_wait3A_161, %dma_wait3A_162] : memref<10112x128xf32, #tpu.memory_space<hbm>> -> memref<128x128xf32, #tpu.memory_space<hbm>>
      %dma_wait3A_164 = arith.constant 0 : i32
      %dma_wait3A_165 = arith.constant 0 : i32
      %dma_wait3A_166 = tpu.memref_slice %arg5[%dma_wait3A_164, %dma_wait3A_165] : memref<10112x128xf32, #tpu.memory_space<hbm>> -> memref<128x128xf32, #tpu.memory_space<hbm>>
      tpu.wait_dma2 semaphore(%arg12 : memref<!tpu.dma_semaphore, #tpu.memory_space<semaphore_mem>>) src(%dma_wait3A_166 : memref<128x128xf32, #tpu.memory_space<hbm>>) dst(%arg10 : memref<128x128xf32, #tpu.memory_space<vmem>>)
      %run_scoped3A_167 = arith.constant 2 : i32
      "tpu.region"() ({
        %run_scoped3A_249 = tpu.sem_alloc : memref<!tpu.dma_semaphore, #tpu.memory_space<semaphore_mem>>
        %dma_start3A_250 = arith.constant 0 : i32
        %dma_start3A_251 = tpu.memref_slice %arg9[%run_scoped3A_167, %dma_start3A_250] : memref<8x128xi32, #tpu.memory_space<vmem>> -> memref<1x128xi32, #tpu.memory_space<vmem>>
        %dma_start3A_252 = tpu.memref_squeeze %dma_start3A_251 : memref<1x128xi32, #tpu.memory_space<vmem>> -> memref<128xi32, #tpu.memory_space<vmem>>
        %dma_start3A_253 = arith.constant 0 : i32
        %dma_start3A_254 = arith.constant 0 : i32
        %dma_start3A_255 = tpu.memref_slice %arg7[%dma_start3A_253, %dma_start3A_254] : memref<10112x128xf32, #tpu.memory_space<vmem_shared>> -> memref<10112x128xf32, #tpu.memory_space<vmem_shared>>
        tpu.enqueue_indirect_dma source(%arg10 : memref<128x128xf32, #tpu.memory_space<vmem>>) target(%dma_start3A_255 : memref<10112x128xf32, #tpu.memory_space<vmem_shared>>) offsets(%dma_start3A_252 : memref<128xi32, #tpu.memory_space<vmem>>) semaphore(%run_scoped3A_249 : memref<!tpu.dma_semaphore, #tpu.memory_space<semaphore_mem>>) {add = true}
        %dma_wait3A_256 = arith.constant 0 : i32
        %dma_wait3A_257 = tpu.memref_slice %arg9[%run_scoped3A_167, %dma_wait3A_256] : memref<8x128xi32, #tpu.memory_space<vmem>> -> memref<1x128xi32, #tpu.memory_space<vmem>>
        %dma_wait3A_258 = tpu.memref_squeeze %dma_wait3A_257 : memref<1x128xi32, #tpu.memory_space<vmem>> -> memref<128xi32, #tpu.memory_space<vmem>>
        %dma_wait3A_259 = arith.constant 0 : i32
        %dma_wait3A_260 = arith.constant 0 : i32
        %dma_wait3A_261 = tpu.memref_slice %arg7[%dma_wait3A_259, %dma_wait3A_260] : memref<10112x128xf32, #tpu.memory_space<vmem_shared>> -> memref<10112x128xf32, #tpu.memory_space<vmem_shared>>
        tpu.wait_indirect_dma semaphore(%run_scoped3A_249 : memref<!tpu.dma_semaphore, #tpu.memory_space<semaphore_mem>>) src(%arg10 : memref<128x128xf32, #tpu.memory_space<vmem>>) dst(%dma_wait3A_261 : memref<10112x128xf32, #tpu.memory_space<vmem_shared>>)
        tpu.yield
      }) : () -> ()
      %dma_start3A_168 = arith.constant 4 : i32
      %dma_start3A_169 = arith.constant 0 : i32
      %dma_start3A_170 = tpu.memref_slice %arg8[%dma_start3A_168, %dma_start3A_169] : memref<8x128xi32, #tpu.memory_space<vmem>> -> memref<1x128xi32, #tpu.memory_space<vmem>>
      %dma_start3A_171 = tpu.memref_squeeze %dma_start3A_170 : memref<1x128xi32, #tpu.memory_space<vmem>> -> memref<128xi32, #tpu.memory_space<vmem>>
      %dma_start3A_172 = arith.constant 0 : i32
      %dma_start3A_173 = arith.constant 0 : i32
      %dma_start3A_174 = tpu.memref_slice %arg2[%dma_start3A_172, %dma_start3A_173] : memref<10000x128xf32, #tpu.memory_space<hbm>> -> memref<10000x128xf32, #tpu.memory_space<hbm>>
      tpu.enqueue_indirect_dma source(%dma_start3A_174 : memref<10000x128xf32, #tpu.memory_space<hbm>>) target(%arg10 : memref<128x128xf32, #tpu.memory_space<vmem>>) offsets(%dma_start3A_171 : memref<128xi32, #tpu.memory_space<vmem>>) semaphore(%arg12 : memref<!tpu.dma_semaphore, #tpu.memory_space<semaphore_mem>>)
      %dma_wait3A_175 = arith.constant 0 : i32
      %dma_wait3A_176 = arith.constant 0 : i32
      %dma_wait3A_177 = tpu.memref_slice %arg5[%dma_wait3A_175, %dma_wait3A_176] : memref<10112x128xf32, #tpu.memory_space<hbm>> -> memref<128x128xf32, #tpu.memory_space<hbm>>
      %dma_wait3A_178 = arith.constant 0 : i32
      %dma_wait3A_179 = arith.constant 0 : i32
      %dma_wait3A_180 = tpu.memref_slice %arg5[%dma_wait3A_178, %dma_wait3A_179] : memref<10112x128xf32, #tpu.memory_space<hbm>> -> memref<128x128xf32, #tpu.memory_space<hbm>>
      tpu.wait_dma2 semaphore(%arg13 : memref<!tpu.dma_semaphore, #tpu.memory_space<semaphore_mem>>) src(%dma_wait3A_180 : memref<128x128xf32, #tpu.memory_space<hbm>>) dst(%arg11 : memref<128x128xf32, #tpu.memory_space<vmem>>)
      %run_scoped3A_181 = arith.constant 3 : i32
      "tpu.region"() ({
        %run_scoped3A_249 = tpu.sem_alloc : memref<!tpu.dma_semaphore, #tpu.memory_space<semaphore_mem>>
        %dma_start3A_250 = arith.constant 0 : i32
        %dma_start3A_251 = tpu.memref_slice %arg9[%run_scoped3A_181, %dma_start3A_250] : memref<8x128xi32, #tpu.memory_space<vmem>> -> memref<1x128xi32, #tpu.memory_space<vmem>>
        %dma_start3A_252 = tpu.memref_squeeze %dma_start3A_251 : memref<1x128xi32, #tpu.memory_space<vmem>> -> memref<128xi32, #tpu.memory_space<vmem>>
        %dma_start3A_253 = arith.constant 0 : i32
        %dma_start3A_254 = arith.constant 0 : i32
        %dma_start3A_255 = tpu.memref_slice %arg7[%dma_start3A_253, %dma_start3A_254] : memref<10112x128xf32, #tpu.memory_space<vmem_shared>> -> memref<10112x128xf32, #tpu.memory_space<vmem_shared>>
        tpu.enqueue_indirect_dma source(%arg11 : memref<128x128xf32, #tpu.memory_space<vmem>>) target(%dma_start3A_255 : memref<10112x128xf32, #tpu.memory_space<vmem_shared>>) offsets(%dma_start3A_252 : memref<128xi32, #tpu.memory_space<vmem>>) semaphore(%run_scoped3A_249 : memref<!tpu.dma_semaphore, #tpu.memory_space<semaphore_mem>>) {add = true}
        %dma_wait3A_256 = arith.constant 0 : i32
        %dma_wait3A_257 = tpu.memref_slice %arg9[%run_scoped3A_181, %dma_wait3A_256] : memref<8x128xi32, #tpu.memory_space<vmem>> -> memref<1x128xi32, #tpu.memory_space<vmem>>
        %dma_wait3A_258 = tpu.memref_squeeze %dma_wait3A_257 : memref<1x128xi32, #tpu.memory_space<vmem>> -> memref<128xi32, #tpu.memory_space<vmem>>
        %dma_wait3A_259 = arith.constant 0 : i32
        %dma_wait3A_260 = arith.constant 0 : i32
        %dma_wait3A_261 = tpu.memref_slice %arg7[%dma_wait3A_259, %dma_wait3A_260] : memref<10112x128xf32, #tpu.memory_space<vmem_shared>> -> memref<10112x128xf32, #tpu.memory_space<vmem_shared>>
        tpu.wait_indirect_dma semaphore(%run_scoped3A_249 : memref<!tpu.dma_semaphore, #tpu.memory_space<semaphore_mem>>) src(%arg11 : memref<128x128xf32, #tpu.memory_space<vmem>>) dst(%dma_wait3A_261 : memref<10112x128xf32, #tpu.memory_space<vmem_shared>>)
        tpu.yield
      }) : () -> ()
      %dma_start3A_182 = arith.constant 5 : i32
      %dma_start3A_183 = arith.constant 0 : i32
      %dma_start3A_184 = tpu.memref_slice %arg8[%dma_start3A_182, %dma_start3A_183] : memref<8x128xi32, #tpu.memory_space<vmem>> -> memref<1x128xi32, #tpu.memory_space<vmem>>
      %dma_start3A_185 = tpu.memref_squeeze %dma_start3A_184 : memref<1x128xi32, #tpu.memory_space<vmem>> -> memref<128xi32, #tpu.memory_space<vmem>>
      %dma_start3A_186 = arith.constant 0 : i32
      %dma_start3A_187 = arith.constant 0 : i32
      %dma_start3A_188 = tpu.memref_slice %arg2[%dma_start3A_186, %dma_start3A_187] : memref<10000x128xf32, #tpu.memory_space<hbm>> -> memref<10000x128xf32, #tpu.memory_space<hbm>>
      tpu.enqueue_indirect_dma source(%dma_start3A_188 : memref<10000x128xf32, #tpu.memory_space<hbm>>) target(%arg11 : memref<128x128xf32, #tpu.memory_space<vmem>>) offsets(%dma_start3A_185 : memref<128xi32, #tpu.memory_space<vmem>>) semaphore(%arg13 : memref<!tpu.dma_semaphore, #tpu.memory_space<semaphore_mem>>)
      %dma_wait3A_189 = arith.constant 0 : i32
      %dma_wait3A_190 = arith.constant 0 : i32
      %dma_wait3A_191 = tpu.memref_slice %arg5[%dma_wait3A_189, %dma_wait3A_190] : memref<10112x128xf32, #tpu.memory_space<hbm>> -> memref<128x128xf32, #tpu.memory_space<hbm>>
      %dma_wait3A_192 = arith.constant 0 : i32
      %dma_wait3A_193 = arith.constant 0 : i32
      %dma_wait3A_194 = tpu.memref_slice %arg5[%dma_wait3A_192, %dma_wait3A_193] : memref<10112x128xf32, #tpu.memory_space<hbm>> -> memref<128x128xf32, #tpu.memory_space<hbm>>
      tpu.wait_dma2 semaphore(%arg12 : memref<!tpu.dma_semaphore, #tpu.memory_space<semaphore_mem>>) src(%dma_wait3A_194 : memref<128x128xf32, #tpu.memory_space<hbm>>) dst(%arg10 : memref<128x128xf32, #tpu.memory_space<vmem>>)
      %run_scoped3A_195 = arith.constant 4 : i32
      "tpu.region"() ({
        %run_scoped3A_249 = tpu.sem_alloc : memref<!tpu.dma_semaphore, #tpu.memory_space<semaphore_mem>>
        %dma_start3A_250 = arith.constant 0 : i32
        %dma_start3A_251 = tpu.memref_slice %arg9[%run_scoped3A_195, %dma_start3A_250] : memref<8x128xi32, #tpu.memory_space<vmem>> -> memref<1x128xi32, #tpu.memory_space<vmem>>
        %dma_start3A_252 = tpu.memref_squeeze %dma_start3A_251 : memref<1x128xi32, #tpu.memory_space<vmem>> -> memref<128xi32, #tpu.memory_space<vmem>>
        %dma_start3A_253 = arith.constant 0 : i32
        %dma_start3A_254 = arith.constant 0 : i32
        %dma_start3A_255 = tpu.memref_slice %arg7[%dma_start3A_253, %dma_start3A_254] : memref<10112x128xf32, #tpu.memory_space<vmem_shared>> -> memref<10112x128xf32, #tpu.memory_space<vmem_shared>>
        tpu.enqueue_indirect_dma source(%arg10 : memref<128x128xf32, #tpu.memory_space<vmem>>) target(%dma_start3A_255 : memref<10112x128xf32, #tpu.memory_space<vmem_shared>>) offsets(%dma_start3A_252 : memref<128xi32, #tpu.memory_space<vmem>>) semaphore(%run_scoped3A_249 : memref<!tpu.dma_semaphore, #tpu.memory_space<semaphore_mem>>) {add = true}
        %dma_wait3A_256 = arith.constant 0 : i32
        %dma_wait3A_257 = tpu.memref_slice %arg9[%run_scoped3A_195, %dma_wait3A_256] : memref<8x128xi32, #tpu.memory_space<vmem>> -> memref<1x128xi32, #tpu.memory_space<vmem>>
        %dma_wait3A_258 = tpu.memref_squeeze %dma_wait3A_257 : memref<1x128xi32, #tpu.memory_space<vmem>> -> memref<128xi32, #tpu.memory_space<vmem>>
        %dma_wait3A_259 = arith.constant 0 : i32
        %dma_wait3A_260 = arith.constant 0 : i32
        %dma_wait3A_261 = tpu.memref_slice %arg7[%dma_wait3A_259, %dma_wait3A_260] : memref<10112x128xf32, #tpu.memory_space<vmem_shared>> -> memref<10112x128xf32, #tpu.memory_space<vmem_shared>>
        tpu.wait_indirect_dma semaphore(%run_scoped3A_249 : memref<!tpu.dma_semaphore, #tpu.memory_space<semaphore_mem>>) src(%arg10 : memref<128x128xf32, #tpu.memory_space<vmem>>) dst(%dma_wait3A_261 : memref<10112x128xf32, #tpu.memory_space<vmem_shared>>)
        tpu.yield
      }) : () -> ()
      %dma_start3A_196 = arith.constant 6 : i32
      %dma_start3A_197 = arith.constant 0 : i32
      %dma_start3A_198 = tpu.memref_slice %arg8[%dma_start3A_196, %dma_start3A_197] : memref<8x128xi32, #tpu.memory_space<vmem>> -> memref<1x128xi32, #tpu.memory_space<vmem>>
      %dma_start3A_199 = tpu.memref_squeeze %dma_start3A_198 : memref<1x128xi32, #tpu.memory_space<vmem>> -> memref<128xi32, #tpu.memory_space<vmem>>
      %dma_start3A_200 = arith.constant 0 : i32
      %dma_start3A_201 = arith.constant 0 : i32
      %dma_start3A_202 = tpu.memref_slice %arg2[%dma_start3A_200, %dma_start3A_201] : memref<10000x128xf32, #tpu.memory_space<hbm>> -> memref<10000x128xf32, #tpu.memory_space<hbm>>
      tpu.enqueue_indirect_dma source(%dma_start3A_202 : memref<10000x128xf32, #tpu.memory_space<hbm>>) target(%arg10 : memref<128x128xf32, #tpu.memory_space<vmem>>) offsets(%dma_start3A_199 : memref<128xi32, #tpu.memory_space<vmem>>) semaphore(%arg12 : memref<!tpu.dma_semaphore, #tpu.memory_space<semaphore_mem>>)
      %dma_wait3A_203 = arith.constant 0 : i32
      %dma_wait3A_204 = arith.constant 0 : i32
      %dma_wait3A_205 = tpu.memref_slice %arg5[%dma_wait3A_203, %dma_wait3A_204] : memref<10112x128xf32, #tpu.memory_space<hbm>> -> memref<128x128xf32, #tpu.memory_space<hbm>>
      %dma_wait3A_206 = arith.constant 0 : i32
      %dma_wait3A_207 = arith.constant 0 : i32
      %dma_wait3A_208 = tpu.memref_slice %arg5[%dma_wait3A_206, %dma_wait3A_207] : memref<10112x128xf32, #tpu.memory_space<hbm>> -> memref<128x128xf32, #tpu.memory_space<hbm>>
      tpu.wait_dma2 semaphore(%arg13 : memref<!tpu.dma_semaphore, #tpu.memory_space<semaphore_mem>>) src(%dma_wait3A_208 : memref<128x128xf32, #tpu.memory_space<hbm>>) dst(%arg11 : memref<128x128xf32, #tpu.memory_space<vmem>>)
      %run_scoped3A_209 = arith.constant 5 : i32
      "tpu.region"() ({
        %run_scoped3A_249 = tpu.sem_alloc : memref<!tpu.dma_semaphore, #tpu.memory_space<semaphore_mem>>
        %dma_start3A_250 = arith.constant 0 : i32
        %dma_start3A_251 = tpu.memref_slice %arg9[%run_scoped3A_209, %dma_start3A_250] : memref<8x128xi32, #tpu.memory_space<vmem>> -> memref<1x128xi32, #tpu.memory_space<vmem>>
        %dma_start3A_252 = tpu.memref_squeeze %dma_start3A_251 : memref<1x128xi32, #tpu.memory_space<vmem>> -> memref<128xi32, #tpu.memory_space<vmem>>
        %dma_start3A_253 = arith.constant 0 : i32
        %dma_start3A_254 = arith.constant 0 : i32
        %dma_start3A_255 = tpu.memref_slice %arg7[%dma_start3A_253, %dma_start3A_254] : memref<10112x128xf32, #tpu.memory_space<vmem_shared>> -> memref<10112x128xf32, #tpu.memory_space<vmem_shared>>
        tpu.enqueue_indirect_dma source(%arg11 : memref<128x128xf32, #tpu.memory_space<vmem>>) target(%dma_start3A_255 : memref<10112x128xf32, #tpu.memory_space<vmem_shared>>) offsets(%dma_start3A_252 : memref<128xi32, #tpu.memory_space<vmem>>) semaphore(%run_scoped3A_249 : memref<!tpu.dma_semaphore, #tpu.memory_space<semaphore_mem>>) {add = true}
        %dma_wait3A_256 = arith.constant 0 : i32
        %dma_wait3A_257 = tpu.memref_slice %arg9[%run_scoped3A_209, %dma_wait3A_256] : memref<8x128xi32, #tpu.memory_space<vmem>> -> memref<1x128xi32, #tpu.memory_space<vmem>>
        %dma_wait3A_258 = tpu.memref_squeeze %dma_wait3A_257 : memref<1x128xi32, #tpu.memory_space<vmem>> -> memref<128xi32, #tpu.memory_space<vmem>>
        %dma_wait3A_259 = arith.constant 0 : i32
        %dma_wait3A_260 = arith.constant 0 : i32
        %dma_wait3A_261 = tpu.memref_slice %arg7[%dma_wait3A_259, %dma_wait3A_260] : memref<10112x128xf32, #tpu.memory_space<vmem_shared>> -> memref<10112x128xf32, #tpu.memory_space<vmem_shared>>
        tpu.wait_indirect_dma semaphore(%run_scoped3A_249 : memref<!tpu.dma_semaphore, #tpu.memory_space<semaphore_mem>>) src(%arg11 : memref<128x128xf32, #tpu.memory_space<vmem>>) dst(%dma_wait3A_261 : memref<10112x128xf32, #tpu.memory_space<vmem_shared>>)
        tpu.yield
      }) : () -> ()
      %dma_start3A_210 = arith.constant 7 : i32
      %dma_start3A_211 = arith.constant 0 : i32
      %dma_start3A_212 = tpu.memref_slice %arg8[%dma_start3A_210, %dma_start3A_211] : memref<8x128xi32, #tpu.memory_space<vmem>> -> memref<1x128xi32, #tpu.memory_space<vmem>>
      %dma_start3A_213 = tpu.memref_squeeze %dma_start3A_212 : memref<1x128xi32, #tpu.memory_space<vmem>> -> memref<128xi32, #tpu.memory_space<vmem>>
      %dma_start3A_214 = arith.constant 0 : i32
      %dma_start3A_215 = arith.constant 0 : i32
      %dma_start3A_216 = tpu.memref_slice %arg2[%dma_start3A_214, %dma_start3A_215] : memref<10000x128xf32, #tpu.memory_space<hbm>> -> memref<10000x128xf32, #tpu.memory_space<hbm>>
      tpu.enqueue_indirect_dma source(%dma_start3A_216 : memref<10000x128xf32, #tpu.memory_space<hbm>>) target(%arg11 : memref<128x128xf32, #tpu.memory_space<vmem>>) offsets(%dma_start3A_213 : memref<128xi32, #tpu.memory_space<vmem>>) semaphore(%arg13 : memref<!tpu.dma_semaphore, #tpu.memory_space<semaphore_mem>>)
      %dma_wait3A_217 = arith.constant 0 : i32
      %dma_wait3A_218 = arith.constant 0 : i32
      %dma_wait3A_219 = tpu.memref_slice %arg5[%dma_wait3A_217, %dma_wait3A_218] : memref<10112x128xf32, #tpu.memory_space<hbm>> -> memref<128x128xf32, #tpu.memory_space<hbm>>
      %dma_wait3A_220 = arith.constant 0 : i32
      %dma_wait3A_221 = arith.constant 0 : i32
      %dma_wait3A_222 = tpu.memref_slice %arg5[%dma_wait3A_220, %dma_wait3A_221] : memref<10112x128xf32, #tpu.memory_space<hbm>> -> memref<128x128xf32, #tpu.memory_space<hbm>>
      tpu.wait_dma2 semaphore(%arg12 : memref<!tpu.dma_semaphore, #tpu.memory_space<semaphore_mem>>) src(%dma_wait3A_222 : memref<128x128xf32, #tpu.memory_space<hbm>>) dst(%arg10 : memref<128x128xf32, #tpu.memory_space<vmem>>)
      %run_scoped3A_223 = arith.constant 6 : i32
      "tpu.region"() ({
        %run_scoped3A_249 = tpu.sem_alloc : memref<!tpu.dma_semaphore, #tpu.memory_space<semaphore_mem>>
        %dma_start3A_250 = arith.constant 0 : i32
        %dma_start3A_251 = tpu.memref_slice %arg9[%run_scoped3A_223, %dma_start3A_250] : memref<8x128xi32, #tpu.memory_space<vmem>> -> memref<1x128xi32, #tpu.memory_space<vmem>>
        %dma_start3A_252 = tpu.memref_squeeze %dma_start3A_251 : memref<1x128xi32, #tpu.memory_space<vmem>> -> memref<128xi32, #tpu.memory_space<vmem>>
        %dma_start3A_253 = arith.constant 0 : i32
        %dma_start3A_254 = arith.constant 0 : i32
        %dma_start3A_255 = tpu.memref_slice %arg7[%dma_start3A_253, %dma_start3A_254] : memref<10112x128xf32, #tpu.memory_space<vmem_shared>> -> memref<10112x128xf32, #tpu.memory_space<vmem_shared>>
        tpu.enqueue_indirect_dma source(%arg10 : memref<128x128xf32, #tpu.memory_space<vmem>>) target(%dma_start3A_255 : memref<10112x128xf32, #tpu.memory_space<vmem_shared>>) offsets(%dma_start3A_252 : memref<128xi32, #tpu.memory_space<vmem>>) semaphore(%run_scoped3A_249 : memref<!tpu.dma_semaphore, #tpu.memory_space<semaphore_mem>>) {add = true}
        %dma_wait3A_256 = arith.constant 0 : i32
        %dma_wait3A_257 = tpu.memref_slice %arg9[%run_scoped3A_223, %dma_wait3A_256] : memref<8x128xi32, #tpu.memory_space<vmem>> -> memref<1x128xi32, #tpu.memory_space<vmem>>
        %dma_wait3A_258 = tpu.memref_squeeze %dma_wait3A_257 : memref<1x128xi32, #tpu.memory_space<vmem>> -> memref<128xi32, #tpu.memory_space<vmem>>
        %dma_wait3A_259 = arith.constant 0 : i32
        %dma_wait3A_260 = arith.constant 0 : i32
        %dma_wait3A_261 = tpu.memref_slice %arg7[%dma_wait3A_259, %dma_wait3A_260] : memref<10112x128xf32, #tpu.memory_space<vmem_shared>> -> memref<10112x128xf32, #tpu.memory_space<vmem_shared>>
        tpu.wait_indirect_dma semaphore(%run_scoped3A_249 : memref<!tpu.dma_semaphore, #tpu.memory_space<semaphore_mem>>) src(%arg10 : memref<128x128xf32, #tpu.memory_space<vmem>>) dst(%dma_wait3A_261 : memref<10112x128xf32, #tpu.memory_space<vmem_shared>>)
        tpu.yield
      }) : () -> ()
      %dma_wait3A_224 = arith.constant 0 : i32
      %dma_wait3A_225 = arith.constant 0 : i32
      %dma_wait3A_226 = tpu.memref_slice %arg5[%dma_wait3A_224, %dma_wait3A_225] : memref<10112x128xf32, #tpu.memory_space<hbm>> -> memref<128x128xf32, #tpu.memory_space<hbm>>
      %dma_wait3A_227 = arith.constant 0 : i32
      %dma_wait3A_228 = arith.constant 0 : i32
      %dma_wait3A_229 = tpu.memref_slice %arg5[%dma_wait3A_227, %dma_wait3A_228] : memref<10112x128xf32, #tpu.memory_space<hbm>> -> memref<128x128xf32, #tpu.memory_space<hbm>>
      tpu.wait_dma2 semaphore(%arg13 : memref<!tpu.dma_semaphore, #tpu.memory_space<semaphore_mem>>) src(%dma_wait3A_229 : memref<128x128xf32, #tpu.memory_space<hbm>>) dst(%arg11 : memref<128x128xf32, #tpu.memory_space<vmem>>)
      %run_scoped3A_230 = arith.constant 7 : i32
      "tpu.region"() ({
        %run_scoped3A_249 = tpu.sem_alloc : memref<!tpu.dma_semaphore, #tpu.memory_space<semaphore_mem>>
        %dma_start3A_250 = arith.constant 0 : i32
        %dma_start3A_251 = tpu.memref_slice %arg9[%run_scoped3A_230, %dma_start3A_250] : memref<8x128xi32, #tpu.memory_space<vmem>> -> memref<1x128xi32, #tpu.memory_space<vmem>>
        %dma_start3A_252 = tpu.memref_squeeze %dma_start3A_251 : memref<1x128xi32, #tpu.memory_space<vmem>> -> memref<128xi32, #tpu.memory_space<vmem>>
        %dma_start3A_253 = arith.constant 0 : i32
        %dma_start3A_254 = arith.constant 0 : i32
        %dma_start3A_255 = tpu.memref_slice %arg7[%dma_start3A_253, %dma_start3A_254] : memref<10112x128xf32, #tpu.memory_space<vmem_shared>> -> memref<10112x128xf32, #tpu.memory_space<vmem_shared>>
        tpu.enqueue_indirect_dma source(%arg11 : memref<128x128xf32, #tpu.memory_space<vmem>>) target(%dma_start3A_255 : memref<10112x128xf32, #tpu.memory_space<vmem_shared>>) offsets(%dma_start3A_252 : memref<128xi32, #tpu.memory_space<vmem>>) semaphore(%run_scoped3A_249 : memref<!tpu.dma_semaphore, #tpu.memory_space<semaphore_mem>>) {add = true}
        %dma_wait3A_256 = arith.constant 0 : i32
        %dma_wait3A_257 = tpu.memref_slice %arg9[%run_scoped3A_230, %dma_wait3A_256] : memref<8x128xi32, #tpu.memory_space<vmem>> -> memref<1x128xi32, #tpu.memory_space<vmem>>
        %dma_wait3A_258 = tpu.memref_squeeze %dma_wait3A_257 : memref<1x128xi32, #tpu.memory_space<vmem>> -> memref<128xi32, #tpu.memory_space<vmem>>
        %dma_wait3A_259 = arith.constant 0 : i32
        %dma_wait3A_260 = arith.constant 0 : i32
        %dma_wait3A_261 = tpu.memref_slice %arg7[%dma_wait3A_259, %dma_wait3A_260] : memref<10112x128xf32, #tpu.memory_space<vmem_shared>> -> memref<10112x128xf32, #tpu.memory_space<vmem_shared>>
        tpu.wait_indirect_dma semaphore(%run_scoped3A_249 : memref<!tpu.dma_semaphore, #tpu.memory_space<semaphore_mem>>) src(%arg11 : memref<128x128xf32, #tpu.memory_space<vmem>>) dst(%dma_wait3A_261 : memref<10112x128xf32, #tpu.memory_space<vmem_shared>>)
        tpu.yield
      }) : () -> ()
      %add3A_231 = arith.constant 1 : i32
      %add3A_232 = arith.addi %while3A_132, %add3A_231 : i32
      "tpu.region"() ({
        %run_scoped3A_249 = tpu.sem_alloc : memref<!tpu.dma_semaphore, #tpu.memory_space<semaphore_mem>>
        %dma_start3A_250 = arith.constant 0 : i32
        %dma_start3A_251 = arith.constant 0 : i32
        %dma_start3A_252 = tpu.memref_slice %arg3[%add3A, %add3A_232, %dma_start3A_250, %dma_start3A_251] : memref<32x19x8x128xi32, #tpu.memory_space<hbm>> -> memref<1x1x8x128xi32, #tpu.memory_space<hbm>>
        %dma_start3A_253 = tpu.memref_squeeze %dma_start3A_252 : memref<1x1x8x128xi32, #tpu.memory_space<hbm>> -> memref<8x128xi32, #tpu.memory_space<hbm>>
        %dma_start3A_254 = arith.constant 0 : i32
        %dma_start3A_255 = arith.constant 0 : i32
        %dma_start3A_256 = tpu.memref_slice %arg3[%add3A, %add3A_232, %dma_start3A_254, %dma_start3A_255] : memref<32x19x8x128xi32, #tpu.memory_space<hbm>> -> memref<1x1x8x128xi32, #tpu.memory_space<hbm>>
        %dma_start3A_257 = tpu.memref_squeeze %dma_start3A_256 : memref<1x1x8x128xi32, #tpu.memory_space<hbm>> -> memref<8x128xi32, #tpu.memory_space<hbm>>
        tpu.enqueue_dma source(%dma_start3A_257 : memref<8x128xi32, #tpu.memory_space<hbm>>) target(%arg8 : memref<8x128xi32, #tpu.memory_space<vmem>>) target_semaphore(%run_scoped3A_249 : memref<!tpu.dma_semaphore, #tpu.memory_space<semaphore_mem>>)
        %dma_wait3A_258 = arith.constant 0 : i32
        %dma_wait3A_259 = arith.constant 0 : i32
        %dma_wait3A_260 = tpu.memref_slice %arg3[%add3A, %add3A_232, %dma_wait3A_258, %dma_wait3A_259] : memref<32x19x8x128xi32, #tpu.memory_space<hbm>> -> memref<1x1x8x128xi32, #tpu.memory_space<hbm>>
        %dma_wait3A_261 = tpu.memref_squeeze %dma_wait3A_260 : memref<1x1x8x128xi32, #tpu.memory_space<hbm>> -> memref<8x128xi32, #tpu.memory_space<hbm>>
        %dma_wait3A_262 = arith.constant 0 : i32
        %dma_wait3A_263 = arith.constant 0 : i32
        %dma_wait3A_264 = tpu.memref_slice %arg3[%add3A, %add3A_232, %dma_wait3A_262, %dma_wait3A_263] : memref<32x19x8x128xi32, #tpu.memory_space<hbm>> -> memref<1x1x8x128xi32, #tpu.memory_space<hbm>>
        %dma_wait3A_265 = tpu.memref_squeeze %dma_wait3A_264 : memref<1x1x8x128xi32, #tpu.memory_space<hbm>> -> memref<8x128xi32, #tpu.memory_space<hbm>>
        tpu.wait_dma2 semaphore(%run_scoped3A_249 : memref<!tpu.dma_semaphore, #tpu.memory_space<semaphore_mem>>) src(%dma_wait3A_265 : memref<8x128xi32, #tpu.memory_space<hbm>>) dst(%arg8 : memref<8x128xi32, #tpu.memory_space<vmem>>)
        tpu.yield
      }) : () -> ()
      %dma_start3A_233 = arith.constant 0 : i32
      %dma_start3A_234 = arith.constant 0 : i32
      %dma_start3A_235 = tpu.memref_slice %arg8[%dma_start3A_233, %dma_start3A_234] : memref<8x128xi32, #tpu.memory_space<vmem>> -> memref<1x128xi32, #tpu.memory_space<vmem>>
      %dma_start3A_236 = tpu.memref_squeeze %dma_start3A_235 : memref<1x128xi32, #tpu.memory_space<vmem>> -> memref<128xi32, #tpu.memory_space<vmem>>
      %dma_start3A_237 = arith.constant 0 : i32
      %dma_start3A_238 = arith.constant 0 : i32
      %dma_start3A_239 = tpu.memref_slice %arg2[%dma_start3A_237, %dma_start3A_238] : memref<10000x128xf32, #tpu.memory_space<hbm>> -> memref<10000x128xf32, #tpu.memory_space<hbm>>
      tpu.enqueue_indirect_dma source(%dma_start3A_239 : memref<10000x128xf32, #tpu.memory_space<hbm>>) target(%arg10 : memref<128x128xf32, #tpu.memory_space<vmem>>) offsets(%dma_start3A_236 : memref<128xi32, #tpu.memory_space<vmem>>) semaphore(%arg12 : memref<!tpu.dma_semaphore, #tpu.memory_space<semaphore_mem>>)
      %dma_start3A_240 = arith.constant 1 : i32
      %dma_start3A_241 = arith.constant 0 : i32
      %dma_start3A_242 = tpu.memref_slice %arg8[%dma_start3A_240, %dma_start3A_241] : memref<8x128xi32, #tpu.memory_space<vmem>> -> memref<1x128xi32, #tpu.memory_space<vmem>>
      %dma_start3A_243 = tpu.memref_squeeze %dma_start3A_242 : memref<1x128xi32, #tpu.memory_space<vmem>> -> memref<128xi32, #tpu.memory_space<vmem>>
      %dma_start3A_244 = arith.constant 0 : i32
      %dma_start3A_245 = arith.constant 0 : i32
      %dma_start3A_246 = tpu.memref_slice %arg2[%dma_start3A_244, %dma_start3A_245] : memref<10000x128xf32, #tpu.memory_space<hbm>> -> memref<10000x128xf32, #tpu.memory_space<hbm>>
      tpu.enqueue_indirect_dma source(%dma_start3A_246 : memref<10000x128xf32, #tpu.memory_space<hbm>>) target(%arg11 : memref<128x128xf32, #tpu.memory_space<vmem>>) offsets(%dma_start3A_243 : memref<128xi32, #tpu.memory_space<vmem>>) semaphore(%arg13 : memref<!tpu.dma_semaphore, #tpu.memory_space<semaphore_mem>>)
      %add3A_247 = arith.constant 1 : i32
      %add3A_248 = arith.addi %while3A_132, %add3A_247 : i32
      "tpu.region"() ({
        %run_scoped3A_249 = tpu.sem_alloc : memref<!tpu.dma_semaphore, #tpu.memory_space<semaphore_mem>>
        %dma_start3A_250 = arith.constant 0 : i32
        %dma_start3A_251 = arith.constant 0 : i32
        %dma_start3A_252 = tpu.memref_slice %arg4[%add3A, %add3A_248, %dma_start3A_250, %dma_start3A_251] : memref<32x19x8x128xi32, #tpu.memory_space<hbm>> -> memref<1x1x8x128xi32, #tpu.memory_space<hbm>>
        %dma_start3A_253 = tpu.memref_squeeze %dma_start3A_252 : memref<1x1x8x128xi32, #tpu.memory_space<hbm>> -> memref<8x128xi32, #tpu.memory_space<hbm>>
        %dma_start3A_254 = arith.constant 0 : i32
        %dma_start3A_255 = arith.constant 0 : i32
        %dma_start3A_256 = tpu.memref_slice %arg4[%add3A, %add3A_248, %dma_start3A_254, %dma_start3A_255] : memref<32x19x8x128xi32, #tpu.memory_space<hbm>> -> memref<1x1x8x128xi32, #tpu.memory_space<hbm>>
        %dma_start3A_257 = tpu.memref_squeeze %dma_start3A_256 : memref<1x1x8x128xi32, #tpu.memory_space<hbm>> -> memref<8x128xi32, #tpu.memory_space<hbm>>
        tpu.enqueue_dma source(%dma_start3A_257 : memref<8x128xi32, #tpu.memory_space<hbm>>) target(%arg9 : memref<8x128xi32, #tpu.memory_space<vmem>>) target_semaphore(%run_scoped3A_249 : memref<!tpu.dma_semaphore, #tpu.memory_space<semaphore_mem>>)
        %dma_wait3A_258 = arith.constant 0 : i32
        %dma_wait3A_259 = arith.constant 0 : i32
        %dma_wait3A_260 = tpu.memref_slice %arg4[%add3A, %add3A_248, %dma_wait3A_258, %dma_wait3A_259] : memref<32x19x8x128xi32, #tpu.memory_space<hbm>> -> memref<1x1x8x128xi32, #tpu.memory_space<hbm>>
        %dma_wait3A_261 = tpu.memref_squeeze %dma_wait3A_260 : memref<1x1x8x128xi32, #tpu.memory_space<hbm>> -> memref<8x128xi32, #tpu.memory_space<hbm>>
        %dma_wait3A_262 = arith.constant 0 : i32
        %dma_wait3A_263 = arith.constant 0 : i32
        %dma_wait3A_264 = tpu.memref_slice %arg4[%add3A, %add3A_248, %dma_wait3A_262, %dma_wait3A_263] : memref<32x19x8x128xi32, #tpu.memory_space<hbm>> -> memref<1x1x8x128xi32, #tpu.memory_space<hbm>>
        %dma_wait3A_265 = tpu.memref_squeeze %dma_wait3A_264 : memref<1x1x8x128xi32, #tpu.memory_space<hbm>> -> memref<8x128xi32, #tpu.memory_space<hbm>>
        tpu.wait_dma2 semaphore(%run_scoped3A_249 : memref<!tpu.dma_semaphore, #tpu.memory_space<semaphore_mem>>) src(%dma_wait3A_265 : memref<8x128xi32, #tpu.memory_space<hbm>>) dst(%arg9 : memref<8x128xi32, #tpu.memory_space<vmem>>)
        tpu.yield
      }) : () -> ()
    }
    %sub3A_29 = arith.constant 1 : i32
    %sub3A_30 = arith.subi %select_n3A, %sub3A_29 : i32
    %dma_wait3A = arith.constant 0 : i32
    %dma_wait3A_31 = arith.constant 0 : i32
    %dma_wait3A_32 = tpu.memref_slice %arg5[%dma_wait3A, %dma_wait3A_31] : memref<10112x128xf32, #tpu.memory_space<hbm>> -> memref<128x128xf32, #tpu.memory_space<hbm>>
    %dma_wait3A_33 = arith.constant 0 : i32
    %dma_wait3A_34 = arith.constant 0 : i32
    %dma_wait3A_35 = tpu.memref_slice %arg5[%dma_wait3A_33, %dma_wait3A_34] : memref<10112x128xf32, #tpu.memory_space<hbm>> -> memref<128x128xf32, #tpu.memory_space<hbm>>
    tpu.wait_dma2 semaphore(%arg12 : memref<!tpu.dma_semaphore, #tpu.memory_space<semaphore_mem>>) src(%dma_wait3A_35 : memref<128x128xf32, #tpu.memory_space<hbm>>) dst(%arg10 : memref<128x128xf32, #tpu.memory_space<vmem>>)
    %run_scoped3A_36 = arith.constant 0 : i32
    "tpu.region"() ({
      %run_scoped3A_132 = tpu.sem_alloc : memref<!tpu.dma_semaphore, #tpu.memory_space<semaphore_mem>>
      %dma_start3A_133 = arith.constant 0 : i32
      %dma_start3A_134 = tpu.memref_slice %arg9[%run_scoped3A_36, %dma_start3A_133] : memref<8x128xi32, #tpu.memory_space<vmem>> -> memref<1x128xi32, #tpu.memory_space<vmem>>
      %dma_start3A_135 = tpu.memref_squeeze %dma_start3A_134 : memref<1x128xi32, #tpu.memory_space<vmem>> -> memref<128xi32, #tpu.memory_space<vmem>>
      %dma_start3A_136 = arith.constant 0 : i32
      %dma_start3A_137 = arith.constant 0 : i32
      %dma_start3A_138 = tpu.memref_slice %arg7[%dma_start3A_136, %dma_start3A_137] : memref<10112x128xf32, #tpu.memory_space<vmem_shared>> -> memref<10112x128xf32, #tpu.memory_space<vmem_shared>>
      tpu.enqueue_indirect_dma source(%arg10 : memref<128x128xf32, #tpu.memory_space<vmem>>) target(%dma_start3A_138 : memref<10112x128xf32, #tpu.memory_space<vmem_shared>>) offsets(%dma_start3A_135 : memref<128xi32, #tpu.memory_space<vmem>>) semaphore(%run_scoped3A_132 : memref<!tpu.dma_semaphore, #tpu.memory_space<semaphore_mem>>) {add = true}
      %dma_wait3A_139 = arith.constant 0 : i32
      %dma_wait3A_140 = tpu.memref_slice %arg9[%run_scoped3A_36, %dma_wait3A_139] : memref<8x128xi32, #tpu.memory_space<vmem>> -> memref<1x128xi32, #tpu.memory_space<vmem>>
      %dma_wait3A_141 = tpu.memref_squeeze %dma_wait3A_140 : memref<1x128xi32, #tpu.memory_space<vmem>> -> memref<128xi32, #tpu.memory_space<vmem>>
      %dma_wait3A_142 = arith.constant 0 : i32
      %dma_wait3A_143 = arith.constant 0 : i32
      %dma_wait3A_144 = tpu.memref_slice %arg7[%dma_wait3A_142, %dma_wait3A_143] : memref<10112x128xf32, #tpu.memory_space<vmem_shared>> -> memref<10112x128xf32, #tpu.memory_space<vmem_shared>>
      tpu.wait_indirect_dma semaphore(%run_scoped3A_132 : memref<!tpu.dma_semaphore, #tpu.memory_space<semaphore_mem>>) src(%arg10 : memref<128x128xf32, #tpu.memory_space<vmem>>) dst(%dma_wait3A_144 : memref<10112x128xf32, #tpu.memory_space<vmem_shared>>)
      tpu.yield
    }) : () -> ()
    %dma_start3A_37 = arith.constant 2 : i32
    %dma_start3A_38 = arith.constant 0 : i32
    %dma_start3A_39 = tpu.memref_slice %arg8[%dma_start3A_37, %dma_start3A_38] : memref<8x128xi32, #tpu.memory_space<vmem>> -> memref<1x128xi32, #tpu.memory_space<vmem>>
    %dma_start3A_40 = tpu.memref_squeeze %dma_start3A_39 : memref<1x128xi32, #tpu.memory_space<vmem>> -> memref<128xi32, #tpu.memory_space<vmem>>
    %dma_start3A_41 = arith.constant 0 : i32
    %dma_start3A_42 = arith.constant 0 : i32
    %dma_start3A_43 = tpu.memref_slice %arg2[%dma_start3A_41, %dma_start3A_42] : memref<10000x128xf32, #tpu.memory_space<hbm>> -> memref<10000x128xf32, #tpu.memory_space<hbm>>
    tpu.enqueue_indirect_dma source(%dma_start3A_43 : memref<10000x128xf32, #tpu.memory_space<hbm>>) target(%arg10 : memref<128x128xf32, #tpu.memory_space<vmem>>) offsets(%dma_start3A_40 : memref<128xi32, #tpu.memory_space<vmem>>) semaphore(%arg12 : memref<!tpu.dma_semaphore, #tpu.memory_space<semaphore_mem>>)
    %dma_wait3A_44 = arith.constant 0 : i32
    %dma_wait3A_45 = arith.constant 0 : i32
    %dma_wait3A_46 = tpu.memref_slice %arg5[%dma_wait3A_44, %dma_wait3A_45] : memref<10112x128xf32, #tpu.memory_space<hbm>> -> memref<128x128xf32, #tpu.memory_space<hbm>>
    %dma_wait3A_47 = arith.constant 0 : i32
    %dma_wait3A_48 = arith.constant 0 : i32
    %dma_wait3A_49 = tpu.memref_slice %arg5[%dma_wait3A_47, %dma_wait3A_48] : memref<10112x128xf32, #tpu.memory_space<hbm>> -> memref<128x128xf32, #tpu.memory_space<hbm>>
    tpu.wait_dma2 semaphore(%arg13 : memref<!tpu.dma_semaphore, #tpu.memory_space<semaphore_mem>>) src(%dma_wait3A_49 : memref<128x128xf32, #tpu.memory_space<hbm>>) dst(%arg11 : memref<128x128xf32, #tpu.memory_space<vmem>>)
    %run_scoped3A_50 = arith.constant 1 : i32
    "tpu.region"() ({
      %run_scoped3A_132 = tpu.sem_alloc : memref<!tpu.dma_semaphore, #tpu.memory_space<semaphore_mem>>
      %dma_start3A_133 = arith.constant 0 : i32
      %dma_start3A_134 = tpu.memref_slice %arg9[%run_scoped3A_50, %dma_start3A_133] : memref<8x128xi32, #tpu.memory_space<vmem>> -> memref<1x128xi32, #tpu.memory_space<vmem>>
      %dma_start3A_135 = tpu.memref_squeeze %dma_start3A_134 : memref<1x128xi32, #tpu.memory_space<vmem>> -> memref<128xi32, #tpu.memory_space<vmem>>
      %dma_start3A_136 = arith.constant 0 : i32
      %dma_start3A_137 = arith.constant 0 : i32
      %dma_start3A_138 = tpu.memref_slice %arg7[%dma_start3A_136, %dma_start3A_137] : memref<10112x128xf32, #tpu.memory_space<vmem_shared>> -> memref<10112x128xf32, #tpu.memory_space<vmem_shared>>
      tpu.enqueue_indirect_dma source(%arg11 : memref<128x128xf32, #tpu.memory_space<vmem>>) target(%dma_start3A_138 : memref<10112x128xf32, #tpu.memory_space<vmem_shared>>) offsets(%dma_start3A_135 : memref<128xi32, #tpu.memory_space<vmem>>) semaphore(%run_scoped3A_132 : memref<!tpu.dma_semaphore, #tpu.memory_space<semaphore_mem>>) {add = true}
      %dma_wait3A_139 = arith.constant 0 : i32
      %dma_wait3A_140 = tpu.memref_slice %arg9[%run_scoped3A_50, %dma_wait3A_139] : memref<8x128xi32, #tpu.memory_space<vmem>> -> memref<1x128xi32, #tpu.memory_space<vmem>>
      %dma_wait3A_141 = tpu.memref_squeeze %dma_wait3A_140 : memref<1x128xi32, #tpu.memory_space<vmem>> -> memref<128xi32, #tpu.memory_space<vmem>>
      %dma_wait3A_142 = arith.constant 0 : i32
      %dma_wait3A_143 = arith.constant 0 : i32
      %dma_wait3A_144 = tpu.memref_slice %arg7[%dma_wait3A_142, %dma_wait3A_143] : memref<10112x128xf32, #tpu.memory_space<vmem_shared>> -> memref<10112x128xf32, #tpu.memory_space<vmem_shared>>
      tpu.wait_indirect_dma semaphore(%run_scoped3A_132 : memref<!tpu.dma_semaphore, #tpu.memory_space<semaphore_mem>>) src(%arg11 : memref<128x128xf32, #tpu.memory_space<vmem>>) dst(%dma_wait3A_144 : memref<10112x128xf32, #tpu.memory_space<vmem_shared>>)
      tpu.yield
    }) : () -> ()
    %dma_start3A_51 = arith.constant 3 : i32
    %dma_start3A_52 = arith.constant 0 : i32
    %dma_start3A_53 = tpu.memref_slice %arg8[%dma_start3A_51, %dma_start3A_52] : memref<8x128xi32, #tpu.memory_space<vmem>> -> memref<1x128xi32, #tpu.memory_space<vmem>>
    %dma_start3A_54 = tpu.memref_squeeze %dma_start3A_53 : memref<1x128xi32, #tpu.memory_space<vmem>> -> memref<128xi32, #tpu.memory_space<vmem>>
    %dma_start3A_55 = arith.constant 0 : i32
    %dma_start3A_56 = arith.constant 0 : i32
    %dma_start3A_57 = tpu.memref_slice %arg2[%dma_start3A_55, %dma_start3A_56] : memref<10000x128xf32, #tpu.memory_space<hbm>> -> memref<10000x128xf32, #tpu.memory_space<hbm>>
    tpu.enqueue_indirect_dma source(%dma_start3A_57 : memref<10000x128xf32, #tpu.memory_space<hbm>>) target(%arg11 : memref<128x128xf32, #tpu.memory_space<vmem>>) offsets(%dma_start3A_54 : memref<128xi32, #tpu.memory_space<vmem>>) semaphore(%arg13 : memref<!tpu.dma_semaphore, #tpu.memory_space<semaphore_mem>>)
    %dma_wait3A_58 = arith.constant 0 : i32
    %dma_wait3A_59 = arith.constant 0 : i32
    %dma_wait3A_60 = tpu.memref_slice %arg5[%dma_wait3A_58, %dma_wait3A_59] : memref<10112x128xf32, #tpu.memory_space<hbm>> -> memref<128x128xf32, #tpu.memory_space<hbm>>
    %dma_wait3A_61 = arith.constant 0 : i32
    %dma_wait3A_62 = arith.constant 0 : i32
    %dma_wait3A_63 = tpu.memref_slice %arg5[%dma_wait3A_61, %dma_wait3A_62] : memref<10112x128xf32, #tpu.memory_space<hbm>> -> memref<128x128xf32, #tpu.memory_space<hbm>>
    tpu.wait_dma2 semaphore(%arg12 : memref<!tpu.dma_semaphore, #tpu.memory_space<semaphore_mem>>) src(%dma_wait3A_63 : memref<128x128xf32, #tpu.memory_space<hbm>>) dst(%arg10 : memref<128x128xf32, #tpu.memory_space<vmem>>)
    %run_scoped3A_64 = arith.constant 2 : i32
    "tpu.region"() ({
      %run_scoped3A_132 = tpu.sem_alloc : memref<!tpu.dma_semaphore, #tpu.memory_space<semaphore_mem>>
      %dma_start3A_133 = arith.constant 0 : i32
      %dma_start3A_134 = tpu.memref_slice %arg9[%run_scoped3A_64, %dma_start3A_133] : memref<8x128xi32, #tpu.memory_space<vmem>> -> memref<1x128xi32, #tpu.memory_space<vmem>>
      %dma_start3A_135 = tpu.memref_squeeze %dma_start3A_134 : memref<1x128xi32, #tpu.memory_space<vmem>> -> memref<128xi32, #tpu.memory_space<vmem>>
      %dma_start3A_136 = arith.constant 0 : i32
      %dma_start3A_137 = arith.constant 0 : i32
      %dma_start3A_138 = tpu.memref_slice %arg7[%dma_start3A_136, %dma_start3A_137] : memref<10112x128xf32, #tpu.memory_space<vmem_shared>> -> memref<10112x128xf32, #tpu.memory_space<vmem_shared>>
      tpu.enqueue_indirect_dma source(%arg10 : memref<128x128xf32, #tpu.memory_space<vmem>>) target(%dma_start3A_138 : memref<10112x128xf32, #tpu.memory_space<vmem_shared>>) offsets(%dma_start3A_135 : memref<128xi32, #tpu.memory_space<vmem>>) semaphore(%run_scoped3A_132 : memref<!tpu.dma_semaphore, #tpu.memory_space<semaphore_mem>>) {add = true}
      %dma_wait3A_139 = arith.constant 0 : i32
      %dma_wait3A_140 = tpu.memref_slice %arg9[%run_scoped3A_64, %dma_wait3A_139] : memref<8x128xi32, #tpu.memory_space<vmem>> -> memref<1x128xi32, #tpu.memory_space<vmem>>
      %dma_wait3A_141 = tpu.memref_squeeze %dma_wait3A_140 : memref<1x128xi32, #tpu.memory_space<vmem>> -> memref<128xi32, #tpu.memory_space<vmem>>
      %dma_wait3A_142 = arith.constant 0 : i32
      %dma_wait3A_143 = arith.constant 0 : i32
      %dma_wait3A_144 = tpu.memref_slice %arg7[%dma_wait3A_142, %dma_wait3A_143] : memref<10112x128xf32, #tpu.memory_space<vmem_shared>> -> memref<10112x128xf32, #tpu.memory_space<vmem_shared>>
      tpu.wait_indirect_dma semaphore(%run_scoped3A_132 : memref<!tpu.dma_semaphore, #tpu.memory_space<semaphore_mem>>) src(%arg10 : memref<128x128xf32, #tpu.memory_space<vmem>>) dst(%dma_wait3A_144 : memref<10112x128xf32, #tpu.memory_space<vmem_shared>>)
      tpu.yield
    }) : () -> ()
    %dma_start3A_65 = arith.constant 4 : i32
    %dma_start3A_66 = arith.constant 0 : i32
    %dma_start3A_67 = tpu.memref_slice %arg8[%dma_start3A_65, %dma_start3A_66] : memref<8x128xi32, #tpu.memory_space<vmem>> -> memref<1x128xi32, #tpu.memory_space<vmem>>
    %dma_start3A_68 = tpu.memref_squeeze %dma_start3A_67 : memref<1x128xi32, #tpu.memory_space<vmem>> -> memref<128xi32, #tpu.memory_space<vmem>>
    %dma_start3A_69 = arith.constant 0 : i32
    %dma_start3A_70 = arith.constant 0 : i32
    %dma_start3A_71 = tpu.memref_slice %arg2[%dma_start3A_69, %dma_start3A_70] : memref<10000x128xf32, #tpu.memory_space<hbm>> -> memref<10000x128xf32, #tpu.memory_space<hbm>>
    tpu.enqueue_indirect_dma source(%dma_start3A_71 : memref<10000x128xf32, #tpu.memory_space<hbm>>) target(%arg10 : memref<128x128xf32, #tpu.memory_space<vmem>>) offsets(%dma_start3A_68 : memref<128xi32, #tpu.memory_space<vmem>>) semaphore(%arg12 : memref<!tpu.dma_semaphore, #tpu.memory_space<semaphore_mem>>)
    %dma_wait3A_72 = arith.constant 0 : i32
    %dma_wait3A_73 = arith.constant 0 : i32
    %dma_wait3A_74 = tpu.memref_slice %arg5[%dma_wait3A_72, %dma_wait3A_73] : memref<10112x128xf32, #tpu.memory_space<hbm>> -> memref<128x128xf32, #tpu.memory_space<hbm>>
    %dma_wait3A_75 = arith.constant 0 : i32
    %dma_wait3A_76 = arith.constant 0 : i32
    %dma_wait3A_77 = tpu.memref_slice %arg5[%dma_wait3A_75, %dma_wait3A_76] : memref<10112x128xf32, #tpu.memory_space<hbm>> -> memref<128x128xf32, #tpu.memory_space<hbm>>
    tpu.wait_dma2 semaphore(%arg13 : memref<!tpu.dma_semaphore, #tpu.memory_space<semaphore_mem>>) src(%dma_wait3A_77 : memref<128x128xf32, #tpu.memory_space<hbm>>) dst(%arg11 : memref<128x128xf32, #tpu.memory_space<vmem>>)
    %run_scoped3A_78 = arith.constant 3 : i32
    "tpu.region"() ({
      %run_scoped3A_132 = tpu.sem_alloc : memref<!tpu.dma_semaphore, #tpu.memory_space<semaphore_mem>>
      %dma_start3A_133 = arith.constant 0 : i32
      %dma_start3A_134 = tpu.memref_slice %arg9[%run_scoped3A_78, %dma_start3A_133] : memref<8x128xi32, #tpu.memory_space<vmem>> -> memref<1x128xi32, #tpu.memory_space<vmem>>
      %dma_start3A_135 = tpu.memref_squeeze %dma_start3A_134 : memref<1x128xi32, #tpu.memory_space<vmem>> -> memref<128xi32, #tpu.memory_space<vmem>>
      %dma_start3A_136 = arith.constant 0 : i32
      %dma_start3A_137 = arith.constant 0 : i32
      %dma_start3A_138 = tpu.memref_slice %arg7[%dma_start3A_136, %dma_start3A_137] : memref<10112x128xf32, #tpu.memory_space<vmem_shared>> -> memref<10112x128xf32, #tpu.memory_space<vmem_shared>>
      tpu.enqueue_indirect_dma source(%arg11 : memref<128x128xf32, #tpu.memory_space<vmem>>) target(%dma_start3A_138 : memref<10112x128xf32, #tpu.memory_space<vmem_shared>>) offsets(%dma_start3A_135 : memref<128xi32, #tpu.memory_space<vmem>>) semaphore(%run_scoped3A_132 : memref<!tpu.dma_semaphore, #tpu.memory_space<semaphore_mem>>) {add = true}
      %dma_wait3A_139 = arith.constant 0 : i32
      %dma_wait3A_140 = tpu.memref_slice %arg9[%run_scoped3A_78, %dma_wait3A_139] : memref<8x128xi32, #tpu.memory_space<vmem>> -> memref<1x128xi32, #tpu.memory_space<vmem>>
      %dma_wait3A_141 = tpu.memref_squeeze %dma_wait3A_140 : memref<1x128xi32, #tpu.memory_space<vmem>> -> memref<128xi32, #tpu.memory_space<vmem>>
      %dma_wait3A_142 = arith.constant 0 : i32
      %dma_wait3A_143 = arith.constant 0 : i32
      %dma_wait3A_144 = tpu.memref_slice %arg7[%dma_wait3A_142, %dma_wait3A_143] : memref<10112x128xf32, #tpu.memory_space<vmem_shared>> -> memref<10112x128xf32, #tpu.memory_space<vmem_shared>>
      tpu.wait_indirect_dma semaphore(%run_scoped3A_132 : memref<!tpu.dma_semaphore, #tpu.memory_space<semaphore_mem>>) src(%arg11 : memref<128x128xf32, #tpu.memory_space<vmem>>) dst(%dma_wait3A_144 : memref<10112x128xf32, #tpu.memory_space<vmem_shared>>)
      tpu.yield
    }) : () -> ()
    %dma_start3A_79 = arith.constant 5 : i32
    %dma_start3A_80 = arith.constant 0 : i32
    %dma_start3A_81 = tpu.memref_slice %arg8[%dma_start3A_79, %dma_start3A_80] : memref<8x128xi32, #tpu.memory_space<vmem>> -> memref<1x128xi32, #tpu.memory_space<vmem>>
    %dma_start3A_82 = tpu.memref_squeeze %dma_start3A_81 : memref<1x128xi32, #tpu.memory_space<vmem>> -> memref<128xi32, #tpu.memory_space<vmem>>
    %dma_start3A_83 = arith.constant 0 : i32
    %dma_start3A_84 = arith.constant 0 : i32
    %dma_start3A_85 = tpu.memref_slice %arg2[%dma_start3A_83, %dma_start3A_84] : memref<10000x128xf32, #tpu.memory_space<hbm>> -> memref<10000x128xf32, #tpu.memory_space<hbm>>
    tpu.enqueue_indirect_dma source(%dma_start3A_85 : memref<10000x128xf32, #tpu.memory_space<hbm>>) target(%arg11 : memref<128x128xf32, #tpu.memory_space<vmem>>) offsets(%dma_start3A_82 : memref<128xi32, #tpu.memory_space<vmem>>) semaphore(%arg13 : memref<!tpu.dma_semaphore, #tpu.memory_space<semaphore_mem>>)
    %dma_wait3A_86 = arith.constant 0 : i32
    %dma_wait3A_87 = arith.constant 0 : i32
    %dma_wait3A_88 = tpu.memref_slice %arg5[%dma_wait3A_86, %dma_wait3A_87] : memref<10112x128xf32, #tpu.memory_space<hbm>> -> memref<128x128xf32, #tpu.memory_space<hbm>>
    %dma_wait3A_89 = arith.constant 0 : i32
    %dma_wait3A_90 = arith.constant 0 : i32
    %dma_wait3A_91 = tpu.memref_slice %arg5[%dma_wait3A_89, %dma_wait3A_90] : memref<10112x128xf32, #tpu.memory_space<hbm>> -> memref<128x128xf32, #tpu.memory_space<hbm>>
    tpu.wait_dma2 semaphore(%arg12 : memref<!tpu.dma_semaphore, #tpu.memory_space<semaphore_mem>>) src(%dma_wait3A_91 : memref<128x128xf32, #tpu.memory_space<hbm>>) dst(%arg10 : memref<128x128xf32, #tpu.memory_space<vmem>>)
    %run_scoped3A_92 = arith.constant 4 : i32
    "tpu.region"() ({
      %run_scoped3A_132 = tpu.sem_alloc : memref<!tpu.dma_semaphore, #tpu.memory_space<semaphore_mem>>
      %dma_start3A_133 = arith.constant 0 : i32
      %dma_start3A_134 = tpu.memref_slice %arg9[%run_scoped3A_92, %dma_start3A_133] : memref<8x128xi32, #tpu.memory_space<vmem>> -> memref<1x128xi32, #tpu.memory_space<vmem>>
      %dma_start3A_135 = tpu.memref_squeeze %dma_start3A_134 : memref<1x128xi32, #tpu.memory_space<vmem>> -> memref<128xi32, #tpu.memory_space<vmem>>
      %dma_start3A_136 = arith.constant 0 : i32
      %dma_start3A_137 = arith.constant 0 : i32
      %dma_start3A_138 = tpu.memref_slice %arg7[%dma_start3A_136, %dma_start3A_137] : memref<10112x128xf32, #tpu.memory_space<vmem_shared>> -> memref<10112x128xf32, #tpu.memory_space<vmem_shared>>
      tpu.enqueue_indirect_dma source(%arg10 : memref<128x128xf32, #tpu.memory_space<vmem>>) target(%dma_start3A_138 : memref<10112x128xf32, #tpu.memory_space<vmem_shared>>) offsets(%dma_start3A_135 : memref<128xi32, #tpu.memory_space<vmem>>) semaphore(%run_scoped3A_132 : memref<!tpu.dma_semaphore, #tpu.memory_space<semaphore_mem>>) {add = true}
      %dma_wait3A_139 = arith.constant 0 : i32
      %dma_wait3A_140 = tpu.memref_slice %arg9[%run_scoped3A_92, %dma_wait3A_139] : memref<8x128xi32, #tpu.memory_space<vmem>> -> memref<1x128xi32, #tpu.memory_space<vmem>>
      %dma_wait3A_141 = tpu.memref_squeeze %dma_wait3A_140 : memref<1x128xi32, #tpu.memory_space<vmem>> -> memref<128xi32, #tpu.memory_space<vmem>>
      %dma_wait3A_142 = arith.constant 0 : i32
      %dma_wait3A_143 = arith.constant 0 : i32
      %dma_wait3A_144 = tpu.memref_slice %arg7[%dma_wait3A_142, %dma_wait3A_143] : memref<10112x128xf32, #tpu.memory_space<vmem_shared>> -> memref<10112x128xf32, #tpu.memory_space<vmem_shared>>
      tpu.wait_indirect_dma semaphore(%run_scoped3A_132 : memref<!tpu.dma_semaphore, #tpu.memory_space<semaphore_mem>>) src(%arg10 : memref<128x128xf32, #tpu.memory_space<vmem>>) dst(%dma_wait3A_144 : memref<10112x128xf32, #tpu.memory_space<vmem_shared>>)
      tpu.yield
    }) : () -> ()
    %dma_start3A_93 = arith.constant 6 : i32
    %dma_start3A_94 = arith.constant 0 : i32
    %dma_start3A_95 = tpu.memref_slice %arg8[%dma_start3A_93, %dma_start3A_94] : memref<8x128xi32, #tpu.memory_space<vmem>> -> memref<1x128xi32, #tpu.memory_space<vmem>>
    %dma_start3A_96 = tpu.memref_squeeze %dma_start3A_95 : memref<1x128xi32, #tpu.memory_space<vmem>> -> memref<128xi32, #tpu.memory_space<vmem>>
    %dma_start3A_97 = arith.constant 0 : i32
    %dma_start3A_98 = arith.constant 0 : i32
    %dma_start3A_99 = tpu.memref_slice %arg2[%dma_start3A_97, %dma_start3A_98] : memref<10000x128xf32, #tpu.memory_space<hbm>> -> memref<10000x128xf32, #tpu.memory_space<hbm>>
    tpu.enqueue_indirect_dma source(%dma_start3A_99 : memref<10000x128xf32, #tpu.memory_space<hbm>>) target(%arg10 : memref<128x128xf32, #tpu.memory_space<vmem>>) offsets(%dma_start3A_96 : memref<128xi32, #tpu.memory_space<vmem>>) semaphore(%arg12 : memref<!tpu.dma_semaphore, #tpu.memory_space<semaphore_mem>>)
    %dma_wait3A_100 = arith.constant 0 : i32
    %dma_wait3A_101 = arith.constant 0 : i32
    %dma_wait3A_102 = tpu.memref_slice %arg5[%dma_wait3A_100, %dma_wait3A_101] : memref<10112x128xf32, #tpu.memory_space<hbm>> -> memref<128x128xf32, #tpu.memory_space<hbm>>
    %dma_wait3A_103 = arith.constant 0 : i32
    %dma_wait3A_104 = arith.constant 0 : i32
    %dma_wait3A_105 = tpu.memref_slice %arg5[%dma_wait3A_103, %dma_wait3A_104] : memref<10112x128xf32, #tpu.memory_space<hbm>> -> memref<128x128xf32, #tpu.memory_space<hbm>>
    tpu.wait_dma2 semaphore(%arg13 : memref<!tpu.dma_semaphore, #tpu.memory_space<semaphore_mem>>) src(%dma_wait3A_105 : memref<128x128xf32, #tpu.memory_space<hbm>>) dst(%arg11 : memref<128x128xf32, #tpu.memory_space<vmem>>)
    %run_scoped3A_106 = arith.constant 5 : i32
    "tpu.region"() ({
      %run_scoped3A_132 = tpu.sem_alloc : memref<!tpu.dma_semaphore, #tpu.memory_space<semaphore_mem>>
      %dma_start3A_133 = arith.constant 0 : i32
      %dma_start3A_134 = tpu.memref_slice %arg9[%run_scoped3A_106, %dma_start3A_133] : memref<8x128xi32, #tpu.memory_space<vmem>> -> memref<1x128xi32, #tpu.memory_space<vmem>>
      %dma_start3A_135 = tpu.memref_squeeze %dma_start3A_134 : memref<1x128xi32, #tpu.memory_space<vmem>> -> memref<128xi32, #tpu.memory_space<vmem>>
      %dma_start3A_136 = arith.constant 0 : i32
      %dma_start3A_137 = arith.constant 0 : i32
      %dma_start3A_138 = tpu.memref_slice %arg7[%dma_start3A_136, %dma_start3A_137] : memref<10112x128xf32, #tpu.memory_space<vmem_shared>> -> memref<10112x128xf32, #tpu.memory_space<vmem_shared>>
      tpu.enqueue_indirect_dma source(%arg11 : memref<128x128xf32, #tpu.memory_space<vmem>>) target(%dma_start3A_138 : memref<10112x128xf32, #tpu.memory_space<vmem_shared>>) offsets(%dma_start3A_135 : memref<128xi32, #tpu.memory_space<vmem>>) semaphore(%run_scoped3A_132 : memref<!tpu.dma_semaphore, #tpu.memory_space<semaphore_mem>>) {add = true}
      %dma_wait3A_139 = arith.constant 0 : i32
      %dma_wait3A_140 = tpu.memref_slice %arg9[%run_scoped3A_106, %dma_wait3A_139] : memref<8x128xi32, #tpu.memory_space<vmem>> -> memref<1x128xi32, #tpu.memory_space<vmem>>
      %dma_wait3A_141 = tpu.memref_squeeze %dma_wait3A_140 : memref<1x128xi32, #tpu.memory_space<vmem>> -> memref<128xi32, #tpu.memory_space<vmem>>
      %dma_wait3A_142 = arith.constant 0 : i32
      %dma_wait3A_143 = arith.constant 0 : i32
      %dma_wait3A_144 = tpu.memref_slice %arg7[%dma_wait3A_142, %dma_wait3A_143] : memref<10112x128xf32, #tpu.memory_space<vmem_shared>> -> memref<10112x128xf32, #tpu.memory_space<vmem_shared>>
      tpu.wait_indirect_dma semaphore(%run_scoped3A_132 : memref<!tpu.dma_semaphore, #tpu.memory_space<semaphore_mem>>) src(%arg11 : memref<128x128xf32, #tpu.memory_space<vmem>>) dst(%dma_wait3A_144 : memref<10112x128xf32, #tpu.memory_space<vmem_shared>>)
      tpu.yield
    }) : () -> ()
    %dma_start3A_107 = arith.constant 7 : i32
    %dma_start3A_108 = arith.constant 0 : i32
    %dma_start3A_109 = tpu.memref_slice %arg8[%dma_start3A_107, %dma_start3A_108] : memref<8x128xi32, #tpu.memory_space<vmem>> -> memref<1x128xi32, #tpu.memory_space<vmem>>
    %dma_start3A_110 = tpu.memref_squeeze %dma_start3A_109 : memref<1x128xi32, #tpu.memory_space<vmem>> -> memref<128xi32, #tpu.memory_space<vmem>>
    %dma_start3A_111 = arith.constant 0 : i32
    %dma_start3A_112 = arith.constant 0 : i32
    %dma_start3A_113 = tpu.memref_slice %arg2[%dma_start3A_111, %dma_start3A_112] : memref<10000x128xf32, #tpu.memory_space<hbm>> -> memref<10000x128xf32, #tpu.memory_space<hbm>>
    tpu.enqueue_indirect_dma source(%dma_start3A_113 : memref<10000x128xf32, #tpu.memory_space<hbm>>) target(%arg11 : memref<128x128xf32, #tpu.memory_space<vmem>>) offsets(%dma_start3A_110 : memref<128xi32, #tpu.memory_space<vmem>>) semaphore(%arg13 : memref<!tpu.dma_semaphore, #tpu.memory_space<semaphore_mem>>)
    %dma_wait3A_114 = arith.constant 0 : i32
    %dma_wait3A_115 = arith.constant 0 : i32
    %dma_wait3A_116 = tpu.memref_slice %arg5[%dma_wait3A_114, %dma_wait3A_115] : memref<10112x128xf32, #tpu.memory_space<hbm>> -> memref<128x128xf32, #tpu.memory_space<hbm>>
    %dma_wait3A_117 = arith.constant 0 : i32
    %dma_wait3A_118 = arith.constant 0 : i32
    %dma_wait3A_119 = tpu.memref_slice %arg5[%dma_wait3A_117, %dma_wait3A_118] : memref<10112x128xf32, #tpu.memory_space<hbm>> -> memref<128x128xf32, #tpu.memory_space<hbm>>
    tpu.wait_dma2 semaphore(%arg12 : memref<!tpu.dma_semaphore, #tpu.memory_space<semaphore_mem>>) src(%dma_wait3A_119 : memref<128x128xf32, #tpu.memory_space<hbm>>) dst(%arg10 : memref<128x128xf32, #tpu.memory_space<vmem>>)
    %run_scoped3A_120 = arith.constant 6 : i32
    "tpu.region"() ({
      %run_scoped3A_132 = tpu.sem_alloc : memref<!tpu.dma_semaphore, #tpu.memory_space<semaphore_mem>>
      %dma_start3A_133 = arith.constant 0 : i32
      %dma_start3A_134 = tpu.memref_slice %arg9[%run_scoped3A_120, %dma_start3A_133] : memref<8x128xi32, #tpu.memory_space<vmem>> -> memref<1x128xi32, #tpu.memory_space<vmem>>
      %dma_start3A_135 = tpu.memref_squeeze %dma_start3A_134 : memref<1x128xi32, #tpu.memory_space<vmem>> -> memref<128xi32, #tpu.memory_space<vmem>>
      %dma_start3A_136 = arith.constant 0 : i32
      %dma_start3A_137 = arith.constant 0 : i32
      %dma_start3A_138 = tpu.memref_slice %arg7[%dma_start3A_136, %dma_start3A_137] : memref<10112x128xf32, #tpu.memory_space<vmem_shared>> -> memref<10112x128xf32, #tpu.memory_space<vmem_shared>>
      tpu.enqueue_indirect_dma source(%arg10 : memref<128x128xf32, #tpu.memory_space<vmem>>) target(%dma_start3A_138 : memref<10112x128xf32, #tpu.memory_space<vmem_shared>>) offsets(%dma_start3A_135 : memref<128xi32, #tpu.memory_space<vmem>>) semaphore(%run_scoped3A_132 : memref<!tpu.dma_semaphore, #tpu.memory_space<semaphore_mem>>) {add = true}
      %dma_wait3A_139 = arith.constant 0 : i32
      %dma_wait3A_140 = tpu.memref_slice %arg9[%run_scoped3A_120, %dma_wait3A_139] : memref<8x128xi32, #tpu.memory_space<vmem>> -> memref<1x128xi32, #tpu.memory_space<vmem>>
      %dma_wait3A_141 = tpu.memref_squeeze %dma_wait3A_140 : memref<1x128xi32, #tpu.memory_space<vmem>> -> memref<128xi32, #tpu.memory_space<vmem>>
      %dma_wait3A_142 = arith.constant 0 : i32
      %dma_wait3A_143 = arith.constant 0 : i32
      %dma_wait3A_144 = tpu.memref_slice %arg7[%dma_wait3A_142, %dma_wait3A_143] : memref<10112x128xf32, #tpu.memory_space<vmem_shared>> -> memref<10112x128xf32, #tpu.memory_space<vmem_shared>>
      tpu.wait_indirect_dma semaphore(%run_scoped3A_132 : memref<!tpu.dma_semaphore, #tpu.memory_space<semaphore_mem>>) src(%arg10 : memref<128x128xf32, #tpu.memory_space<vmem>>) dst(%dma_wait3A_144 : memref<10112x128xf32, #tpu.memory_space<vmem_shared>>)
      tpu.yield
    }) : () -> ()
    %dma_wait3A_121 = arith.constant 0 : i32
    %dma_wait3A_122 = arith.constant 0 : i32
    %dma_wait3A_123 = tpu.memref_slice %arg5[%dma_wait3A_121, %dma_wait3A_122] : memref<10112x128xf32, #tpu.memory_space<hbm>> -> memref<128x128xf32, #tpu.memory_space<hbm>>
    %dma_wait3A_124 = arith.constant 0 : i32
    %dma_wait3A_125 = arith.constant 0 : i32
    %dma_wait3A_126 = tpu.memref_slice %arg5[%dma_wait3A_124, %dma_wait3A_125] : memref<10112x128xf32, #tpu.memory_space<hbm>> -> memref<128x128xf32, #tpu.memory_space<hbm>>
    tpu.wait_dma2 semaphore(%arg13 : memref<!tpu.dma_semaphore, #tpu.memory_space<semaphore_mem>>) src(%dma_wait3A_126 : memref<128x128xf32, #tpu.memory_space<hbm>>) dst(%arg11 : memref<128x128xf32, #tpu.memory_space<vmem>>)
    %run_scoped3A_127 = arith.constant 7 : i32
    "tpu.region"() ({
      %run_scoped3A_132 = tpu.sem_alloc : memref<!tpu.dma_semaphore, #tpu.memory_space<semaphore_mem>>
      %dma_start3A_133 = arith.constant 0 : i32
      %dma_start3A_134 = tpu.memref_slice %arg9[%run_scoped3A_127, %dma_start3A_133] : memref<8x128xi32, #tpu.memory_space<vmem>> -> memref<1x128xi32, #tpu.memory_space<vmem>>
      %dma_start3A_135 = tpu.memref_squeeze %dma_start3A_134 : memref<1x128xi32, #tpu.memory_space<vmem>> -> memref<128xi32, #tpu.memory_space<vmem>>
      %dma_start3A_136 = arith.constant 0 : i32
      %dma_start3A_137 = arith.constant 0 : i32
      %dma_start3A_138 = tpu.memref_slice %arg7[%dma_start3A_136, %dma_start3A_137] : memref<10112x128xf32, #tpu.memory_space<vmem_shared>> -> memref<10112x128xf32, #tpu.memory_space<vmem_shared>>
      tpu.enqueue_indirect_dma source(%arg11 : memref<128x128xf32, #tpu.memory_space<vmem>>) target(%dma_start3A_138 : memref<10112x128xf32, #tpu.memory_space<vmem_shared>>) offsets(%dma_start3A_135 : memref<128xi32, #tpu.memory_space<vmem>>) semaphore(%run_scoped3A_132 : memref<!tpu.dma_semaphore, #tpu.memory_space<semaphore_mem>>) {add = true}
      %dma_wait3A_139 = arith.constant 0 : i32
      %dma_wait3A_140 = tpu.memref_slice %arg9[%run_scoped3A_127, %dma_wait3A_139] : memref<8x128xi32, #tpu.memory_space<vmem>> -> memref<1x128xi32, #tpu.memory_space<vmem>>
      %dma_wait3A_141 = tpu.memref_squeeze %dma_wait3A_140 : memref<1x128xi32, #tpu.memory_space<vmem>> -> memref<128xi32, #tpu.memory_space<vmem>>
      %dma_wait3A_142 = arith.constant 0 : i32
      %dma_wait3A_143 = arith.constant 0 : i32
      %dma_wait3A_144 = tpu.memref_slice %arg7[%dma_wait3A_142, %dma_wait3A_143] : memref<10112x128xf32, #tpu.memory_space<vmem_shared>> -> memref<10112x128xf32, #tpu.memory_space<vmem_shared>>
      tpu.wait_indirect_dma semaphore(%run_scoped3A_132 : memref<!tpu.dma_semaphore, #tpu.memory_space<semaphore_mem>>) src(%arg11 : memref<128x128xf32, #tpu.memory_space<vmem>>) dst(%dma_wait3A_144 : memref<10112x128xf32, #tpu.memory_space<vmem_shared>>)
      tpu.yield
    }) : () -> ()
    %barrier3A_128 = arith.constant 0 : index
    tpu.barrier barrier_id(%barrier3A_128)
    %mul3A_129 = arith.constant 10112 : i32
    %mul3A_130 = arith.muli %arg0, %mul3A_129 : i32
    %add3A_131 = arith.addi %mul3A_130, %mul3A_2 : i32
    "tpu.region"() ({
      %run_scoped3A_132 = tpu.sem_alloc : memref<!tpu.dma_semaphore, #tpu.memory_space<semaphore_mem>>
      %dma_start3A_133 = arith.constant 0 : i32
      %dma_start3A_134 = tpu.memref_slice %arg6[%add3A_131, %dma_start3A_133] : memref<20224x128xf32, #tpu.memory_space<hbm>> -> memref<632x128xf32, #tpu.memory_space<hbm>>
      %dma_start3A_135 = arith.constant 0 : i32
      %dma_start3A_136 = tpu.memref_slice %arg7[%mul3A_2, %dma_start3A_135] : memref<10112x128xf32, #tpu.memory_space<vmem_shared>> -> memref<632x128xf32, #tpu.memory_space<vmem_shared>>
      tpu.enqueue_dma source(%dma_start3A_136 : memref<632x128xf32, #tpu.memory_space<vmem_shared>>) target(%dma_start3A_134 : memref<632x128xf32, #tpu.memory_space<hbm>>) target_semaphore(%run_scoped3A_132 : memref<!tpu.dma_semaphore, #tpu.memory_space<semaphore_mem>>)
      %dma_wait3A_137 = arith.constant 0 : i32
      %dma_wait3A_138 = tpu.memref_slice %arg6[%add3A_131, %dma_wait3A_137] : memref<20224x128xf32, #tpu.memory_space<hbm>> -> memref<632x128xf32, #tpu.memory_space<hbm>>
      %dma_wait3A_139 = arith.constant 0 : i32
      %dma_wait3A_140 = tpu.memref_slice %arg7[%mul3A_2, %dma_wait3A_139] : memref<10112x128xf32, #tpu.memory_space<vmem_shared>> -> memref<632x128xf32, #tpu.memory_space<vmem_shared>>
      tpu.wait_dma2 semaphore(%run_scoped3A_132 : memref<!tpu.dma_semaphore, #tpu.memory_space<semaphore_mem>>) src(%dma_wait3A_140 : memref<632x128xf32, #tpu.memory_space<vmem_shared>>) dst(%dma_wait3A_138 : memref<632x128xf32, #tpu.memory_space<hbm>>)
      tpu.yield
    }) : () -> ()
    return
  }
}

#map = affine_map<(d0, d1) -> (0, 0)>
#map1 = affine_map<(d0, d1) -> (0, 0, 0, 0)>
module attributes {stable_mosaic.version = 14 : i64} {
  func.func @_agg_body(%arg0: i32, %arg1: i32, %arg2: memref<10000x128xf32, #tpu.memory_space<hbm>>, %arg3: memref<32x19x8x128xi32, #tpu.memory_space<hbm>>, %arg4: memref<32x19x8x128xi32, #tpu.memory_space<hbm>>, %arg5: memref<10112x128xf32, #tpu.memory_space<hbm>>, %arg6: memref<20224x128xf32, #tpu.memory_space<hbm>>, %arg7: memref<10112x128xf32, #tpu.memory_space<vmem_shared>>, %arg8: memref<8x128xi32, #tpu.memory_space<vmem>>, %arg9: memref<8x128xi32, #tpu.memory_space<vmem>>, %arg10: memref<128x128xf32, #tpu.memory_space<vmem>>, %arg11: memref<128x128xf32, #tpu.memory_space<vmem>>, %arg12: memref<!tpu.dma_semaphore, #tpu.memory_space<semaphore_mem>>, %arg13: memref<!tpu.dma_semaphore, #tpu.memory_space<semaphore_mem>>) attributes {dimension_semantics = [#tpu.dimension_semantics<core_parallel>, #tpu.dimension_semantics<subcore_parallel>], iteration_bounds = array<i64: 2, 16>, scalar_prefetch = 0 : i64, scratch_operands = 7 : i64, tpu.core_type = #tpu.core_type<sc_vector_subcore>, window_params = [{transform_indices = #map}, {transform_indices = #map1}, {transform_indices = #map1}, {transform_indices = #map}, {transform_indices = #map}]} {
    %mul3A = arith.constant 16 : i32
    %mul3A_0 = arith.muli %arg0, %mul3A : i32
    %add3A = arith.addi %mul3A_0, %arg1 : i32
    %mul3A_1 = arith.constant 632 : i32
    %mul3A_2 = arith.muli %arg1, %mul3A_1 : i32
    %eq3A = arith.constant 0 : i32
    %eq3A_3 = arith.cmpi eq, %arg0, %eq3A : i32
    %jit3A = arith.constant 19 : i32
    %jit3A_4 = arith.constant 1 : i32
    %select_n3A = arith.select %eq3A_3, %jit3A, %jit3A_4 : i32
    "tpu.region"() ({
      %run_scoped3A_132 = tpu.sem_alloc : memref<!tpu.dma_semaphore, #tpu.memory_space<semaphore_mem>>
      %dma_start3A_133 = arith.constant 0 : i32
      %dma_start3A_134 = tpu.memref_slice %arg7[%mul3A_2, %dma_start3A_133] : memref<10112x128xf32, #tpu.memory_space<vmem_shared>> -> memref<632x128xf32, #tpu.memory_space<vmem_shared>>
      %dma_start3A_135 = arith.constant 0 : i32
      %dma_start3A_136 = arith.constant 0 : i32
      %dma_start3A_137 = tpu.memref_slice %arg5[%dma_start3A_135, %dma_start3A_136] : memref<10112x128xf32, #tpu.memory_space<hbm>> -> memref<632x128xf32, #tpu.memory_space<hbm>>
      tpu.enqueue_dma source(%dma_start3A_137 : memref<632x128xf32, #tpu.memory_space<hbm>>) target(%dma_start3A_134 : memref<632x128xf32, #tpu.memory_space<vmem_shared>>) target_semaphore(%run_scoped3A_132 : memref<!tpu.dma_semaphore, #tpu.memory_space<semaphore_mem>>)
      %dma_wait3A_138 = arith.constant 0 : i32
      %dma_wait3A_139 = tpu.memref_slice %arg7[%mul3A_2, %dma_wait3A_138] : memref<10112x128xf32, #tpu.memory_space<vmem_shared>> -> memref<632x128xf32, #tpu.memory_space<vmem_shared>>
      %dma_wait3A_140 = arith.constant 0 : i32
      %dma_wait3A_141 = arith.constant 0 : i32
      %dma_wait3A_142 = tpu.memref_slice %arg5[%dma_wait3A_140, %dma_wait3A_141] : memref<10112x128xf32, #tpu.memory_space<hbm>> -> memref<632x128xf32, #tpu.memory_space<hbm>>
      tpu.wait_dma2 semaphore(%run_scoped3A_132 : memref<!tpu.dma_semaphore, #tpu.memory_space<semaphore_mem>>) src(%dma_wait3A_142 : memref<632x128xf32, #tpu.memory_space<hbm>>) dst(%dma_wait3A_139 : memref<632x128xf32, #tpu.memory_space<vmem_shared>>)
      tpu.yield
    }) : () -> ()
    %run_scoped3A = arith.constant 0 : i32
    "tpu.region"() ({
      %run_scoped3A_132 = tpu.sem_alloc : memref<!tpu.dma_semaphore, #tpu.memory_space<semaphore_mem>>
      %dma_start3A_133 = arith.constant 0 : i32
      %dma_start3A_134 = arith.constant 0 : i32
      %dma_start3A_135 = tpu.memref_slice %arg3[%add3A, %run_scoped3A, %dma_start3A_133, %dma_start3A_134] : memref<32x19x8x128xi32, #tpu.memory_space<hbm>> -> memref<1x1x8x128xi32, #tpu.memory_space<hbm>>
      %dma_start3A_136 = tpu.memref_squeeze %dma_start3A_135 : memref<1x1x8x128xi32, #tpu.memory_space<hbm>> -> memref<8x128xi32, #tpu.memory_space<hbm>>
      %dma_start3A_137 = arith.constant 0 : i32
      %dma_start3A_138 = arith.constant 0 : i32
      %dma_start3A_139 = tpu.memref_slice %arg3[%add3A, %run_scoped3A, %dma_start3A_137, %dma_start3A_138] : memref<32x19x8x128xi32, #tpu.memory_space<hbm>> -> memref<1x1x8x128xi32, #tpu.memory_space<hbm>>
      %dma_start3A_140 = tpu.memref_squeeze %dma_start3A_139 : memref<1x1x8x128xi32, #tpu.memory_space<hbm>> -> memref<8x128xi32, #tpu.memory_space<hbm>>
      tpu.enqueue_dma source(%dma_start3A_140 : memref<8x128xi32, #tpu.memory_space<hbm>>) target(%arg8 : memref<8x128xi32, #tpu.memory_space<vmem>>) target_semaphore(%run_scoped3A_132 : memref<!tpu.dma_semaphore, #tpu.memory_space<semaphore_mem>>)
      %dma_wait3A_141 = arith.constant 0 : i32
      %dma_wait3A_142 = arith.constant 0 : i32
      %dma_wait3A_143 = tpu.memref_slice %arg3[%add3A, %run_scoped3A, %dma_wait3A_141, %dma_wait3A_142] : memref<32x19x8x128xi32, #tpu.memory_space<hbm>> -> memref<1x1x8x128xi32, #tpu.memory_space<hbm>>
      %dma_wait3A_144 = tpu.memref_squeeze %dma_wait3A_143 : memref<1x1x8x128xi32, #tpu.memory_space<hbm>> -> memref<8x128xi32, #tpu.memory_space<hbm>>
      %dma_wait3A_145 = arith.constant 0 : i32
      %dma_wait3A_146 = arith.constant 0 : i32
      %dma_wait3A_147 = tpu.memref_slice %arg3[%add3A, %run_scoped3A, %dma_wait3A_145, %dma_wait3A_146] : memref<32x19x8x128xi32, #tpu.memory_space<hbm>> -> memref<1x1x8x128xi32, #tpu.memory_space<hbm>>
      %dma_wait3A_148 = tpu.memref_squeeze %dma_wait3A_147 : memref<1x1x8x128xi32, #tpu.memory_space<hbm>> -> memref<8x128xi32, #tpu.memory_space<hbm>>
      tpu.wait_dma2 semaphore(%run_scoped3A_132 : memref<!tpu.dma_semaphore, #tpu.memory_space<semaphore_mem>>) src(%dma_wait3A_148 : memref<8x128xi32, #tpu.memory_space<hbm>>) dst(%arg8 : memref<8x128xi32, #tpu.memory_space<vmem>>)
      tpu.yield
    }) : () -> ()
    %run_scoped3A_5 = arith.constant 0 : i32
    "tpu.region"() ({
      %run_scoped3A_132 = tpu.sem_alloc : memref<!tpu.dma_semaphore, #tpu.memory_space<semaphore_mem>>
      %dma_start3A_133 = arith.constant 0 : i32
      %dma_start3A_134 = arith.constant 0 : i32
      %dma_start3A_135 = tpu.memref_slice %arg4[%add3A, %run_scoped3A_5, %dma_start3A_133, %dma_start3A_134] : memref<32x19x8x128xi32, #tpu.memory_space<hbm>> -> memref<1x1x8x128xi32, #tpu.memory_space<hbm>>
      %dma_start3A_136 = tpu.memref_squeeze %dma_start3A_135 : memref<1x1x8x128xi32, #tpu.memory_space<hbm>> -> memref<8x128xi32, #tpu.memory_space<hbm>>
      %dma_start3A_137 = arith.constant 0 : i32
      %dma_start3A_138 = arith.constant 0 : i32
      %dma_start3A_139 = tpu.memref_slice %arg4[%add3A, %run_scoped3A_5, %dma_start3A_137, %dma_start3A_138] : memref<32x19x8x128xi32, #tpu.memory_space<hbm>> -> memref<1x1x8x128xi32, #tpu.memory_space<hbm>>
      %dma_start3A_140 = tpu.memref_squeeze %dma_start3A_139 : memref<1x1x8x128xi32, #tpu.memory_space<hbm>> -> memref<8x128xi32, #tpu.memory_space<hbm>>
      tpu.enqueue_dma source(%dma_start3A_140 : memref<8x128xi32, #tpu.memory_space<hbm>>) target(%arg9 : memref<8x128xi32, #tpu.memory_space<vmem>>) target_semaphore(%run_scoped3A_132 : memref<!tpu.dma_semaphore, #tpu.memory_space<semaphore_mem>>)
      %dma_wait3A_141 = arith.constant 0 : i32
      %dma_wait3A_142 = arith.constant 0 : i32
      %dma_wait3A_143 = tpu.memref_slice %arg4[%add3A, %run_scoped3A_5, %dma_wait3A_141, %dma_wait3A_142] : memref<32x19x8x128xi32, #tpu.memory_space<hbm>> -> memref<1x1x8x128xi32, #tpu.memory_space<hbm>>
      %dma_wait3A_144 = tpu.memref_squeeze %dma_wait3A_143 : memref<1x1x8x128xi32, #tpu.memory_space<hbm>> -> memref<8x128xi32, #tpu.memory_space<hbm>>
      %dma_wait3A_145 = arith.constant 0 : i32
      %dma_wait3A_146 = arith.constant 0 : i32
      %dma_wait3A_147 = tpu.memref_slice %arg4[%add3A, %run_scoped3A_5, %dma_wait3A_145, %dma_wait3A_146] : memref<32x19x8x128xi32, #tpu.memory_space<hbm>> -> memref<1x1x8x128xi32, #tpu.memory_space<hbm>>
      %dma_wait3A_148 = tpu.memref_squeeze %dma_wait3A_147 : memref<1x1x8x128xi32, #tpu.memory_space<hbm>> -> memref<8x128xi32, #tpu.memory_space<hbm>>
      tpu.wait_dma2 semaphore(%run_scoped3A_132 : memref<!tpu.dma_semaphore, #tpu.memory_space<semaphore_mem>>) src(%dma_wait3A_148 : memref<8x128xi32, #tpu.memory_space<hbm>>) dst(%arg9 : memref<8x128xi32, #tpu.memory_space<vmem>>)
      tpu.yield
    }) : () -> ()
    %barrier3A = arith.constant 0 : index
    tpu.barrier barrier_id(%barrier3A)
    %dma_start3A = arith.constant 0 : i32
    %dma_start3A_6 = arith.constant 0 : i32
    %dma_start3A_7 = tpu.memref_slice %arg8[%dma_start3A, %dma_start3A_6] : memref<8x128xi32, #tpu.memory_space<vmem>> -> memref<1x128xi32, #tpu.memory_space<vmem>>
    %dma_start3A_8 = tpu.memref_squeeze %dma_start3A_7 : memref<1x128xi32, #tpu.memory_space<vmem>> -> memref<128xi32, #tpu.memory_space<vmem>>
    %dma_start3A_9 = arith.constant 0 : i32
    %dma_start3A_10 = arith.constant 0 : i32
    %dma_start3A_11 = tpu.memref_slice %arg2[%dma_start3A_9, %dma_start3A_10] : memref<10000x128xf32, #tpu.memory_space<hbm>> -> memref<10000x128xf32, #tpu.memory_space<hbm>>
    tpu.enqueue_indirect_dma source(%dma_start3A_11 : memref<10000x128xf32, #tpu.memory_space<hbm>>) target(%arg10 : memref<128x128xf32, #tpu.memory_space<vmem>>) offsets(%dma_start3A_8 : memref<128xi32, #tpu.memory_space<vmem>>) semaphore(%arg12 : memref<!tpu.dma_semaphore, #tpu.memory_space<semaphore_mem>>)
    %dma_start3A_12 = arith.constant 1 : i32
    %dma_start3A_13 = arith.constant 0 : i32
    %dma_start3A_14 = tpu.memref_slice %arg8[%dma_start3A_12, %dma_start3A_13] : memref<8x128xi32, #tpu.memory_space<vmem>> -> memref<1x128xi32, #tpu.memory_space<vmem>>
    %dma_start3A_15 = tpu.memref_squeeze %dma_start3A_14 : memref<1x128xi32, #tpu.memory_space<vmem>> -> memref<128xi32, #tpu.memory_space<vmem>>
    %dma_start3A_16 = arith.constant 0 : i32
    %dma_start3A_17 = arith.constant 0 : i32
    %dma_start3A_18 = tpu.memref_slice %arg2[%dma_start3A_16, %dma_start3A_17] : memref<10000x128xf32, #tpu.memory_space<hbm>> -> memref<10000x128xf32, #tpu.memory_space<hbm>>
    tpu.enqueue_indirect_dma source(%dma_start3A_18 : memref<10000x128xf32, #tpu.memory_space<hbm>>) target(%arg11 : memref<128x128xf32, #tpu.memory_space<vmem>>) offsets(%dma_start3A_15 : memref<128xi32, #tpu.memory_space<vmem>>) semaphore(%arg13 : memref<!tpu.dma_semaphore, #tpu.memory_space<semaphore_mem>>)
    %sub3A = arith.constant 1 : i32
    %sub3A_19 = arith.subi %select_n3A, %sub3A : i32
    %while3A = arith.constant 0 : i32
    %while3A_20 = arith.constant 0 : i32
    %while3A_21 = arith.subi %sub3A_19, %while3A_20 : i32
    %while3A_22 = arith.addi %while3A_20, %while3A_21 : i32
    %while3A_23 = arith.constant 1 : i32
    %while3A_24 = arith.divsi %while3A_21, %while3A_23 : i32
    %while3A_25 = arith.muli %while3A_24, %while3A_23 : i32
    %while3A_26 = arith.addi %while3A_20, %while3A_25 : i32
    %while3A_27 = arith.constant 1 : i32
    scf.for %while3A_132 = %while3A_20 to %while3A_26 step %while3A_27  : i32 {
      %dma_wait3A_133 = arith.constant 0 : i32
      %dma_wait3A_134 = arith.constant 0 : i32
      %dma_wait3A_135 = tpu.memref_slice %arg5[%dma_wait3A_133, %dma_wait3A_134] : memref<10112x128xf32, #tpu.memory_space<hbm>> -> memref<128x128xf32, #tpu.memory_space<hbm>>
      %dma_wait3A_136 = arith.constant 0 : i32
      %dma_wait3A_137 = arith.constant 0 : i32
      %dma_wait3A_138 = tpu.memref_slice %arg5[%dma_wait3A_136, %dma_wait3A_137] : memref<10112x128xf32, #tpu.memory_space<hbm>> -> memref<128x128xf32, #tpu.memory_space<hbm>>
      tpu.wait_dma2 semaphore(%arg12 : memref<!tpu.dma_semaphore, #tpu.memory_space<semaphore_mem>>) src(%dma_wait3A_138 : memref<128x128xf32, #tpu.memory_space<hbm>>) dst(%arg10 : memref<128x128xf32, #tpu.memory_space<vmem>>)
      %run_scoped3A_139 = arith.constant 0 : i32
      "tpu.region"() ({
        %run_scoped3A_249 = tpu.sem_alloc : memref<!tpu.dma_semaphore, #tpu.memory_space<semaphore_mem>>
        %dma_start3A_250 = arith.constant 0 : i32
        %dma_start3A_251 = tpu.memref_slice %arg9[%run_scoped3A_139, %dma_start3A_250] : memref<8x128xi32, #tpu.memory_space<vmem>> -> memref<1x128xi32, #tpu.memory_space<vmem>>
        %dma_start3A_252 = tpu.memref_squeeze %dma_start3A_251 : memref<1x128xi32, #tpu.memory_space<vmem>> -> memref<128xi32, #tpu.memory_space<vmem>>
        %dma_start3A_253 = arith.constant 0 : i32
        %dma_start3A_254 = arith.constant 0 : i32
        %dma_start3A_255 = tpu.memref_slice %arg7[%dma_start3A_253, %dma_start3A_254] : memref<10112x128xf32, #tpu.memory_space<vmem_shared>> -> memref<10112x128xf32, #tpu.memory_space<vmem_shared>>
        tpu.enqueue_indirect_dma source(%arg10 : memref<128x128xf32, #tpu.memory_space<vmem>>) target(%dma_start3A_255 : memref<10112x128xf32, #tpu.memory_space<vmem_shared>>) offsets(%dma_start3A_252 : memref<128xi32, #tpu.memory_space<vmem>>) semaphore(%run_scoped3A_249 : memref<!tpu.dma_semaphore, #tpu.memory_space<semaphore_mem>>) {add = true}
        %dma_wait3A_256 = arith.constant 0 : i32
        %dma_wait3A_257 = tpu.memref_slice %arg9[%run_scoped3A_139, %dma_wait3A_256] : memref<8x128xi32, #tpu.memory_space<vmem>> -> memref<1x128xi32, #tpu.memory_space<vmem>>
        %dma_wait3A_258 = tpu.memref_squeeze %dma_wait3A_257 : memref<1x128xi32, #tpu.memory_space<vmem>> -> memref<128xi32, #tpu.memory_space<vmem>>
        %dma_wait3A_259 = arith.constant 0 : i32
        %dma_wait3A_260 = arith.constant 0 : i32
        %dma_wait3A_261 = tpu.memref_slice %arg7[%dma_wait3A_259, %dma_wait3A_260] : memref<10112x128xf32, #tpu.memory_space<vmem_shared>> -> memref<10112x128xf32, #tpu.memory_space<vmem_shared>>
        tpu.wait_indirect_dma semaphore(%run_scoped3A_249 : memref<!tpu.dma_semaphore, #tpu.memory_space<semaphore_mem>>) src(%arg10 : memref<128x128xf32, #tpu.memory_space<vmem>>) dst(%dma_wait3A_261 : memref<10112x128xf32, #tpu.memory_space<vmem_shared>>)
        tpu.yield
      }) : () -> ()
      %dma_start3A_140 = arith.constant 2 : i32
      %dma_start3A_141 = arith.constant 0 : i32
      %dma_start3A_142 = tpu.memref_slice %arg8[%dma_start3A_140, %dma_start3A_141] : memref<8x128xi32, #tpu.memory_space<vmem>> -> memref<1x128xi32, #tpu.memory_space<vmem>>
      %dma_start3A_143 = tpu.memref_squeeze %dma_start3A_142 : memref<1x128xi32, #tpu.memory_space<vmem>> -> memref<128xi32, #tpu.memory_space<vmem>>
      %dma_start3A_144 = arith.constant 0 : i32
      %dma_start3A_145 = arith.constant 0 : i32
      %dma_start3A_146 = tpu.memref_slice %arg2[%dma_start3A_144, %dma_start3A_145] : memref<10000x128xf32, #tpu.memory_space<hbm>> -> memref<10000x128xf32, #tpu.memory_space<hbm>>
      tpu.enqueue_indirect_dma source(%dma_start3A_146 : memref<10000x128xf32, #tpu.memory_space<hbm>>) target(%arg10 : memref<128x128xf32, #tpu.memory_space<vmem>>) offsets(%dma_start3A_143 : memref<128xi32, #tpu.memory_space<vmem>>) semaphore(%arg12 : memref<!tpu.dma_semaphore, #tpu.memory_space<semaphore_mem>>)
      %dma_wait3A_147 = arith.constant 0 : i32
      %dma_wait3A_148 = arith.constant 0 : i32
      %dma_wait3A_149 = tpu.memref_slice %arg5[%dma_wait3A_147, %dma_wait3A_148] : memref<10112x128xf32, #tpu.memory_space<hbm>> -> memref<128x128xf32, #tpu.memory_space<hbm>>
      %dma_wait3A_150 = arith.constant 0 : i32
      %dma_wait3A_151 = arith.constant 0 : i32
      %dma_wait3A_152 = tpu.memref_slice %arg5[%dma_wait3A_150, %dma_wait3A_151] : memref<10112x128xf32, #tpu.memory_space<hbm>> -> memref<128x128xf32, #tpu.memory_space<hbm>>
      tpu.wait_dma2 semaphore(%arg13 : memref<!tpu.dma_semaphore, #tpu.memory_space<semaphore_mem>>) src(%dma_wait3A_152 : memref<128x128xf32, #tpu.memory_space<hbm>>) dst(%arg11 : memref<128x128xf32, #tpu.memory_space<vmem>>)
      %run_scoped3A_153 = arith.constant 1 : i32
      "tpu.region"() ({
        %run_scoped3A_249 = tpu.sem_alloc : memref<!tpu.dma_semaphore, #tpu.memory_space<semaphore_mem>>
        %dma_start3A_250 = arith.constant 0 : i32
        %dma_start3A_251 = tpu.memref_slice %arg9[%run_scoped3A_153, %dma_start3A_250] : memref<8x128xi32, #tpu.memory_space<vmem>> -> memref<1x128xi32, #tpu.memory_space<vmem>>
        %dma_start3A_252 = tpu.memref_squeeze %dma_start3A_251 : memref<1x128xi32, #tpu.memory_space<vmem>> -> memref<128xi32, #tpu.memory_space<vmem>>
        %dma_start3A_253 = arith.constant 0 : i32
        %dma_start3A_254 = arith.constant 0 : i32
        %dma_start3A_255 = tpu.memref_slice %arg7[%dma_start3A_253, %dma_start3A_254] : memref<10112x128xf32, #tpu.memory_space<vmem_shared>> -> memref<10112x128xf32, #tpu.memory_space<vmem_shared>>
        tpu.enqueue_indirect_dma source(%arg11 : memref<128x128xf32, #tpu.memory_space<vmem>>) target(%dma_start3A_255 : memref<10112x128xf32, #tpu.memory_space<vmem_shared>>) offsets(%dma_start3A_252 : memref<128xi32, #tpu.memory_space<vmem>>) semaphore(%run_scoped3A_249 : memref<!tpu.dma_semaphore, #tpu.memory_space<semaphore_mem>>) {add = true}
        %dma_wait3A_256 = arith.constant 0 : i32
        %dma_wait3A_257 = tpu.memref_slice %arg9[%run_scoped3A_153, %dma_wait3A_256] : memref<8x128xi32, #tpu.memory_space<vmem>> -> memref<1x128xi32, #tpu.memory_space<vmem>>
        %dma_wait3A_258 = tpu.memref_squeeze %dma_wait3A_257 : memref<1x128xi32, #tpu.memory_space<vmem>> -> memref<128xi32, #tpu.memory_space<vmem>>
        %dma_wait3A_259 = arith.constant 0 : i32
        %dma_wait3A_260 = arith.constant 0 : i32
        %dma_wait3A_261 = tpu.memref_slice %arg7[%dma_wait3A_259, %dma_wait3A_260] : memref<10112x128xf32, #tpu.memory_space<vmem_shared>> -> memref<10112x128xf32, #tpu.memory_space<vmem_shared>>
        tpu.wait_indirect_dma semaphore(%run_scoped3A_249 : memref<!tpu.dma_semaphore, #tpu.memory_space<semaphore_mem>>) src(%arg11 : memref<128x128xf32, #tpu.memory_space<vmem>>) dst(%dma_wait3A_261 : memref<10112x128xf32, #tpu.memory_space<vmem_shared>>)
        tpu.yield
      }) : () -> ()
      %dma_start3A_154 = arith.constant 3 : i32
      %dma_start3A_155 = arith.constant 0 : i32
      %dma_start3A_156 = tpu.memref_slice %arg8[%dma_start3A_154, %dma_start3A_155] : memref<8x128xi32, #tpu.memory_space<vmem>> -> memref<1x128xi32, #tpu.memory_space<vmem>>
      %dma_start3A_157 = tpu.memref_squeeze %dma_start3A_156 : memref<1x128xi32, #tpu.memory_space<vmem>> -> memref<128xi32, #tpu.memory_space<vmem>>
      %dma_start3A_158 = arith.constant 0 : i32
      %dma_start3A_159 = arith.constant 0 : i32
      %dma_start3A_160 = tpu.memref_slice %arg2[%dma_start3A_158, %dma_start3A_159] : memref<10000x128xf32, #tpu.memory_space<hbm>> -> memref<10000x128xf32, #tpu.memory_space<hbm>>
      tpu.enqueue_indirect_dma source(%dma_start3A_160 : memref<10000x128xf32, #tpu.memory_space<hbm>>) target(%arg11 : memref<128x128xf32, #tpu.memory_space<vmem>>) offsets(%dma_start3A_157 : memref<128xi32, #tpu.memory_space<vmem>>) semaphore(%arg13 : memref<!tpu.dma_semaphore, #tpu.memory_space<semaphore_mem>>)
      %dma_wait3A_161 = arith.constant 0 : i32
      %dma_wait3A_162 = arith.constant 0 : i32
      %dma_wait3A_163 = tpu.memref_slice %arg5[%dma_wait3A_161, %dma_wait3A_162] : memref<10112x128xf32, #tpu.memory_space<hbm>> -> memref<128x128xf32, #tpu.memory_space<hbm>>
      %dma_wait3A_164 = arith.constant 0 : i32
      %dma_wait3A_165 = arith.constant 0 : i32
      %dma_wait3A_166 = tpu.memref_slice %arg5[%dma_wait3A_164, %dma_wait3A_165] : memref<10112x128xf32, #tpu.memory_space<hbm>> -> memref<128x128xf32, #tpu.memory_space<hbm>>
      tpu.wait_dma2 semaphore(%arg12 : memref<!tpu.dma_semaphore, #tpu.memory_space<semaphore_mem>>) src(%dma_wait3A_166 : memref<128x128xf32, #tpu.memory_space<hbm>>) dst(%arg10 : memref<128x128xf32, #tpu.memory_space<vmem>>)
      %run_scoped3A_167 = arith.constant 2 : i32
      "tpu.region"() ({
        %run_scoped3A_249 = tpu.sem_alloc : memref<!tpu.dma_semaphore, #tpu.memory_space<semaphore_mem>>
        %dma_start3A_250 = arith.constant 0 : i32
        %dma_start3A_251 = tpu.memref_slice %arg9[%run_scoped3A_167, %dma_start3A_250] : memref<8x128xi32, #tpu.memory_space<vmem>> -> memref<1x128xi32, #tpu.memory_space<vmem>>
        %dma_start3A_252 = tpu.memref_squeeze %dma_start3A_251 : memref<1x128xi32, #tpu.memory_space<vmem>> -> memref<128xi32, #tpu.memory_space<vmem>>
        %dma_start3A_253 = arith.constant 0 : i32
        %dma_start3A_254 = arith.constant 0 : i32
        %dma_start3A_255 = tpu.memref_slice %arg7[%dma_start3A_253, %dma_start3A_254] : memref<10112x128xf32, #tpu.memory_space<vmem_shared>> -> memref<10112x128xf32, #tpu.memory_space<vmem_shared>>
        tpu.enqueue_indirect_dma source(%arg10 : memref<128x128xf32, #tpu.memory_space<vmem>>) target(%dma_start3A_255 : memref<10112x128xf32, #tpu.memory_space<vmem_shared>>) offsets(%dma_start3A_252 : memref<128xi32, #tpu.memory_space<vmem>>) semaphore(%run_scoped3A_249 : memref<!tpu.dma_semaphore, #tpu.memory_space<semaphore_mem>>) {add = true}
        %dma_wait3A_256 = arith.constant 0 : i32
        %dma_wait3A_257 = tpu.memref_slice %arg9[%run_scoped3A_167, %dma_wait3A_256] : memref<8x128xi32, #tpu.memory_space<vmem>> -> memref<1x128xi32, #tpu.memory_space<vmem>>
        %dma_wait3A_258 = tpu.memref_squeeze %dma_wait3A_257 : memref<1x128xi32, #tpu.memory_space<vmem>> -> memref<128xi32, #tpu.memory_space<vmem>>
        %dma_wait3A_259 = arith.constant 0 : i32
        %dma_wait3A_260 = arith.constant 0 : i32
        %dma_wait3A_261 = tpu.memref_slice %arg7[%dma_wait3A_259, %dma_wait3A_260] : memref<10112x128xf32, #tpu.memory_space<vmem_shared>> -> memref<10112x128xf32, #tpu.memory_space<vmem_shared>>
        tpu.wait_indirect_dma semaphore(%run_scoped3A_249 : memref<!tpu.dma_semaphore, #tpu.memory_space<semaphore_mem>>) src(%arg10 : memref<128x128xf32, #tpu.memory_space<vmem>>) dst(%dma_wait3A_261 : memref<10112x128xf32, #tpu.memory_space<vmem_shared>>)
        tpu.yield
      }) : () -> ()
      %dma_start3A_168 = arith.constant 4 : i32
      %dma_start3A_169 = arith.constant 0 : i32
      %dma_start3A_170 = tpu.memref_slice %arg8[%dma_start3A_168, %dma_start3A_169] : memref<8x128xi32, #tpu.memory_space<vmem>> -> memref<1x128xi32, #tpu.memory_space<vmem>>
      %dma_start3A_171 = tpu.memref_squeeze %dma_start3A_170 : memref<1x128xi32, #tpu.memory_space<vmem>> -> memref<128xi32, #tpu.memory_space<vmem>>
      %dma_start3A_172 = arith.constant 0 : i32
      %dma_start3A_173 = arith.constant 0 : i32
      %dma_start3A_174 = tpu.memref_slice %arg2[%dma_start3A_172, %dma_start3A_173] : memref<10000x128xf32, #tpu.memory_space<hbm>> -> memref<10000x128xf32, #tpu.memory_space<hbm>>
      tpu.enqueue_indirect_dma source(%dma_start3A_174 : memref<10000x128xf32, #tpu.memory_space<hbm>>) target(%arg10 : memref<128x128xf32, #tpu.memory_space<vmem>>) offsets(%dma_start3A_171 : memref<128xi32, #tpu.memory_space<vmem>>) semaphore(%arg12 : memref<!tpu.dma_semaphore, #tpu.memory_space<semaphore_mem>>)
      %dma_wait3A_175 = arith.constant 0 : i32
      %dma_wait3A_176 = arith.constant 0 : i32
      %dma_wait3A_177 = tpu.memref_slice %arg5[%dma_wait3A_175, %dma_wait3A_176] : memref<10112x128xf32, #tpu.memory_space<hbm>> -> memref<128x128xf32, #tpu.memory_space<hbm>>
      %dma_wait3A_178 = arith.constant 0 : i32
      %dma_wait3A_179 = arith.constant 0 : i32
      %dma_wait3A_180 = tpu.memref_slice %arg5[%dma_wait3A_178, %dma_wait3A_179] : memref<10112x128xf32, #tpu.memory_space<hbm>> -> memref<128x128xf32, #tpu.memory_space<hbm>>
      tpu.wait_dma2 semaphore(%arg13 : memref<!tpu.dma_semaphore, #tpu.memory_space<semaphore_mem>>) src(%dma_wait3A_180 : memref<128x128xf32, #tpu.memory_space<hbm>>) dst(%arg11 : memref<128x128xf32, #tpu.memory_space<vmem>>)
      %run_scoped3A_181 = arith.constant 3 : i32
      "tpu.region"() ({
        %run_scoped3A_249 = tpu.sem_alloc : memref<!tpu.dma_semaphore, #tpu.memory_space<semaphore_mem>>
        %dma_start3A_250 = arith.constant 0 : i32
        %dma_start3A_251 = tpu.memref_slice %arg9[%run_scoped3A_181, %dma_start3A_250] : memref<8x128xi32, #tpu.memory_space<vmem>> -> memref<1x128xi32, #tpu.memory_space<vmem>>
        %dma_start3A_252 = tpu.memref_squeeze %dma_start3A_251 : memref<1x128xi32, #tpu.memory_space<vmem>> -> memref<128xi32, #tpu.memory_space<vmem>>
        %dma_start3A_253 = arith.constant 0 : i32
        %dma_start3A_254 = arith.constant 0 : i32
        %dma_start3A_255 = tpu.memref_slice %arg7[%dma_start3A_253, %dma_start3A_254] : memref<10112x128xf32, #tpu.memory_space<vmem_shared>> -> memref<10112x128xf32, #tpu.memory_space<vmem_shared>>
        tpu.enqueue_indirect_dma source(%arg11 : memref<128x128xf32, #tpu.memory_space<vmem>>) target(%dma_start3A_255 : memref<10112x128xf32, #tpu.memory_space<vmem_shared>>) offsets(%dma_start3A_252 : memref<128xi32, #tpu.memory_space<vmem>>) semaphore(%run_scoped3A_249 : memref<!tpu.dma_semaphore, #tpu.memory_space<semaphore_mem>>) {add = true}
        %dma_wait3A_256 = arith.constant 0 : i32
        %dma_wait3A_257 = tpu.memref_slice %arg9[%run_scoped3A_181, %dma_wait3A_256] : memref<8x128xi32, #tpu.memory_space<vmem>> -> memref<1x128xi32, #tpu.memory_space<vmem>>
        %dma_wait3A_258 = tpu.memref_squeeze %dma_wait3A_257 : memref<1x128xi32, #tpu.memory_space<vmem>> -> memref<128xi32, #tpu.memory_space<vmem>>
        %dma_wait3A_259 = arith.constant 0 : i32
        %dma_wait3A_260 = arith.constant 0 : i32
        %dma_wait3A_261 = tpu.memref_slice %arg7[%dma_wait3A_259, %dma_wait3A_260] : memref<10112x128xf32, #tpu.memory_space<vmem_shared>> -> memref<10112x128xf32, #tpu.memory_space<vmem_shared>>
        tpu.wait_indirect_dma semaphore(%run_scoped3A_249 : memref<!tpu.dma_semaphore, #tpu.memory_space<semaphore_mem>>) src(%arg11 : memref<128x128xf32, #tpu.memory_space<vmem>>) dst(%dma_wait3A_261 : memref<10112x128xf32, #tpu.memory_space<vmem_shared>>)
        tpu.yield
      }) : () -> ()
      %dma_start3A_182 = arith.constant 5 : i32
      %dma_start3A_183 = arith.constant 0 : i32
      %dma_start3A_184 = tpu.memref_slice %arg8[%dma_start3A_182, %dma_start3A_183] : memref<8x128xi32, #tpu.memory_space<vmem>> -> memref<1x128xi32, #tpu.memory_space<vmem>>
      %dma_start3A_185 = tpu.memref_squeeze %dma_start3A_184 : memref<1x128xi32, #tpu.memory_space<vmem>> -> memref<128xi32, #tpu.memory_space<vmem>>
      %dma_start3A_186 = arith.constant 0 : i32
      %dma_start3A_187 = arith.constant 0 : i32
      %dma_start3A_188 = tpu.memref_slice %arg2[%dma_start3A_186, %dma_start3A_187] : memref<10000x128xf32, #tpu.memory_space<hbm>> -> memref<10000x128xf32, #tpu.memory_space<hbm>>
      tpu.enqueue_indirect_dma source(%dma_start3A_188 : memref<10000x128xf32, #tpu.memory_space<hbm>>) target(%arg11 : memref<128x128xf32, #tpu.memory_space<vmem>>) offsets(%dma_start3A_185 : memref<128xi32, #tpu.memory_space<vmem>>) semaphore(%arg13 : memref<!tpu.dma_semaphore, #tpu.memory_space<semaphore_mem>>)
      %dma_wait3A_189 = arith.constant 0 : i32
      %dma_wait3A_190 = arith.constant 0 : i32
      %dma_wait3A_191 = tpu.memref_slice %arg5[%dma_wait3A_189, %dma_wait3A_190] : memref<10112x128xf32, #tpu.memory_space<hbm>> -> memref<128x128xf32, #tpu.memory_space<hbm>>
      %dma_wait3A_192 = arith.constant 0 : i32
      %dma_wait3A_193 = arith.constant 0 : i32
      %dma_wait3A_194 = tpu.memref_slice %arg5[%dma_wait3A_192, %dma_wait3A_193] : memref<10112x128xf32, #tpu.memory_space<hbm>> -> memref<128x128xf32, #tpu.memory_space<hbm>>
      tpu.wait_dma2 semaphore(%arg12 : memref<!tpu.dma_semaphore, #tpu.memory_space<semaphore_mem>>) src(%dma_wait3A_194 : memref<128x128xf32, #tpu.memory_space<hbm>>) dst(%arg10 : memref<128x128xf32, #tpu.memory_space<vmem>>)
      %run_scoped3A_195 = arith.constant 4 : i32
      "tpu.region"() ({
        %run_scoped3A_249 = tpu.sem_alloc : memref<!tpu.dma_semaphore, #tpu.memory_space<semaphore_mem>>
        %dma_start3A_250 = arith.constant 0 : i32
        %dma_start3A_251 = tpu.memref_slice %arg9[%run_scoped3A_195, %dma_start3A_250] : memref<8x128xi32, #tpu.memory_space<vmem>> -> memref<1x128xi32, #tpu.memory_space<vmem>>
        %dma_start3A_252 = tpu.memref_squeeze %dma_start3A_251 : memref<1x128xi32, #tpu.memory_space<vmem>> -> memref<128xi32, #tpu.memory_space<vmem>>
        %dma_start3A_253 = arith.constant 0 : i32
        %dma_start3A_254 = arith.constant 0 : i32
        %dma_start3A_255 = tpu.memref_slice %arg7[%dma_start3A_253, %dma_start3A_254] : memref<10112x128xf32, #tpu.memory_space<vmem_shared>> -> memref<10112x128xf32, #tpu.memory_space<vmem_shared>>
        tpu.enqueue_indirect_dma source(%arg10 : memref<128x128xf32, #tpu.memory_space<vmem>>) target(%dma_start3A_255 : memref<10112x128xf32, #tpu.memory_space<vmem_shared>>) offsets(%dma_start3A_252 : memref<128xi32, #tpu.memory_space<vmem>>) semaphore(%run_scoped3A_249 : memref<!tpu.dma_semaphore, #tpu.memory_space<semaphore_mem>>) {add = true}
        %dma_wait3A_256 = arith.constant 0 : i32
        %dma_wait3A_257 = tpu.memref_slice %arg9[%run_scoped3A_195, %dma_wait3A_256] : memref<8x128xi32, #tpu.memory_space<vmem>> -> memref<1x128xi32, #tpu.memory_space<vmem>>
        %dma_wait3A_258 = tpu.memref_squeeze %dma_wait3A_257 : memref<1x128xi32, #tpu.memory_space<vmem>> -> memref<128xi32, #tpu.memory_space<vmem>>
        %dma_wait3A_259 = arith.constant 0 : i32
        %dma_wait3A_260 = arith.constant 0 : i32
        %dma_wait3A_261 = tpu.memref_slice %arg7[%dma_wait3A_259, %dma_wait3A_260] : memref<10112x128xf32, #tpu.memory_space<vmem_shared>> -> memref<10112x128xf32, #tpu.memory_space<vmem_shared>>
        tpu.wait_indirect_dma semaphore(%run_scoped3A_249 : memref<!tpu.dma_semaphore, #tpu.memory_space<semaphore_mem>>) src(%arg10 : memref<128x128xf32, #tpu.memory_space<vmem>>) dst(%dma_wait3A_261 : memref<10112x128xf32, #tpu.memory_space<vmem_shared>>)
        tpu.yield
      }) : () -> ()
      %dma_start3A_196 = arith.constant 6 : i32
      %dma_start3A_197 = arith.constant 0 : i32
      %dma_start3A_198 = tpu.memref_slice %arg8[%dma_start3A_196, %dma_start3A_197] : memref<8x128xi32, #tpu.memory_space<vmem>> -> memref<1x128xi32, #tpu.memory_space<vmem>>
      %dma_start3A_199 = tpu.memref_squeeze %dma_start3A_198 : memref<1x128xi32, #tpu.memory_space<vmem>> -> memref<128xi32, #tpu.memory_space<vmem>>
      %dma_start3A_200 = arith.constant 0 : i32
      %dma_start3A_201 = arith.constant 0 : i32
      %dma_start3A_202 = tpu.memref_slice %arg2[%dma_start3A_200, %dma_start3A_201] : memref<10000x128xf32, #tpu.memory_space<hbm>> -> memref<10000x128xf32, #tpu.memory_space<hbm>>
      tpu.enqueue_indirect_dma source(%dma_start3A_202 : memref<10000x128xf32, #tpu.memory_space<hbm>>) target(%arg10 : memref<128x128xf32, #tpu.memory_space<vmem>>) offsets(%dma_start3A_199 : memref<128xi32, #tpu.memory_space<vmem>>) semaphore(%arg12 : memref<!tpu.dma_semaphore, #tpu.memory_space<semaphore_mem>>)
      %dma_wait3A_203 = arith.constant 0 : i32
      %dma_wait3A_204 = arith.constant 0 : i32
      %dma_wait3A_205 = tpu.memref_slice %arg5[%dma_wait3A_203, %dma_wait3A_204] : memref<10112x128xf32, #tpu.memory_space<hbm>> -> memref<128x128xf32, #tpu.memory_space<hbm>>
      %dma_wait3A_206 = arith.constant 0 : i32
      %dma_wait3A_207 = arith.constant 0 : i32
      %dma_wait3A_208 = tpu.memref_slice %arg5[%dma_wait3A_206, %dma_wait3A_207] : memref<10112x128xf32, #tpu.memory_space<hbm>> -> memref<128x128xf32, #tpu.memory_space<hbm>>
      tpu.wait_dma2 semaphore(%arg13 : memref<!tpu.dma_semaphore, #tpu.memory_space<semaphore_mem>>) src(%dma_wait3A_208 : memref<128x128xf32, #tpu.memory_space<hbm>>) dst(%arg11 : memref<128x128xf32, #tpu.memory_space<vmem>>)
      %run_scoped3A_209 = arith.constant 5 : i32
      "tpu.region"() ({
        %run_scoped3A_249 = tpu.sem_alloc : memref<!tpu.dma_semaphore, #tpu.memory_space<semaphore_mem>>
        %dma_start3A_250 = arith.constant 0 : i32
        %dma_start3A_251 = tpu.memref_slice %arg9[%run_scoped3A_209, %dma_start3A_250] : memref<8x128xi32, #tpu.memory_space<vmem>> -> memref<1x128xi32, #tpu.memory_space<vmem>>
        %dma_start3A_252 = tpu.memref_squeeze %dma_start3A_251 : memref<1x128xi32, #tpu.memory_space<vmem>> -> memref<128xi32, #tpu.memory_space<vmem>>
        %dma_start3A_253 = arith.constant 0 : i32
        %dma_start3A_254 = arith.constant 0 : i32
        %dma_start3A_255 = tpu.memref_slice %arg7[%dma_start3A_253, %dma_start3A_254] : memref<10112x128xf32, #tpu.memory_space<vmem_shared>> -> memref<10112x128xf32, #tpu.memory_space<vmem_shared>>
        tpu.enqueue_indirect_dma source(%arg11 : memref<128x128xf32, #tpu.memory_space<vmem>>) target(%dma_start3A_255 : memref<10112x128xf32, #tpu.memory_space<vmem_shared>>) offsets(%dma_start3A_252 : memref<128xi32, #tpu.memory_space<vmem>>) semaphore(%run_scoped3A_249 : memref<!tpu.dma_semaphore, #tpu.memory_space<semaphore_mem>>) {add = true}
        %dma_wait3A_256 = arith.constant 0 : i32
        %dma_wait3A_257 = tpu.memref_slice %arg9[%run_scoped3A_209, %dma_wait3A_256] : memref<8x128xi32, #tpu.memory_space<vmem>> -> memref<1x128xi32, #tpu.memory_space<vmem>>
        %dma_wait3A_258 = tpu.memref_squeeze %dma_wait3A_257 : memref<1x128xi32, #tpu.memory_space<vmem>> -> memref<128xi32, #tpu.memory_space<vmem>>
        %dma_wait3A_259 = arith.constant 0 : i32
        %dma_wait3A_260 = arith.constant 0 : i32
        %dma_wait3A_261 = tpu.memref_slice %arg7[%dma_wait3A_259, %dma_wait3A_260] : memref<10112x128xf32, #tpu.memory_space<vmem_shared>> -> memref<10112x128xf32, #tpu.memory_space<vmem_shared>>
        tpu.wait_indirect_dma semaphore(%run_scoped3A_249 : memref<!tpu.dma_semaphore, #tpu.memory_space<semaphore_mem>>) src(%arg11 : memref<128x128xf32, #tpu.memory_space<vmem>>) dst(%dma_wait3A_261 : memref<10112x128xf32, #tpu.memory_space<vmem_shared>>)
        tpu.yield
      }) : () -> ()
      %dma_start3A_210 = arith.constant 7 : i32
      %dma_start3A_211 = arith.constant 0 : i32
      %dma_start3A_212 = tpu.memref_slice %arg8[%dma_start3A_210, %dma_start3A_211] : memref<8x128xi32, #tpu.memory_space<vmem>> -> memref<1x128xi32, #tpu.memory_space<vmem>>
      %dma_start3A_213 = tpu.memref_squeeze %dma_start3A_212 : memref<1x128xi32, #tpu.memory_space<vmem>> -> memref<128xi32, #tpu.memory_space<vmem>>
      %dma_start3A_214 = arith.constant 0 : i32
      %dma_start3A_215 = arith.constant 0 : i32
      %dma_start3A_216 = tpu.memref_slice %arg2[%dma_start3A_214, %dma_start3A_215] : memref<10000x128xf32, #tpu.memory_space<hbm>> -> memref<10000x128xf32, #tpu.memory_space<hbm>>
      tpu.enqueue_indirect_dma source(%dma_start3A_216 : memref<10000x128xf32, #tpu.memory_space<hbm>>) target(%arg11 : memref<128x128xf32, #tpu.memory_space<vmem>>) offsets(%dma_start3A_213 : memref<128xi32, #tpu.memory_space<vmem>>) semaphore(%arg13 : memref<!tpu.dma_semaphore, #tpu.memory_space<semaphore_mem>>)
      %dma_wait3A_217 = arith.constant 0 : i32
      %dma_wait3A_218 = arith.constant 0 : i32
      %dma_wait3A_219 = tpu.memref_slice %arg5[%dma_wait3A_217, %dma_wait3A_218] : memref<10112x128xf32, #tpu.memory_space<hbm>> -> memref<128x128xf32, #tpu.memory_space<hbm>>
      %dma_wait3A_220 = arith.constant 0 : i32
      %dma_wait3A_221 = arith.constant 0 : i32
      %dma_wait3A_222 = tpu.memref_slice %arg5[%dma_wait3A_220, %dma_wait3A_221] : memref<10112x128xf32, #tpu.memory_space<hbm>> -> memref<128x128xf32, #tpu.memory_space<hbm>>
      tpu.wait_dma2 semaphore(%arg12 : memref<!tpu.dma_semaphore, #tpu.memory_space<semaphore_mem>>) src(%dma_wait3A_222 : memref<128x128xf32, #tpu.memory_space<hbm>>) dst(%arg10 : memref<128x128xf32, #tpu.memory_space<vmem>>)
      %run_scoped3A_223 = arith.constant 6 : i32
      "tpu.region"() ({
        %run_scoped3A_249 = tpu.sem_alloc : memref<!tpu.dma_semaphore, #tpu.memory_space<semaphore_mem>>
        %dma_start3A_250 = arith.constant 0 : i32
        %dma_start3A_251 = tpu.memref_slice %arg9[%run_scoped3A_223, %dma_start3A_250] : memref<8x128xi32, #tpu.memory_space<vmem>> -> memref<1x128xi32, #tpu.memory_space<vmem>>
        %dma_start3A_252 = tpu.memref_squeeze %dma_start3A_251 : memref<1x128xi32, #tpu.memory_space<vmem>> -> memref<128xi32, #tpu.memory_space<vmem>>
        %dma_start3A_253 = arith.constant 0 : i32
        %dma_start3A_254 = arith.constant 0 : i32
        %dma_start3A_255 = tpu.memref_slice %arg7[%dma_start3A_253, %dma_start3A_254] : memref<10112x128xf32, #tpu.memory_space<vmem_shared>> -> memref<10112x128xf32, #tpu.memory_space<vmem_shared>>
        tpu.enqueue_indirect_dma source(%arg10 : memref<128x128xf32, #tpu.memory_space<vmem>>) target(%dma_start3A_255 : memref<10112x128xf32, #tpu.memory_space<vmem_shared>>) offsets(%dma_start3A_252 : memref<128xi32, #tpu.memory_space<vmem>>) semaphore(%run_scoped3A_249 : memref<!tpu.dma_semaphore, #tpu.memory_space<semaphore_mem>>) {add = true}
        %dma_wait3A_256 = arith.constant 0 : i32
        %dma_wait3A_257 = tpu.memref_slice %arg9[%run_scoped3A_223, %dma_wait3A_256] : memref<8x128xi32, #tpu.memory_space<vmem>> -> memref<1x128xi32, #tpu.memory_space<vmem>>
        %dma_wait3A_258 = tpu.memref_squeeze %dma_wait3A_257 : memref<1x128xi32, #tpu.memory_space<vmem>> -> memref<128xi32, #tpu.memory_space<vmem>>
        %dma_wait3A_259 = arith.constant 0 : i32
        %dma_wait3A_260 = arith.constant 0 : i32
        %dma_wait3A_261 = tpu.memref_slice %arg7[%dma_wait3A_259, %dma_wait3A_260] : memref<10112x128xf32, #tpu.memory_space<vmem_shared>> -> memref<10112x128xf32, #tpu.memory_space<vmem_shared>>
        tpu.wait_indirect_dma semaphore(%run_scoped3A_249 : memref<!tpu.dma_semaphore, #tpu.memory_space<semaphore_mem>>) src(%arg10 : memref<128x128xf32, #tpu.memory_space<vmem>>) dst(%dma_wait3A_261 : memref<10112x128xf32, #tpu.memory_space<vmem_shared>>)
        tpu.yield
      }) : () -> ()
      %dma_wait3A_224 = arith.constant 0 : i32
      %dma_wait3A_225 = arith.constant 0 : i32
      %dma_wait3A_226 = tpu.memref_slice %arg5[%dma_wait3A_224, %dma_wait3A_225] : memref<10112x128xf32, #tpu.memory_space<hbm>> -> memref<128x128xf32, #tpu.memory_space<hbm>>
      %dma_wait3A_227 = arith.constant 0 : i32
      %dma_wait3A_228 = arith.constant 0 : i32
      %dma_wait3A_229 = tpu.memref_slice %arg5[%dma_wait3A_227, %dma_wait3A_228] : memref<10112x128xf32, #tpu.memory_space<hbm>> -> memref<128x128xf32, #tpu.memory_space<hbm>>
      tpu.wait_dma2 semaphore(%arg13 : memref<!tpu.dma_semaphore, #tpu.memory_space<semaphore_mem>>) src(%dma_wait3A_229 : memref<128x128xf32, #tpu.memory_space<hbm>>) dst(%arg11 : memref<128x128xf32, #tpu.memory_space<vmem>>)
      %run_scoped3A_230 = arith.constant 7 : i32
      "tpu.region"() ({
        %run_scoped3A_249 = tpu.sem_alloc : memref<!tpu.dma_semaphore, #tpu.memory_space<semaphore_mem>>
        %dma_start3A_250 = arith.constant 0 : i32
        %dma_start3A_251 = tpu.memref_slice %arg9[%run_scoped3A_230, %dma_start3A_250] : memref<8x128xi32, #tpu.memory_space<vmem>> -> memref<1x128xi32, #tpu.memory_space<vmem>>
        %dma_start3A_252 = tpu.memref_squeeze %dma_start3A_251 : memref<1x128xi32, #tpu.memory_space<vmem>> -> memref<128xi32, #tpu.memory_space<vmem>>
        %dma_start3A_253 = arith.constant 0 : i32
        %dma_start3A_254 = arith.constant 0 : i32
        %dma_start3A_255 = tpu.memref_slice %arg7[%dma_start3A_253, %dma_start3A_254] : memref<10112x128xf32, #tpu.memory_space<vmem_shared>> -> memref<10112x128xf32, #tpu.memory_space<vmem_shared>>
        tpu.enqueue_indirect_dma source(%arg11 : memref<128x128xf32, #tpu.memory_space<vmem>>) target(%dma_start3A_255 : memref<10112x128xf32, #tpu.memory_space<vmem_shared>>) offsets(%dma_start3A_252 : memref<128xi32, #tpu.memory_space<vmem>>) semaphore(%run_scoped3A_249 : memref<!tpu.dma_semaphore, #tpu.memory_space<semaphore_mem>>) {add = true}
        %dma_wait3A_256 = arith.constant 0 : i32
        %dma_wait3A_257 = tpu.memref_slice %arg9[%run_scoped3A_230, %dma_wait3A_256] : memref<8x128xi32, #tpu.memory_space<vmem>> -> memref<1x128xi32, #tpu.memory_space<vmem>>
        %dma_wait3A_258 = tpu.memref_squeeze %dma_wait3A_257 : memref<1x128xi32, #tpu.memory_space<vmem>> -> memref<128xi32, #tpu.memory_space<vmem>>
        %dma_wait3A_259 = arith.constant 0 : i32
        %dma_wait3A_260 = arith.constant 0 : i32
        %dma_wait3A_261 = tpu.memref_slice %arg7[%dma_wait3A_259, %dma_wait3A_260] : memref<10112x128xf32, #tpu.memory_space<vmem_shared>> -> memref<10112x128xf32, #tpu.memory_space<vmem_shared>>
        tpu.wait_indirect_dma semaphore(%run_scoped3A_249 : memref<!tpu.dma_semaphore, #tpu.memory_space<semaphore_mem>>) src(%arg11 : memref<128x128xf32, #tpu.memory_space<vmem>>) dst(%dma_wait3A_261 : memref<10112x128xf32, #tpu.memory_space<vmem_shared>>)
        tpu.yield
      }) : () -> ()
      %add3A_231 = arith.constant 1 : i32
      %add3A_232 = arith.addi %while3A_132, %add3A_231 : i32
      "tpu.region"() ({
        %run_scoped3A_249 = tpu.sem_alloc : memref<!tpu.dma_semaphore, #tpu.memory_space<semaphore_mem>>
        %dma_start3A_250 = arith.constant 0 : i32
        %dma_start3A_251 = arith.constant 0 : i32
        %dma_start3A_252 = tpu.memref_slice %arg3[%add3A, %add3A_232, %dma_start3A_250, %dma_start3A_251] : memref<32x19x8x128xi32, #tpu.memory_space<hbm>> -> memref<1x1x8x128xi32, #tpu.memory_space<hbm>>
        %dma_start3A_253 = tpu.memref_squeeze %dma_start3A_252 : memref<1x1x8x128xi32, #tpu.memory_space<hbm>> -> memref<8x128xi32, #tpu.memory_space<hbm>>
        %dma_start3A_254 = arith.constant 0 : i32
        %dma_start3A_255 = arith.constant 0 : i32
        %dma_start3A_256 = tpu.memref_slice %arg3[%add3A, %add3A_232, %dma_start3A_254, %dma_start3A_255] : memref<32x19x8x128xi32, #tpu.memory_space<hbm>> -> memref<1x1x8x128xi32, #tpu.memory_space<hbm>>
        %dma_start3A_257 = tpu.memref_squeeze %dma_start3A_256 : memref<1x1x8x128xi32, #tpu.memory_space<hbm>> -> memref<8x128xi32, #tpu.memory_space<hbm>>
        tpu.enqueue_dma source(%dma_start3A_257 : memref<8x128xi32, #tpu.memory_space<hbm>>) target(%arg8 : memref<8x128xi32, #tpu.memory_space<vmem>>) target_semaphore(%run_scoped3A_249 : memref<!tpu.dma_semaphore, #tpu.memory_space<semaphore_mem>>)
        %dma_wait3A_258 = arith.constant 0 : i32
        %dma_wait3A_259 = arith.constant 0 : i32
        %dma_wait3A_260 = tpu.memref_slice %arg3[%add3A, %add3A_232, %dma_wait3A_258, %dma_wait3A_259] : memref<32x19x8x128xi32, #tpu.memory_space<hbm>> -> memref<1x1x8x128xi32, #tpu.memory_space<hbm>>
        %dma_wait3A_261 = tpu.memref_squeeze %dma_wait3A_260 : memref<1x1x8x128xi32, #tpu.memory_space<hbm>> -> memref<8x128xi32, #tpu.memory_space<hbm>>
        %dma_wait3A_262 = arith.constant 0 : i32
        %dma_wait3A_263 = arith.constant 0 : i32
        %dma_wait3A_264 = tpu.memref_slice %arg3[%add3A, %add3A_232, %dma_wait3A_262, %dma_wait3A_263] : memref<32x19x8x128xi32, #tpu.memory_space<hbm>> -> memref<1x1x8x128xi32, #tpu.memory_space<hbm>>
        %dma_wait3A_265 = tpu.memref_squeeze %dma_wait3A_264 : memref<1x1x8x128xi32, #tpu.memory_space<hbm>> -> memref<8x128xi32, #tpu.memory_space<hbm>>
        tpu.wait_dma2 semaphore(%run_scoped3A_249 : memref<!tpu.dma_semaphore, #tpu.memory_space<semaphore_mem>>) src(%dma_wait3A_265 : memref<8x128xi32, #tpu.memory_space<hbm>>) dst(%arg8 : memref<8x128xi32, #tpu.memory_space<vmem>>)
        tpu.yield
      }) : () -> ()
      %dma_start3A_233 = arith.constant 0 : i32
      %dma_start3A_234 = arith.constant 0 : i32
      %dma_start3A_235 = tpu.memref_slice %arg8[%dma_start3A_233, %dma_start3A_234] : memref<8x128xi32, #tpu.memory_space<vmem>> -> memref<1x128xi32, #tpu.memory_space<vmem>>
      %dma_start3A_236 = tpu.memref_squeeze %dma_start3A_235 : memref<1x128xi32, #tpu.memory_space<vmem>> -> memref<128xi32, #tpu.memory_space<vmem>>
      %dma_start3A_237 = arith.constant 0 : i32
      %dma_start3A_238 = arith.constant 0 : i32
      %dma_start3A_239 = tpu.memref_slice %arg2[%dma_start3A_237, %dma_start3A_238] : memref<10000x128xf32, #tpu.memory_space<hbm>> -> memref<10000x128xf32, #tpu.memory_space<hbm>>
      tpu.enqueue_indirect_dma source(%dma_start3A_239 : memref<10000x128xf32, #tpu.memory_space<hbm>>) target(%arg10 : memref<128x128xf32, #tpu.memory_space<vmem>>) offsets(%dma_start3A_236 : memref<128xi32, #tpu.memory_space<vmem>>) semaphore(%arg12 : memref<!tpu.dma_semaphore, #tpu.memory_space<semaphore_mem>>)
      %dma_start3A_240 = arith.constant 1 : i32
      %dma_start3A_241 = arith.constant 0 : i32
      %dma_start3A_242 = tpu.memref_slice %arg8[%dma_start3A_240, %dma_start3A_241] : memref<8x128xi32, #tpu.memory_space<vmem>> -> memref<1x128xi32, #tpu.memory_space<vmem>>
      %dma_start3A_243 = tpu.memref_squeeze %dma_start3A_242 : memref<1x128xi32, #tpu.memory_space<vmem>> -> memref<128xi32, #tpu.memory_space<vmem>>
      %dma_start3A_244 = arith.constant 0 : i32
      %dma_start3A_245 = arith.constant 0 : i32
      %dma_start3A_246 = tpu.memref_slice %arg2[%dma_start3A_244, %dma_start3A_245] : memref<10000x128xf32, #tpu.memory_space<hbm>> -> memref<10000x128xf32, #tpu.memory_space<hbm>>
      tpu.enqueue_indirect_dma source(%dma_start3A_246 : memref<10000x128xf32, #tpu.memory_space<hbm>>) target(%arg11 : memref<128x128xf32, #tpu.memory_space<vmem>>) offsets(%dma_start3A_243 : memref<128xi32, #tpu.memory_space<vmem>>) semaphore(%arg13 : memref<!tpu.dma_semaphore, #tpu.memory_space<semaphore_mem>>)
      %add3A_247 = arith.constant 1 : i32
      %add3A_248 = arith.addi %while3A_132, %add3A_247 : i32
      "tpu.region"() ({
        %run_scoped3A_249 = tpu.sem_alloc : memref<!tpu.dma_semaphore, #tpu.memory_space<semaphore_mem>>
        %dma_start3A_250 = arith.constant 0 : i32
        %dma_start3A_251 = arith.constant 0 : i32
        %dma_start3A_252 = tpu.memref_slice %arg4[%add3A, %add3A_248, %dma_start3A_250, %dma_start3A_251] : memref<32x19x8x128xi32, #tpu.memory_space<hbm>> -> memref<1x1x8x128xi32, #tpu.memory_space<hbm>>
        %dma_start3A_253 = tpu.memref_squeeze %dma_start3A_252 : memref<1x1x8x128xi32, #tpu.memory_space<hbm>> -> memref<8x128xi32, #tpu.memory_space<hbm>>
        %dma_start3A_254 = arith.constant 0 : i32
        %dma_start3A_255 = arith.constant 0 : i32
        %dma_start3A_256 = tpu.memref_slice %arg4[%add3A, %add3A_248, %dma_start3A_254, %dma_start3A_255] : memref<32x19x8x128xi32, #tpu.memory_space<hbm>> -> memref<1x1x8x128xi32, #tpu.memory_space<hbm>>
        %dma_start3A_257 = tpu.memref_squeeze %dma_start3A_256 : memref<1x1x8x128xi32, #tpu.memory_space<hbm>> -> memref<8x128xi32, #tpu.memory_space<hbm>>
        tpu.enqueue_dma source(%dma_start3A_257 : memref<8x128xi32, #tpu.memory_space<hbm>>) target(%arg9 : memref<8x128xi32, #tpu.memory_space<vmem>>) target_semaphore(%run_scoped3A_249 : memref<!tpu.dma_semaphore, #tpu.memory_space<semaphore_mem>>)
        %dma_wait3A_258 = arith.constant 0 : i32
        %dma_wait3A_259 = arith.constant 0 : i32
        %dma_wait3A_260 = tpu.memref_slice %arg4[%add3A, %add3A_248, %dma_wait3A_258, %dma_wait3A_259] : memref<32x19x8x128xi32, #tpu.memory_space<hbm>> -> memref<1x1x8x128xi32, #tpu.memory_space<hbm>>
        %dma_wait3A_261 = tpu.memref_squeeze %dma_wait3A_260 : memref<1x1x8x128xi32, #tpu.memory_space<hbm>> -> memref<8x128xi32, #tpu.memory_space<hbm>>
        %dma_wait3A_262 = arith.constant 0 : i32
        %dma_wait3A_263 = arith.constant 0 : i32
        %dma_wait3A_264 = tpu.memref_slice %arg4[%add3A, %add3A_248, %dma_wait3A_262, %dma_wait3A_263] : memref<32x19x8x128xi32, #tpu.memory_space<hbm>> -> memref<1x1x8x128xi32, #tpu.memory_space<hbm>>
        %dma_wait3A_265 = tpu.memref_squeeze %dma_wait3A_264 : memref<1x1x8x128xi32, #tpu.memory_space<hbm>> -> memref<8x128xi32, #tpu.memory_space<hbm>>
        tpu.wait_dma2 semaphore(%run_scoped3A_249 : memref<!tpu.dma_semaphore, #tpu.memory_space<semaphore_mem>>) src(%dma_wait3A_265 : memref<8x128xi32, #tpu.memory_space<hbm>>) dst(%arg9 : memref<8x128xi32, #tpu.memory_space<vmem>>)
        tpu.yield
      }) : () -> ()
    }
    %while3A_28 = arith.constant 1 : i32
    scf.for %while3A_132 = %while3A_26 to %while3A_22 step %while3A_28  : i32 {
      %dma_wait3A_133 = arith.constant 0 : i32
      %dma_wait3A_134 = arith.constant 0 : i32
      %dma_wait3A_135 = tpu.memref_slice %arg5[%dma_wait3A_133, %dma_wait3A_134] : memref<10112x128xf32, #tpu.memory_space<hbm>> -> memref<128x128xf32, #tpu.memory_space<hbm>>
      %dma_wait3A_136 = arith.constant 0 : i32
      %dma_wait3A_137 = arith.constant 0 : i32
      %dma_wait3A_138 = tpu.memref_slice %arg5[%dma_wait3A_136, %dma_wait3A_137] : memref<10112x128xf32, #tpu.memory_space<hbm>> -> memref<128x128xf32, #tpu.memory_space<hbm>>
      tpu.wait_dma2 semaphore(%arg12 : memref<!tpu.dma_semaphore, #tpu.memory_space<semaphore_mem>>) src(%dma_wait3A_138 : memref<128x128xf32, #tpu.memory_space<hbm>>) dst(%arg10 : memref<128x128xf32, #tpu.memory_space<vmem>>)
      %run_scoped3A_139 = arith.constant 0 : i32
      "tpu.region"() ({
        %run_scoped3A_249 = tpu.sem_alloc : memref<!tpu.dma_semaphore, #tpu.memory_space<semaphore_mem>>
        %dma_start3A_250 = arith.constant 0 : i32
        %dma_start3A_251 = tpu.memref_slice %arg9[%run_scoped3A_139, %dma_start3A_250] : memref<8x128xi32, #tpu.memory_space<vmem>> -> memref<1x128xi32, #tpu.memory_space<vmem>>
        %dma_start3A_252 = tpu.memref_squeeze %dma_start3A_251 : memref<1x128xi32, #tpu.memory_space<vmem>> -> memref<128xi32, #tpu.memory_space<vmem>>
        %dma_start3A_253 = arith.constant 0 : i32
        %dma_start3A_254 = arith.constant 0 : i32
        %dma_start3A_255 = tpu.memref_slice %arg7[%dma_start3A_253, %dma_start3A_254] : memref<10112x128xf32, #tpu.memory_space<vmem_shared>> -> memref<10112x128xf32, #tpu.memory_space<vmem_shared>>
        tpu.enqueue_indirect_dma source(%arg10 : memref<128x128xf32, #tpu.memory_space<vmem>>) target(%dma_start3A_255 : memref<10112x128xf32, #tpu.memory_space<vmem_shared>>) offsets(%dma_start3A_252 : memref<128xi32, #tpu.memory_space<vmem>>) semaphore(%run_scoped3A_249 : memref<!tpu.dma_semaphore, #tpu.memory_space<semaphore_mem>>) {add = true}
        %dma_wait3A_256 = arith.constant 0 : i32
        %dma_wait3A_257 = tpu.memref_slice %arg9[%run_scoped3A_139, %dma_wait3A_256] : memref<8x128xi32, #tpu.memory_space<vmem>> -> memref<1x128xi32, #tpu.memory_space<vmem>>
        %dma_wait3A_258 = tpu.memref_squeeze %dma_wait3A_257 : memref<1x128xi32, #tpu.memory_space<vmem>> -> memref<128xi32, #tpu.memory_space<vmem>>
        %dma_wait3A_259 = arith.constant 0 : i32
        %dma_wait3A_260 = arith.constant 0 : i32
        %dma_wait3A_261 = tpu.memref_slice %arg7[%dma_wait3A_259, %dma_wait3A_260] : memref<10112x128xf32, #tpu.memory_space<vmem_shared>> -> memref<10112x128xf32, #tpu.memory_space<vmem_shared>>
        tpu.wait_indirect_dma semaphore(%run_scoped3A_249 : memref<!tpu.dma_semaphore, #tpu.memory_space<semaphore_mem>>) src(%arg10 : memref<128x128xf32, #tpu.memory_space<vmem>>) dst(%dma_wait3A_261 : memref<10112x128xf32, #tpu.memory_space<vmem_shared>>)
        tpu.yield
      }) : () -> ()
      %dma_start3A_140 = arith.constant 2 : i32
      %dma_start3A_141 = arith.constant 0 : i32
      %dma_start3A_142 = tpu.memref_slice %arg8[%dma_start3A_140, %dma_start3A_141] : memref<8x128xi32, #tpu.memory_space<vmem>> -> memref<1x128xi32, #tpu.memory_space<vmem>>
      %dma_start3A_143 = tpu.memref_squeeze %dma_start3A_142 : memref<1x128xi32, #tpu.memory_space<vmem>> -> memref<128xi32, #tpu.memory_space<vmem>>
      %dma_start3A_144 = arith.constant 0 : i32
      %dma_start3A_145 = arith.constant 0 : i32
      %dma_start3A_146 = tpu.memref_slice %arg2[%dma_start3A_144, %dma_start3A_145] : memref<10000x128xf32, #tpu.memory_space<hbm>> -> memref<10000x128xf32, #tpu.memory_space<hbm>>
      tpu.enqueue_indirect_dma source(%dma_start3A_146 : memref<10000x128xf32, #tpu.memory_space<hbm>>) target(%arg10 : memref<128x128xf32, #tpu.memory_space<vmem>>) offsets(%dma_start3A_143 : memref<128xi32, #tpu.memory_space<vmem>>) semaphore(%arg12 : memref<!tpu.dma_semaphore, #tpu.memory_space<semaphore_mem>>)
      %dma_wait3A_147 = arith.constant 0 : i32
      %dma_wait3A_148 = arith.constant 0 : i32
      %dma_wait3A_149 = tpu.memref_slice %arg5[%dma_wait3A_147, %dma_wait3A_148] : memref<10112x128xf32, #tpu.memory_space<hbm>> -> memref<128x128xf32, #tpu.memory_space<hbm>>
      %dma_wait3A_150 = arith.constant 0 : i32
      %dma_wait3A_151 = arith.constant 0 : i32
      %dma_wait3A_152 = tpu.memref_slice %arg5[%dma_wait3A_150, %dma_wait3A_151] : memref<10112x128xf32, #tpu.memory_space<hbm>> -> memref<128x128xf32, #tpu.memory_space<hbm>>
      tpu.wait_dma2 semaphore(%arg13 : memref<!tpu.dma_semaphore, #tpu.memory_space<semaphore_mem>>) src(%dma_wait3A_152 : memref<128x128xf32, #tpu.memory_space<hbm>>) dst(%arg11 : memref<128x128xf32, #tpu.memory_space<vmem>>)
      %run_scoped3A_153 = arith.constant 1 : i32
      "tpu.region"() ({
        %run_scoped3A_249 = tpu.sem_alloc : memref<!tpu.dma_semaphore, #tpu.memory_space<semaphore_mem>>
        %dma_start3A_250 = arith.constant 0 : i32
        %dma_start3A_251 = tpu.memref_slice %arg9[%run_scoped3A_153, %dma_start3A_250] : memref<8x128xi32, #tpu.memory_space<vmem>> -> memref<1x128xi32, #tpu.memory_space<vmem>>
        %dma_start3A_252 = tpu.memref_squeeze %dma_start3A_251 : memref<1x128xi32, #tpu.memory_space<vmem>> -> memref<128xi32, #tpu.memory_space<vmem>>
        %dma_start3A_253 = arith.constant 0 : i32
        %dma_start3A_254 = arith.constant 0 : i32
        %dma_start3A_255 = tpu.memref_slice %arg7[%dma_start3A_253, %dma_start3A_254] : memref<10112x128xf32, #tpu.memory_space<vmem_shared>> -> memref<10112x128xf32, #tpu.memory_space<vmem_shared>>
        tpu.enqueue_indirect_dma source(%arg11 : memref<128x128xf32, #tpu.memory_space<vmem>>) target(%dma_start3A_255 : memref<10112x128xf32, #tpu.memory_space<vmem_shared>>) offsets(%dma_start3A_252 : memref<128xi32, #tpu.memory_space<vmem>>) semaphore(%run_scoped3A_249 : memref<!tpu.dma_semaphore, #tpu.memory_space<semaphore_mem>>) {add = true}
        %dma_wait3A_256 = arith.constant 0 : i32
        %dma_wait3A_257 = tpu.memref_slice %arg9[%run_scoped3A_153, %dma_wait3A_256] : memref<8x128xi32, #tpu.memory_space<vmem>> -> memref<1x128xi32, #tpu.memory_space<vmem>>
        %dma_wait3A_258 = tpu.memref_squeeze %dma_wait3A_257 : memref<1x128xi32, #tpu.memory_space<vmem>> -> memref<128xi32, #tpu.memory_space<vmem>>
        %dma_wait3A_259 = arith.constant 0 : i32
        %dma_wait3A_260 = arith.constant 0 : i32
        %dma_wait3A_261 = tpu.memref_slice %arg7[%dma_wait3A_259, %dma_wait3A_260] : memref<10112x128xf32, #tpu.memory_space<vmem_shared>> -> memref<10112x128xf32, #tpu.memory_space<vmem_shared>>
        tpu.wait_indirect_dma semaphore(%run_scoped3A_249 : memref<!tpu.dma_semaphore, #tpu.memory_space<semaphore_mem>>) src(%arg11 : memref<128x128xf32, #tpu.memory_space<vmem>>) dst(%dma_wait3A_261 : memref<10112x128xf32, #tpu.memory_space<vmem_shared>>)
        tpu.yield
      }) : () -> ()
      %dma_start3A_154 = arith.constant 3 : i32
      %dma_start3A_155 = arith.constant 0 : i32
      %dma_start3A_156 = tpu.memref_slice %arg8[%dma_start3A_154, %dma_start3A_155] : memref<8x128xi32, #tpu.memory_space<vmem>> -> memref<1x128xi32, #tpu.memory_space<vmem>>
      %dma_start3A_157 = tpu.memref_squeeze %dma_start3A_156 : memref<1x128xi32, #tpu.memory_space<vmem>> -> memref<128xi32, #tpu.memory_space<vmem>>
      %dma_start3A_158 = arith.constant 0 : i32
      %dma_start3A_159 = arith.constant 0 : i32
      %dma_start3A_160 = tpu.memref_slice %arg2[%dma_start3A_158, %dma_start3A_159] : memref<10000x128xf32, #tpu.memory_space<hbm>> -> memref<10000x128xf32, #tpu.memory_space<hbm>>
      tpu.enqueue_indirect_dma source(%dma_start3A_160 : memref<10000x128xf32, #tpu.memory_space<hbm>>) target(%arg11 : memref<128x128xf32, #tpu.memory_space<vmem>>) offsets(%dma_start3A_157 : memref<128xi32, #tpu.memory_space<vmem>>) semaphore(%arg13 : memref<!tpu.dma_semaphore, #tpu.memory_space<semaphore_mem>>)
      %dma_wait3A_161 = arith.constant 0 : i32
      %dma_wait3A_162 = arith.constant 0 : i32
      %dma_wait3A_163 = tpu.memref_slice %arg5[%dma_wait3A_161, %dma_wait3A_162] : memref<10112x128xf32, #tpu.memory_space<hbm>> -> memref<128x128xf32, #tpu.memory_space<hbm>>
      %dma_wait3A_164 = arith.constant 0 : i32
      %dma_wait3A_165 = arith.constant 0 : i32
      %dma_wait3A_166 = tpu.memref_slice %arg5[%dma_wait3A_164, %dma_wait3A_165] : memref<10112x128xf32, #tpu.memory_space<hbm>> -> memref<128x128xf32, #tpu.memory_space<hbm>>
      tpu.wait_dma2 semaphore(%arg12 : memref<!tpu.dma_semaphore, #tpu.memory_space<semaphore_mem>>) src(%dma_wait3A_166 : memref<128x128xf32, #tpu.memory_space<hbm>>) dst(%arg10 : memref<128x128xf32, #tpu.memory_space<vmem>>)
      %run_scoped3A_167 = arith.constant 2 : i32
      "tpu.region"() ({
        %run_scoped3A_249 = tpu.sem_alloc : memref<!tpu.dma_semaphore, #tpu.memory_space<semaphore_mem>>
        %dma_start3A_250 = arith.constant 0 : i32
        %dma_start3A_251 = tpu.memref_slice %arg9[%run_scoped3A_167, %dma_start3A_250] : memref<8x128xi32, #tpu.memory_space<vmem>> -> memref<1x128xi32, #tpu.memory_space<vmem>>
        %dma_start3A_252 = tpu.memref_squeeze %dma_start3A_251 : memref<1x128xi32, #tpu.memory_space<vmem>> -> memref<128xi32, #tpu.memory_space<vmem>>
        %dma_start3A_253 = arith.constant 0 : i32
        %dma_start3A_254 = arith.constant 0 : i32
        %dma_start3A_255 = tpu.memref_slice %arg7[%dma_start3A_253, %dma_start3A_254] : memref<10112x128xf32, #tpu.memory_space<vmem_shared>> -> memref<10112x128xf32, #tpu.memory_space<vmem_shared>>
        tpu.enqueue_indirect_dma source(%arg10 : memref<128x128xf32, #tpu.memory_space<vmem>>) target(%dma_start3A_255 : memref<10112x128xf32, #tpu.memory_space<vmem_shared>>) offsets(%dma_start3A_252 : memref<128xi32, #tpu.memory_space<vmem>>) semaphore(%run_scoped3A_249 : memref<!tpu.dma_semaphore, #tpu.memory_space<semaphore_mem>>) {add = true}
        %dma_wait3A_256 = arith.constant 0 : i32
        %dma_wait3A_257 = tpu.memref_slice %arg9[%run_scoped3A_167, %dma_wait3A_256] : memref<8x128xi32, #tpu.memory_space<vmem>> -> memref<1x128xi32, #tpu.memory_space<vmem>>
        %dma_wait3A_258 = tpu.memref_squeeze %dma_wait3A_257 : memref<1x128xi32, #tpu.memory_space<vmem>> -> memref<128xi32, #tpu.memory_space<vmem>>
        %dma_wait3A_259 = arith.constant 0 : i32
        %dma_wait3A_260 = arith.constant 0 : i32
        %dma_wait3A_261 = tpu.memref_slice %arg7[%dma_wait3A_259, %dma_wait3A_260] : memref<10112x128xf32, #tpu.memory_space<vmem_shared>> -> memref<10112x128xf32, #tpu.memory_space<vmem_shared>>
        tpu.wait_indirect_dma semaphore(%run_scoped3A_249 : memref<!tpu.dma_semaphore, #tpu.memory_space<semaphore_mem>>) src(%arg10 : memref<128x128xf32, #tpu.memory_space<vmem>>) dst(%dma_wait3A_261 : memref<10112x128xf32, #tpu.memory_space<vmem_shared>>)
        tpu.yield
      }) : () -> ()
      %dma_start3A_168 = arith.constant 4 : i32
      %dma_start3A_169 = arith.constant 0 : i32
      %dma_start3A_170 = tpu.memref_slice %arg8[%dma_start3A_168, %dma_start3A_169] : memref<8x128xi32, #tpu.memory_space<vmem>> -> memref<1x128xi32, #tpu.memory_space<vmem>>
      %dma_start3A_171 = tpu.memref_squeeze %dma_start3A_170 : memref<1x128xi32, #tpu.memory_space<vmem>> -> memref<128xi32, #tpu.memory_space<vmem>>
      %dma_start3A_172 = arith.constant 0 : i32
      %dma_start3A_173 = arith.constant 0 : i32
      %dma_start3A_174 = tpu.memref_slice %arg2[%dma_start3A_172, %dma_start3A_173] : memref<10000x128xf32, #tpu.memory_space<hbm>> -> memref<10000x128xf32, #tpu.memory_space<hbm>>
      tpu.enqueue_indirect_dma source(%dma_start3A_174 : memref<10000x128xf32, #tpu.memory_space<hbm>>) target(%arg10 : memref<128x128xf32, #tpu.memory_space<vmem>>) offsets(%dma_start3A_171 : memref<128xi32, #tpu.memory_space<vmem>>) semaphore(%arg12 : memref<!tpu.dma_semaphore, #tpu.memory_space<semaphore_mem>>)
      %dma_wait3A_175 = arith.constant 0 : i32
      %dma_wait3A_176 = arith.constant 0 : i32
      %dma_wait3A_177 = tpu.memref_slice %arg5[%dma_wait3A_175, %dma_wait3A_176] : memref<10112x128xf32, #tpu.memory_space<hbm>> -> memref<128x128xf32, #tpu.memory_space<hbm>>
      %dma_wait3A_178 = arith.constant 0 : i32
      %dma_wait3A_179 = arith.constant 0 : i32
      %dma_wait3A_180 = tpu.memref_slice %arg5[%dma_wait3A_178, %dma_wait3A_179] : memref<10112x128xf32, #tpu.memory_space<hbm>> -> memref<128x128xf32, #tpu.memory_space<hbm>>
      tpu.wait_dma2 semaphore(%arg13 : memref<!tpu.dma_semaphore, #tpu.memory_space<semaphore_mem>>) src(%dma_wait3A_180 : memref<128x128xf32, #tpu.memory_space<hbm>>) dst(%arg11 : memref<128x128xf32, #tpu.memory_space<vmem>>)
      %run_scoped3A_181 = arith.constant 3 : i32
      "tpu.region"() ({
        %run_scoped3A_249 = tpu.sem_alloc : memref<!tpu.dma_semaphore, #tpu.memory_space<semaphore_mem>>
        %dma_start3A_250 = arith.constant 0 : i32
        %dma_start3A_251 = tpu.memref_slice %arg9[%run_scoped3A_181, %dma_start3A_250] : memref<8x128xi32, #tpu.memory_space<vmem>> -> memref<1x128xi32, #tpu.memory_space<vmem>>
        %dma_start3A_252 = tpu.memref_squeeze %dma_start3A_251 : memref<1x128xi32, #tpu.memory_space<vmem>> -> memref<128xi32, #tpu.memory_space<vmem>>
        %dma_start3A_253 = arith.constant 0 : i32
        %dma_start3A_254 = arith.constant 0 : i32
        %dma_start3A_255 = tpu.memref_slice %arg7[%dma_start3A_253, %dma_start3A_254] : memref<10112x128xf32, #tpu.memory_space<vmem_shared>> -> memref<10112x128xf32, #tpu.memory_space<vmem_shared>>
        tpu.enqueue_indirect_dma source(%arg11 : memref<128x128xf32, #tpu.memory_space<vmem>>) target(%dma_start3A_255 : memref<10112x128xf32, #tpu.memory_space<vmem_shared>>) offsets(%dma_start3A_252 : memref<128xi32, #tpu.memory_space<vmem>>) semaphore(%run_scoped3A_249 : memref<!tpu.dma_semaphore, #tpu.memory_space<semaphore_mem>>) {add = true}
        %dma_wait3A_256 = arith.constant 0 : i32
        %dma_wait3A_257 = tpu.memref_slice %arg9[%run_scoped3A_181, %dma_wait3A_256] : memref<8x128xi32, #tpu.memory_space<vmem>> -> memref<1x128xi32, #tpu.memory_space<vmem>>
        %dma_wait3A_258 = tpu.memref_squeeze %dma_wait3A_257 : memref<1x128xi32, #tpu.memory_space<vmem>> -> memref<128xi32, #tpu.memory_space<vmem>>
        %dma_wait3A_259 = arith.constant 0 : i32
        %dma_wait3A_260 = arith.constant 0 : i32
        %dma_wait3A_261 = tpu.memref_slice %arg7[%dma_wait3A_259, %dma_wait3A_260] : memref<10112x128xf32, #tpu.memory_space<vmem_shared>> -> memref<10112x128xf32, #tpu.memory_space<vmem_shared>>
        tpu.wait_indirect_dma semaphore(%run_scoped3A_249 : memref<!tpu.dma_semaphore, #tpu.memory_space<semaphore_mem>>) src(%arg11 : memref<128x128xf32, #tpu.memory_space<vmem>>) dst(%dma_wait3A_261 : memref<10112x128xf32, #tpu.memory_space<vmem_shared>>)
        tpu.yield
      }) : () -> ()
      %dma_start3A_182 = arith.constant 5 : i32
      %dma_start3A_183 = arith.constant 0 : i32
      %dma_start3A_184 = tpu.memref_slice %arg8[%dma_start3A_182, %dma_start3A_183] : memref<8x128xi32, #tpu.memory_space<vmem>> -> memref<1x128xi32, #tpu.memory_space<vmem>>
      %dma_start3A_185 = tpu.memref_squeeze %dma_start3A_184 : memref<1x128xi32, #tpu.memory_space<vmem>> -> memref<128xi32, #tpu.memory_space<vmem>>
      %dma_start3A_186 = arith.constant 0 : i32
      %dma_start3A_187 = arith.constant 0 : i32
      %dma_start3A_188 = tpu.memref_slice %arg2[%dma_start3A_186, %dma_start3A_187] : memref<10000x128xf32, #tpu.memory_space<hbm>> -> memref<10000x128xf32, #tpu.memory_space<hbm>>
      tpu.enqueue_indirect_dma source(%dma_start3A_188 : memref<10000x128xf32, #tpu.memory_space<hbm>>) target(%arg11 : memref<128x128xf32, #tpu.memory_space<vmem>>) offsets(%dma_start3A_185 : memref<128xi32, #tpu.memory_space<vmem>>) semaphore(%arg13 : memref<!tpu.dma_semaphore, #tpu.memory_space<semaphore_mem>>)
      %dma_wait3A_189 = arith.constant 0 : i32
      %dma_wait3A_190 = arith.constant 0 : i32
      %dma_wait3A_191 = tpu.memref_slice %arg5[%dma_wait3A_189, %dma_wait3A_190] : memref<10112x128xf32, #tpu.memory_space<hbm>> -> memref<128x128xf32, #tpu.memory_space<hbm>>
      %dma_wait3A_192 = arith.constant 0 : i32
      %dma_wait3A_193 = arith.constant 0 : i32
      %dma_wait3A_194 = tpu.memref_slice %arg5[%dma_wait3A_192, %dma_wait3A_193] : memref<10112x128xf32, #tpu.memory_space<hbm>> -> memref<128x128xf32, #tpu.memory_space<hbm>>
      tpu.wait_dma2 semaphore(%arg12 : memref<!tpu.dma_semaphore, #tpu.memory_space<semaphore_mem>>) src(%dma_wait3A_194 : memref<128x128xf32, #tpu.memory_space<hbm>>) dst(%arg10 : memref<128x128xf32, #tpu.memory_space<vmem>>)
      %run_scoped3A_195 = arith.constant 4 : i32
      "tpu.region"() ({
        %run_scoped3A_249 = tpu.sem_alloc : memref<!tpu.dma_semaphore, #tpu.memory_space<semaphore_mem>>
        %dma_start3A_250 = arith.constant 0 : i32
        %dma_start3A_251 = tpu.memref_slice %arg9[%run_scoped3A_195, %dma_start3A_250] : memref<8x128xi32, #tpu.memory_space<vmem>> -> memref<1x128xi32, #tpu.memory_space<vmem>>
        %dma_start3A_252 = tpu.memref_squeeze %dma_start3A_251 : memref<1x128xi32, #tpu.memory_space<vmem>> -> memref<128xi32, #tpu.memory_space<vmem>>
        %dma_start3A_253 = arith.constant 0 : i32
        %dma_start3A_254 = arith.constant 0 : i32
        %dma_start3A_255 = tpu.memref_slice %arg7[%dma_start3A_253, %dma_start3A_254] : memref<10112x128xf32, #tpu.memory_space<vmem_shared>> -> memref<10112x128xf32, #tpu.memory_space<vmem_shared>>
        tpu.enqueue_indirect_dma source(%arg10 : memref<128x128xf32, #tpu.memory_space<vmem>>) target(%dma_start3A_255 : memref<10112x128xf32, #tpu.memory_space<vmem_shared>>) offsets(%dma_start3A_252 : memref<128xi32, #tpu.memory_space<vmem>>) semaphore(%run_scoped3A_249 : memref<!tpu.dma_semaphore, #tpu.memory_space<semaphore_mem>>) {add = true}
        %dma_wait3A_256 = arith.constant 0 : i32
        %dma_wait3A_257 = tpu.memref_slice %arg9[%run_scoped3A_195, %dma_wait3A_256] : memref<8x128xi32, #tpu.memory_space<vmem>> -> memref<1x128xi32, #tpu.memory_space<vmem>>
        %dma_wait3A_258 = tpu.memref_squeeze %dma_wait3A_257 : memref<1x128xi32, #tpu.memory_space<vmem>> -> memref<128xi32, #tpu.memory_space<vmem>>
        %dma_wait3A_259 = arith.constant 0 : i32
        %dma_wait3A_260 = arith.constant 0 : i32
        %dma_wait3A_261 = tpu.memref_slice %arg7[%dma_wait3A_259, %dma_wait3A_260] : memref<10112x128xf32, #tpu.memory_space<vmem_shared>> -> memref<10112x128xf32, #tpu.memory_space<vmem_shared>>
        tpu.wait_indirect_dma semaphore(%run_scoped3A_249 : memref<!tpu.dma_semaphore, #tpu.memory_space<semaphore_mem>>) src(%arg10 : memref<128x128xf32, #tpu.memory_space<vmem>>) dst(%dma_wait3A_261 : memref<10112x128xf32, #tpu.memory_space<vmem_shared>>)
        tpu.yield
      }) : () -> ()
      %dma_start3A_196 = arith.constant 6 : i32
      %dma_start3A_197 = arith.constant 0 : i32
      %dma_start3A_198 = tpu.memref_slice %arg8[%dma_start3A_196, %dma_start3A_197] : memref<8x128xi32, #tpu.memory_space<vmem>> -> memref<1x128xi32, #tpu.memory_space<vmem>>
      %dma_start3A_199 = tpu.memref_squeeze %dma_start3A_198 : memref<1x128xi32, #tpu.memory_space<vmem>> -> memref<128xi32, #tpu.memory_space<vmem>>
      %dma_start3A_200 = arith.constant 0 : i32
      %dma_start3A_201 = arith.constant 0 : i32
      %dma_start3A_202 = tpu.memref_slice %arg2[%dma_start3A_200, %dma_start3A_201] : memref<10000x128xf32, #tpu.memory_space<hbm>> -> memref<10000x128xf32, #tpu.memory_space<hbm>>
      tpu.enqueue_indirect_dma source(%dma_start3A_202 : memref<10000x128xf32, #tpu.memory_space<hbm>>) target(%arg10 : memref<128x128xf32, #tpu.memory_space<vmem>>) offsets(%dma_start3A_199 : memref<128xi32, #tpu.memory_space<vmem>>) semaphore(%arg12 : memref<!tpu.dma_semaphore, #tpu.memory_space<semaphore_mem>>)
      %dma_wait3A_203 = arith.constant 0 : i32
      %dma_wait3A_204 = arith.constant 0 : i32
      %dma_wait3A_205 = tpu.memref_slice %arg5[%dma_wait3A_203, %dma_wait3A_204] : memref<10112x128xf32, #tpu.memory_space<hbm>> -> memref<128x128xf32, #tpu.memory_space<hbm>>
      %dma_wait3A_206 = arith.constant 0 : i32
      %dma_wait3A_207 = arith.constant 0 : i32
      %dma_wait3A_208 = tpu.memref_slice %arg5[%dma_wait3A_206, %dma_wait3A_207] : memref<10112x128xf32, #tpu.memory_space<hbm>> -> memref<128x128xf32, #tpu.memory_space<hbm>>
      tpu.wait_dma2 semaphore(%arg13 : memref<!tpu.dma_semaphore, #tpu.memory_space<semaphore_mem>>) src(%dma_wait3A_208 : memref<128x128xf32, #tpu.memory_space<hbm>>) dst(%arg11 : memref<128x128xf32, #tpu.memory_space<vmem>>)
      %run_scoped3A_209 = arith.constant 5 : i32
      "tpu.region"() ({
        %run_scoped3A_249 = tpu.sem_alloc : memref<!tpu.dma_semaphore, #tpu.memory_space<semaphore_mem>>
        %dma_start3A_250 = arith.constant 0 : i32
        %dma_start3A_251 = tpu.memref_slice %arg9[%run_scoped3A_209, %dma_start3A_250] : memref<8x128xi32, #tpu.memory_space<vmem>> -> memref<1x128xi32, #tpu.memory_space<vmem>>
        %dma_start3A_252 = tpu.memref_squeeze %dma_start3A_251 : memref<1x128xi32, #tpu.memory_space<vmem>> -> memref<128xi32, #tpu.memory_space<vmem>>
        %dma_start3A_253 = arith.constant 0 : i32
        %dma_start3A_254 = arith.constant 0 : i32
        %dma_start3A_255 = tpu.memref_slice %arg7[%dma_start3A_253, %dma_start3A_254] : memref<10112x128xf32, #tpu.memory_space<vmem_shared>> -> memref<10112x128xf32, #tpu.memory_space<vmem_shared>>
        tpu.enqueue_indirect_dma source(%arg11 : memref<128x128xf32, #tpu.memory_space<vmem>>) target(%dma_start3A_255 : memref<10112x128xf32, #tpu.memory_space<vmem_shared>>) offsets(%dma_start3A_252 : memref<128xi32, #tpu.memory_space<vmem>>) semaphore(%run_scoped3A_249 : memref<!tpu.dma_semaphore, #tpu.memory_space<semaphore_mem>>) {add = true}
        %dma_wait3A_256 = arith.constant 0 : i32
        %dma_wait3A_257 = tpu.memref_slice %arg9[%run_scoped3A_209, %dma_wait3A_256] : memref<8x128xi32, #tpu.memory_space<vmem>> -> memref<1x128xi32, #tpu.memory_space<vmem>>
        %dma_wait3A_258 = tpu.memref_squeeze %dma_wait3A_257 : memref<1x128xi32, #tpu.memory_space<vmem>> -> memref<128xi32, #tpu.memory_space<vmem>>
        %dma_wait3A_259 = arith.constant 0 : i32
        %dma_wait3A_260 = arith.constant 0 : i32
        %dma_wait3A_261 = tpu.memref_slice %arg7[%dma_wait3A_259, %dma_wait3A_260] : memref<10112x128xf32, #tpu.memory_space<vmem_shared>> -> memref<10112x128xf32, #tpu.memory_space<vmem_shared>>
        tpu.wait_indirect_dma semaphore(%run_scoped3A_249 : memref<!tpu.dma_semaphore, #tpu.memory_space<semaphore_mem>>) src(%arg11 : memref<128x128xf32, #tpu.memory_space<vmem>>) dst(%dma_wait3A_261 : memref<10112x128xf32, #tpu.memory_space<vmem_shared>>)
        tpu.yield
      }) : () -> ()
      %dma_start3A_210 = arith.constant 7 : i32
      %dma_start3A_211 = arith.constant 0 : i32
      %dma_start3A_212 = tpu.memref_slice %arg8[%dma_start3A_210, %dma_start3A_211] : memref<8x128xi32, #tpu.memory_space<vmem>> -> memref<1x128xi32, #tpu.memory_space<vmem>>
      %dma_start3A_213 = tpu.memref_squeeze %dma_start3A_212 : memref<1x128xi32, #tpu.memory_space<vmem>> -> memref<128xi32, #tpu.memory_space<vmem>>
      %dma_start3A_214 = arith.constant 0 : i32
      %dma_start3A_215 = arith.constant 0 : i32
      %dma_start3A_216 = tpu.memref_slice %arg2[%dma_start3A_214, %dma_start3A_215] : memref<10000x128xf32, #tpu.memory_space<hbm>> -> memref<10000x128xf32, #tpu.memory_space<hbm>>
      tpu.enqueue_indirect_dma source(%dma_start3A_216 : memref<10000x128xf32, #tpu.memory_space<hbm>>) target(%arg11 : memref<128x128xf32, #tpu.memory_space<vmem>>) offsets(%dma_start3A_213 : memref<128xi32, #tpu.memory_space<vmem>>) semaphore(%arg13 : memref<!tpu.dma_semaphore, #tpu.memory_space<semaphore_mem>>)
      %dma_wait3A_217 = arith.constant 0 : i32
      %dma_wait3A_218 = arith.constant 0 : i32
      %dma_wait3A_219 = tpu.memref_slice %arg5[%dma_wait3A_217, %dma_wait3A_218] : memref<10112x128xf32, #tpu.memory_space<hbm>> -> memref<128x128xf32, #tpu.memory_space<hbm>>
      %dma_wait3A_220 = arith.constant 0 : i32
      %dma_wait3A_221 = arith.constant 0 : i32
      %dma_wait3A_222 = tpu.memref_slice %arg5[%dma_wait3A_220, %dma_wait3A_221] : memref<10112x128xf32, #tpu.memory_space<hbm>> -> memref<128x128xf32, #tpu.memory_space<hbm>>
      tpu.wait_dma2 semaphore(%arg12 : memref<!tpu.dma_semaphore, #tpu.memory_space<semaphore_mem>>) src(%dma_wait3A_222 : memref<128x128xf32, #tpu.memory_space<hbm>>) dst(%arg10 : memref<128x128xf32, #tpu.memory_space<vmem>>)
      %run_scoped3A_223 = arith.constant 6 : i32
      "tpu.region"() ({
        %run_scoped3A_249 = tpu.sem_alloc : memref<!tpu.dma_semaphore, #tpu.memory_space<semaphore_mem>>
        %dma_start3A_250 = arith.constant 0 : i32
        %dma_start3A_251 = tpu.memref_slice %arg9[%run_scoped3A_223, %dma_start3A_250] : memref<8x128xi32, #tpu.memory_space<vmem>> -> memref<1x128xi32, #tpu.memory_space<vmem>>
        %dma_start3A_252 = tpu.memref_squeeze %dma_start3A_251 : memref<1x128xi32, #tpu.memory_space<vmem>> -> memref<128xi32, #tpu.memory_space<vmem>>
        %dma_start3A_253 = arith.constant 0 : i32
        %dma_start3A_254 = arith.constant 0 : i32
        %dma_start3A_255 = tpu.memref_slice %arg7[%dma_start3A_253, %dma_start3A_254] : memref<10112x128xf32, #tpu.memory_space<vmem_shared>> -> memref<10112x128xf32, #tpu.memory_space<vmem_shared>>
        tpu.enqueue_indirect_dma source(%arg10 : memref<128x128xf32, #tpu.memory_space<vmem>>) target(%dma_start3A_255 : memref<10112x128xf32, #tpu.memory_space<vmem_shared>>) offsets(%dma_start3A_252 : memref<128xi32, #tpu.memory_space<vmem>>) semaphore(%run_scoped3A_249 : memref<!tpu.dma_semaphore, #tpu.memory_space<semaphore_mem>>) {add = true}
        %dma_wait3A_256 = arith.constant 0 : i32
        %dma_wait3A_257 = tpu.memref_slice %arg9[%run_scoped3A_223, %dma_wait3A_256] : memref<8x128xi32, #tpu.memory_space<vmem>> -> memref<1x128xi32, #tpu.memory_space<vmem>>
        %dma_wait3A_258 = tpu.memref_squeeze %dma_wait3A_257 : memref<1x128xi32, #tpu.memory_space<vmem>> -> memref<128xi32, #tpu.memory_space<vmem>>
        %dma_wait3A_259 = arith.constant 0 : i32
        %dma_wait3A_260 = arith.constant 0 : i32
        %dma_wait3A_261 = tpu.memref_slice %arg7[%dma_wait3A_259, %dma_wait3A_260] : memref<10112x128xf32, #tpu.memory_space<vmem_shared>> -> memref<10112x128xf32, #tpu.memory_space<vmem_shared>>
        tpu.wait_indirect_dma semaphore(%run_scoped3A_249 : memref<!tpu.dma_semaphore, #tpu.memory_space<semaphore_mem>>) src(%arg10 : memref<128x128xf32, #tpu.memory_space<vmem>>) dst(%dma_wait3A_261 : memref<10112x128xf32, #tpu.memory_space<vmem_shared>>)
        tpu.yield
      }) : () -> ()
      %dma_wait3A_224 = arith.constant 0 : i32
      %dma_wait3A_225 = arith.constant 0 : i32
      %dma_wait3A_226 = tpu.memref_slice %arg5[%dma_wait3A_224, %dma_wait3A_225] : memref<10112x128xf32, #tpu.memory_space<hbm>> -> memref<128x128xf32, #tpu.memory_space<hbm>>
      %dma_wait3A_227 = arith.constant 0 : i32
      %dma_wait3A_228 = arith.constant 0 : i32
      %dma_wait3A_229 = tpu.memref_slice %arg5[%dma_wait3A_227, %dma_wait3A_228] : memref<10112x128xf32, #tpu.memory_space<hbm>> -> memref<128x128xf32, #tpu.memory_space<hbm>>
      tpu.wait_dma2 semaphore(%arg13 : memref<!tpu.dma_semaphore, #tpu.memory_space<semaphore_mem>>) src(%dma_wait3A_229 : memref<128x128xf32, #tpu.memory_space<hbm>>) dst(%arg11 : memref<128x128xf32, #tpu.memory_space<vmem>>)
      %run_scoped3A_230 = arith.constant 7 : i32
      "tpu.region"() ({
        %run_scoped3A_249 = tpu.sem_alloc : memref<!tpu.dma_semaphore, #tpu.memory_space<semaphore_mem>>
        %dma_start3A_250 = arith.constant 0 : i32
        %dma_start3A_251 = tpu.memref_slice %arg9[%run_scoped3A_230, %dma_start3A_250] : memref<8x128xi32, #tpu.memory_space<vmem>> -> memref<1x128xi32, #tpu.memory_space<vmem>>
        %dma_start3A_252 = tpu.memref_squeeze %dma_start3A_251 : memref<1x128xi32, #tpu.memory_space<vmem>> -> memref<128xi32, #tpu.memory_space<vmem>>
        %dma_start3A_253 = arith.constant 0 : i32
        %dma_start3A_254 = arith.constant 0 : i32
        %dma_start3A_255 = tpu.memref_slice %arg7[%dma_start3A_253, %dma_start3A_254] : memref<10112x128xf32, #tpu.memory_space<vmem_shared>> -> memref<10112x128xf32, #tpu.memory_space<vmem_shared>>
        tpu.enqueue_indirect_dma source(%arg11 : memref<128x128xf32, #tpu.memory_space<vmem>>) target(%dma_start3A_255 : memref<10112x128xf32, #tpu.memory_space<vmem_shared>>) offsets(%dma_start3A_252 : memref<128xi32, #tpu.memory_space<vmem>>) semaphore(%run_scoped3A_249 : memref<!tpu.dma_semaphore, #tpu.memory_space<semaphore_mem>>) {add = true}
        %dma_wait3A_256 = arith.constant 0 : i32
        %dma_wait3A_257 = tpu.memref_slice %arg9[%run_scoped3A_230, %dma_wait3A_256] : memref<8x128xi32, #tpu.memory_space<vmem>> -> memref<1x128xi32, #tpu.memory_space<vmem>>
        %dma_wait3A_258 = tpu.memref_squeeze %dma_wait3A_257 : memref<1x128xi32, #tpu.memory_space<vmem>> -> memref<128xi32, #tpu.memory_space<vmem>>
        %dma_wait3A_259 = arith.constant 0 : i32
        %dma_wait3A_260 = arith.constant 0 : i32
        %dma_wait3A_261 = tpu.memref_slice %arg7[%dma_wait3A_259, %dma_wait3A_260] : memref<10112x128xf32, #tpu.memory_space<vmem_shared>> -> memref<10112x128xf32, #tpu.memory_space<vmem_shared>>
        tpu.wait_indirect_dma semaphore(%run_scoped3A_249 : memref<!tpu.dma_semaphore, #tpu.memory_space<semaphore_mem>>) src(%arg11 : memref<128x128xf32, #tpu.memory_space<vmem>>) dst(%dma_wait3A_261 : memref<10112x128xf32, #tpu.memory_space<vmem_shared>>)
        tpu.yield
      }) : () -> ()
      %add3A_231 = arith.constant 1 : i32
      %add3A_232 = arith.addi %while3A_132, %add3A_231 : i32
      "tpu.region"() ({
        %run_scoped3A_249 = tpu.sem_alloc : memref<!tpu.dma_semaphore, #tpu.memory_space<semaphore_mem>>
        %dma_start3A_250 = arith.constant 0 : i32
        %dma_start3A_251 = arith.constant 0 : i32
        %dma_start3A_252 = tpu.memref_slice %arg3[%add3A, %add3A_232, %dma_start3A_250, %dma_start3A_251] : memref<32x19x8x128xi32, #tpu.memory_space<hbm>> -> memref<1x1x8x128xi32, #tpu.memory_space<hbm>>
        %dma_start3A_253 = tpu.memref_squeeze %dma_start3A_252 : memref<1x1x8x128xi32, #tpu.memory_space<hbm>> -> memref<8x128xi32, #tpu.memory_space<hbm>>
        %dma_start3A_254 = arith.constant 0 : i32
        %dma_start3A_255 = arith.constant 0 : i32
        %dma_start3A_256 = tpu.memref_slice %arg3[%add3A, %add3A_232, %dma_start3A_254, %dma_start3A_255] : memref<32x19x8x128xi32, #tpu.memory_space<hbm>> -> memref<1x1x8x128xi32, #tpu.memory_space<hbm>>
        %dma_start3A_257 = tpu.memref_squeeze %dma_start3A_256 : memref<1x1x8x128xi32, #tpu.memory_space<hbm>> -> memref<8x128xi32, #tpu.memory_space<hbm>>
        tpu.enqueue_dma source(%dma_start3A_257 : memref<8x128xi32, #tpu.memory_space<hbm>>) target(%arg8 : memref<8x128xi32, #tpu.memory_space<vmem>>) target_semaphore(%run_scoped3A_249 : memref<!tpu.dma_semaphore, #tpu.memory_space<semaphore_mem>>)
        %dma_wait3A_258 = arith.constant 0 : i32
        %dma_wait3A_259 = arith.constant 0 : i32
        %dma_wait3A_260 = tpu.memref_slice %arg3[%add3A, %add3A_232, %dma_wait3A_258, %dma_wait3A_259] : memref<32x19x8x128xi32, #tpu.memory_space<hbm>> -> memref<1x1x8x128xi32, #tpu.memory_space<hbm>>
        %dma_wait3A_261 = tpu.memref_squeeze %dma_wait3A_260 : memref<1x1x8x128xi32, #tpu.memory_space<hbm>> -> memref<8x128xi32, #tpu.memory_space<hbm>>
        %dma_wait3A_262 = arith.constant 0 : i32
        %dma_wait3A_263 = arith.constant 0 : i32
        %dma_wait3A_264 = tpu.memref_slice %arg3[%add3A, %add3A_232, %dma_wait3A_262, %dma_wait3A_263] : memref<32x19x8x128xi32, #tpu.memory_space<hbm>> -> memref<1x1x8x128xi32, #tpu.memory_space<hbm>>
        %dma_wait3A_265 = tpu.memref_squeeze %dma_wait3A_264 : memref<1x1x8x128xi32, #tpu.memory_space<hbm>> -> memref<8x128xi32, #tpu.memory_space<hbm>>
        tpu.wait_dma2 semaphore(%run_scoped3A_249 : memref<!tpu.dma_semaphore, #tpu.memory_space<semaphore_mem>>) src(%dma_wait3A_265 : memref<8x128xi32, #tpu.memory_space<hbm>>) dst(%arg8 : memref<8x128xi32, #tpu.memory_space<vmem>>)
        tpu.yield
      }) : () -> ()
      %dma_start3A_233 = arith.constant 0 : i32
      %dma_start3A_234 = arith.constant 0 : i32
      %dma_start3A_235 = tpu.memref_slice %arg8[%dma_start3A_233, %dma_start3A_234] : memref<8x128xi32, #tpu.memory_space<vmem>> -> memref<1x128xi32, #tpu.memory_space<vmem>>
      %dma_start3A_236 = tpu.memref_squeeze %dma_start3A_235 : memref<1x128xi32, #tpu.memory_space<vmem>> -> memref<128xi32, #tpu.memory_space<vmem>>
      %dma_start3A_237 = arith.constant 0 : i32
      %dma_start3A_238 = arith.constant 0 : i32
      %dma_start3A_239 = tpu.memref_slice %arg2[%dma_start3A_237, %dma_start3A_238] : memref<10000x128xf32, #tpu.memory_space<hbm>> -> memref<10000x128xf32, #tpu.memory_space<hbm>>
      tpu.enqueue_indirect_dma source(%dma_start3A_239 : memref<10000x128xf32, #tpu.memory_space<hbm>>) target(%arg10 : memref<128x128xf32, #tpu.memory_space<vmem>>) offsets(%dma_start3A_236 : memref<128xi32, #tpu.memory_space<vmem>>) semaphore(%arg12 : memref<!tpu.dma_semaphore, #tpu.memory_space<semaphore_mem>>)
      %dma_start3A_240 = arith.constant 1 : i32
      %dma_start3A_241 = arith.constant 0 : i32
      %dma_start3A_242 = tpu.memref_slice %arg8[%dma_start3A_240, %dma_start3A_241] : memref<8x128xi32, #tpu.memory_space<vmem>> -> memref<1x128xi32, #tpu.memory_space<vmem>>
      %dma_start3A_243 = tpu.memref_squeeze %dma_start3A_242 : memref<1x128xi32, #tpu.memory_space<vmem>> -> memref<128xi32, #tpu.memory_space<vmem>>
      %dma_start3A_244 = arith.constant 0 : i32
      %dma_start3A_245 = arith.constant 0 : i32
      %dma_start3A_246 = tpu.memref_slice %arg2[%dma_start3A_244, %dma_start3A_245] : memref<10000x128xf32, #tpu.memory_space<hbm>> -> memref<10000x128xf32, #tpu.memory_space<hbm>>
      tpu.enqueue_indirect_dma source(%dma_start3A_246 : memref<10000x128xf32, #tpu.memory_space<hbm>>) target(%arg11 : memref<128x128xf32, #tpu.memory_space<vmem>>) offsets(%dma_start3A_243 : memref<128xi32, #tpu.memory_space<vmem>>) semaphore(%arg13 : memref<!tpu.dma_semaphore, #tpu.memory_space<semaphore_mem>>)
      %add3A_247 = arith.constant 1 : i32
      %add3A_248 = arith.addi %while3A_132, %add3A_247 : i32
      "tpu.region"() ({
        %run_scoped3A_249 = tpu.sem_alloc : memref<!tpu.dma_semaphore, #tpu.memory_space<semaphore_mem>>
        %dma_start3A_250 = arith.constant 0 : i32
        %dma_start3A_251 = arith.constant 0 : i32
        %dma_start3A_252 = tpu.memref_slice %arg4[%add3A, %add3A_248, %dma_start3A_250, %dma_start3A_251] : memref<32x19x8x128xi32, #tpu.memory_space<hbm>> -> memref<1x1x8x128xi32, #tpu.memory_space<hbm>>
        %dma_start3A_253 = tpu.memref_squeeze %dma_start3A_252 : memref<1x1x8x128xi32, #tpu.memory_space<hbm>> -> memref<8x128xi32, #tpu.memory_space<hbm>>
        %dma_start3A_254 = arith.constant 0 : i32
        %dma_start3A_255 = arith.constant 0 : i32
        %dma_start3A_256 = tpu.memref_slice %arg4[%add3A, %add3A_248, %dma_start3A_254, %dma_start3A_255] : memref<32x19x8x128xi32, #tpu.memory_space<hbm>> -> memref<1x1x8x128xi32, #tpu.memory_space<hbm>>
        %dma_start3A_257 = tpu.memref_squeeze %dma_start3A_256 : memref<1x1x8x128xi32, #tpu.memory_space<hbm>> -> memref<8x128xi32, #tpu.memory_space<hbm>>
        tpu.enqueue_dma source(%dma_start3A_257 : memref<8x128xi32, #tpu.memory_space<hbm>>) target(%arg9 : memref<8x128xi32, #tpu.memory_space<vmem>>) target_semaphore(%run_scoped3A_249 : memref<!tpu.dma_semaphore, #tpu.memory_space<semaphore_mem>>)
        %dma_wait3A_258 = arith.constant 0 : i32
        %dma_wait3A_259 = arith.constant 0 : i32
        %dma_wait3A_260 = tpu.memref_slice %arg4[%add3A, %add3A_248, %dma_wait3A_258, %dma_wait3A_259] : memref<32x19x8x128xi32, #tpu.memory_space<hbm>> -> memref<1x1x8x128xi32, #tpu.memory_space<hbm>>
        %dma_wait3A_261 = tpu.memref_squeeze %dma_wait3A_260 : memref<1x1x8x128xi32, #tpu.memory_space<hbm>> -> memref<8x128xi32, #tpu.memory_space<hbm>>
        %dma_wait3A_262 = arith.constant 0 : i32
        %dma_wait3A_263 = arith.constant 0 : i32
        %dma_wait3A_264 = tpu.memref_slice %arg4[%add3A, %add3A_248, %dma_wait3A_262, %dma_wait3A_263] : memref<32x19x8x128xi32, #tpu.memory_space<hbm>> -> memref<1x1x8x128xi32, #tpu.memory_space<hbm>>
        %dma_wait3A_265 = tpu.memref_squeeze %dma_wait3A_264 : memref<1x1x8x128xi32, #tpu.memory_space<hbm>> -> memref<8x128xi32, #tpu.memory_space<hbm>>
        tpu.wait_dma2 semaphore(%run_scoped3A_249 : memref<!tpu.dma_semaphore, #tpu.memory_space<semaphore_mem>>) src(%dma_wait3A_265 : memref<8x128xi32, #tpu.memory_space<hbm>>) dst(%arg9 : memref<8x128xi32, #tpu.memory_space<vmem>>)
        tpu.yield
      }) : () -> ()
    }
    %sub3A_29 = arith.constant 1 : i32
    %sub3A_30 = arith.subi %select_n3A, %sub3A_29 : i32
    %dma_wait3A = arith.constant 0 : i32
    %dma_wait3A_31 = arith.constant 0 : i32
    %dma_wait3A_32 = tpu.memref_slice %arg5[%dma_wait3A, %dma_wait3A_31] : memref<10112x128xf32, #tpu.memory_space<hbm>> -> memref<128x128xf32, #tpu.memory_space<hbm>>
    %dma_wait3A_33 = arith.constant 0 : i32
    %dma_wait3A_34 = arith.constant 0 : i32
    %dma_wait3A_35 = tpu.memref_slice %arg5[%dma_wait3A_33, %dma_wait3A_34] : memref<10112x128xf32, #tpu.memory_space<hbm>> -> memref<128x128xf32, #tpu.memory_space<hbm>>
    tpu.wait_dma2 semaphore(%arg12 : memref<!tpu.dma_semaphore, #tpu.memory_space<semaphore_mem>>) src(%dma_wait3A_35 : memref<128x128xf32, #tpu.memory_space<hbm>>) dst(%arg10 : memref<128x128xf32, #tpu.memory_space<vmem>>)
    %run_scoped3A_36 = arith.constant 0 : i32
    "tpu.region"() ({
      %run_scoped3A_132 = tpu.sem_alloc : memref<!tpu.dma_semaphore, #tpu.memory_space<semaphore_mem>>
      %dma_start3A_133 = arith.constant 0 : i32
      %dma_start3A_134 = tpu.memref_slice %arg9[%run_scoped3A_36, %dma_start3A_133] : memref<8x128xi32, #tpu.memory_space<vmem>> -> memref<1x128xi32, #tpu.memory_space<vmem>>
      %dma_start3A_135 = tpu.memref_squeeze %dma_start3A_134 : memref<1x128xi32, #tpu.memory_space<vmem>> -> memref<128xi32, #tpu.memory_space<vmem>>
      %dma_start3A_136 = arith.constant 0 : i32
      %dma_start3A_137 = arith.constant 0 : i32
      %dma_start3A_138 = tpu.memref_slice %arg7[%dma_start3A_136, %dma_start3A_137] : memref<10112x128xf32, #tpu.memory_space<vmem_shared>> -> memref<10112x128xf32, #tpu.memory_space<vmem_shared>>
      tpu.enqueue_indirect_dma source(%arg10 : memref<128x128xf32, #tpu.memory_space<vmem>>) target(%dma_start3A_138 : memref<10112x128xf32, #tpu.memory_space<vmem_shared>>) offsets(%dma_start3A_135 : memref<128xi32, #tpu.memory_space<vmem>>) semaphore(%run_scoped3A_132 : memref<!tpu.dma_semaphore, #tpu.memory_space<semaphore_mem>>) {add = true}
      %dma_wait3A_139 = arith.constant 0 : i32
      %dma_wait3A_140 = tpu.memref_slice %arg9[%run_scoped3A_36, %dma_wait3A_139] : memref<8x128xi32, #tpu.memory_space<vmem>> -> memref<1x128xi32, #tpu.memory_space<vmem>>
      %dma_wait3A_141 = tpu.memref_squeeze %dma_wait3A_140 : memref<1x128xi32, #tpu.memory_space<vmem>> -> memref<128xi32, #tpu.memory_space<vmem>>
      %dma_wait3A_142 = arith.constant 0 : i32
      %dma_wait3A_143 = arith.constant 0 : i32
      %dma_wait3A_144 = tpu.memref_slice %arg7[%dma_wait3A_142, %dma_wait3A_143] : memref<10112x128xf32, #tpu.memory_space<vmem_shared>> -> memref<10112x128xf32, #tpu.memory_space<vmem_shared>>
      tpu.wait_indirect_dma semaphore(%run_scoped3A_132 : memref<!tpu.dma_semaphore, #tpu.memory_space<semaphore_mem>>) src(%arg10 : memref<128x128xf32, #tpu.memory_space<vmem>>) dst(%dma_wait3A_144 : memref<10112x128xf32, #tpu.memory_space<vmem_shared>>)
      tpu.yield
    }) : () -> ()
    %dma_start3A_37 = arith.constant 2 : i32
    %dma_start3A_38 = arith.constant 0 : i32
    %dma_start3A_39 = tpu.memref_slice %arg8[%dma_start3A_37, %dma_start3A_38] : memref<8x128xi32, #tpu.memory_space<vmem>> -> memref<1x128xi32, #tpu.memory_space<vmem>>
    %dma_start3A_40 = tpu.memref_squeeze %dma_start3A_39 : memref<1x128xi32, #tpu.memory_space<vmem>> -> memref<128xi32, #tpu.memory_space<vmem>>
    %dma_start3A_41 = arith.constant 0 : i32
    %dma_start3A_42 = arith.constant 0 : i32
    %dma_start3A_43 = tpu.memref_slice %arg2[%dma_start3A_41, %dma_start3A_42] : memref<10000x128xf32, #tpu.memory_space<hbm>> -> memref<10000x128xf32, #tpu.memory_space<hbm>>
    tpu.enqueue_indirect_dma source(%dma_start3A_43 : memref<10000x128xf32, #tpu.memory_space<hbm>>) target(%arg10 : memref<128x128xf32, #tpu.memory_space<vmem>>) offsets(%dma_start3A_40 : memref<128xi32, #tpu.memory_space<vmem>>) semaphore(%arg12 : memref<!tpu.dma_semaphore, #tpu.memory_space<semaphore_mem>>)
    %dma_wait3A_44 = arith.constant 0 : i32
    %dma_wait3A_45 = arith.constant 0 : i32
    %dma_wait3A_46 = tpu.memref_slice %arg5[%dma_wait3A_44, %dma_wait3A_45] : memref<10112x128xf32, #tpu.memory_space<hbm>> -> memref<128x128xf32, #tpu.memory_space<hbm>>
    %dma_wait3A_47 = arith.constant 0 : i32
    %dma_wait3A_48 = arith.constant 0 : i32
    %dma_wait3A_49 = tpu.memref_slice %arg5[%dma_wait3A_47, %dma_wait3A_48] : memref<10112x128xf32, #tpu.memory_space<hbm>> -> memref<128x128xf32, #tpu.memory_space<hbm>>
    tpu.wait_dma2 semaphore(%arg13 : memref<!tpu.dma_semaphore, #tpu.memory_space<semaphore_mem>>) src(%dma_wait3A_49 : memref<128x128xf32, #tpu.memory_space<hbm>>) dst(%arg11 : memref<128x128xf32, #tpu.memory_space<vmem>>)
    %run_scoped3A_50 = arith.constant 1 : i32
    "tpu.region"() ({
      %run_scoped3A_132 = tpu.sem_alloc : memref<!tpu.dma_semaphore, #tpu.memory_space<semaphore_mem>>
      %dma_start3A_133 = arith.constant 0 : i32
      %dma_start3A_134 = tpu.memref_slice %arg9[%run_scoped3A_50, %dma_start3A_133] : memref<8x128xi32, #tpu.memory_space<vmem>> -> memref<1x128xi32, #tpu.memory_space<vmem>>
      %dma_start3A_135 = tpu.memref_squeeze %dma_start3A_134 : memref<1x128xi32, #tpu.memory_space<vmem>> -> memref<128xi32, #tpu.memory_space<vmem>>
      %dma_start3A_136 = arith.constant 0 : i32
      %dma_start3A_137 = arith.constant 0 : i32
      %dma_start3A_138 = tpu.memref_slice %arg7[%dma_start3A_136, %dma_start3A_137] : memref<10112x128xf32, #tpu.memory_space<vmem_shared>> -> memref<10112x128xf32, #tpu.memory_space<vmem_shared>>
      tpu.enqueue_indirect_dma source(%arg11 : memref<128x128xf32, #tpu.memory_space<vmem>>) target(%dma_start3A_138 : memref<10112x128xf32, #tpu.memory_space<vmem_shared>>) offsets(%dma_start3A_135 : memref<128xi32, #tpu.memory_space<vmem>>) semaphore(%run_scoped3A_132 : memref<!tpu.dma_semaphore, #tpu.memory_space<semaphore_mem>>) {add = true}
      %dma_wait3A_139 = arith.constant 0 : i32
      %dma_wait3A_140 = tpu.memref_slice %arg9[%run_scoped3A_50, %dma_wait3A_139] : memref<8x128xi32, #tpu.memory_space<vmem>> -> memref<1x128xi32, #tpu.memory_space<vmem>>
      %dma_wait3A_141 = tpu.memref_squeeze %dma_wait3A_140 : memref<1x128xi32, #tpu.memory_space<vmem>> -> memref<128xi32, #tpu.memory_space<vmem>>
      %dma_wait3A_142 = arith.constant 0 : i32
      %dma_wait3A_143 = arith.constant 0 : i32
      %dma_wait3A_144 = tpu.memref_slice %arg7[%dma_wait3A_142, %dma_wait3A_143] : memref<10112x128xf32, #tpu.memory_space<vmem_shared>> -> memref<10112x128xf32, #tpu.memory_space<vmem_shared>>
      tpu.wait_indirect_dma semaphore(%run_scoped3A_132 : memref<!tpu.dma_semaphore, #tpu.memory_space<semaphore_mem>>) src(%arg11 : memref<128x128xf32, #tpu.memory_space<vmem>>) dst(%dma_wait3A_144 : memref<10112x128xf32, #tpu.memory_space<vmem_shared>>)
      tpu.yield
    }) : () -> ()
    %dma_start3A_51 = arith.constant 3 : i32
    %dma_start3A_52 = arith.constant 0 : i32
    %dma_start3A_53 = tpu.memref_slice %arg8[%dma_start3A_51, %dma_start3A_52] : memref<8x128xi32, #tpu.memory_space<vmem>> -> memref<1x128xi32, #tpu.memory_space<vmem>>
    %dma_start3A_54 = tpu.memref_squeeze %dma_start3A_53 : memref<1x128xi32, #tpu.memory_space<vmem>> -> memref<128xi32, #tpu.memory_space<vmem>>
    %dma_start3A_55 = arith.constant 0 : i32
    %dma_start3A_56 = arith.constant 0 : i32
    %dma_start3A_57 = tpu.memref_slice %arg2[%dma_start3A_55, %dma_start3A_56] : memref<10000x128xf32, #tpu.memory_space<hbm>> -> memref<10000x128xf32, #tpu.memory_space<hbm>>
    tpu.enqueue_indirect_dma source(%dma_start3A_57 : memref<10000x128xf32, #tpu.memory_space<hbm>>) target(%arg11 : memref<128x128xf32, #tpu.memory_space<vmem>>) offsets(%dma_start3A_54 : memref<128xi32, #tpu.memory_space<vmem>>) semaphore(%arg13 : memref<!tpu.dma_semaphore, #tpu.memory_space<semaphore_mem>>)
    %dma_wait3A_58 = arith.constant 0 : i32
    %dma_wait3A_59 = arith.constant 0 : i32
    %dma_wait3A_60 = tpu.memref_slice %arg5[%dma_wait3A_58, %dma_wait3A_59] : memref<10112x128xf32, #tpu.memory_space<hbm>> -> memref<128x128xf32, #tpu.memory_space<hbm>>
    %dma_wait3A_61 = arith.constant 0 : i32
    %dma_wait3A_62 = arith.constant 0 : i32
    %dma_wait3A_63 = tpu.memref_slice %arg5[%dma_wait3A_61, %dma_wait3A_62] : memref<10112x128xf32, #tpu.memory_space<hbm>> -> memref<128x128xf32, #tpu.memory_space<hbm>>
    tpu.wait_dma2 semaphore(%arg12 : memref<!tpu.dma_semaphore, #tpu.memory_space<semaphore_mem>>) src(%dma_wait3A_63 : memref<128x128xf32, #tpu.memory_space<hbm>>) dst(%arg10 : memref<128x128xf32, #tpu.memory_space<vmem>>)
    %run_scoped3A_64 = arith.constant 2 : i32
    "tpu.region"() ({
      %run_scoped3A_132 = tpu.sem_alloc : memref<!tpu.dma_semaphore, #tpu.memory_space<semaphore_mem>>
      %dma_start3A_133 = arith.constant 0 : i32
      %dma_start3A_134 = tpu.memref_slice %arg9[%run_scoped3A_64, %dma_start3A_133] : memref<8x128xi32, #tpu.memory_space<vmem>> -> memref<1x128xi32, #tpu.memory_space<vmem>>
      %dma_start3A_135 = tpu.memref_squeeze %dma_start3A_134 : memref<1x128xi32, #tpu.memory_space<vmem>> -> memref<128xi32, #tpu.memory_space<vmem>>
      %dma_start3A_136 = arith.constant 0 : i32
      %dma_start3A_137 = arith.constant 0 : i32
      %dma_start3A_138 = tpu.memref_slice %arg7[%dma_start3A_136, %dma_start3A_137] : memref<10112x128xf32, #tpu.memory_space<vmem_shared>> -> memref<10112x128xf32, #tpu.memory_space<vmem_shared>>
      tpu.enqueue_indirect_dma source(%arg10 : memref<128x128xf32, #tpu.memory_space<vmem>>) target(%dma_start3A_138 : memref<10112x128xf32, #tpu.memory_space<vmem_shared>>) offsets(%dma_start3A_135 : memref<128xi32, #tpu.memory_space<vmem>>) semaphore(%run_scoped3A_132 : memref<!tpu.dma_semaphore, #tpu.memory_space<semaphore_mem>>) {add = true}
      %dma_wait3A_139 = arith.constant 0 : i32
      %dma_wait3A_140 = tpu.memref_slice %arg9[%run_scoped3A_64, %dma_wait3A_139] : memref<8x128xi32, #tpu.memory_space<vmem>> -> memref<1x128xi32, #tpu.memory_space<vmem>>
      %dma_wait3A_141 = tpu.memref_squeeze %dma_wait3A_140 : memref<1x128xi32, #tpu.memory_space<vmem>> -> memref<128xi32, #tpu.memory_space<vmem>>
      %dma_wait3A_142 = arith.constant 0 : i32
      %dma_wait3A_143 = arith.constant 0 : i32
      %dma_wait3A_144 = tpu.memref_slice %arg7[%dma_wait3A_142, %dma_wait3A_143] : memref<10112x128xf32, #tpu.memory_space<vmem_shared>> -> memref<10112x128xf32, #tpu.memory_space<vmem_shared>>
      tpu.wait_indirect_dma semaphore(%run_scoped3A_132 : memref<!tpu.dma_semaphore, #tpu.memory_space<semaphore_mem>>) src(%arg10 : memref<128x128xf32, #tpu.memory_space<vmem>>) dst(%dma_wait3A_144 : memref<10112x128xf32, #tpu.memory_space<vmem_shared>>)
      tpu.yield
    }) : () -> ()
    %dma_start3A_65 = arith.constant 4 : i32
    %dma_start3A_66 = arith.constant 0 : i32
    %dma_start3A_67 = tpu.memref_slice %arg8[%dma_start3A_65, %dma_start3A_66] : memref<8x128xi32, #tpu.memory_space<vmem>> -> memref<1x128xi32, #tpu.memory_space<vmem>>
    %dma_start3A_68 = tpu.memref_squeeze %dma_start3A_67 : memref<1x128xi32, #tpu.memory_space<vmem>> -> memref<128xi32, #tpu.memory_space<vmem>>
    %dma_start3A_69 = arith.constant 0 : i32
    %dma_start3A_70 = arith.constant 0 : i32
    %dma_start3A_71 = tpu.memref_slice %arg2[%dma_start3A_69, %dma_start3A_70] : memref<10000x128xf32, #tpu.memory_space<hbm>> -> memref<10000x128xf32, #tpu.memory_space<hbm>>
    tpu.enqueue_indirect_dma source(%dma_start3A_71 : memref<10000x128xf32, #tpu.memory_space<hbm>>) target(%arg10 : memref<128x128xf32, #tpu.memory_space<vmem>>) offsets(%dma_start3A_68 : memref<128xi32, #tpu.memory_space<vmem>>) semaphore(%arg12 : memref<!tpu.dma_semaphore, #tpu.memory_space<semaphore_mem>>)
    %dma_wait3A_72 = arith.constant 0 : i32
    %dma_wait3A_73 = arith.constant 0 : i32
    %dma_wait3A_74 = tpu.memref_slice %arg5[%dma_wait3A_72, %dma_wait3A_73] : memref<10112x128xf32, #tpu.memory_space<hbm>> -> memref<128x128xf32, #tpu.memory_space<hbm>>
    %dma_wait3A_75 = arith.constant 0 : i32
    %dma_wait3A_76 = arith.constant 0 : i32
    %dma_wait3A_77 = tpu.memref_slice %arg5[%dma_wait3A_75, %dma_wait3A_76] : memref<10112x128xf32, #tpu.memory_space<hbm>> -> memref<128x128xf32, #tpu.memory_space<hbm>>
    tpu.wait_dma2 semaphore(%arg13 : memref<!tpu.dma_semaphore, #tpu.memory_space<semaphore_mem>>) src(%dma_wait3A_77 : memref<128x128xf32, #tpu.memory_space<hbm>>) dst(%arg11 : memref<128x128xf32, #tpu.memory_space<vmem>>)
    %run_scoped3A_78 = arith.constant 3 : i32
    "tpu.region"() ({
      %run_scoped3A_132 = tpu.sem_alloc : memref<!tpu.dma_semaphore, #tpu.memory_space<semaphore_mem>>
      %dma_start3A_133 = arith.constant 0 : i32
      %dma_start3A_134 = tpu.memref_slice %arg9[%run_scoped3A_78, %dma_start3A_133] : memref<8x128xi32, #tpu.memory_space<vmem>> -> memref<1x128xi32, #tpu.memory_space<vmem>>
      %dma_start3A_135 = tpu.memref_squeeze %dma_start3A_134 : memref<1x128xi32, #tpu.memory_space<vmem>> -> memref<128xi32, #tpu.memory_space<vmem>>
      %dma_start3A_136 = arith.constant 0 : i32
      %dma_start3A_137 = arith.constant 0 : i32
      %dma_start3A_138 = tpu.memref_slice %arg7[%dma_start3A_136, %dma_start3A_137] : memref<10112x128xf32, #tpu.memory_space<vmem_shared>> -> memref<10112x128xf32, #tpu.memory_space<vmem_shared>>
      tpu.enqueue_indirect_dma source(%arg11 : memref<128x128xf32, #tpu.memory_space<vmem>>) target(%dma_start3A_138 : memref<10112x128xf32, #tpu.memory_space<vmem_shared>>) offsets(%dma_start3A_135 : memref<128xi32, #tpu.memory_space<vmem>>) semaphore(%run_scoped3A_132 : memref<!tpu.dma_semaphore, #tpu.memory_space<semaphore_mem>>) {add = true}
      %dma_wait3A_139 = arith.constant 0 : i32
      %dma_wait3A_140 = tpu.memref_slice %arg9[%run_scoped3A_78, %dma_wait3A_139] : memref<8x128xi32, #tpu.memory_space<vmem>> -> memref<1x128xi32, #tpu.memory_space<vmem>>
      %dma_wait3A_141 = tpu.memref_squeeze %dma_wait3A_140 : memref<1x128xi32, #tpu.memory_space<vmem>> -> memref<128xi32, #tpu.memory_space<vmem>>
      %dma_wait3A_142 = arith.constant 0 : i32
      %dma_wait3A_143 = arith.constant 0 : i32
      %dma_wait3A_144 = tpu.memref_slice %arg7[%dma_wait3A_142, %dma_wait3A_143] : memref<10112x128xf32, #tpu.memory_space<vmem_shared>> -> memref<10112x128xf32, #tpu.memory_space<vmem_shared>>
      tpu.wait_indirect_dma semaphore(%run_scoped3A_132 : memref<!tpu.dma_semaphore, #tpu.memory_space<semaphore_mem>>) src(%arg11 : memref<128x128xf32, #tpu.memory_space<vmem>>) dst(%dma_wait3A_144 : memref<10112x128xf32, #tpu.memory_space<vmem_shared>>)
      tpu.yield
    }) : () -> ()
    %dma_start3A_79 = arith.constant 5 : i32
    %dma_start3A_80 = arith.constant 0 : i32
    %dma_start3A_81 = tpu.memref_slice %arg8[%dma_start3A_79, %dma_start3A_80] : memref<8x128xi32, #tpu.memory_space<vmem>> -> memref<1x128xi32, #tpu.memory_space<vmem>>
    %dma_start3A_82 = tpu.memref_squeeze %dma_start3A_81 : memref<1x128xi32, #tpu.memory_space<vmem>> -> memref<128xi32, #tpu.memory_space<vmem>>
    %dma_start3A_83 = arith.constant 0 : i32
    %dma_start3A_84 = arith.constant 0 : i32
    %dma_start3A_85 = tpu.memref_slice %arg2[%dma_start3A_83, %dma_start3A_84] : memref<10000x128xf32, #tpu.memory_space<hbm>> -> memref<10000x128xf32, #tpu.memory_space<hbm>>
    tpu.enqueue_indirect_dma source(%dma_start3A_85 : memref<10000x128xf32, #tpu.memory_space<hbm>>) target(%arg11 : memref<128x128xf32, #tpu.memory_space<vmem>>) offsets(%dma_start3A_82 : memref<128xi32, #tpu.memory_space<vmem>>) semaphore(%arg13 : memref<!tpu.dma_semaphore, #tpu.memory_space<semaphore_mem>>)
    %dma_wait3A_86 = arith.constant 0 : i32
    %dma_wait3A_87 = arith.constant 0 : i32
    %dma_wait3A_88 = tpu.memref_slice %arg5[%dma_wait3A_86, %dma_wait3A_87] : memref<10112x128xf32, #tpu.memory_space<hbm>> -> memref<128x128xf32, #tpu.memory_space<hbm>>
    %dma_wait3A_89 = arith.constant 0 : i32
    %dma_wait3A_90 = arith.constant 0 : i32
    %dma_wait3A_91 = tpu.memref_slice %arg5[%dma_wait3A_89, %dma_wait3A_90] : memref<10112x128xf32, #tpu.memory_space<hbm>> -> memref<128x128xf32, #tpu.memory_space<hbm>>
    tpu.wait_dma2 semaphore(%arg12 : memref<!tpu.dma_semaphore, #tpu.memory_space<semaphore_mem>>) src(%dma_wait3A_91 : memref<128x128xf32, #tpu.memory_space<hbm>>) dst(%arg10 : memref<128x128xf32, #tpu.memory_space<vmem>>)
    %run_scoped3A_92 = arith.constant 4 : i32
    "tpu.region"() ({
      %run_scoped3A_132 = tpu.sem_alloc : memref<!tpu.dma_semaphore, #tpu.memory_space<semaphore_mem>>
      %dma_start3A_133 = arith.constant 0 : i32
      %dma_start3A_134 = tpu.memref_slice %arg9[%run_scoped3A_92, %dma_start3A_133] : memref<8x128xi32, #tpu.memory_space<vmem>> -> memref<1x128xi32, #tpu.memory_space<vmem>>
      %dma_start3A_135 = tpu.memref_squeeze %dma_start3A_134 : memref<1x128xi32, #tpu.memory_space<vmem>> -> memref<128xi32, #tpu.memory_space<vmem>>
      %dma_start3A_136 = arith.constant 0 : i32
      %dma_start3A_137 = arith.constant 0 : i32
      %dma_start3A_138 = tpu.memref_slice %arg7[%dma_start3A_136, %dma_start3A_137] : memref<10112x128xf32, #tpu.memory_space<vmem_shared>> -> memref<10112x128xf32, #tpu.memory_space<vmem_shared>>
      tpu.enqueue_indirect_dma source(%arg10 : memref<128x128xf32, #tpu.memory_space<vmem>>) target(%dma_start3A_138 : memref<10112x128xf32, #tpu.memory_space<vmem_shared>>) offsets(%dma_start3A_135 : memref<128xi32, #tpu.memory_space<vmem>>) semaphore(%run_scoped3A_132 : memref<!tpu.dma_semaphore, #tpu.memory_space<semaphore_mem>>) {add = true}
      %dma_wait3A_139 = arith.constant 0 : i32
      %dma_wait3A_140 = tpu.memref_slice %arg9[%run_scoped3A_92, %dma_wait3A_139] : memref<8x128xi32, #tpu.memory_space<vmem>> -> memref<1x128xi32, #tpu.memory_space<vmem>>
      %dma_wait3A_141 = tpu.memref_squeeze %dma_wait3A_140 : memref<1x128xi32, #tpu.memory_space<vmem>> -> memref<128xi32, #tpu.memory_space<vmem>>
      %dma_wait3A_142 = arith.constant 0 : i32
      %dma_wait3A_143 = arith.constant 0 : i32
      %dma_wait3A_144 = tpu.memref_slice %arg7[%dma_wait3A_142, %dma_wait3A_143] : memref<10112x128xf32, #tpu.memory_space<vmem_shared>> -> memref<10112x128xf32, #tpu.memory_space<vmem_shared>>
      tpu.wait_indirect_dma semaphore(%run_scoped3A_132 : memref<!tpu.dma_semaphore, #tpu.memory_space<semaphore_mem>>) src(%arg10 : memref<128x128xf32, #tpu.memory_space<vmem>>) dst(%dma_wait3A_144 : memref<10112x128xf32, #tpu.memory_space<vmem_shared>>)
      tpu.yield
    }) : () -> ()
    %dma_start3A_93 = arith.constant 6 : i32
    %dma_start3A_94 = arith.constant 0 : i32
    %dma_start3A_95 = tpu.memref_slice %arg8[%dma_start3A_93, %dma_start3A_94] : memref<8x128xi32, #tpu.memory_space<vmem>> -> memref<1x128xi32, #tpu.memory_space<vmem>>
    %dma_start3A_96 = tpu.memref_squeeze %dma_start3A_95 : memref<1x128xi32, #tpu.memory_space<vmem>> -> memref<128xi32, #tpu.memory_space<vmem>>
    %dma_start3A_97 = arith.constant 0 : i32
    %dma_start3A_98 = arith.constant 0 : i32
    %dma_start3A_99 = tpu.memref_slice %arg2[%dma_start3A_97, %dma_start3A_98] : memref<10000x128xf32, #tpu.memory_space<hbm>> -> memref<10000x128xf32, #tpu.memory_space<hbm>>
    tpu.enqueue_indirect_dma source(%dma_start3A_99 : memref<10000x128xf32, #tpu.memory_space<hbm>>) target(%arg10 : memref<128x128xf32, #tpu.memory_space<vmem>>) offsets(%dma_start3A_96 : memref<128xi32, #tpu.memory_space<vmem>>) semaphore(%arg12 : memref<!tpu.dma_semaphore, #tpu.memory_space<semaphore_mem>>)
    %dma_wait3A_100 = arith.constant 0 : i32
    %dma_wait3A_101 = arith.constant 0 : i32
    %dma_wait3A_102 = tpu.memref_slice %arg5[%dma_wait3A_100, %dma_wait3A_101] : memref<10112x128xf32, #tpu.memory_space<hbm>> -> memref<128x128xf32, #tpu.memory_space<hbm>>
    %dma_wait3A_103 = arith.constant 0 : i32
    %dma_wait3A_104 = arith.constant 0 : i32
    %dma_wait3A_105 = tpu.memref_slice %arg5[%dma_wait3A_103, %dma_wait3A_104] : memref<10112x128xf32, #tpu.memory_space<hbm>> -> memref<128x128xf32, #tpu.memory_space<hbm>>
    tpu.wait_dma2 semaphore(%arg13 : memref<!tpu.dma_semaphore, #tpu.memory_space<semaphore_mem>>) src(%dma_wait3A_105 : memref<128x128xf32, #tpu.memory_space<hbm>>) dst(%arg11 : memref<128x128xf32, #tpu.memory_space<vmem>>)
    %run_scoped3A_106 = arith.constant 5 : i32
    "tpu.region"() ({
      %run_scoped3A_132 = tpu.sem_alloc : memref<!tpu.dma_semaphore, #tpu.memory_space<semaphore_mem>>
      %dma_start3A_133 = arith.constant 0 : i32
      %dma_start3A_134 = tpu.memref_slice %arg9[%run_scoped3A_106, %dma_start3A_133] : memref<8x128xi32, #tpu.memory_space<vmem>> -> memref<1x128xi32, #tpu.memory_space<vmem>>
      %dma_start3A_135 = tpu.memref_squeeze %dma_start3A_134 : memref<1x128xi32, #tpu.memory_space<vmem>> -> memref<128xi32, #tpu.memory_space<vmem>>
      %dma_start3A_136 = arith.constant 0 : i32
      %dma_start3A_137 = arith.constant 0 : i32
      %dma_start3A_138 = tpu.memref_slice %arg7[%dma_start3A_136, %dma_start3A_137] : memref<10112x128xf32, #tpu.memory_space<vmem_shared>> -> memref<10112x128xf32, #tpu.memory_space<vmem_shared>>
      tpu.enqueue_indirect_dma source(%arg11 : memref<128x128xf32, #tpu.memory_space<vmem>>) target(%dma_start3A_138 : memref<10112x128xf32, #tpu.memory_space<vmem_shared>>) offsets(%dma_start3A_135 : memref<128xi32, #tpu.memory_space<vmem>>) semaphore(%run_scoped3A_132 : memref<!tpu.dma_semaphore, #tpu.memory_space<semaphore_mem>>) {add = true}
      %dma_wait3A_139 = arith.constant 0 : i32
      %dma_wait3A_140 = tpu.memref_slice %arg9[%run_scoped3A_106, %dma_wait3A_139] : memref<8x128xi32, #tpu.memory_space<vmem>> -> memref<1x128xi32, #tpu.memory_space<vmem>>
      %dma_wait3A_141 = tpu.memref_squeeze %dma_wait3A_140 : memref<1x128xi32, #tpu.memory_space<vmem>> -> memref<128xi32, #tpu.memory_space<vmem>>
      %dma_wait3A_142 = arith.constant 0 : i32
      %dma_wait3A_143 = arith.constant 0 : i32
      %dma_wait3A_144 = tpu.memref_slice %arg7[%dma_wait3A_142, %dma_wait3A_143] : memref<10112x128xf32, #tpu.memory_space<vmem_shared>> -> memref<10112x128xf32, #tpu.memory_space<vmem_shared>>
      tpu.wait_indirect_dma semaphore(%run_scoped3A_132 : memref<!tpu.dma_semaphore, #tpu.memory_space<semaphore_mem>>) src(%arg11 : memref<128x128xf32, #tpu.memory_space<vmem>>) dst(%dma_wait3A_144 : memref<10112x128xf32, #tpu.memory_space<vmem_shared>>)
      tpu.yield
    }) : () -> ()
    %dma_start3A_107 = arith.constant 7 : i32
    %dma_start3A_108 = arith.constant 0 : i32
    %dma_start3A_109 = tpu.memref_slice %arg8[%dma_start3A_107, %dma_start3A_108] : memref<8x128xi32, #tpu.memory_space<vmem>> -> memref<1x128xi32, #tpu.memory_space<vmem>>
    %dma_start3A_110 = tpu.memref_squeeze %dma_start3A_109 : memref<1x128xi32, #tpu.memory_space<vmem>> -> memref<128xi32, #tpu.memory_space<vmem>>
    %dma_start3A_111 = arith.constant 0 : i32
    %dma_start3A_112 = arith.constant 0 : i32
    %dma_start3A_113 = tpu.memref_slice %arg2[%dma_start3A_111, %dma_start3A_112] : memref<10000x128xf32, #tpu.memory_space<hbm>> -> memref<10000x128xf32, #tpu.memory_space<hbm>>
    tpu.enqueue_indirect_dma source(%dma_start3A_113 : memref<10000x128xf32, #tpu.memory_space<hbm>>) target(%arg11 : memref<128x128xf32, #tpu.memory_space<vmem>>) offsets(%dma_start3A_110 : memref<128xi32, #tpu.memory_space<vmem>>) semaphore(%arg13 : memref<!tpu.dma_semaphore, #tpu.memory_space<semaphore_mem>>)
    %dma_wait3A_114 = arith.constant 0 : i32
    %dma_wait3A_115 = arith.constant 0 : i32
    %dma_wait3A_116 = tpu.memref_slice %arg5[%dma_wait3A_114, %dma_wait3A_115] : memref<10112x128xf32, #tpu.memory_space<hbm>> -> memref<128x128xf32, #tpu.memory_space<hbm>>
    %dma_wait3A_117 = arith.constant 0 : i32
    %dma_wait3A_118 = arith.constant 0 : i32
    %dma_wait3A_119 = tpu.memref_slice %arg5[%dma_wait3A_117, %dma_wait3A_118] : memref<10112x128xf32, #tpu.memory_space<hbm>> -> memref<128x128xf32, #tpu.memory_space<hbm>>
    tpu.wait_dma2 semaphore(%arg12 : memref<!tpu.dma_semaphore, #tpu.memory_space<semaphore_mem>>) src(%dma_wait3A_119 : memref<128x128xf32, #tpu.memory_space<hbm>>) dst(%arg10 : memref<128x128xf32, #tpu.memory_space<vmem>>)
    %run_scoped3A_120 = arith.constant 6 : i32
    "tpu.region"() ({
      %run_scoped3A_132 = tpu.sem_alloc : memref<!tpu.dma_semaphore, #tpu.memory_space<semaphore_mem>>
      %dma_start3A_133 = arith.constant 0 : i32
      %dma_start3A_134 = tpu.memref_slice %arg9[%run_scoped3A_120, %dma_start3A_133] : memref<8x128xi32, #tpu.memory_space<vmem>> -> memref<1x128xi32, #tpu.memory_space<vmem>>
      %dma_start3A_135 = tpu.memref_squeeze %dma_start3A_134 : memref<1x128xi32, #tpu.memory_space<vmem>> -> memref<128xi32, #tpu.memory_space<vmem>>
      %dma_start3A_136 = arith.constant 0 : i32
      %dma_start3A_137 = arith.constant 0 : i32
      %dma_start3A_138 = tpu.memref_slice %arg7[%dma_start3A_136, %dma_start3A_137] : memref<10112x128xf32, #tpu.memory_space<vmem_shared>> -> memref<10112x128xf32, #tpu.memory_space<vmem_shared>>
      tpu.enqueue_indirect_dma source(%arg10 : memref<128x128xf32, #tpu.memory_space<vmem>>) target(%dma_start3A_138 : memref<10112x128xf32, #tpu.memory_space<vmem_shared>>) offsets(%dma_start3A_135 : memref<128xi32, #tpu.memory_space<vmem>>) semaphore(%run_scoped3A_132 : memref<!tpu.dma_semaphore, #tpu.memory_space<semaphore_mem>>) {add = true}
      %dma_wait3A_139 = arith.constant 0 : i32
      %dma_wait3A_140 = tpu.memref_slice %arg9[%run_scoped3A_120, %dma_wait3A_139] : memref<8x128xi32, #tpu.memory_space<vmem>> -> memref<1x128xi32, #tpu.memory_space<vmem>>
      %dma_wait3A_141 = tpu.memref_squeeze %dma_wait3A_140 : memref<1x128xi32, #tpu.memory_space<vmem>> -> memref<128xi32, #tpu.memory_space<vmem>>
      %dma_wait3A_142 = arith.constant 0 : i32
      %dma_wait3A_143 = arith.constant 0 : i32
      %dma_wait3A_144 = tpu.memref_slice %arg7[%dma_wait3A_142, %dma_wait3A_143] : memref<10112x128xf32, #tpu.memory_space<vmem_shared>> -> memref<10112x128xf32, #tpu.memory_space<vmem_shared>>
      tpu.wait_indirect_dma semaphore(%run_scoped3A_132 : memref<!tpu.dma_semaphore, #tpu.memory_space<semaphore_mem>>) src(%arg10 : memref<128x128xf32, #tpu.memory_space<vmem>>) dst(%dma_wait3A_144 : memref<10112x128xf32, #tpu.memory_space<vmem_shared>>)
      tpu.yield
    }) : () -> ()
    %dma_wait3A_121 = arith.constant 0 : i32
    %dma_wait3A_122 = arith.constant 0 : i32
    %dma_wait3A_123 = tpu.memref_slice %arg5[%dma_wait3A_121, %dma_wait3A_122] : memref<10112x128xf32, #tpu.memory_space<hbm>> -> memref<128x128xf32, #tpu.memory_space<hbm>>
    %dma_wait3A_124 = arith.constant 0 : i32
    %dma_wait3A_125 = arith.constant 0 : i32
    %dma_wait3A_126 = tpu.memref_slice %arg5[%dma_wait3A_124, %dma_wait3A_125] : memref<10112x128xf32, #tpu.memory_space<hbm>> -> memref<128x128xf32, #tpu.memory_space<hbm>>
    tpu.wait_dma2 semaphore(%arg13 : memref<!tpu.dma_semaphore, #tpu.memory_space<semaphore_mem>>) src(%dma_wait3A_126 : memref<128x128xf32, #tpu.memory_space<hbm>>) dst(%arg11 : memref<128x128xf32, #tpu.memory_space<vmem>>)
    %run_scoped3A_127 = arith.constant 7 : i32
    "tpu.region"() ({
      %run_scoped3A_132 = tpu.sem_alloc : memref<!tpu.dma_semaphore, #tpu.memory_space<semaphore_mem>>
      %dma_start3A_133 = arith.constant 0 : i32
      %dma_start3A_134 = tpu.memref_slice %arg9[%run_scoped3A_127, %dma_start3A_133] : memref<8x128xi32, #tpu.memory_space<vmem>> -> memref<1x128xi32, #tpu.memory_space<vmem>>
      %dma_start3A_135 = tpu.memref_squeeze %dma_start3A_134 : memref<1x128xi32, #tpu.memory_space<vmem>> -> memref<128xi32, #tpu.memory_space<vmem>>
      %dma_start3A_136 = arith.constant 0 : i32
      %dma_start3A_137 = arith.constant 0 : i32
      %dma_start3A_138 = tpu.memref_slice %arg7[%dma_start3A_136, %dma_start3A_137] : memref<10112x128xf32, #tpu.memory_space<vmem_shared>> -> memref<10112x128xf32, #tpu.memory_space<vmem_shared>>
      tpu.enqueue_indirect_dma source(%arg11 : memref<128x128xf32, #tpu.memory_space<vmem>>) target(%dma_start3A_138 : memref<10112x128xf32, #tpu.memory_space<vmem_shared>>) offsets(%dma_start3A_135 : memref<128xi32, #tpu.memory_space<vmem>>) semaphore(%run_scoped3A_132 : memref<!tpu.dma_semaphore, #tpu.memory_space<semaphore_mem>>) {add = true}
      %dma_wait3A_139 = arith.constant 0 : i32
      %dma_wait3A_140 = tpu.memref_slice %arg9[%run_scoped3A_127, %dma_wait3A_139] : memref<8x128xi32, #tpu.memory_space<vmem>> -> memref<1x128xi32, #tpu.memory_space<vmem>>
      %dma_wait3A_141 = tpu.memref_squeeze %dma_wait3A_140 : memref<1x128xi32, #tpu.memory_space<vmem>> -> memref<128xi32, #tpu.memory_space<vmem>>
      %dma_wait3A_142 = arith.constant 0 : i32
      %dma_wait3A_143 = arith.constant 0 : i32
      %dma_wait3A_144 = tpu.memref_slice %arg7[%dma_wait3A_142, %dma_wait3A_143] : memref<10112x128xf32, #tpu.memory_space<vmem_shared>> -> memref<10112x128xf32, #tpu.memory_space<vmem_shared>>
      tpu.wait_indirect_dma semaphore(%run_scoped3A_132 : memref<!tpu.dma_semaphore, #tpu.memory_space<semaphore_mem>>) src(%arg11 : memref<128x128xf32, #tpu.memory_space<vmem>>) dst(%dma_wait3A_144 : memref<10112x128xf32, #tpu.memory_space<vmem_shared>>)
      tpu.yield
    }) : () -> ()
    %barrier3A_128 = arith.constant 0 : index
    tpu.barrier barrier_id(%barrier3A_128)
    %mul3A_129 = arith.constant 10112 : i32
    %mul3A_130 = arith.muli %arg0, %mul3A_129 : i32
    %add3A_131 = arith.addi %mul3A_130, %mul3A_2 : i32
    "tpu.region"() ({
      %run_scoped3A_132 = tpu.sem_alloc : memref<!tpu.dma_semaphore, #tpu.memory_space<semaphore_mem>>
      %dma_start3A_133 = arith.constant 0 : i32
      %dma_start3A_134 = tpu.memref_slice %arg6[%add3A_131, %dma_start3A_133] : memref<20224x128xf32, #tpu.memory_space<hbm>> -> memref<632x128xf32, #tpu.memory_space<hbm>>
      %dma_start3A_135 = arith.constant 0 : i32
      %dma_start3A_136 = tpu.memref_slice %arg7[%mul3A_2, %dma_start3A_135] : memref<10112x128xf32, #tpu.memory_space<vmem_shared>> -> memref<632x128xf32, #tpu.memory_space<vmem_shared>>
      tpu.enqueue_dma source(%dma_start3A_136 : memref<632x128xf32, #tpu.memory_space<vmem_shared>>) target(%dma_start3A_134 : memref<632x128xf32, #tpu.memory_space<hbm>>) target_semaphore(%run_scoped3A_132 : memref<!tpu.dma_semaphore, #tpu.memory_space<semaphore_mem>>)
      %dma_wait3A_137 = arith.constant 0 : i32
      %dma_wait3A_138 = tpu.memref_slice %arg6[%add3A_131, %dma_wait3A_137] : memref<20224x128xf32, #tpu.memory_space<hbm>> -> memref<632x128xf32, #tpu.memory_space<hbm>>
      %dma_wait3A_139 = arith.constant 0 : i32
      %dma_wait3A_140 = tpu.memref_slice %arg7[%mul3A_2, %dma_wait3A_139] : memref<10112x128xf32, #tpu.memory_space<vmem_shared>> -> memref<632x128xf32, #tpu.memory_space<vmem_shared>>
      tpu.wait_dma2 semaphore(%run_scoped3A_132 : memref<!tpu.dma_semaphore, #tpu.memory_space<semaphore_mem>>) src(%dma_wait3A_140 : memref<632x128xf32, #tpu.memory_space<vmem_shared>>) dst(%dma_wait3A_138 : memref<632x128xf32, #tpu.memory_space<hbm>>)
      tpu.yield
    }) : () -> ()
    return
  }
}

module attributes {stable_mosaic.version = 14 : i64} {
  func.func @_tc0_body(%arg0: memref<20224x128xf32, #tpu.memory_space<vmem>>, %arg1: memref<10000x128xf32, #tpu.memory_space<vmem>>, %arg2: memref<128x128xf32, #tpu.memory_space<vmem>>, %arg3: memref<10000x1xf32, #tpu.memory_space<vmem>>, %arg4: memref<10000x128xf32, #tpu.memory_space<vmem>>) attributes {dimension_semantics = [], scalar_prefetch = 0 : i64, scratch_operands = 0 : i64, tpu.core_type = #tpu.core_type<tc>} {
    %get3A = arith.constant 0 : index
    %get3A_0 = arith.constant 0 : index
    %get3A_1 = vector.load %arg0[%get3A, %get3A_0] : memref<20224x128xf32, #tpu.memory_space<vmem>>, vector<10000x1xf32>
    %get3A_2 = arith.constant 10112 : index
    %get3A_3 = arith.constant 0 : index
    %get3A_4 = vector.load %arg0[%get3A_2, %get3A_3] : memref<20224x128xf32, #tpu.memory_space<vmem>>, vector<10000x1xf32>
    %add3A = arith.addf %get3A_1, %get3A_4 : vector<10000x1xf32>
    %add3A_5 = arith.constant 1.000000e+00 : f32
    %add3A_6 = vector.broadcast %add3A_5 : f32 to vector<10000x1xf32>
    %add3A_7 = arith.addf %add3A, %add3A_6 : vector<10000x1xf32>
    %rsqrt3A = math.rsqrt %add3A_7 : vector<10000x1xf32>
    %swap3A = arith.constant 0 : index
    %swap3A_8 = arith.constant 0 : index
    %swap3A_9 = vector.load %arg3[%swap3A, %swap3A_8] : memref<10000x1xf32, #tpu.memory_space<vmem>>, vector<10000x1xf32>
    tpu.vector_store %arg3[%swap3A, %swap3A_8], %rsqrt3A {strides = array<i32>} : memref<10000x1xf32, #tpu.memory_space<vmem>>, vector<10000x1xf32>,
    %get3A_10 = arith.constant 0 : index
    %get3A_11 = arith.constant 0 : index
    %get3A_12 = vector.load %arg1[%get3A_10, %get3A_11] : memref<10000x128xf32, #tpu.memory_space<vmem>>, vector<10000x128xf32>
    %get3A_13 = arith.constant 0 : index
    %get3A_14 = arith.constant 0 : index
    %get3A_15 = vector.load %arg2[%get3A_13, %get3A_14] : memref<128x128xf32, #tpu.memory_space<vmem>>, vector<128x128xf32>
    %dot_general3A = arith.constant dense<0.000000e+00> : vector<10000x128xf32>
    %dot_general3A_16 = tpu.matmul %get3A_12, %get3A_15, %dot_general3A {dimension_numbers = #tpu.dot_dimension_numbers<[1], [0], [0], [1], [0, 0, 1, 1], [], []>, transpose_lhs_hint = false} : vector<10000x128xf32>, vector<128x128xf32>, vector<10000x128xf32> -> vector<10000x128xf32>
    %mul3A = vector.broadcast %rsqrt3A : vector<10000x1xf32> to vector<10000x128xf32>
    %mul3A_17 = arith.mulf %dot_general3A_16, %mul3A : vector<10000x128xf32>
    %swap3A_18 = arith.constant 0 : index
    %swap3A_19 = arith.constant 0 : index
    %swap3A_20 = vector.load %arg4[%swap3A_18, %swap3A_19] : memref<10000x128xf32, #tpu.memory_space<vmem>>, vector<10000x128xf32>
    tpu.vector_store %arg4[%swap3A_18, %swap3A_19], %mul3A_17 {strides = array<i32>} : memref<10000x128xf32, #tpu.memory_space<vmem>>, vector<10000x128xf32>,
    return
  }
}

module attributes {stable_mosaic.version = 14 : i64} {
  func.func @_tc_mid_body(%arg0: memref<20224x128xf32, #tpu.memory_space<vmem>>, %arg1: memref<10000x128xf32, #tpu.memory_space<vmem>>, %arg2: memref<10000x1xf32, #tpu.memory_space<vmem>>, %arg3: memref<1x128xf32, #tpu.memory_space<vmem>>, %arg4: memref<1x128xf32, #tpu.memory_space<vmem>>, %arg5: memref<1x128xf32, #tpu.memory_space<vmem>>, %arg6: memref<128x128xf32, #tpu.memory_space<vmem>>, %arg7: memref<10000x128xf32, #tpu.memory_space<vmem>>) attributes {dimension_semantics = [], scalar_prefetch = 0 : i64, scratch_operands = 0 : i64, tpu.core_type = #tpu.core_type<tc>} {
    %get3A = arith.constant 0 : index
    %get3A_0 = arith.constant 0 : index
    %get3A_1 = vector.load %arg0[%get3A, %get3A_0] : memref<20224x128xf32, #tpu.memory_space<vmem>>, vector<10000x128xf32>
    %get3A_2 = arith.constant 10112 : index
    %get3A_3 = arith.constant 0 : index
    %get3A_4 = vector.load %arg0[%get3A_2, %get3A_3] : memref<20224x128xf32, #tpu.memory_space<vmem>>, vector<10000x128xf32>
    %add3A = arith.addf %get3A_1, %get3A_4 : vector<10000x128xf32>
    %get3A_5 = arith.constant 0 : index
    %get3A_6 = arith.constant 0 : index
    %get3A_7 = vector.load %arg2[%get3A_5, %get3A_6] : memref<10000x1xf32, #tpu.memory_space<vmem>>, vector<10000x1xf32>
    %get3A_8 = arith.constant 0 : index
    %get3A_9 = arith.constant 0 : index
    %get3A_10 = vector.load %arg1[%get3A_8, %get3A_9] : memref<10000x128xf32, #tpu.memory_space<vmem>>, vector<10000x128xf32>
    %add3A_11 = arith.addf %add3A, %get3A_10 : vector<10000x128xf32>
    %mul3A = vector.broadcast %get3A_7 : vector<10000x1xf32> to vector<10000x128xf32>
    %mul3A_12 = arith.mulf %mul3A, %add3A_11 : vector<10000x128xf32>
    %get3A_13 = arith.constant 0 : index
    %get3A_14 = arith.constant 0 : index
    %get3A_15 = vector.load %arg3[%get3A_13, %get3A_14] : memref<1x128xf32, #tpu.memory_space<vmem>>, vector<1x128xf32>
    %add3A_16 = vector.broadcast %get3A_15 : vector<1x128xf32> to vector<10000x128xf32>
    %add3A_17 = arith.addf %mul3A_12, %add3A_16 : vector<10000x128xf32>
    %reduce_sum3A = arith.constant dense<0.000000e+00> : vector<128xf32>
    %reduce_sum3A_18 = vector.multi_reduction <add>, %add3A_17, %reduce_sum3A [0] : vector<10000x128xf32> to vector<128xf32>
    %broadcast_in_dim3A = vector.shape_cast %reduce_sum3A_18 : vector<128xf32> to vector<1x128xf32>
    %div3A = arith.constant 1.000000e+04 : f32
    %div3A_19 = vector.broadcast %div3A : f32 to vector<1x128xf32>
    %div3A_20 = arith.divf %broadcast_in_dim3A, %div3A_19 : vector<1x128xf32>
    %sub3A = vector.broadcast %div3A_20 : vector<1x128xf32> to vector<10000x128xf32>
    %sub3A_21 = arith.subf %add3A_17, %sub3A : vector<10000x128xf32>
    %mul3A_22 = arith.mulf %sub3A_21, %sub3A_21 : vector<10000x128xf32>
    %reduce_sum3A_23 = arith.constant dense<0.000000e+00> : vector<128xf32>
    %reduce_sum3A_24 = vector.multi_reduction <add>, %mul3A_22, %reduce_sum3A_23 [0] : vector<10000x128xf32> to vector<128xf32>
    %broadcast_in_dim3A_25 = vector.shape_cast %reduce_sum3A_24 : vector<128xf32> to vector<1x128xf32>
    %div3A_26 = arith.constant 1.000000e+04 : f32
    %div3A_27 = vector.broadcast %div3A_26 : f32 to vector<1x128xf32>
    %div3A_28 = arith.divf %broadcast_in_dim3A_25, %div3A_27 : vector<1x128xf32>
    %get3A_29 = arith.constant 0 : index
    %get3A_30 = arith.constant 0 : index
    %get3A_31 = vector.load %arg4[%get3A_29, %get3A_30] : memref<1x128xf32, #tpu.memory_space<vmem>>, vector<1x128xf32>
    %mul3A_32 = vector.broadcast %get3A_31 : vector<1x128xf32> to vector<10000x128xf32>
    %mul3A_33 = arith.mulf %mul3A_32, %sub3A_21 : vector<10000x128xf32>
    %add3A_34 = arith.constant 9.99999974E-6 : f32
    %add3A_35 = vector.broadcast %add3A_34 : f32 to vector<1x128xf32>
    %add3A_36 = arith.addf %div3A_28, %add3A_35 : vector<1x128xf32>
    %rsqrt3A = math.rsqrt %add3A_36 : vector<1x128xf32>
    %mul3A_37 = vector.broadcast %rsqrt3A : vector<1x128xf32> to vector<10000x128xf32>
    %mul3A_38 = arith.mulf %mul3A_33, %mul3A_37 : vector<10000x128xf32>
    %get3A_39 = arith.constant 0 : index
    %get3A_40 = arith.constant 0 : index
    %get3A_41 = vector.load %arg5[%get3A_39, %get3A_40] : memref<1x128xf32, #tpu.memory_space<vmem>>, vector<1x128xf32>
    %add3A_42 = vector.broadcast %get3A_41 : vector<1x128xf32> to vector<10000x128xf32>
    %add3A_43 = arith.addf %mul3A_38, %add3A_42 : vector<10000x128xf32>
    %max3A = arith.constant 0.000000e+00 : f32
    %max3A_44 = vector.broadcast %max3A : f32 to vector<10000x128xf32>
    %max3A_45 = arith.maximumf %add3A_43, %max3A_44 : vector<10000x128xf32>
    %get3A_46 = arith.constant 0 : index
    %get3A_47 = arith.constant 0 : index
    %get3A_48 = vector.load %arg6[%get3A_46, %get3A_47] : memref<128x128xf32, #tpu.memory_space<vmem>>, vector<128x128xf32>
    %dot_general3A = arith.constant dense<0.000000e+00> : vector<10000x128xf32>
    %dot_general3A_49 = tpu.matmul %max3A_45, %get3A_48, %dot_general3A {dimension_numbers = #tpu.dot_dimension_numbers<[1], [0], [0], [1], [0, 0, 1, 1], [], []>, transpose_lhs_hint = false} : vector<10000x128xf32>, vector<128x128xf32>, vector<10000x128xf32> -> vector<10000x128xf32>
    %get3A_50 = arith.constant 0 : index
    %get3A_51 = arith.constant 0 : index
    %get3A_52 = vector.load %arg2[%get3A_50, %get3A_51] : memref<10000x1xf32, #tpu.memory_space<vmem>>, vector<10000x1xf32>
    %mul3A_53 = vector.broadcast %get3A_52 : vector<10000x1xf32> to vector<10000x128xf32>
    %mul3A_54 = arith.mulf %dot_general3A_49, %mul3A_53 : vector<10000x128xf32>
    %swap3A = arith.constant 0 : index
    %swap3A_55 = arith.constant 0 : index
    %swap3A_56 = vector.load %arg7[%swap3A, %swap3A_55] : memref<10000x128xf32, #tpu.memory_space<vmem>>, vector<10000x128xf32>
    tpu.vector_store %arg7[%swap3A, %swap3A_55], %mul3A_54 {strides = array<i32>} : memref<10000x128xf32, #tpu.memory_space<vmem>>, vector<10000x128xf32>,
    return
  }
}

module attributes {stable_mosaic.version = 14 : i64} {
  func.func @_tc_fin_body(%arg0: memref<20224x128xf32, #tpu.memory_space<vmem>>, %arg1: memref<10000x128xf32, #tpu.memory_space<vmem>>, %arg2: memref<10000x1xf32, #tpu.memory_space<vmem>>, %arg3: memref<1x128xf32, #tpu.memory_space<vmem>>, %arg4: memref<1x128xf32, #tpu.memory_space<vmem>>, %arg5: memref<1x128xf32, #tpu.memory_space<vmem>>, %arg6: memref<10000x128xf32, #tpu.memory_space<vmem>>) attributes {dimension_semantics = [], scalar_prefetch = 0 : i64, scratch_operands = 0 : i64, tpu.core_type = #tpu.core_type<tc>} {
    %get3A = arith.constant 0 : index
    %get3A_0 = arith.constant 0 : index
    %get3A_1 = vector.load %arg0[%get3A, %get3A_0] : memref<20224x128xf32, #tpu.memory_space<vmem>>, vector<10000x128xf32>
    %get3A_2 = arith.constant 10112 : index
    %get3A_3 = arith.constant 0 : index
    %get3A_4 = vector.load %arg0[%get3A_2, %get3A_3] : memref<20224x128xf32, #tpu.memory_space<vmem>>, vector<10000x128xf32>
    %add3A = arith.addf %get3A_1, %get3A_4 : vector<10000x128xf32>
    %get3A_5 = arith.constant 0 : index
    %get3A_6 = arith.constant 0 : index
    %get3A_7 = vector.load %arg2[%get3A_5, %get3A_6] : memref<10000x1xf32, #tpu.memory_space<vmem>>, vector<10000x1xf32>
    %get3A_8 = arith.constant 0 : index
    %get3A_9 = arith.constant 0 : index
    %get3A_10 = vector.load %arg1[%get3A_8, %get3A_9] : memref<10000x128xf32, #tpu.memory_space<vmem>>, vector<10000x128xf32>
    %add3A_11 = arith.addf %add3A, %get3A_10 : vector<10000x128xf32>
    %mul3A = vector.broadcast %get3A_7 : vector<10000x1xf32> to vector<10000x128xf32>
    %mul3A_12 = arith.mulf %mul3A, %add3A_11 : vector<10000x128xf32>
    %get3A_13 = arith.constant 0 : index
    %get3A_14 = arith.constant 0 : index
    %get3A_15 = vector.load %arg3[%get3A_13, %get3A_14] : memref<1x128xf32, #tpu.memory_space<vmem>>, vector<1x128xf32>
    %add3A_16 = vector.broadcast %get3A_15 : vector<1x128xf32> to vector<10000x128xf32>
    %add3A_17 = arith.addf %mul3A_12, %add3A_16 : vector<10000x128xf32>
    %reduce_sum3A = arith.constant dense<0.000000e+00> : vector<128xf32>
    %reduce_sum3A_18 = vector.multi_reduction <add>, %add3A_17, %reduce_sum3A [0] : vector<10000x128xf32> to vector<128xf32>
    %broadcast_in_dim3A = vector.shape_cast %reduce_sum3A_18 : vector<128xf32> to vector<1x128xf32>
    %div3A = arith.constant 1.000000e+04 : f32
    %div3A_19 = vector.broadcast %div3A : f32 to vector<1x128xf32>
    %div3A_20 = arith.divf %broadcast_in_dim3A, %div3A_19 : vector<1x128xf32>
    %sub3A = vector.broadcast %div3A_20 : vector<1x128xf32> to vector<10000x128xf32>
    %sub3A_21 = arith.subf %add3A_17, %sub3A : vector<10000x128xf32>
    %mul3A_22 = arith.mulf %sub3A_21, %sub3A_21 : vector<10000x128xf32>
    %reduce_sum3A_23 = arith.constant dense<0.000000e+00> : vector<128xf32>
    %reduce_sum3A_24 = vector.multi_reduction <add>, %mul3A_22, %reduce_sum3A_23 [0] : vector<10000x128xf32> to vector<128xf32>
    %broadcast_in_dim3A_25 = vector.shape_cast %reduce_sum3A_24 : vector<128xf32> to vector<1x128xf32>
    %div3A_26 = arith.constant 1.000000e+04 : f32
    %div3A_27 = vector.broadcast %div3A_26 : f32 to vector<1x128xf32>
    %div3A_28 = arith.divf %broadcast_in_dim3A_25, %div3A_27 : vector<1x128xf32>
    %get3A_29 = arith.constant 0 : index
    %get3A_30 = arith.constant 0 : index
    %get3A_31 = vector.load %arg4[%get3A_29, %get3A_30] : memref<1x128xf32, #tpu.memory_space<vmem>>, vector<1x128xf32>
    %mul3A_32 = vector.broadcast %get3A_31 : vector<1x128xf32> to vector<10000x128xf32>
    %mul3A_33 = arith.mulf %mul3A_32, %sub3A_21 : vector<10000x128xf32>
    %add3A_34 = arith.constant 9.99999974E-6 : f32
    %add3A_35 = vector.broadcast %add3A_34 : f32 to vector<1x128xf32>
    %add3A_36 = arith.addf %div3A_28, %add3A_35 : vector<1x128xf32>
    %rsqrt3A = math.rsqrt %add3A_36 : vector<1x128xf32>
    %mul3A_37 = vector.broadcast %rsqrt3A : vector<1x128xf32> to vector<10000x128xf32>
    %mul3A_38 = arith.mulf %mul3A_33, %mul3A_37 : vector<10000x128xf32>
    %get3A_39 = arith.constant 0 : index
    %get3A_40 = arith.constant 0 : index
    %get3A_41 = vector.load %arg5[%get3A_39, %get3A_40] : memref<1x128xf32, #tpu.memory_space<vmem>>, vector<1x128xf32>
    %add3A_42 = vector.broadcast %get3A_41 : vector<1x128xf32> to vector<10000x128xf32>
    %add3A_43 = arith.addf %mul3A_38, %add3A_42 : vector<10000x128xf32>
    %swap3A = arith.constant 0 : index
    %swap3A_44 = arith.constant 0 : index
    %swap3A_45 = vector.load %arg6[%swap3A, %swap3A_44] : memref<10000x128xf32, #tpu.memory_space<vmem>>, vector<10000x128xf32>
    tpu.vector_store %arg6[%swap3A, %swap3A_44], %add3A_43 {strides = array<i32>} : memref<10000x128xf32, #tpu.memory_space<vmem>>, vector<10000x128xf32>,
    return
  }
}

</mosaic_0001>

<sc_bundles>
// kernel: kernel.10.cloned.1.call-start
scs
__scs_entry_jumppad:
0x0: {  	(pc) =	sbr.rel $0x88, $3  }
0x1: {  	(tag) =	ssettag $0x0;
	lr =	simm.s32 $0x1  }
0x2: {  	[smem:$0x3F93] =	sst lr;
	_ =	strace $0xD0000000  }
0x3: {  	_ = 	snop  }
0x4: {  	_ = 	snop  }
0x5: {  	_ = 	snop  }
0x6: {  	_ = 	snop  }
0x7: {  	_ = 	snop  }
__scs_overlays_trampoline_lowered:
0x8: {  	[smem:$0x3FA2] =	sst s0  }
0x9: {  	[smem:$0x3FA3] =	sst s1  }
0xa: {  	[smem:$0x3FA4] =	sst s2  }
0xb: {  	[smem:$0x3FA5] =	sst s3  }
0xc: {  	[smem:$0x3FA6] =	sst s4  }
0xd: {  	[smem:$0x3FA7] =	sst s5  }
0xe: {  	[smem:$0x3FA8] =	sst s6  }
0xf: {  	[smem:$0x3FA9] =	sst s7  }
0x10: {  	[smem:$0x3FAA] =	sst s8  }
0x11: {  	[smem:$0x3FAB] =	sst s9;
	s0 =	simm.s32 @!p0 $0x0  }
0x12: {  	s1 =	sld [smem:$0x3F91];
	s0 =	simm.s32 @p0 $0x1  }
0x13: {  	[smem:$0x3FAC] =	sst s0;
	s0 =	simm.s32 @!p1 $0x0  }
0x14: {  	s2 =	sld [smem:$0x3F90];
	s0 =	simm.s32 @p1 $0x1  }
0x15: {  	[smem:$0x3FAD] =	sst s0;
	s0 =	simm.s32 @!p2 $0x0  }
0x16: {  	s3 =	sld [smem:$0x3FDB];
	s0 =	simm.s32 @p2 $0x1  }
0x17: {  	s4 =	simm.s32 $0x1BF5;
	[smem:$0x3FAF] =	sst s0  }
0x18: {  	s0 =	sld [smem:$0x3F92];
	_ =	swait.ge [sflag:s4], $0x0  }
0x19: {  	s7 =	sld [smem:$0x3F93]  }
0x1a: {  	s8 =	sadd.s32 $0xFFFFE003, lr  }
0x1b: {  	s9 =	sadd.s32 $0xFFFFFEF7, lr;
	s5 =	simm.s32 $0xFFFFFFFF;
	p2 =	slt.u32 s8, $0xFFFFF086  }
0x1c: {  	p1 =	slt.u32 s9, $0xF7A;
	s5 =	simm.s32 @!p2 $0x0  }
0x1d: {  	s5 =	simm.s32 @p1 $0x1;
	p0 =	seq.s32 s7, s2  }
0x1e: {  	s7 =	smul.u32 @!p0 $0xF7A, s2;
	p2 =	seq.s32 @!p0 s5, $0x0  }
0x1f: {  	s9 =	smul.u32 $0xF7A, s1;
	s8 =	simm.s32 @!p0 $0x1BF5;
	p2 =	por !p2, p0  }
0x20: {  	[sflag:s8] =	ssyncset.s32 @!p0 $0xFFFFF086;
	s6 =	sadd.s32 @!p0 s3, s7;
	s7 =	simm.s32 @!p0 $0x108  }
0x21: {  	s3 =	sadd.s32 s3, s9;
	s6 =	sadd.s32 @!p0 $0x88, s6;
	s7 =	simm.s32 @p2 $0x1082  }
0x22: {  	[simem:s7], [sflag:s8] =	dma.local @!p0 [hbm:s6], $0xF7A  }
0x23: {  	s9 =	sor.u32 $0xD0000000, s2;
	s6 =	simm.s32 $0x108;
	_ =	swait.ge @!p0 [sflag:s8], $0x0  }
0x24: {  	s3 =	sadd.s32 $0x88, s3;
	s6 =	simm.s32 @!p1 $0x1082;
	[sflag:s4] =	ssyncset.s32 $0xFFFFF086  }
0x25: {  	[simem:s6], [sflag:s4] =	dma.local [hbm:s3], $0xF7A  }
0x26: {  	[smem:$0x3F93] =	sst s1;
	(tag) =	ssettag s2;
	_ =	strace s9  }
0x27: {  	s1 =	sld [smem:$0x3FA3]  }
0x28: {  	s2 =	sld [smem:$0x3FA4]  }
0x29: {  	s4 =	sld [smem:$0x3FA6]  }
0x2a: {  	p0 =	seq.s32 s5, $0x0;
	s5 =	sld [smem:$0x3FA7]  }
0x2b: {  	s6 =	sld [smem:$0x3FA8]  }
0x2c: {  	s7 =	sld [smem:$0x3FA9]  }
0x2d: {  	s3 =	simm.s32 $0x108;
	s8 =	sld [smem:$0x3FAA]  }
0x2e: {  	s3 =	simm.s32 @!p0 $0x1082;
	s9 =	sld [smem:$0x3FAB]  }
0x2f: {  	lr =	sadd.s32 s0, s3;
	s0 =	sld [smem:$0x3FA2]  }
0x30: {  	s3 =	sld [smem:$0x3FA5]  }
0x31: {  	[smem:$0x3FAE] =	sst s10  }
0x32: {  	s10 =	sld [smem:$0x3FAC];
	_ =	sdelay $0x3  }
0x33: {  	p0 =	seq.s32 s10, $0x1;
	s10 =	sld [smem:$0x3FAE];
	_ =	sdelay $0x3  }
0x34: {  	[smem:$0x3FAE] =	sst s10  }
0x35: {  	s10 =	sld [smem:$0x3FAD];
	_ =	sdelay $0x3  }
0x36: {  	p1 =	seq.s32 s10, $0x1;
	s10 =	sld [smem:$0x3FAE];
	_ =	sdelay $0x3  }
0x37: {  	[smem:$0x3FAE] =	sst s10  }
0x38: {  	s10 =	sld [smem:$0x3FAF]  }
0x39: {  	_ = 	snop;
	(pc) =	sbr.ind lr, $3  }
0x3a: {  	_ = 	snop  }
0x3b: {  	_ = 	snop  }
0x3c: {  	p2 =	seq.s32 s10, $0x1;
	s10 =	sld [smem:$0x3FAE]  }
0x3d: {  	_ =	shalt  }
0x3e: {  	_ =	shalt  }
0x3f: {  	_ =	shalt  }
0x40: {  	_ =	shalt  }
0x41: {  	_ =	shalt  }
0x42: {  	_ =	shalt  }
0x43: {  	_ =	shalt  }
0x44: {  	_ =	shalt  }
0x45: {  	_ =	shalt  }
0x46: {  	_ =	shalt  }
0x47: {  	_ =	shalt  }
0x48: {  	_ =	shalt  }
0x49: {  	_ =	shalt  }
0x4a: {  	_ =	shalt  }
0x4b: {  	_ =	shalt  }
0x4c: {  	_ =	shalt  }
0x4d: {  	_ =	shalt  }
0x4e: {  	_ =	shalt  }
0x4f: {  	_ =	shalt  }
0x50: {  	_ =	shalt  }
0x51: {  	_ =	shalt  }
0x52: {  	_ =	shalt  }
0x53: {  	_ =	shalt  }
0x54: {  	_ =	shalt  }
0x55: {  	_ =	shalt  }
0x56: {  	_ =	shalt  }
0x57: {  	_ =	shalt  }
0x58: {  	_ =	shalt  }
0x59: {  	_ =	shalt  }
0x5a: {  	_ =	shalt  }
0x5b: {  	_ =	shalt  }
0x5c: {  	_ =	shalt  }
0x5d: {  	_ =	shalt  }
0x5e: {  	_ =	shalt  }
0x5f: {  	_ =	shalt  }
0x60: {  	_ =	shalt  }
0x61: {  	_ =	shalt  }
0x62: {  	_ =	shalt  }
0x63: {  	_ =	shalt  }
0x64: {  	_ =	shalt  }
0x65: {  	_ =	shalt  }
0x66: {  	_ =	shalt  }
0x67: {  	_ =	shalt  }
0x68: {  	_ =	shalt  }
0x69: {  	_ =	shalt  }
0x6a: {  	_ =	shalt  }
0x6b: {  	_ =	shalt  }
0x6c: {  	_ =	shalt  }
0x6d: {  	_ =	shalt  }
0x6e: {  	_ =	shalt  }
0x6f: {  	_ =	shalt  }
0x70: {  	_ =	shalt  }
0x71: {  	_ =	shalt  }
0x72: {  	_ =	shalt  }
0x73: {  	_ =	shalt  }
0x74: {  	_ =	shalt  }
0x75: {  	_ =	shalt  }
0x76: {  	_ =	shalt  }
0x77: {  	_ =	shalt  }
0x78: {  	_ =	shalt  }
0x79: {  	_ =	shalt  }
0x7a: {  	_ =	shalt  }
0x7b: {  	_ =	shalt  }
0x7c: {  	_ =	shalt  }
0x7d: {  	_ =	shalt  }
0x7e: {  	_ =	shalt  }
0x7f: {  	_ =	shalt  }
0x80: {  	_ =	shalt  }
0x81: {  	_ =	shalt  }
0x82: {  	_ =	shalt  }
0x83: {  	_ =	shalt  }
0x84: {  	_ =	shalt  }
0x85: {  	_ =	shalt  }
0x86: {  	_ =	shalt  }
0x87: {  	_ =	shalt  }
.Lfunc_end0:
.L_simem_size_0:
called_computation_lowered:
.L_overlay_start_0:
0x88: {  	s2 =	sld [smem:$0x3FD9]  }
0x89: {  	s3 =	sld [smem:$0x3FFE];
	_ =	sdelay $0x1  }
0x8a: {  	s1 =	srdreg.scid  }
0x8b: {  	s0 =	sand.u32 $0x1, s1  }
0x8c: {  	s17 =	sshll.u32 s0, $0xA;
	s2 =	sadd.s32 s3, s2  }
0x8d: {  	s2 =	sadd.s32 s2, s17  }
0x8e: {  	[smem:$0x3FBA] =	sst s2  }
0x8f: {  	_ = 	snop  }
0x90: {  	s2 =	sld [smem:$0x3FD0];
	(tm) =	ssettm $0x1  }
0x91: {  	s18 =	sld [smem:$0x3FFB];
	_ =	sdelay $0x3  }
0x92: {  	_ =	strace s18  }
0x93: {  	s3 =	sld [smem:$0x3FFC];
	_ =	sdelay $0x3  }
0x94: {  	_ =	strace s3  }
0x95: {  	s3 =	sld [smem:$0x3FFD];
	_ =	sdelay $0x3  }
0x96: {  	_ =	strace s3  }
0x97: {  	_ =	strace $0x8FFFFFFF  }
0x98: {  	s19 =	sld [smem:$0x3FDB];
	_ =	sdelay $0x1  }
0x99: {  	s4 =	simm.s32 $_scs_section_size  }
0x9a: {  	s5 =	simm.s32 $_size__tile_overlayer_lowered;
	s6 =	simm.s32 $_tile_overlayer_lowered  }
0x9b: {  	s22 =	simm.s32 $0x1BFF;
	s21 =	sshll.u32 s6, $0x1;
	s3 =	sadd.s32 s4, s19  }
0x9c: {  	s7 =	simm.s32 $0x0;
	s20 =	sshll.u32 s5, $0x1;
	s5 =	sadd.s32 s21, s3  }
0x9d: {  	[timem:s7], [sflag:s22] =	dma.local [hbm:s5], s20  }
0x9e: {  	_ =	swait.ge [sflag:s22], s20  }
0x9f: {  	s4 =	ssub.s32 $0x0, s20;
	[sflag:s22] =	ssyncset.done $0x0  }
0xa0: {  	[sflag:s22] =	ssyncadd.s32 s4;
	_ =	sdelay $0x1  }
0xa1: {  	s23 =	simm.s32 $0x1B8B  }
0xa2: {  	_ =	swait.ge [sflag:s23], $0x1  }
0xa3: {  	[sflag:s23] =	ssyncset.done $0x0  }
0xa4: {  	s25 =	simm.s32 $0x1B8E;
	s24 =	sld [smem:$0x3FFE];
	[sflag:s23] =	ssyncadd.s32 $0xFFFFFFFF  }
0xa5: {  	s26 =	simm.s32 $execute0_lowered;
	[smem:$0x3FD2] =	sst s25  }
0xa6: {  	s5 =	sshll.u32 s26, $0x1;
	_ =	strace $0x80000046;
	[dreg:$0x1] =	wrdreg $0xFFFFFFFF  }
0xa7: {  	s28 =	simm.s32 $_size_execute0_lowered;
	s3 =	sadd.s32 s3, s5;
	[dreg:$0x0] =	wrdreg $0x0  }
0xa8: {  	s5 =	sshll.u32 s28, $0x1;
	[dreg:$0x2] =	wrdreg s3  }
0xa9: {  	[dreg:$0x3] =	wrdreg s5  }
0xaa: {  	[dreg:$0x4] =	wrdreg $0xC0  }
0xab: {  	_ =	task [dreg:s7], $0x5FFFF  }
0xac: {  	[dreg:$0x1] =	wrdreg $0xFFFFFFFF  }
0xad: {  	[dreg:$0x0] =	wrdreg $0x60  }
0xae: {  	[dreg:$0x2] =	wrdreg s2  }
0xaf: {  	[dreg:$0x3] =	wrdreg s24  }
0xb0: {  	[dreg:$0x4] =	wrdreg $0x0  }
0xb1: {  	[dreg:$0x5] =	wrdreg $0x9  }
0xb2: {  	_ =	task.clear_ibuf [dreg:s7], $0x6FFFF;
	_ =	strace $0x90000046  }
0xb3: {  	s29 =	simm.s32 $0x9;
	_ =	strace $0x80000048  }
0xb4: {  	_ =	swait.ge [sflag:s29], $0x1  }
0xb5: {  	[sflag:s29] =	ssyncadd.s32 $0xFFFFFFFF  }
0xb6: {  	_ =	strace $0x90000048  }
0xb7: {  	_ =	sfence  }
0xb8: {  	s30 =	sld [smem:$0x0];
	_ =	sdelay $0x2  }
0xb9: {  	s31 =	sshll.u32 s1, $0xD;
	s1 =	sshrl.u32 s1, $0x2  }
0xba: {  	s3 =	sand.u32 $0x4000, s31;
	s1 =	sadd.s32 s1, s30  }
0xbb: {  	s0 =	sor.u32 s3, s0;
	s1 =	sshll.u32 s1, $0x11  }
0xbc: {  	s0 =	sor.u32 s1, s0  }
0xbd: {  	s0 =	sadd.s32 $0x8F2B, s0  }
0xbe: {  	[sflag:s0] =	ssyncadd.remote.s32 $0x1  }
0xbf: {  	_ =	sfence.sel $0xFFFF  }
0xc0: {  	[dreg:$0x0] =	wrdreg $0xFFFFFFFF;
	(pc) =	sbr.abs _section_cstart, $3  }
0xc1: {  	[dreg:$0x1] =	wrdreg $0xFFFFFFFF  }
0xc2: {  	_ =	task.clear_ibuf [dreg:s7], $0x2FFFF;
	_ =	strace $0x9FFFFFFF  }
0xc3: {  	(tm) =	ssettm $0x7FFFFFFF  }
tec
execute0_lowered:
.L_overlay_start_1:
0x0: {  	(tag) =	ssettag $0x1  }
0x1: {  	s7 =	rddreg [dreg:$0x0]  }
0x2: {  	s6 =	rddreg [dreg:$0x1]  }
0x3: {  	s2 =	rddreg [dreg:$0x2]  }
0x4: {  	s0 =	rddreg [dreg:$0x3]  }
0x5: {  	s4 =	srdreg.scid;
	s1 =	stileid.u32  }
0x6: {  	s3 =	simm.s32 $0x0;
	s13 =	simm.s32 $0x13C00;
	s14 =	simm.s32 $0x80  }
0x7: {  	s15 =	simm.s32 $0x0;
	s8 =	sand.u32 $0x1, s4;
	s9 =	smul.u32 $0x2780, s1  }
0x8: {  	[smem:$0x7FF] =	sst s3;
	s4 =	sadd.s32 $0x4E00, s6;
	s5 =	sadd.s32 $0x4600, s6  }
0x9: {  	s11 =	smul.u32 $0x4F000, s1;
	s12 =	sshll.u32 s1, $0x1;
	s31 =	sshll.u32 s1, $0x6  }
0xa: {  	s10 =	smul.u32 $0x27800, s8;
	_ =	strace $0x80000047;
	s29 =	ssub.s32 $0x2, s8  }
0xb: {  	s8 =	sor.u32 s8, s12;
	s12 =	simm.s32 $0x16400;
	s30 =	sshrl.u32 s29, $0x1  }
0xc: {  	s11 =	sshrl.u32 s11, $0x2;
	s8 =	smul.u32 $0x500, s8;
	s9 =	sadd.s32 s9, s10  }
0xd: {  	s10 =	ssub.s32 s29, s30;
	s11 =	sadd.s32 s11, s2;
	s9 =	sadd.s32 s9, s6  }
0xe: {  	s6 =	sor.u32 $0x1C01, s31;
	s7 =	sadd.s32 s7, s8;
	s8 =	sadd.s32 $0x2C600, s9  }
0xf: {  	s9 =	smax.u32 s10, $0x1;
	s10 =	sshrl.u32 s11, $0x3;
	s11 =	simm.s32 $0x1  }
.LBB2_1:
0x10: {  	[spmem:s10], [sflag:s6] =	dma.local [hbm:s4], $0x2780  }
0x11: {  	_ =	swait.ge [sflag:s11], $0x2780  }
0x12: {  	[sflag:s11] =	ssyncset.done $0x0  }
0x13: {  	[sflag:s11] =	ssyncadd.s32 $0xFFFFD880  }
0x14: {  	[tilespmem:s12], [sflag:$0x1] =	stream.linear.gather [hbm4b:s5+s3], $0x4000, $0x38;
	[tilespmem:$0x1A400] =	vst v63  }
0x15: {  	_ =	swait.ge [sflag:s11], $0x4000  }
0x16: {  	[sflag:s11] =	ssyncset.done $0x0  }
0x17: {  	[sflag:s11] =	ssyncadd.s32 $0xFFFFC000  }
0x18: {  	[tilespmem:s13], [sflag:$0x1] =	stream.linear.gather [hbm4b:s7+s3], $0x2800, $0x38;
	[tilespmem:$0x1A400] =	vst v63  }
0x19: {  	_ =	swait.ge [sflag:s11], $0x2800  }
0x1a: {  	[sflag:s11] =	ssyncset.done $0x0  }
0x1b: {  	[sflag:s11] =	ssyncadd.s32 $0xFFFFD800  }
0x1c: {  	s16 =	simm.s32 $0x13C00;
	[bflag:$0x0] =	sbarrier.arrive $0xFFFF  }
0x1d: {  	[spmem:s2] =	stream.indirect.scatter.add.f32 [tilespmem:s12], [sflag:$0x1], $0x80, s16, s14, $0xb8;
	[tilespmem:$0x1A400] =	vst v63  }
0x1e: {  	s16 =	simm.s32 $0x200;
	_ =	swait.ge [sflag:s11], $0x4000  }
.LBB2_2:
0x1f: {  	s17 =	sshra.s32 s16, $0x2;
	[sflag:s11] =	ssyncset.done $0x0;
	p0 =	sne.s32 s16, $0x9E00  }
.Ltmp0:
0x20: {  	s17 =	sadd.s32 $0x13C00, s17;
	[sflag:s11] =	ssyncadd.s32 $0xFFFFC000;
	(pc) =	sbr.rel @p0 .LBB2_2-.Ltmp0, $3  }
0x21: {  	[spmem:s2] =	stream.indirect.scatter.add.f32 [tilespmem:s12], [sflag:$0x1], $0x80, s17, s14, $0xb8;
	[tilespmem:$0x1A400] =	vst v63  }
0x22: {  	s16 =	sadd.s32 $0x200, s16;
	_ =	sdelay $0x1  }
0x23: {  	_ =	swait.ge [sflag:s11], $0x4000  }
0x24: {  	[sflag:s11] =	ssyncset.done $0x0;
	s15 =	sadd.s32 $0x1, s15  }
0x25: {  	[sflag:s11] =	ssyncadd.s32 $0xFFFFC000;
	p0 =	sne.s32 s15, s9  }
.Ltmp1:
0x26: {  	[bflag:$0x0] =	sbarrier.arrive $0xFFFF;
	(pc) =	sbr.rel @p0 .LBB2_1-.Ltmp1, $4  }
0x27: {  	[hbm:s8], [sflag:s6] =	dma.local [spmem:s10], $0x2780  }
0x28: {  	_ =	swait.ge [sflag:s11], $0x2780  }
0x29: {  	[sflag:s11] =	ssyncset.done $0x0  }
0x2a: {  	[sflag:s11] =	ssyncadd.s32 $0xFFFFD880  }
0x2b: {  	_ =	sfence.sel $0x180000  }
0x2c: {  	[bflag:$0x0] =	sbarrier.arrive $0xFFFF  }
0x2d: {  	p0 =	sne.s32 s1, $0x0;
	_ =	strace $0x90000047  }
0x2e: {  	s0 =	sadd.s32 @!p0 $0x100000, s0;
	[bflag:$0x2] =	sbarrier.arrive $0xFFFF  }
0x2f: {  	[sflag:s0] =	ssyncadd.tile.s32 @!p0 $0x1;
	_ =	shalt  }
.Lfunc_end2:
_tile_overlayer_lowered:
.L_overlay_start_2:
0x30: {  	(tag) =	ssettag $0x2  }
0x31: {  	s0 =	rddreg [dreg:$0x0];
	s2 =	stileid.u32  }
0x32: {  	s1 =	rddreg [dreg:$0x1];
	p0 =	sne.s32 s2, $0x0  }
0x33: {  	s3 =	rddreg [dreg:$0x2];
	[bflag:$0x3] =	sbarrier.arrive $0xFFFF;
	s2 =	simm.s32 @!p0 $0x1C01  }
0x34: {  	[timem:s3], [sflag:s2] =	dma.local @!p0 [hbm:s0], s1  }
0x35: {  	s0 =	simm.s32 @!p0 $0x1  }
0x36: {  	_ =	swait.ge @!p0 [sflag:s0], s1  }
0x37: {  	s1 =	ssub.s32 @!p0 $0x0, s1;
	[sflag:s0] =	ssyncset.done @!p0 $0x0  }
0x38: {  	[sflag:s0] =	ssyncadd.s32 @!p0 s1  }
0x39: {  	[bflag:$0x3] =	sbarrier.arrive $0xFFFF  }
0x3a: {  	_ =	shalt  }

// kernel: kernel.13.cloned.1.call-start
scs
__scs_entry_jumppad:
0x0: {  	(pc) =	sbr.rel $0x88, $3  }
0x1: {  	(tag) =	ssettag $0x0;
	lr =	simm.s32 $0x1  }
0x2: {  	[smem:$0x3F93] =	sst lr;
	_ =	strace $0xD0000000  }
0x3: {  	_ = 	snop  }
0x4: {  	_ = 	snop  }
0x5: {  	_ = 	snop  }
0x6: {  	_ = 	snop  }
0x7: {  	_ = 	snop  }
__scs_overlays_trampoline_lowered:
0x8: {  	[smem:$0x3FA2] =	sst s0  }
0x9: {  	[smem:$0x3FA3] =	sst s1  }
0xa: {  	[smem:$0x3FA4] =	sst s2  }
0xb: {  	[smem:$0x3FA5] =	sst s3  }
0xc: {  	[smem:$0x3FA6] =	sst s4  }
0xd: {  	[smem:$0x3FA7] =	sst s5  }
0xe: {  	[smem:$0x3FA8] =	sst s6  }
0xf: {  	[smem:$0x3FA9] =	sst s7  }
0x10: {  	[smem:$0x3FAA] =	sst s8  }
0x11: {  	[smem:$0x3FAB] =	sst s9;
	s0 =	simm.s32 @!p0 $0x0  }
0x12: {  	s1 =	sld [smem:$0x3F91];
	s0 =	simm.s32 @p0 $0x1  }
0x13: {  	[smem:$0x3FAC] =	sst s0;
	s0 =	simm.s32 @!p1 $0x0  }
0x14: {  	s2 =	sld [smem:$0x3F90];
	s0 =	simm.s32 @p1 $0x1  }
0x15: {  	[smem:$0x3FAD] =	sst s0;
	s0 =	simm.s32 @!p2 $0x0  }
0x16: {  	s3 =	sld [smem:$0x3FDB];
	s0 =	simm.s32 @p2 $0x1  }
0x17: {  	s4 =	simm.s32 $0x1BF5;
	[smem:$0x3FAF] =	sst s0  }
0x18: {  	s0 =	sld [smem:$0x3F92];
	_ =	swait.ge [sflag:s4], $0x0  }
0x19: {  	s7 =	sld [smem:$0x3F93]  }
0x1a: {  	s8 =	sadd.s32 $0xFFFFE003, lr  }
0x1b: {  	s9 =	sadd.s32 $0xFFFFFEF7, lr;
	s5 =	simm.s32 $0xFFFFFFFF;
	p2 =	slt.u32 s8, $0xFFFFF086  }
0x1c: {  	p1 =	slt.u32 s9, $0xF7A;
	s5 =	simm.s32 @!p2 $0x0  }
0x1d: {  	s5 =	simm.s32 @p1 $0x1;
	p0 =	seq.s32 s7, s2  }
0x1e: {  	s7 =	smul.u32 @!p0 $0xF7A, s2;
	p2 =	seq.s32 @!p0 s5, $0x0  }
0x1f: {  	s9 =	smul.u32 $0xF7A, s1;
	s8 =	simm.s32 @!p0 $0x1BF5;
	p2 =	por !p2, p0  }
0x20: {  	[sflag:s8] =	ssyncset.s32 @!p0 $0xFFFFF086;
	s6 =	sadd.s32 @!p0 s3, s7;
	s7 =	simm.s32 @!p0 $0x108  }
0x21: {  	s3 =	sadd.s32 s3, s9;
	s6 =	sadd.s32 @!p0 $0x88, s6;
	s7 =	simm.s32 @p2 $0x1082  }
0x22: {  	[simem:s7], [sflag:s8] =	dma.local @!p0 [hbm:s6], $0xF7A  }
0x23: {  	s9 =	sor.u32 $0xD0000000, s2;
	s6 =	simm.s32 $0x108;
	_ =	swait.ge @!p0 [sflag:s8], $0x0  }
0x24: {  	s3 =	sadd.s32 $0x88, s3;
	s6 =	simm.s32 @!p1 $0x1082;
	[sflag:s4] =	ssyncset.s32 $0xFFFFF086  }
0x25: {  	[simem:s6], [sflag:s4] =	dma.local [hbm:s3], $0xF7A  }
0x26: {  	[smem:$0x3F93] =	sst s1;
	(tag) =	ssettag s2;
	_ =	strace s9  }
0x27: {  	s1 =	sld [smem:$0x3FA3]  }
0x28: {  	s2 =	sld [smem:$0x3FA4]  }
0x29: {  	s4 =	sld [smem:$0x3FA6]  }
0x2a: {  	p0 =	seq.s32 s5, $0x0;
	s5 =	sld [smem:$0x3FA7]  }
0x2b: {  	s6 =	sld [smem:$0x3FA8]  }
0x2c: {  	s7 =	sld [smem:$0x3FA9]  }
0x2d: {  	s3 =	simm.s32 $0x108;
	s8 =	sld [smem:$0x3FAA]  }
0x2e: {  	s3 =	simm.s32 @!p0 $0x1082;
	s9 =	sld [smem:$0x3FAB]  }
0x2f: {  	lr =	sadd.s32 s0, s3;
	s0 =	sld [smem:$0x3FA2]  }
0x30: {  	s3 =	sld [smem:$0x3FA5]  }
0x31: {  	[smem:$0x3FAE] =	sst s10  }
0x32: {  	s10 =	sld [smem:$0x3FAC];
	_ =	sdelay $0x3  }
0x33: {  	p0 =	seq.s32 s10, $0x1;
	s10 =	sld [smem:$0x3FAE];
	_ =	sdelay $0x3  }
0x34: {  	[smem:$0x3FAE] =	sst s10  }
0x35: {  	s10 =	sld [smem:$0x3FAD];
	_ =	sdelay $0x3  }
0x36: {  	p1 =	seq.s32 s10, $0x1;
	s10 =	sld [smem:$0x3FAE];
	_ =	sdelay $0x3  }
0x37: {  	[smem:$0x3FAE] =	sst s10  }
0x38: {  	s10 =	sld [smem:$0x3FAF]  }
0x39: {  	_ = 	snop;
	(pc) =	sbr.ind lr, $3  }
0x3a: {  	_ = 	snop  }
0x3b: {  	_ = 	snop  }
0x3c: {  	p2 =	seq.s32 s10, $0x1;
	s10 =	sld [smem:$0x3FAE]  }
0x3d: {  	_ =	shalt  }
0x3e: {  	_ =	shalt  }
0x3f: {  	_ =	shalt  }
0x40: {  	_ =	shalt  }
0x41: {  	_ =	shalt  }
0x42: {  	_ =	shalt  }
0x43: {  	_ =	shalt  }
0x44: {  	_ =	shalt  }
0x45: {  	_ =	shalt  }
0x46: {  	_ =	shalt  }
0x47: {  	_ =	shalt  }
0x48: {  	_ =	shalt  }
0x49: {  	_ =	shalt  }
0x4a: {  	_ =	shalt  }
0x4b: {  	_ =	shalt  }
0x4c: {  	_ =	shalt  }
0x4d: {  	_ =	shalt  }
0x4e: {  	_ =	shalt  }
0x4f: {  	_ =	shalt  }
0x50: {  	_ =	shalt  }
0x51: {  	_ =	shalt  }
0x52: {  	_ =	shalt  }
0x53: {  	_ =	shalt  }
0x54: {  	_ =	shalt  }
0x55: {  	_ =	shalt  }
0x56: {  	_ =	shalt  }
0x57: {  	_ =	shalt  }
0x58: {  	_ =	shalt  }
0x59: {  	_ =	shalt  }
0x5a: {  	_ =	shalt  }
0x5b: {  	_ =	shalt  }
0x5c: {  	_ =	shalt  }
0x5d: {  	_ =	shalt  }
0x5e: {  	_ =	shalt  }
0x5f: {  	_ =	shalt  }
0x60: {  	_ =	shalt  }
0x61: {  	_ =	shalt  }
0x62: {  	_ =	shalt  }
0x63: {  	_ =	shalt  }
0x64: {  	_ =	shalt  }
0x65: {  	_ =	shalt  }
0x66: {  	_ =	shalt  }
0x67: {  	_ =	shalt  }
0x68: {  	_ =	shalt  }
0x69: {  	_ =	shalt  }
0x6a: {  	_ =	shalt  }
0x6b: {  	_ =	shalt  }
0x6c: {  	_ =	shalt  }
0x6d: {  	_ =	shalt  }
0x6e: {  	_ =	shalt  }
0x6f: {  	_ =	shalt  }
0x70: {  	_ =	shalt  }
0x71: {  	_ =	shalt  }
0x72: {  	_ =	shalt  }
0x73: {  	_ =	shalt  }
0x74: {  	_ =	shalt  }
0x75: {  	_ =	shalt  }
0x76: {  	_ =	shalt  }
0x77: {  	_ =	shalt  }
0x78: {  	_ =	shalt  }
0x79: {  	_ =	shalt  }
0x7a: {  	_ =	shalt  }
0x7b: {  	_ =	shalt  }
0x7c: {  	_ =	shalt  }
0x7d: {  	_ =	shalt  }
0x7e: {  	_ =	shalt  }
0x7f: {  	_ =	shalt  }
0x80: {  	_ =	shalt  }
0x81: {  	_ =	shalt  }
0x82: {  	_ =	shalt  }
0x83: {  	_ =	shalt  }
0x84: {  	_ =	shalt  }
0x85: {  	_ =	shalt  }
0x86: {  	_ =	shalt  }
0x87: {  	_ =	shalt  }
.Lfunc_end0:
.L_simem_size_0:
called_computation.1_lowered:
.L_overlay_start_0:
0x88: {  	s2 =	sld [smem:$0x3FD9]  }
0x89: {  	s3 =	sld [smem:$0x3FFE];
	_ =	sdelay $0x1  }
0x8a: {  	s1 =	srdreg.scid  }
0x8b: {  	s0 =	sand.u32 $0x1, s1  }
0x8c: {  	s17 =	sshll.u32 s0, $0xA;
	s2 =	sadd.s32 s3, s2  }
0x8d: {  	s2 =	sadd.s32 s2, s17  }
0x8e: {  	[smem:$0x3FBA] =	sst s2  }
0x8f: {  	_ = 	snop  }
0x90: {  	s2 =	sld [smem:$0x3FD0];
	(tm) =	ssettm $0x1  }
0x91: {  	s18 =	sld [smem:$0x3FFB];
	_ =	sdelay $0x3  }
0x92: {  	_ =	strace s18  }
0x93: {  	s3 =	sld [smem:$0x3FFC];
	_ =	sdelay $0x3  }
0x94: {  	_ =	strace s3  }
0x95: {  	s3 =	sld [smem:$0x3FFD];
	_ =	sdelay $0x3  }
0x96: {  	_ =	strace s3  }
0x97: {  	_ =	strace $0x8FFFFFFF  }
0x98: {  	s19 =	sld [smem:$0x3FDB];
	_ =	sdelay $0x1  }
0x99: {  	s4 =	simm.s32 $_scs_section_size  }
0x9a: {  	s5 =	simm.s32 $_size__tile_overlayer_lowered;
	s6 =	simm.s32 $_tile_overlayer_lowered  }
0x9b: {  	s22 =	simm.s32 $0x1BFF;
	s21 =	sshll.u32 s6, $0x1;
	s3 =	sadd.s32 s4, s19  }
0x9c: {  	s7 =	simm.s32 $0x0;
	s20 =	sshll.u32 s5, $0x1;
	s5 =	sadd.s32 s21, s3  }
0x9d: {  	[timem:s7], [sflag:s22] =	dma.local [hbm:s5], s20  }
0x9e: {  	_ =	swait.ge [sflag:s22], s20  }
0x9f: {  	s4 =	ssub.s32 $0x0, s20;
	[sflag:s22] =	ssyncset.done $0x0  }
0xa0: {  	[sflag:s22] =	ssyncadd.s32 s4;
	_ =	sdelay $0x1  }
0xa1: {  	s23 =	simm.s32 $0x1B8B  }
0xa2: {  	_ =	swait.ge [sflag:s23], $0x1  }
0xa3: {  	[sflag:s23] =	ssyncset.done $0x0  }
0xa4: {  	s25 =	simm.s32 $0x1B8E;
	s24 =	sld [smem:$0x3FFE];
	[sflag:s23] =	ssyncadd.s32 $0xFFFFFFFF  }
0xa5: {  	s26 =	simm.s32 $execute0_lowered;
	[smem:$0x3FD2] =	sst s25  }
0xa6: {  	s5 =	sshll.u32 s26, $0x1;
	_ =	strace $0x80000049;
	[dreg:$0x1] =	wrdreg $0xFFFFFFFF  }
0xa7: {  	s28 =	simm.s32 $_size_execute0_lowered;
	s3 =	sadd.s32 s3, s5;
	[dreg:$0x0] =	wrdreg $0x0  }
0xa8: {  	s5 =	sshll.u32 s28, $0x1;
	[dreg:$0x2] =	wrdreg s3  }
0xa9: {  	[dreg:$0x3] =	wrdreg s5  }
0xaa: {  	[dreg:$0x4] =	wrdreg $0xC0  }
0xab: {  	_ =	task [dreg:s7], $0x5FFFF  }
0xac: {  	[dreg:$0x1] =	wrdreg $0xFFFFFFFF  }
0xad: {  	[dreg:$0x0] =	wrdreg $0x60  }
0xae: {  	[dreg:$0x2] =	wrdreg s2  }
0xaf: {  	[dreg:$0x3] =	wrdreg s24  }
0xb0: {  	[dreg:$0x4] =	wrdreg $0x0  }
0xb1: {  	[dreg:$0x5] =	wrdreg $0x9  }
0xb2: {  	_ =	task.clear_ibuf [dreg:s7], $0x6FFFF;
	_ =	strace $0x90000049  }
0xb3: {  	s29 =	simm.s32 $0x9;
	_ =	strace $0x8000004B  }
0xb4: {  	_ =	swait.ge [sflag:s29], $0x1  }
0xb5: {  	[sflag:s29] =	ssyncadd.s32 $0xFFFFFFFF  }
0xb6: {  	_ =	strace $0x9000004B  }
0xb7: {  	_ =	sfence  }
0xb8: {  	s30 =	sld [smem:$0x0];
	_ =	sdelay $0x2  }
0xb9: {  	s31 =	sshll.u32 s1, $0xD;
	s1 =	sshrl.u32 s1, $0x2  }
0xba: {  	s3 =	sand.u32 $0x4000, s31;
	s1 =	sadd.s32 s1, s30  }
0xbb: {  	s0 =	sor.u32 s3, s0;
	s1 =	sshll.u32 s1, $0x11  }
0xbc: {  	s0 =	sor.u32 s1, s0  }
0xbd: {  	s0 =	sadd.s32 $0x8F2B, s0  }
0xbe: {  	[sflag:s0] =	ssyncadd.remote.s32 $0x1  }
0xbf: {  	_ =	sfence.sel $0xFFFF  }
0xc0: {  	[dreg:$0x0] =	wrdreg $0xFFFFFFFF;
	(pc) =	sbr.abs _section_cstart, $3  }
0xc1: {  	[dreg:$0x1] =	wrdreg $0xFFFFFFFF  }
0xc2: {  	_ =	task.clear_ibuf [dreg:s7], $0x2FFFF;
	_ =	strace $0x9FFFFFFF  }
0xc3: {  	(tm) =	ssettm $0x7FFFFFFF  }
tec
execute0_lowered:
.L_overlay_start_1:
0x0: {  	(tag) =	ssettag $0x1  }
0x1: {  	s1 =	rddreg [dreg:$0x0]  }
0x2: {  	s0 =	rddreg [dreg:$0x1]  }
0x3: {  	s3 =	rddreg [dreg:$0x2]  }
0x4: {  	s2 =	srdreg.scid;
	s12 =	stileid.u32;
	s4 =	simm.s32 $0x0  }
0x5: {  	s15 =	simm.s32 $0x13C00;
	s16 =	simm.s32 $0x14000;
	s17 =	simm.s32 $0x80  }
0x6: {  	s18 =	simm.s32 $0x14400;
	s19 =	simm.s32 $0x13C80;
	s20 =	simm.s32 $0x18400  }
0x7: {  	s21 =	simm.s32 $0x1;
	s28 =	simm.s32 $0x13E00;
	s29 =	simm.s32 $0x14180  }
0x8: {  	s30 =	simm.s32 $0x13E80;
	s31 =	simm.s32 $0x14200;
	s2 =	sand.u32 $0x1, s2  }
0x9: {  	s7 =	smul.u32 $0x2780, s12;
	[smem:$0x7FF] =	sst s4;
	s5 =	sadd.s32 $0x8E600, s0  }
0xa: {  	s6 =	sadd.s32 $0x7B600, s0;
	s13 =	sadd.s32 $0x4E00, s0;
	s10 =	smul.u32 $0x4F000, s12  }
0xb: {  	s11 =	sshll.u32 s12, $0x6;
	s8 =	smul.u32 $0x27800, s2;
	_ =	strace $0x8000004A  }
0xc: {  	s22 =	sshll.u32 s2, $0x4;
	s9 =	ssub.s32 $0x2, s2;
	s25 =	smul.u32 $0x4C000, s2  }
0xd: {  	s11 =	sor.u32 $0x1C03, s11;
	p0 =	sne.s32 s2, $0x0;
	s2 =	simm.s32 $0x14280  }
0xe: {  	[dreg:$0x5] =	wrdreg s13;
	s23 =	sshrl.u32 s9, $0x1;
	s24 =	sshrl.u32 s10, $0x2  }
0xf: {  	[dreg:$0x6] =	wrdreg s11;
	s10 =	simm.s32 $0x14380;
	s11 =	simm.s32 $0x0  }
0x10: {  	s7 =	sadd.s32 s7, s8;
	s8 =	sor.u32 s12, s22;
	s12 =	smul.u32 $0x4C00, s12  }
0x11: {  	s22 =	simm.s32 $0x13D00;
	s0 =	sadd.s32 s7, s0;
	s8 =	smul.u32 $0x4C00, s8  }
0x12: {  	s7 =	ssub.s32 s9, s23;
	s9 =	sadd.s32 s24, s3;
	s23 =	simm.s32 $0x2  }
0x13: {  	s24 =	simm.s32 $0x14080;
	s0 =	sadd.s32 $0x2C600, s0;
	s26 =	sadd.s32 s12, s25  }
0x14: {  	s7 =	smax.u32 s7, $0x1;
	s12 =	sshrl.u32 s9, $0x3;
	[dreg:$0x9] =	wrdreg s0  }
.Ltmp0:
0x15: {  	s25 =	simm.s32 $0x13D80;
	[dreg:$0xa] =	wrdreg s7;
	(pc) =	sbr.rel .LBB2_1-.Ltmp0, $4  }
0x16: {  	s9 =	simm.s32 $0x14300;
	s8 =	sshrl.u32 s8, $0x3;
	[dreg:$0x4] =	wrdreg s26  }
0x17: {  	s26 =	simm.s32 $0x14100;
	[dreg:$0xb] =	wrdreg s12;
	s14 =	sadd.s32 s5, s8  }
0x18: {  	s0 =	simm.s32 $0x13F00;
	s8 =	sadd.s32 s6, s8;
	[dreg:$0x7] =	wrdreg s14  }
0x19: {  	s7 =	simm.s32 $0x13F80;
	[dreg:$0x8] =	wrdreg s8;
	s14 =	simm.s32 $0x3  }
.LBB2_4:
0x1a: {  	[sflag:s14] =	ssyncadd.s32 $0xFFFFFC00  }
.LBB2_5:
0x1b: {  	_ =	swait.ge [sflag:s21], $0x4000  }
0x1c: {  	[sflag:s21] =	ssyncset.done $0x0  }
0x1d: {  	[sflag:s21] =	ssyncadd.s32 $0xFFFFC000  }
0x1e: {  	[spmem:s3] =	stream.indirect.scatter.add.f32 [tilespmem:s18], [sflag:$0x3], $0x80, s16, s17, $0xb8;
	[tilespmem:$0x1C400] =	vst v63  }
0x1f: {  	_ =	swait.ge [sflag:s14], $0x4000  }
0x20: {  	[sflag:s14] =	ssyncset.done $0x0  }
0x21: {  	[sflag:s14] =	ssyncadd.s32 $0xFFFFC000  }
0x22: {  	[tilespmem:s18], [sflag:$0x1] =	stream.indirect.gather [hbm4b:s1+s17], $0x80, s22, s17, $0xb8;
	[tilespmem:$0x1C400] =	vst v63  }
0x23: {  	_ =	swait.ge [sflag:s23], $0x4000  }
0x24: {  	[sflag:s23] =	ssyncset.done $0x0  }
0x25: {  	[sflag:s23] =	ssyncadd.s32 $0xFFFFC000  }
0x26: {  	[spmem:s3] =	stream.indirect.scatter.add.f32 [tilespmem:s20], [sflag:$0x3], $0x80, s24, s17, $0xb8;
	[tilespmem:$0x1C400] =	vst v63  }
0x27: {  	_ =	swait.ge [sflag:s14], $0x4000  }
0x28: {  	[sflag:s14] =	ssyncset.done $0x0  }
0x29: {  	[sflag:s14] =	ssyncadd.s32 $0xFFFFC000  }
0x2a: {  	[tilespmem:s20], [sflag:$0x2] =	stream.indirect.gather [hbm4b:s1+s17], $0x80, s25, s17, $0xb8;
	[tilespmem:$0x1C400] =	vst v63  }
0x2b: {  	_ =	swait.ge [sflag:s21], $0x4000  }
0x2c: {  	[sflag:s21] =	ssyncset.done $0x0  }
0x2d: {  	[sflag:s21] =	ssyncadd.s32 $0xFFFFC000  }
0x2e: {  	[spmem:s3] =	stream.indirect.scatter.add.f32 [tilespmem:s18], [sflag:$0x3], $0x80, s26, s17, $0xb8;
	[tilespmem:$0x1C400] =	vst v63  }
0x2f: {  	_ =	swait.ge [sflag:s14], $0x4000  }
0x30: {  	[sflag:s14] =	ssyncset.done $0x0  }
0x31: {  	[sflag:s14] =	ssyncadd.s32 $0xFFFFC000  }
0x32: {  	[tilespmem:s18], [sflag:$0x1] =	stream.indirect.gather [hbm4b:s1+s17], $0x80, s28, s17, $0xb8;
	[tilespmem:$0x1C400] =	vst v63  }
0x33: {  	_ =	swait.ge [sflag:s23], $0x4000  }
0x34: {  	[sflag:s23] =	ssyncset.done $0x0  }
0x35: {  	[sflag:s23] =	ssyncadd.s32 $0xFFFFC000  }
0x36: {  	[spmem:s3] =	stream.indirect.scatter.add.f32 [tilespmem:s20], [sflag:$0x3], $0x80, s29, s17, $0xb8;
	[tilespmem:$0x1C400] =	vst v63  }
0x37: {  	_ =	swait.ge [sflag:s14], $0x4000  }
0x38: {  	[sflag:s14] =	ssyncset.done $0x0  }
0x39: {  	[sflag:s14] =	ssyncadd.s32 $0xFFFFC000  }
0x3a: {  	[tilespmem:s20], [sflag:$0x2] =	stream.indirect.gather [hbm4b:s1+s17], $0x80, s30, s17, $0xb8;
	[tilespmem:$0x1C400] =	vst v63  }
0x3b: {  	_ =	swait.ge [sflag:s21], $0x4000  }
0x3c: {  	[sflag:s21] =	ssyncset.done $0x0  }
0x3d: {  	[sflag:s21] =	ssyncadd.s32 $0xFFFFC000  }
0x3e: {  	[spmem:s3] =	stream.indirect.scatter.add.f32 [tilespmem:s18], [sflag:$0x3], $0x80, s31, s17, $0xb8;
	[tilespmem:$0x1C400] =	vst v63  }
0x3f: {  	_ =	swait.ge [sflag:s14], $0x4000  }
0x40: {  	[sflag:s14] =	ssyncset.done $0x0  }
0x41: {  	[sflag:s14] =	ssyncadd.s32 $0xFFFFC000  }
0x42: {  	[tilespmem:s18], [sflag:$0x1] =	stream.indirect.gather [hbm4b:s1+s17], $0x80, s0, s17, $0xb8;
	[tilespmem:$0x1C400] =	vst v63  }
0x43: {  	_ =	swait.ge [sflag:s23], $0x4000  }
0x44: {  	[sflag:s23] =	ssyncset.done $0x0  }
0x45: {  	[sflag:s23] =	ssyncadd.s32 $0xFFFFC000  }
0x46: {  	[spmem:s3] =	stream.indirect.scatter.add.f32 [tilespmem:s20], [sflag:$0x3], $0x80, s2, s17, $0xb8;
	[tilespmem:$0x1C400] =	vst v63  }
0x47: {  	_ =	swait.ge [sflag:s14], $0x4000  }
0x48: {  	[sflag:s14] =	ssyncset.done $0x0  }
0x49: {  	[sflag:s14] =	ssyncadd.s32 $0xFFFFC000  }
0x4a: {  	[tilespmem:s20], [sflag:$0x2] =	stream.indirect.gather [hbm4b:s1+s17], $0x80, s7, s17, $0xb8;
	[tilespmem:$0x1C400] =	vst v63  }
0x4b: {  	_ =	swait.ge [sflag:s21], $0x4000  }
0x4c: {  	[sflag:s21] =	ssyncset.done $0x0  }
0x4d: {  	[sflag:s21] =	ssyncadd.s32 $0xFFFFC000  }
0x4e: {  	[spmem:s3] =	stream.indirect.scatter.add.f32 [tilespmem:s18], [sflag:$0x3], $0x80, s9, s17, $0xb8;
	[tilespmem:$0x1C400] =	vst v63  }
0x4f: {  	_ =	swait.ge [sflag:s14], $0x4000  }
0x50: {  	[sflag:s14] =	ssyncset.done $0x0  }
0x51: {  	[sflag:s14] =	ssyncadd.s32 $0xFFFFC000  }
0x52: {  	_ =	swait.ge [sflag:s23], $0x4000  }
0x53: {  	[sflag:s23] =	ssyncset.done $0x0  }
0x54: {  	[sflag:s23] =	ssyncadd.s32 $0xFFFFC000  }
0x55: {  	[spmem:s3] =	stream.indirect.scatter.add.f32 [tilespmem:s20], [sflag:$0x3], $0x80, s10, s17, $0xb8;
	[tilespmem:$0x1C400] =	vst v63  }
0x56: {  	_ =	swait.ge [sflag:s14], $0x4000  }
0x57: {  	[sflag:s14] =	ssyncset.done $0x0  }
0x58: {  	[sflag:s14] =	ssyncadd.s32 $0xFFFFC000  }
0x59: {  	[bflag:$0x0] =	sbarrier.arrive $0xFFFF  }
0x5a: {  	s12 =	rddreg [dreg:$0x9]  }
0x5b: {  	s13 =	rddreg [dreg:$0xb]  }
0x5c: {  	s8 =	rddreg [dreg:$0x6]  }
0x5d: {  	[hbm:s12], [sflag:s8] =	dma.local [spmem:s13], $0x2780  }
0x5e: {  	_ =	swait.ge [sflag:s14], $0x2780  }
0x5f: {  	s11 =	sadd.s32 $0x1, s11;
	s8 =	rddreg [dreg:$0xa]  }
0x60: {  	p1 =	sne.s32 s11, s8  }
.Ltmp1:
0x61: {  	_ = 	snop;
	(pc) =	sbr.rel @!p1 .LBB2_6-.Ltmp1, $3  }
0x62: {  	_ =	sdelay $0x1  }
0x63: {  	[sflag:s14] =	ssyncset.done $0x0  }
0x64: {  	s12 =	smov.u32 s13;
	s13 =	rddreg [dreg:$0x5];
	[sflag:s14] =	ssyncadd.s32 $0xFFFFD880  }
.LBB2_1:
0x65: {  	s8 =	rddreg [dreg:$0x6]  }
0x66: {  	[spmem:s12], [sflag:s8] =	dma.local [hbm:s13], $0x2780  }
0x67: {  	_ =	swait.ge [sflag:s14], $0x2780  }
0x68: {  	[sflag:s14] =	ssyncset.done $0x0  }
0x69: {  	s8 =	rddreg [dreg:$0x7];
	[sflag:s14] =	ssyncadd.s32 $0xFFFFD880  }
0x6a: {  	[tilespmem:s15], [sflag:$0x3] =	stream.linear.gather [hbm4b:s8+s4], $0x400, $0x38;
	[tilespmem:$0x1C400] =	vst v63  }
0x6b: {  	_ =	swait.ge [sflag:s14], $0x400  }
0x6c: {  	[sflag:s14] =	ssyncset.done $0x0  }
0x6d: {  	s13 =	rddreg [dreg:$0x8];
	[sflag:s14] =	ssyncadd.s32 $0xFFFFFC00  }
0x6e: {  	[tilespmem:s16], [sflag:$0x3] =	stream.linear.gather [hbm4b:s13+s4], $0x400, $0x38;
	[tilespmem:$0x1C400] =	vst v63  }
0x6f: {  	_ =	swait.ge [sflag:s14], $0x400  }
0x70: {  	[sflag:s14] =	ssyncset.done $0x0  }
.Ltmp2:
0x71: {  	[sflag:s14] =	ssyncadd.s32 $0xFFFFFC00;
	(pc) =	sbr.rel @p0 .LBB2_5-.Ltmp2, $4  }
0x72: {  	[bflag:$0x0] =	sbarrier.arrive $0xFFFF  }
0x73: {  	[tilespmem:s18], [sflag:$0x1] =	stream.indirect.gather [hbm4b:s1+s17], $0x80, s15, s17, $0xb8;
	[tilespmem:$0x1C400] =	vst v63  }
0x74: {  	_ = 	snop  }
0x75: {  	[tilespmem:s20], [sflag:$0x2] =	stream.indirect.gather [hbm4b:s1+s17], $0x80, s19, s17, $0xb8;
	[tilespmem:$0x1C400] =	vst v63  }
0x76: {  	_ =	swait.ge [sflag:s21], $0x4000  }
0x77: {  	[sflag:s21] =	ssyncset.done $0x0  }
0x78: {  	[sflag:s21] =	ssyncadd.s32 $0xFFFFC000  }
0x79: {  	[spmem:s3] =	stream.indirect.scatter.add.f32 [tilespmem:s18], [sflag:$0x3], $0x80, s16, s17, $0xb8;
	[tilespmem:$0x1C400] =	vst v63  }
0x7a: {  	_ =	swait.ge [sflag:s14], $0x4000  }
0x7b: {  	[sflag:s14] =	ssyncset.done $0x0  }
0x7c: {  	[sflag:s14] =	ssyncadd.s32 $0xFFFFC000  }
0x7d: {  	[tilespmem:s18], [sflag:$0x1] =	stream.indirect.gather [hbm4b:s1+s17], $0x80, s22, s17, $0xb8;
	[tilespmem:$0x1C400] =	vst v63  }
0x7e: {  	_ =	swait.ge [sflag:s23], $0x4000  }
0x7f: {  	[sflag:s23] =	ssyncset.done $0x0  }
0x80: {  	[sflag:s23] =	ssyncadd.s32 $0xFFFFC000  }
0x81: {  	[spmem:s3] =	stream.indirect.scatter.add.f32 [tilespmem:s20], [sflag:$0x3], $0x80, s24, s17, $0xb8;
	[tilespmem:$0x1C400] =	vst v63  }
0x82: {  	_ =	swait.ge [sflag:s14], $0x4000  }
0x83: {  	[sflag:s14] =	ssyncset.done $0x0  }
0x84: {  	[sflag:s14] =	ssyncadd.s32 $0xFFFFC000  }
0x85: {  	[tilespmem:s20], [sflag:$0x2] =	stream.indirect.gather [hbm4b:s1+s17], $0x80, s25, s17, $0xb8;
	[tilespmem:$0x1C400] =	vst v63  }
0x86: {  	_ =	swait.ge [sflag:s21], $0x4000  }
0x87: {  	[sflag:s21] =	ssyncset.done $0x0  }
0x88: {  	[sflag:s21] =	ssyncadd.s32 $0xFFFFC000  }
0x89: {  	[spmem:s3] =	stream.indirect.scatter.add.f32 [tilespmem:s18], [sflag:$0x3], $0x80, s26, s17, $0xb8;
	[tilespmem:$0x1C400] =	vst v63  }
0x8a: {  	_ =	swait.ge [sflag:s14], $0x4000  }
0x8b: {  	[sflag:s14] =	ssyncset.done $0x0  }
0x8c: {  	[sflag:s14] =	ssyncadd.s32 $0xFFFFC000  }
0x8d: {  	[tilespmem:s18], [sflag:$0x1] =	stream.indirect.gather [hbm4b:s1+s17], $0x80, s28, s17, $0xb8;
	[tilespmem:$0x1C400] =	vst v63  }
0x8e: {  	_ =	swait.ge [sflag:s23], $0x4000  }
0x8f: {  	[sflag:s23] =	ssyncset.done $0x0  }
0x90: {  	[sflag:s23] =	ssyncadd.s32 $0xFFFFC000  }
0x91: {  	[spmem:s3] =	stream.indirect.scatter.add.f32 [tilespmem:s20], [sflag:$0x3], $0x80, s29, s17, $0xb8;
	[tilespmem:$0x1C400] =	vst v63  }
0x92: {  	_ =	swait.ge [sflag:s14], $0x4000  }
0x93: {  	[sflag:s14] =	ssyncset.done $0x0  }
0x94: {  	[sflag:s14] =	ssyncadd.s32 $0xFFFFC000  }
0x95: {  	[tilespmem:s20], [sflag:$0x2] =	stream.indirect.gather [hbm4b:s1+s17], $0x80, s30, s17, $0xb8;
	[tilespmem:$0x1C400] =	vst v63  }
0x96: {  	_ =	swait.ge [sflag:s21], $0x4000  }
0x97: {  	[sflag:s21] =	ssyncset.done $0x0  }
0x98: {  	[sflag:s21] =	ssyncadd.s32 $0xFFFFC000  }
0x99: {  	[spmem:s3] =	stream.indirect.scatter.add.f32 [tilespmem:s18], [sflag:$0x3], $0x80, s31, s17, $0xb8;
	[tilespmem:$0x1C400] =	vst v63  }
0x9a: {  	_ =	swait.ge [sflag:s14], $0x4000  }
0x9b: {  	[sflag:s14] =	ssyncset.done $0x0  }
0x9c: {  	[sflag:s14] =	ssyncadd.s32 $0xFFFFC000  }
0x9d: {  	[tilespmem:s18], [sflag:$0x1] =	stream.indirect.gather [hbm4b:s1+s17], $0x80, s0, s17, $0xb8;
	[tilespmem:$0x1C400] =	vst v63  }
0x9e: {  	_ =	swait.ge [sflag:s23], $0x4000  }
0x9f: {  	[sflag:s23] =	ssyncset.done $0x0  }
0xa0: {  	[sflag:s23] =	ssyncadd.s32 $0xFFFFC000  }
0xa1: {  	[spmem:s3] =	stream.indirect.scatter.add.f32 [tilespmem:s20], [sflag:$0x3], $0x80, s2, s17, $0xb8;
	[tilespmem:$0x1C400] =	vst v63  }
0xa2: {  	_ =	swait.ge [sflag:s14], $0x4000  }
0xa3: {  	[sflag:s14] =	ssyncset.done $0x0  }
0xa4: {  	[sflag:s14] =	ssyncadd.s32 $0xFFFFC000  }
0xa5: {  	[tilespmem:s20], [sflag:$0x2] =	stream.indirect.gather [hbm4b:s1+s17], $0x80, s7, s17, $0xb8;
	[tilespmem:$0x1C400] =	vst v63  }
0xa6: {  	_ =	swait.ge [sflag:s21], $0x4000  }
0xa7: {  	[sflag:s21] =	ssyncset.done $0x0  }
0xa8: {  	[sflag:s21] =	ssyncadd.s32 $0xFFFFC000  }
0xa9: {  	[spmem:s3] =	stream.indirect.scatter.add.f32 [tilespmem:s18], [sflag:$0x3], $0x80, s9, s17, $0xb8;
	[tilespmem:$0x1C400] =	vst v63  }
0xaa: {  	_ =	swait.ge [sflag:s14], $0x4000  }
0xab: {  	[sflag:s14] =	ssyncset.done $0x0  }
0xac: {  	[sflag:s14] =	ssyncadd.s32 $0xFFFFC000  }
0xad: {  	_ =	swait.ge [sflag:s23], $0x4000  }
0xae: {  	[sflag:s23] =	ssyncset.done $0x0  }
0xaf: {  	[sflag:s23] =	ssyncadd.s32 $0xFFFFC000  }
0xb0: {  	[spmem:s3] =	stream.indirect.scatter.add.f32 [tilespmem:s20], [sflag:$0x3], $0x80, s10, s17, $0xb8;
	[tilespmem:$0x1C400] =	vst v63  }
0xb1: {  	_ =	swait.ge [sflag:s14], $0x4000  }
0xb2: {  	s8 =	rddreg [dreg:$0x4]  }
0xb3: {  	s8 =	sadd.s32 $0x400, s8  }
0xb4: {  	[sflag:s14] =	ssyncset.done $0x0;
	s8 =	sshrl.u32 s8, $0x3  }
0xb5: {  	[sflag:s14] =	ssyncadd.s32 $0xFFFFC000;
	s12 =	sadd.s32 s5, s8  }
0xb6: {  	[tilespmem:s15], [sflag:$0x3] =	stream.linear.gather [hbm4b:s12+s4], $0x400, $0x38;
	[tilespmem:$0x1C400] =	vst v63  }
0xb7: {  	_ =	swait.ge [sflag:s14], $0x400  }
0xb8: {  	[sflag:s14] =	ssyncset.done $0x0  }
0xb9: {  	[sflag:s14] =	ssyncadd.s32 $0xFFFFFC00  }
0xba: {  	[tilespmem:s18], [sflag:$0x1] =	stream.indirect.gather [hbm4b:s1+s17], $0x80, s15, s17, $0xb8;
	[tilespmem:$0x1C400] =	vst v63  }
0xbb: {  	_ = 	snop  }
0xbc: {  	[tilespmem:s20], [sflag:$0x2] =	stream.indirect.gather [hbm4b:s1+s17], $0x80, s19, s17, $0xb8;
	[tilespmem:$0x1C400] =	vst v63  }
0xbd: {  	s8 =	sadd.s32 s6, s8  }
0xbe: {  	[tilespmem:s16], [sflag:$0x3] =	stream.linear.gather [hbm4b:s8+s4], $0x400, $0x38;
	[tilespmem:$0x1C400] =	vst v63  }
0xbf: {  	_ =	swait.ge [sflag:s14], $0x400  }
0xc0: {  	s12 =	simm.s32 $0x800;
	[sflag:s14] =	ssyncset.done $0x0  }
.LBB2_3:
0xc1: {  	[sflag:s14] =	ssyncadd.s32 $0xFFFFFC00  }
0xc2: {  	_ =	swait.ge [sflag:s21], $0x4000  }
0xc3: {  	[sflag:s21] =	ssyncset.done $0x0  }
0xc4: {  	[sflag:s21] =	ssyncadd.s32 $0xFFFFC000  }
0xc5: {  	[spmem:s3] =	stream.indirect.scatter.add.f32 [tilespmem:s18], [sflag:$0x3], $0x80, s16, s17, $0xb8;
	[tilespmem:$0x1C400] =	vst v63  }
0xc6: {  	_ =	swait.ge [sflag:s14], $0x4000  }
0xc7: {  	[sflag:s14] =	ssyncset.done $0x0  }
0xc8: {  	[sflag:s14] =	ssyncadd.s32 $0xFFFFC000  }
0xc9: {  	[tilespmem:s18], [sflag:$0x1] =	stream.indirect.gather [hbm4b:s1+s17], $0x80, s22, s17, $0xb8;
	[tilespmem:$0x1C400] =	vst v63  }
0xca: {  	_ =	swait.ge [sflag:s23], $0x4000  }
0xcb: {  	[sflag:s23] =	ssyncset.done $0x0  }
0xcc: {  	[sflag:s23] =	ssyncadd.s32 $0xFFFFC000  }
0xcd: {  	[spmem:s3] =	stream.indirect.scatter.add.f32 [tilespmem:s20], [sflag:$0x3], $0x80, s24, s17, $0xb8;
	[tilespmem:$0x1C400] =	vst v63  }
0xce: {  	_ =	swait.ge [sflag:s14], $0x4000  }
0xcf: {  	[sflag:s14] =	ssyncset.done $0x0  }
0xd0: {  	[sflag:s14] =	ssyncadd.s32 $0xFFFFC000  }
0xd1: {  	[tilespmem:s20], [sflag:$0x2] =	stream.indirect.gather [hbm4b:s1+s17], $0x80, s25, s17, $0xb8;
	[tilespmem:$0x1C400] =	vst v63  }
0xd2: {  	_ =	swait.ge [sflag:s21], $0x4000  }
0xd3: {  	[sflag:s21] =	ssyncset.done $0x0  }
0xd4: {  	[sflag:s21] =	ssyncadd.s32 $0xFFFFC000  }
0xd5: {  	[spmem:s3] =	stream.indirect.scatter.add.f32 [tilespmem:s18], [sflag:$0x3], $0x80, s26, s17, $0xb8;
	[tilespmem:$0x1C400] =	vst v63  }
0xd6: {  	_ =	swait.ge [sflag:s14], $0x4000  }
0xd7: {  	[sflag:s14] =	ssyncset.done $0x0  }
0xd8: {  	[sflag:s14] =	ssyncadd.s32 $0xFFFFC000  }
0xd9: {  	[tilespmem:s18], [sflag:$0x1] =	stream.indirect.gather [hbm4b:s1+s17], $0x80, s28, s17, $0xb8;
	[tilespmem:$0x1C400] =	vst v63  }
0xda: {  	_ =	swait.ge [sflag:s23], $0x4000  }
0xdb: {  	[sflag:s23] =	ssyncset.done $0x0  }
0xdc: {  	[sflag:s23] =	ssyncadd.s32 $0xFFFFC000  }
0xdd: {  	[spmem:s3] =	stream.indirect.scatter.add.f32 [tilespmem:s20], [sflag:$0x3], $0x80, s29, s17, $0xb8;
	[tilespmem:$0x1C400] =	vst v63  }
0xde: {  	_ =	swait.ge [sflag:s14], $0x4000  }
0xdf: {  	[sflag:s14] =	ssyncset.done $0x0  }
0xe0: {  	[sflag:s14] =	ssyncadd.s32 $0xFFFFC000  }
0xe1: {  	[tilespmem:s20], [sflag:$0x2] =	stream.indirect.gather [hbm4b:s1+s17], $0x80, s30, s17, $0xb8;
	[tilespmem:$0x1C400] =	vst v63  }
0xe2: {  	_ =	swait.ge [sflag:s21], $0x4000  }
0xe3: {  	[sflag:s21] =	ssyncset.done $0x0  }
0xe4: {  	[sflag:s21] =	ssyncadd.s32 $0xFFFFC000  }
0xe5: {  	[spmem:s3] =	stream.indirect.scatter.add.f32 [tilespmem:s18], [sflag:$0x3], $0x80, s31, s17, $0xb8;
	[tilespmem:$0x1C400] =	vst v63  }
0xe6: {  	_ =	swait.ge [sflag:s14], $0x4000  }
0xe7: {  	[sflag:s14] =	ssyncset.done $0x0  }
0xe8: {  	[sflag:s14] =	ssyncadd.s32 $0xFFFFC000  }
0xe9: {  	[tilespmem:s18], [sflag:$0x1] =	stream.indirect.gather [hbm4b:s1+s17], $0x80, s0, s17, $0xb8;
	[tilespmem:$0x1C400] =	vst v63  }
0xea: {  	_ =	swait.ge [sflag:s23], $0x4000  }
0xeb: {  	[sflag:s23] =	ssyncset.done $0x0  }
0xec: {  	[sflag:s23] =	ssyncadd.s32 $0xFFFFC000  }
0xed: {  	[spmem:s3] =	stream.indirect.scatter.add.f32 [tilespmem:s20], [sflag:$0x3], $0x80, s2, s17, $0xb8;
	[tilespmem:$0x1C400] =	vst v63  }
0xee: {  	_ =	swait.ge [sflag:s14], $0x4000  }
0xef: {  	[sflag:s14] =	ssyncset.done $0x0  }
0xf0: {  	[sflag:s14] =	ssyncadd.s32 $0xFFFFC000  }
0xf1: {  	[tilespmem:s20], [sflag:$0x2] =	stream.indirect.gather [hbm4b:s1+s17], $0x80, s7, s17, $0xb8;
	[tilespmem:$0x1C400] =	vst v63  }
0xf2: {  	_ =	swait.ge [sflag:s21], $0x4000  }
0xf3: {  	[sflag:s21] =	ssyncset.done $0x0  }
0xf4: {  	[sflag:s21] =	ssyncadd.s32 $0xFFFFC000  }
0xf5: {  	[spmem:s3] =	stream.indirect.scatter.add.f32 [tilespmem:s18], [sflag:$0x3], $0x80, s9, s17, $0xb8;
	[tilespmem:$0x1C400] =	vst v63  }
0xf6: {  	_ =	swait.ge [sflag:s14], $0x4000  }
0xf7: {  	[sflag:s14] =	ssyncset.done $0x0  }
0xf8: {  	[sflag:s14] =	ssyncadd.s32 $0xFFFFC000  }
0xf9: {  	_ =	swait.ge [sflag:s23], $0x4000  }
0xfa: {  	[sflag:s23] =	ssyncset.done $0x0  }
0xfb: {  	[sflag:s23] =	ssyncadd.s32 $0xFFFFC000  }
0xfc: {  	[spmem:s3] =	stream.indirect.scatter.add.f32 [tilespmem:s20], [sflag:$0x3], $0x80, s10, s17, $0xb8;
	[tilespmem:$0x1C400] =	vst v63  }
0xfd: {  	_ =	swait.ge [sflag:s14], $0x4000  }
0xfe: {  	s8 =	smov.u32 s12;
	s13 =	rddreg [dreg:$0x4]  }
0xff: {  	s8 =	sadd.s32 s8, s13  }
0x100: {  	[sflag:s14] =	ssyncset.done $0x0;
	s8 =	sshrl.u32 s8, $0x3  }
0x101: {  	[sflag:s14] =	ssyncadd.s32 $0xFFFFC000;
	s13 =	sadd.s32 s5, s8  }
0x102: {  	[tilespmem:s15], [sflag:$0x3] =	stream.linear.gather [hbm4b:s13+s4], $0x400, $0x38;
	[tilespmem:$0x1C400] =	vst v63  }
0x103: {  	_ =	swait.ge [sflag:s14], $0x400  }
0x104: {  	[sflag:s14] =	ssyncset.done $0x0  }
0x105: {  	[sflag:s14] =	ssyncadd.s32 $0xFFFFFC00  }
0x106: {  	[tilespmem:s18], [sflag:$0x1] =	stream.indirect.gather [hbm4b:s1+s17], $0x80, s15, s17, $0xb8;
	[tilespmem:$0x1C400] =	vst v63  }
0x107: {  	p1 =	sne.s32 s12, $0x4800  }
0x108: {  	[tilespmem:s20], [sflag:$0x2] =	stream.indirect.gather [hbm4b:s1+s17], $0x80, s19, s17, $0xb8;
	[tilespmem:$0x1C400] =	vst v63  }
.Ltmp3:
0x109: {  	_ = 	snop;
	(pc) =	sbr.rel @p1 .LBB2_3-.Ltmp3, $4  }
0x10a: {  	s8 =	sadd.s32 s6, s8  }
0x10b: {  	[tilespmem:s16], [sflag:$0x3] =	stream.linear.gather [hbm4b:s8+s4], $0x400, $0x38;
	[tilespmem:$0x1C400] =	vst v63  }
0x10c: {  	_ =	swait.ge [sflag:s14], $0x400  }
0x10d: {  	s12 =	sadd.s32 $0x400, s12;
	[sflag:s14] =	ssyncset.done $0x0  }
.Ltmp4:
0x10e: {  	_ = 	snop;
	(pc) =	sbr.rel .LBB2_4-.Ltmp4, $1  }
0x10f: {  	_ =	sdelay $0x3  }
.LBB2_6:
0x110: {  	_ =	sfence.sel $0x180000  }
0x111: {  	[bflag:$0x0] =	sbarrier.arrive $0xFFFF  }
0x112: {  	_ =	strace $0x9000004A  }
0x113: {  	s0 =	stileid.u32;
	[bflag:$0x2] =	sbarrier.arrive $0xFFFF  }
0x114: {  	p0 =	sne.s32 s0, $0x0;
	s0 =	rddreg [dreg:$0x3]  }
0x115: {  	s0 =	sadd.s32 @!p0 $0x100000, s0  }
0x116: {  	[sflag:s0] =	ssyncadd.tile.s32 @!p0 $0x1;
	_ =	shalt  }
.Lfunc_end2:
_tile_overlayer_lowered:
.L_overlay_start_2:
0x117: {  	(tag) =	ssettag $0x2  }
0x118: {  	s0 =	rddreg [dreg:$0x0];
	s2 =	stileid.u32  }
0x119: {  	s1 =	rddreg [dreg:$0x1];
	p0 =	sne.s32 s2, $0x0  }
0x11a: {  	s3 =	rddreg [dreg:$0x2];
	[bflag:$0x3] =	sbarrier.arrive $0xFFFF;
	s2 =	simm.s32 @!p0 $0x1C03  }
0x11b: {  	[timem:s3], [sflag:s2] =	dma.local @!p0 [hbm:s0], s1  }
0x11c: {  	s0 =	simm.s32 @!p0 $0x3  }
0x11d: {  	_ =	swait.ge @!p0 [sflag:s0], s1  }
0x11e: {  	s1 =	ssub.s32 @!p0 $0x0, s1;
	[sflag:s0] =	ssyncset.done @!p0 $0x0  }
0x11f: {  	[sflag:s0] =	ssyncadd.s32 @!p0 s1  }
0x120: {  	[bflag:$0x3] =	sbarrier.arrive $0xFFFF  }
0x121: {  	_ =	shalt  }

// kernel: kernel.16.cloned.1.call-start
scs
__scs_entry_jumppad:
0x0: {  	(pc) =	sbr.rel $0x88, $3  }
0x1: {  	(tag) =	ssettag $0x0;
	lr =	simm.s32 $0x1  }
0x2: {  	[smem:$0x3F93] =	sst lr;
	_ =	strace $0xD0000000  }
0x3: {  	_ = 	snop  }
0x4: {  	_ = 	snop  }
0x5: {  	_ = 	snop  }
0x6: {  	_ = 	snop  }
0x7: {  	_ = 	snop  }
__scs_overlays_trampoline_lowered:
0x8: {  	[smem:$0x3FA2] =	sst s0  }
0x9: {  	[smem:$0x3FA3] =	sst s1  }
0xa: {  	[smem:$0x3FA4] =	sst s2  }
0xb: {  	[smem:$0x3FA5] =	sst s3  }
0xc: {  	[smem:$0x3FA6] =	sst s4  }
0xd: {  	[smem:$0x3FA7] =	sst s5  }
0xe: {  	[smem:$0x3FA8] =	sst s6  }
0xf: {  	[smem:$0x3FA9] =	sst s7  }
0x10: {  	[smem:$0x3FAA] =	sst s8  }
0x11: {  	[smem:$0x3FAB] =	sst s9;
	s0 =	simm.s32 @!p0 $0x0  }
0x12: {  	s1 =	sld [smem:$0x3F91];
	s0 =	simm.s32 @p0 $0x1  }
0x13: {  	[smem:$0x3FAC] =	sst s0;
	s0 =	simm.s32 @!p1 $0x0  }
0x14: {  	s2 =	sld [smem:$0x3F90];
	s0 =	simm.s32 @p1 $0x1  }
0x15: {  	[smem:$0x3FAD] =	sst s0;
	s0 =	simm.s32 @!p2 $0x0  }
0x16: {  	s3 =	sld [smem:$0x3FDB];
	s0 =	simm.s32 @p2 $0x1  }
0x17: {  	s4 =	simm.s32 $0x1BF5;
	[smem:$0x3FAF] =	sst s0  }
0x18: {  	s0 =	sld [smem:$0x3F92];
	_ =	swait.ge [sflag:s4], $0x0  }
0x19: {  	s7 =	sld [smem:$0x3F93]  }
0x1a: {  	s8 =	sadd.s32 $0xFFFFE003, lr  }
0x1b: {  	s9 =	sadd.s32 $0xFFFFFEF7, lr;
	s5 =	simm.s32 $0xFFFFFFFF;
	p2 =	slt.u32 s8, $0xFFFFF086  }
0x1c: {  	p1 =	slt.u32 s9, $0xF7A;
	s5 =	simm.s32 @!p2 $0x0  }
0x1d: {  	s5 =	simm.s32 @p1 $0x1;
	p0 =	seq.s32 s7, s2  }
0x1e: {  	s7 =	smul.u32 @!p0 $0xF7A, s2;
	p2 =	seq.s32 @!p0 s5, $0x0  }
0x1f: {  	s9 =	smul.u32 $0xF7A, s1;
	s8 =	simm.s32 @!p0 $0x1BF5;
	p2 =	por !p2, p0  }
0x20: {  	[sflag:s8] =	ssyncset.s32 @!p0 $0xFFFFF086;
	s6 =	sadd.s32 @!p0 s3, s7;
	s7 =	simm.s32 @!p0 $0x108  }
0x21: {  	s3 =	sadd.s32 s3, s9;
	s6 =	sadd.s32 @!p0 $0x88, s6;
	s7 =	simm.s32 @p2 $0x1082  }
0x22: {  	[simem:s7], [sflag:s8] =	dma.local @!p0 [hbm:s6], $0xF7A  }
0x23: {  	s9 =	sor.u32 $0xD0000000, s2;
	s6 =	simm.s32 $0x108;
	_ =	swait.ge @!p0 [sflag:s8], $0x0  }
0x24: {  	s3 =	sadd.s32 $0x88, s3;
	s6 =	simm.s32 @!p1 $0x1082;
	[sflag:s4] =	ssyncset.s32 $0xFFFFF086  }
0x25: {  	[simem:s6], [sflag:s4] =	dma.local [hbm:s3], $0xF7A  }
0x26: {  	[smem:$0x3F93] =	sst s1;
	(tag) =	ssettag s2;
	_ =	strace s9  }
0x27: {  	s1 =	sld [smem:$0x3FA3]  }
0x28: {  	s2 =	sld [smem:$0x3FA4]  }
0x29: {  	s4 =	sld [smem:$0x3FA6]  }
0x2a: {  	p0 =	seq.s32 s5, $0x0;
	s5 =	sld [smem:$0x3FA7]  }
0x2b: {  	s6 =	sld [smem:$0x3FA8]  }
0x2c: {  	s7 =	sld [smem:$0x3FA9]  }
0x2d: {  	s3 =	simm.s32 $0x108;
	s8 =	sld [smem:$0x3FAA]  }
0x2e: {  	s3 =	simm.s32 @!p0 $0x1082;
	s9 =	sld [smem:$0x3FAB]  }
0x2f: {  	lr =	sadd.s32 s0, s3;
	s0 =	sld [smem:$0x3FA2]  }
0x30: {  	s3 =	sld [smem:$0x3FA5]  }
0x31: {  	[smem:$0x3FAE] =	sst s10  }
0x32: {  	s10 =	sld [smem:$0x3FAC];
	_ =	sdelay $0x3  }
0x33: {  	p0 =	seq.s32 s10, $0x1;
	s10 =	sld [smem:$0x3FAE];
	_ =	sdelay $0x3  }
0x34: {  	[smem:$0x3FAE] =	sst s10  }
0x35: {  	s10 =	sld [smem:$0x3FAD];
	_ =	sdelay $0x3  }
0x36: {  	p1 =	seq.s32 s10, $0x1;
	s10 =	sld [smem:$0x3FAE];
	_ =	sdelay $0x3  }
0x37: {  	[smem:$0x3FAE] =	sst s10  }
0x38: {  	s10 =	sld [smem:$0x3FAF]  }
0x39: {  	_ = 	snop;
	(pc) =	sbr.ind lr, $3  }
0x3a: {  	_ = 	snop  }
0x3b: {  	_ = 	snop  }
0x3c: {  	p2 =	seq.s32 s10, $0x1;
	s10 =	sld [smem:$0x3FAE]  }
0x3d: {  	_ =	shalt  }
0x3e: {  	_ =	shalt  }
0x3f: {  	_ =	shalt  }
0x40: {  	_ =	shalt  }
0x41: {  	_ =	shalt  }
0x42: {  	_ =	shalt  }
0x43: {  	_ =	shalt  }
0x44: {  	_ =	shalt  }
0x45: {  	_ =	shalt  }
0x46: {  	_ =	shalt  }
0x47: {  	_ =	shalt  }
0x48: {  	_ =	shalt  }
0x49: {  	_ =	shalt  }
0x4a: {  	_ =	shalt  }
0x4b: {  	_ =	shalt  }
0x4c: {  	_ =	shalt  }
0x4d: {  	_ =	shalt  }
0x4e: {  	_ =	shalt  }
0x4f: {  	_ =	shalt  }
0x50: {  	_ =	shalt  }
0x51: {  	_ =	shalt  }
0x52: {  	_ =	shalt  }
0x53: {  	_ =	shalt  }
0x54: {  	_ =	shalt  }
0x55: {  	_ =	shalt  }
0x56: {  	_ =	shalt  }
0x57: {  	_ =	shalt  }
0x58: {  	_ =	shalt  }
0x59: {  	_ =	shalt  }
0x5a: {  	_ =	shalt  }
0x5b: {  	_ =	shalt  }
0x5c: {  	_ =	shalt  }
0x5d: {  	_ =	shalt  }
0x5e: {  	_ =	shalt  }
0x5f: {  	_ =	shalt  }
0x60: {  	_ =	shalt  }
0x61: {  	_ =	shalt  }
0x62: {  	_ =	shalt  }
0x63: {  	_ =	shalt  }
0x64: {  	_ =	shalt  }
0x65: {  	_ =	shalt  }
0x66: {  	_ =	shalt  }
0x67: {  	_ =	shalt  }
0x68: {  	_ =	shalt  }
0x69: {  	_ =	shalt  }
0x6a: {  	_ =	shalt  }
0x6b: {  	_ =	shalt  }
0x6c: {  	_ =	shalt  }
0x6d: {  	_ =	shalt  }
0x6e: {  	_ =	shalt  }
0x6f: {  	_ =	shalt  }
0x70: {  	_ =	shalt  }
0x71: {  	_ =	shalt  }
0x72: {  	_ =	shalt  }
0x73: {  	_ =	shalt  }
0x74: {  	_ =	shalt  }
0x75: {  	_ =	shalt  }
0x76: {  	_ =	shalt  }
0x77: {  	_ =	shalt  }
0x78: {  	_ =	shalt  }
0x79: {  	_ =	shalt  }
0x7a: {  	_ =	shalt  }
0x7b: {  	_ =	shalt  }
0x7c: {  	_ =	shalt  }
0x7d: {  	_ =	shalt  }
0x7e: {  	_ =	shalt  }
0x7f: {  	_ =	shalt  }
0x80: {  	_ =	shalt  }
0x81: {  	_ =	shalt  }
0x82: {  	_ =	shalt  }
0x83: {  	_ =	shalt  }
0x84: {  	_ =	shalt  }
0x85: {  	_ =	shalt  }
0x86: {  	_ =	shalt  }
0x87: {  	_ =	shalt  }
.Lfunc_end0:
.L_simem_size_0:
called_computation.2_lowered:
.L_overlay_start_0:
0x88: {  	s2 =	sld [smem:$0x3FD9]  }
0x89: {  	s3 =	sld [smem:$0x3FFE];
	_ =	sdelay $0x1  }
0x8a: {  	s1 =	srdreg.scid  }
0x8b: {  	s0 =	sand.u32 $0x1, s1  }
0x8c: {  	s17 =	sshll.u32 s0, $0xA;
	s2 =	sadd.s32 s3, s2  }
0x8d: {  	s2 =	sadd.s32 s2, s17  }
0x8e: {  	[smem:$0x3FBA] =	sst s2  }
0x8f: {  	_ = 	snop  }
0x90: {  	s2 =	sld [smem:$0x3FD0];
	(tm) =	ssettm $0x1  }
0x91: {  	s18 =	sld [smem:$0x3FFB];
	_ =	sdelay $0x3  }
0x92: {  	_ =	strace s18  }
0x93: {  	s3 =	sld [smem:$0x3FFC];
	_ =	sdelay $0x3  }
0x94: {  	_ =	strace s3  }
0x95: {  	s3 =	sld [smem:$0x3FFD];
	_ =	sdelay $0x3  }
0x96: {  	_ =	strace s3  }
0x97: {  	_ =	strace $0x8FFFFFFF  }
0x98: {  	s19 =	sld [smem:$0x3FDB];
	_ =	sdelay $0x1  }
0x99: {  	s4 =	simm.s32 $_scs_section_size  }
0x9a: {  	s5 =	simm.s32 $_size__tile_overlayer_lowered;
	s6 =	simm.s32 $_tile_overlayer_lowered  }
0x9b: {  	s22 =	simm.s32 $0x1BFF;
	s21 =	sshll.u32 s6, $0x1;
	s3 =	sadd.s32 s4, s19  }
0x9c: {  	s7 =	simm.s32 $0x0;
	s20 =	sshll.u32 s5, $0x1;
	s5 =	sadd.s32 s21, s3  }
0x9d: {  	[timem:s7], [sflag:s22] =	dma.local [hbm:s5], s20  }
0x9e: {  	_ =	swait.ge [sflag:s22], s20  }
0x9f: {  	s4 =	ssub.s32 $0x0, s20;
	[sflag:s22] =	ssyncset.done $0x0  }
0xa0: {  	[sflag:s22] =	ssyncadd.s32 s4;
	_ =	sdelay $0x1  }
0xa1: {  	s23 =	simm.s32 $0x1B8B  }
0xa2: {  	_ =	swait.ge [sflag:s23], $0x1  }
0xa3: {  	[sflag:s23] =	ssyncset.done $0x0  }
0xa4: {  	s25 =	simm.s32 $0x1B8E;
	s24 =	sld [smem:$0x3FFE];
	[sflag:s23] =	ssyncadd.s32 $0xFFFFFFFF  }
0xa5: {  	s26 =	simm.s32 $execute0_lowered;
	[smem:$0x3FD2] =	sst s25  }
0xa6: {  	s5 =	sshll.u32 s26, $0x1;
	_ =	strace $0x8000004C;
	[dreg:$0x1] =	wrdreg $0xFFFFFFFF  }
0xa7: {  	s28 =	simm.s32 $_size_execute0_lowered;
	s3 =	sadd.s32 s3, s5;
	[dreg:$0x0] =	wrdreg $0x0  }
0xa8: {  	s5 =	sshll.u32 s28, $0x1;
	[dreg:$0x2] =	wrdreg s3  }
0xa9: {  	[dreg:$0x3] =	wrdreg s5  }
0xaa: {  	[dreg:$0x4] =	wrdreg $0xC0  }
0xab: {  	_ =	task [dreg:s7], $0x5FFFF  }
0xac: {  	[dreg:$0x1] =	wrdreg $0xFFFFFFFF  }
0xad: {  	[dreg:$0x0] =	wrdreg $0x60  }
0xae: {  	[dreg:$0x2] =	wrdreg s2  }
0xaf: {  	[dreg:$0x3] =	wrdreg s24  }
0xb0: {  	[dreg:$0x4] =	wrdreg $0x0  }
0xb1: {  	[dreg:$0x5] =	wrdreg $0x9  }
0xb2: {  	_ =	task.clear_ibuf [dreg:s7], $0x6FFFF;
	_ =	strace $0x9000004C  }
0xb3: {  	s29 =	simm.s32 $0x9;
	_ =	strace $0x8000004E  }
0xb4: {  	_ =	swait.ge [sflag:s29], $0x1  }
0xb5: {  	[sflag:s29] =	ssyncadd.s32 $0xFFFFFFFF  }
0xb6: {  	_ =	strace $0x9000004E  }
0xb7: {  	_ =	sfence  }
0xb8: {  	s30 =	sld [smem:$0x0];
	_ =	sdelay $0x2  }
0xb9: {  	s31 =	sshll.u32 s1, $0xD;
	s1 =	sshrl.u32 s1, $0x2  }
0xba: {  	s3 =	sand.u32 $0x4000, s31;
	s1 =	sadd.s32 s1, s30  }
0xbb: {  	s0 =	sor.u32 s3, s0;
	s1 =	sshll.u32 s1, $0x11  }
0xbc: {  	s0 =	sor.u32 s1, s0  }
0xbd: {  	s0 =	sadd.s32 $0x8F2B, s0  }
0xbe: {  	[sflag:s0] =	ssyncadd.remote.s32 $0x1  }
0xbf: {  	_ =	sfence.sel $0xFFFF  }
0xc0: {  	[dreg:$0x0] =	wrdreg $0xFFFFFFFF;
	(pc) =	sbr.abs _section_cstart, $3  }
0xc1: {  	[dreg:$0x1] =	wrdreg $0xFFFFFFFF  }
0xc2: {  	_ =	task.clear_ibuf [dreg:s7], $0x2FFFF;
	_ =	strace $0x9FFFFFFF  }
0xc3: {  	(tm) =	ssettm $0x7FFFFFFF  }
tec
execute0_lowered:
.L_overlay_start_1:
0x0: {  	(tag) =	ssettag $0x1  }
0x1: {  	s1 =	rddreg [dreg:$0x0]  }
0x2: {  	s0 =	rddreg [dreg:$0x1]  }
0x3: {  	s3 =	rddreg [dreg:$0x2]  }
0x4: {  	s2 =	srdreg.scid;
	s12 =	stileid.u32;
	s4 =	simm.s32 $0x0  }
0x5: {  	s15 =	simm.s32 $0x13C00;
	s16 =	simm.s32 $0x14000;
	s17 =	simm.s32 $0x80  }
0x6: {  	s18 =	simm.s32 $0x14400;
	s19 =	simm.s32 $0x13C80;
	s20 =	simm.s32 $0x18400  }
0x7: {  	s21 =	simm.s32 $0x1;
	s28 =	simm.s32 $0x13E00;
	s29 =	simm.s32 $0x14180  }
0x8: {  	s30 =	simm.s32 $0x13E80;
	s31 =	simm.s32 $0x14200;
	s2 =	sand.u32 $0x1, s2  }
0x9: {  	s7 =	smul.u32 $0x2780, s12;
	[smem:$0x7FF] =	sst s4;
	s5 =	sadd.s32 $0x8E600, s0  }
0xa: {  	s6 =	sadd.s32 $0x7B600, s0;
	s13 =	sadd.s32 $0x4E00, s0;
	s10 =	smul.u32 $0x4F000, s12  }
0xb: {  	s11 =	sshll.u32 s12, $0x6;
	s8 =	smul.u32 $0x27800, s2;
	_ =	strace $0x8000004D  }
0xc: {  	s22 =	sshll.u32 s2, $0x4;
	s9 =	ssub.s32 $0x2, s2;
	s25 =	smul.u32 $0x4C000, s2  }
0xd: {  	s11 =	sor.u32 $0x1C03, s11;
	p0 =	sne.s32 s2, $0x0;
	s2 =	simm.s32 $0x14280  }
0xe: {  	[dreg:$0x5] =	wrdreg s13;
	s23 =	sshrl.u32 s9, $0x1;
	s24 =	sshrl.u32 s10, $0x2  }
0xf: {  	[dreg:$0x6] =	wrdreg s11;
	s10 =	simm.s32 $0x14380;
	s11 =	simm.s32 $0x0  }
0x10: {  	s7 =	sadd.s32 s7, s8;
	s8 =	sor.u32 s12, s22;
	s12 =	smul.u32 $0x4C00, s12  }
0x11: {  	s22 =	simm.s32 $0x13D00;
	s0 =	sadd.s32 s7, s0;
	s8 =	smul.u32 $0x4C00, s8  }
0x12: {  	s7 =	ssub.s32 s9, s23;
	s9 =	sadd.s32 s24, s3;
	s23 =	simm.s32 $0x2  }
0x13: {  	s24 =	simm.s32 $0x14080;
	s0 =	sadd.s32 $0x2C600, s0;
	s26 =	sadd.s32 s12, s25  }
0x14: {  	s7 =	smax.u32 s7, $0x1;
	s12 =	sshrl.u32 s9, $0x3;
	[dreg:$0x9] =	wrdreg s0  }
.Ltmp0:
0x15: {  	s25 =	simm.s32 $0x13D80;
	[dreg:$0xa] =	wrdreg s7;
	(pc) =	sbr.rel .LBB2_1-.Ltmp0, $4  }
0x16: {  	s9 =	simm.s32 $0x14300;
	s8 =	sshrl.u32 s8, $0x3;
	[dreg:$0x4] =	wrdreg s26  }
0x17: {  	s26 =	simm.s32 $0x14100;
	[dreg:$0xb] =	wrdreg s12;
	s14 =	sadd.s32 s5, s8  }
0x18: {  	s0 =	simm.s32 $0x13F00;
	s8 =	sadd.s32 s6, s8;
	[dreg:$0x7] =	wrdreg s14  }
0x19: {  	s7 =	simm.s32 $0x13F80;
	[dreg:$0x8] =	wrdreg s8;
	s14 =	simm.s32 $0x3  }
.LBB2_4:
0x1a: {  	[sflag:s14] =	ssyncadd.s32 $0xFFFFFC00  }
.LBB2_5:
0x1b: {  	_ =	swait.ge [sflag:s21], $0x4000  }
0x1c: {  	[sflag:s21] =	ssyncset.done $0x0  }
0x1d: {  	[sflag:s21] =	ssyncadd.s32 $0xFFFFC000  }
0x1e: {  	[spmem:s3] =	stream.indirect.scatter.add.f32 [tilespmem:s18], [sflag:$0x3], $0x80, s16, s17, $0xb8;
	[tilespmem:$0x1C400] =	vst v63  }
0x1f: {  	_ =	swait.ge [sflag:s14], $0x4000  }
0x20: {  	[sflag:s14] =	ssyncset.done $0x0  }
0x21: {  	[sflag:s14] =	ssyncadd.s32 $0xFFFFC000  }
0x22: {  	[tilespmem:s18], [sflag:$0x1] =	stream.indirect.gather [hbm4b:s1+s17], $0x80, s22, s17, $0xb8;
	[tilespmem:$0x1C400] =	vst v63  }
0x23: {  	_ =	swait.ge [sflag:s23], $0x4000  }
0x24: {  	[sflag:s23] =	ssyncset.done $0x0  }
0x25: {  	[sflag:s23] =	ssyncadd.s32 $0xFFFFC000  }
0x26: {  	[spmem:s3] =	stream.indirect.scatter.add.f32 [tilespmem:s20], [sflag:$0x3], $0x80, s24, s17, $0xb8;
	[tilespmem:$0x1C400] =	vst v63  }
0x27: {  	_ =	swait.ge [sflag:s14], $0x4000  }
0x28: {  	[sflag:s14] =	ssyncset.done $0x0  }
0x29: {  	[sflag:s14] =	ssyncadd.s32 $0xFFFFC000  }
0x2a: {  	[tilespmem:s20], [sflag:$0x2] =	stream.indirect.gather [hbm4b:s1+s17], $0x80, s25, s17, $0xb8;
	[tilespmem:$0x1C400] =	vst v63  }
0x2b: {  	_ =	swait.ge [sflag:s21], $0x4000  }
0x2c: {  	[sflag:s21] =	ssyncset.done $0x0  }
0x2d: {  	[sflag:s21] =	ssyncadd.s32 $0xFFFFC000  }
0x2e: {  	[spmem:s3] =	stream.indirect.scatter.add.f32 [tilespmem:s18], [sflag:$0x3], $0x80, s26, s17, $0xb8;
	[tilespmem:$0x1C400] =	vst v63  }
0x2f: {  	_ =	swait.ge [sflag:s14], $0x4000  }
0x30: {  	[sflag:s14] =	ssyncset.done $0x0  }
0x31: {  	[sflag:s14] =	ssyncadd.s32 $0xFFFFC000  }
0x32: {  	[tilespmem:s18], [sflag:$0x1] =	stream.indirect.gather [hbm4b:s1+s17], $0x80, s28, s17, $0xb8;
	[tilespmem:$0x1C400] =	vst v63  }
0x33: {  	_ =	swait.ge [sflag:s23], $0x4000  }
0x34: {  	[sflag:s23] =	ssyncset.done $0x0  }
0x35: {  	[sflag:s23] =	ssyncadd.s32 $0xFFFFC000  }
0x36: {  	[spmem:s3] =	stream.indirect.scatter.add.f32 [tilespmem:s20], [sflag:$0x3], $0x80, s29, s17, $0xb8;
	[tilespmem:$0x1C400] =	vst v63  }
0x37: {  	_ =	swait.ge [sflag:s14], $0x4000  }
0x38: {  	[sflag:s14] =	ssyncset.done $0x0  }
0x39: {  	[sflag:s14] =	ssyncadd.s32 $0xFFFFC000  }
0x3a: {  	[tilespmem:s20], [sflag:$0x2] =	stream.indirect.gather [hbm4b:s1+s17], $0x80, s30, s17, $0xb8;
	[tilespmem:$0x1C400] =	vst v63  }
0x3b: {  	_ =	swait.ge [sflag:s21], $0x4000  }
0x3c: {  	[sflag:s21] =	ssyncset.done $0x0  }
0x3d: {  	[sflag:s21] =	ssyncadd.s32 $0xFFFFC000  }
0x3e: {  	[spmem:s3] =	stream.indirect.scatter.add.f32 [tilespmem:s18], [sflag:$0x3], $0x80, s31, s17, $0xb8;
	[tilespmem:$0x1C400] =	vst v63  }
0x3f: {  	_ =	swait.ge [sflag:s14], $0x4000  }
0x40: {  	[sflag:s14] =	ssyncset.done $0x0  }
0x41: {  	[sflag:s14] =	ssyncadd.s32 $0xFFFFC000  }
0x42: {  	[tilespmem:s18], [sflag:$0x1] =	stream.indirect.gather [hbm4b:s1+s17], $0x80, s0, s17, $0xb8;
	[tilespmem:$0x1C400] =	vst v63  }
0x43: {  	_ =	swait.ge [sflag:s23], $0x4000  }
0x44: {  	[sflag:s23] =	ssyncset.done $0x0  }
0x45: {  	[sflag:s23] =	ssyncadd.s32 $0xFFFFC000  }
0x46: {  	[spmem:s3] =	stream.indirect.scatter.add.f32 [tilespmem:s20], [sflag:$0x3], $0x80, s2, s17, $0xb8;
	[tilespmem:$0x1C400] =	vst v63  }
0x47: {  	_ =	swait.ge [sflag:s14], $0x4000  }
0x48: {  	[sflag:s14] =	ssyncset.done $0x0  }
0x49: {  	[sflag:s14] =	ssyncadd.s32 $0xFFFFC000  }
0x4a: {  	[tilespmem:s20], [sflag:$0x2] =	stream.indirect.gather [hbm4b:s1+s17], $0x80, s7, s17, $0xb8;
	[tilespmem:$0x1C400] =	vst v63  }
0x4b: {  	_ =	swait.ge [sflag:s21], $0x4000  }
0x4c: {  	[sflag:s21] =	ssyncset.done $0x0  }
0x4d: {  	[sflag:s21] =	ssyncadd.s32 $0xFFFFC000  }
0x4e: {  	[spmem:s3] =	stream.indirect.scatter.add.f32 [tilespmem:s18], [sflag:$0x3], $0x80, s9, s17, $0xb8;
	[tilespmem:$0x1C400] =	vst v63  }
0x4f: {  	_ =	swait.ge [sflag:s14], $0x4000  }
0x50: {  	[sflag:s14] =	ssyncset.done $0x0  }
0x51: {  	[sflag:s14] =	ssyncadd.s32 $0xFFFFC000  }
0x52: {  	_ =	swait.ge [sflag:s23], $0x4000  }
0x53: {  	[sflag:s23] =	ssyncset.done $0x0  }
0x54: {  	[sflag:s23] =	ssyncadd.s32 $0xFFFFC000  }
0x55: {  	[spmem:s3] =	stream.indirect.scatter.add.f32 [tilespmem:s20], [sflag:$0x3], $0x80, s10, s17, $0xb8;
	[tilespmem:$0x1C400] =	vst v63  }
0x56: {  	_ =	swait.ge [sflag:s14], $0x4000  }
0x57: {  	[sflag:s14] =	ssyncset.done $0x0  }
0x58: {  	[sflag:s14] =	ssyncadd.s32 $0xFFFFC000  }
0x59: {  	[bflag:$0x0] =	sbarrier.arrive $0xFFFF  }
0x5a: {  	s12 =	rddreg [dreg:$0x9]  }
0x5b: {  	s13 =	rddreg [dreg:$0xb]  }
0x5c: {  	s8 =	rddreg [dreg:$0x6]  }
0x5d: {  	[hbm:s12], [sflag:s8] =	dma.local [spmem:s13], $0x2780  }
0x5e: {  	_ =	swait.ge [sflag:s14], $0x2780  }
0x5f: {  	s11 =	sadd.s32 $0x1, s11;
	s8 =	rddreg [dreg:$0xa]  }
0x60: {  	p1 =	sne.s32 s11, s8  }
.Ltmp1:
0x61: {  	_ = 	snop;
	(pc) =	sbr.rel @!p1 .LBB2_6-.Ltmp1, $3  }
0x62: {  	_ =	sdelay $0x1  }
0x63: {  	[sflag:s14] =	ssyncset.done $0x0  }
0x64: {  	s12 =	smov.u32 s13;
	s13 =	rddreg [dreg:$0x5];
	[sflag:s14] =	ssyncadd.s32 $0xFFFFD880  }
.LBB2_1:
0x65: {  	s8 =	rddreg [dreg:$0x6]  }
0x66: {  	[spmem:s12], [sflag:s8] =	dma.local [hbm:s13], $0x2780  }
0x67: {  	_ =	swait.ge [sflag:s14], $0x2780  }
0x68: {  	[sflag:s14] =	ssyncset.done $0x0  }
0x69: {  	s8 =	rddreg [dreg:$0x7];
	[sflag:s14] =	ssyncadd.s32 $0xFFFFD880  }
0x6a: {  	[tilespmem:s15], [sflag:$0x3] =	stream.linear.gather [hbm4b:s8+s4], $0x400, $0x38;
	[tilespmem:$0x1C400] =	vst v63  }
0x6b: {  	_ =	swait.ge [sflag:s14], $0x400  }
0x6c: {  	[sflag:s14] =	ssyncset.done $0x0  }
0x6d: {  	s13 =	rddreg [dreg:$0x8];
	[sflag:s14] =	ssyncadd.s32 $0xFFFFFC00  }
0x6e: {  	[tilespmem:s16], [sflag:$0x3] =	stream.linear.gather [hbm4b:s13+s4], $0x400, $0x38;
	[tilespmem:$0x1C400] =	vst v63  }
0x6f: {  	_ =	swait.ge [sflag:s14], $0x400  }
0x70: {  	[sflag:s14] =	ssyncset.done $0x0  }
.Ltmp2:
0x71: {  	[sflag:s14] =	ssyncadd.s32 $0xFFFFFC00;
	(pc) =	sbr.rel @p0 .LBB2_5-.Ltmp2, $4  }
0x72: {  	[bflag:$0x0] =	sbarrier.arrive $0xFFFF  }
0x73: {  	[tilespmem:s18], [sflag:$0x1] =	stream.indirect.gather [hbm4b:s1+s17], $0x80, s15, s17, $0xb8;
	[tilespmem:$0x1C400] =	vst v63  }
0x74: {  	_ = 	snop  }
0x75: {  	[tilespmem:s20], [sflag:$0x2] =	stream.indirect.gather [hbm4b:s1+s17], $0x80, s19, s17, $0xb8;
	[tilespmem:$0x1C400] =	vst v63  }
0x76: {  	_ =	swait.ge [sflag:s21], $0x4000  }
0x77: {  	[sflag:s21] =	ssyncset.done $0x0  }
0x78: {  	[sflag:s21] =	ssyncadd.s32 $0xFFFFC000  }
0x79: {  	[spmem:s3] =	stream.indirect.scatter.add.f32 [tilespmem:s18], [sflag:$0x3], $0x80, s16, s17, $0xb8;
	[tilespmem:$0x1C400] =	vst v63  }
0x7a: {  	_ =	swait.ge [sflag:s14], $0x4000  }
0x7b: {  	[sflag:s14] =	ssyncset.done $0x0  }
0x7c: {  	[sflag:s14] =	ssyncadd.s32 $0xFFFFC000  }
0x7d: {  	[tilespmem:s18], [sflag:$0x1] =	stream.indirect.gather [hbm4b:s1+s17], $0x80, s22, s17, $0xb8;
	[tilespmem:$0x1C400] =	vst v63  }
0x7e: {  	_ =	swait.ge [sflag:s23], $0x4000  }
0x7f: {  	[sflag:s23] =	ssyncset.done $0x0  }
0x80: {  	[sflag:s23] =	ssyncadd.s32 $0xFFFFC000  }
0x81: {  	[spmem:s3] =	stream.indirect.scatter.add.f32 [tilespmem:s20], [sflag:$0x3], $0x80, s24, s17, $0xb8;
	[tilespmem:$0x1C400] =	vst v63  }
0x82: {  	_ =	swait.ge [sflag:s14], $0x4000  }
0x83: {  	[sflag:s14] =	ssyncset.done $0x0  }
0x84: {  	[sflag:s14] =	ssyncadd.s32 $0xFFFFC000  }
0x85: {  	[tilespmem:s20], [sflag:$0x2] =	stream.indirect.gather [hbm4b:s1+s17], $0x80, s25, s17, $0xb8;
	[tilespmem:$0x1C400] =	vst v63  }
0x86: {  	_ =	swait.ge [sflag:s21], $0x4000  }
0x87: {  	[sflag:s21] =	ssyncset.done $0x0  }
0x88: {  	[sflag:s21] =	ssyncadd.s32 $0xFFFFC000  }
0x89: {  	[spmem:s3] =	stream.indirect.scatter.add.f32 [tilespmem:s18], [sflag:$0x3], $0x80, s26, s17, $0xb8;
	[tilespmem:$0x1C400] =	vst v63  }
0x8a: {  	_ =	swait.ge [sflag:s14], $0x4000  }
0x8b: {  	[sflag:s14] =	ssyncset.done $0x0  }
0x8c: {  	[sflag:s14] =	ssyncadd.s32 $0xFFFFC000  }
0x8d: {  	[tilespmem:s18], [sflag:$0x1] =	stream.indirect.gather [hbm4b:s1+s17], $0x80, s28, s17, $0xb8;
	[tilespmem:$0x1C400] =	vst v63  }
0x8e: {  	_ =	swait.ge [sflag:s23], $0x4000  }
0x8f: {  	[sflag:s23] =	ssyncset.done $0x0  }
0x90: {  	[sflag:s23] =	ssyncadd.s32 $0xFFFFC000  }
0x91: {  	[spmem:s3] =	stream.indirect.scatter.add.f32 [tilespmem:s20], [sflag:$0x3], $0x80, s29, s17, $0xb8;
	[tilespmem:$0x1C400] =	vst v63  }
0x92: {  	_ =	swait.ge [sflag:s14], $0x4000  }
0x93: {  	[sflag:s14] =	ssyncset.done $0x0  }
0x94: {  	[sflag:s14] =	ssyncadd.s32 $0xFFFFC000  }
0x95: {  	[tilespmem:s20], [sflag:$0x2] =	stream.indirect.gather [hbm4b:s1+s17], $0x80, s30, s17, $0xb8;
	[tilespmem:$0x1C400] =	vst v63  }
0x96: {  	_ =	swait.ge [sflag:s21], $0x4000  }
0x97: {  	[sflag:s21] =	ssyncset.done $0x0  }
0x98: {  	[sflag:s21] =	ssyncadd.s32 $0xFFFFC000  }
0x99: {  	[spmem:s3] =	stream.indirect.scatter.add.f32 [tilespmem:s18], [sflag:$0x3], $0x80, s31, s17, $0xb8;
	[tilespmem:$0x1C400] =	vst v63  }
0x9a: {  	_ =	swait.ge [sflag:s14], $0x4000  }
0x9b: {  	[sflag:s14] =	ssyncset.done $0x0  }
0x9c: {  	[sflag:s14] =	ssyncadd.s32 $0xFFFFC000  }
0x9d: {  	[tilespmem:s18], [sflag:$0x1] =	stream.indirect.gather [hbm4b:s1+s17], $0x80, s0, s17, $0xb8;
	[tilespmem:$0x1C400] =	vst v63  }
0x9e: {  	_ =	swait.ge [sflag:s23], $0x4000  }
0x9f: {  	[sflag:s23] =	ssyncset.done $0x0  }
0xa0: {  	[sflag:s23] =	ssyncadd.s32 $0xFFFFC000  }
0xa1: {  	[spmem:s3] =	stream.indirect.scatter.add.f32 [tilespmem:s20], [sflag:$0x3], $0x80, s2, s17, $0xb8;
	[tilespmem:$0x1C400] =	vst v63  }
0xa2: {  	_ =	swait.ge [sflag:s14], $0x4000  }
0xa3: {  	[sflag:s14] =	ssyncset.done $0x0  }
0xa4: {  	[sflag:s14] =	ssyncadd.s32 $0xFFFFC000  }
0xa5: {  	[tilespmem:s20], [sflag:$0x2] =	stream.indirect.gather [hbm4b:s1+s17], $0x80, s7, s17, $0xb8;
	[tilespmem:$0x1C400] =	vst v63  }
0xa6: {  	_ =	swait.ge [sflag:s21], $0x4000  }
0xa7: {  	[sflag:s21] =	ssyncset.done $0x0  }
0xa8: {  	[sflag:s21] =	ssyncadd.s32 $0xFFFFC000  }
0xa9: {  	[spmem:s3] =	stream.indirect.scatter.add.f32 [tilespmem:s18], [sflag:$0x3], $0x80, s9, s17, $0xb8;
	[tilespmem:$0x1C400] =	vst v63  }
0xaa: {  	_ =	swait.ge [sflag:s14], $0x4000  }
0xab: {  	[sflag:s14] =	ssyncset.done $0x0  }
0xac: {  	[sflag:s14] =	ssyncadd.s32 $0xFFFFC000  }
0xad: {  	_ =	swait.ge [sflag:s23], $0x4000  }
0xae: {  	[sflag:s23] =	ssyncset.done $0x0  }
0xaf: {  	[sflag:s23] =	ssyncadd.s32 $0xFFFFC000  }
0xb0: {  	[spmem:s3] =	stream.indirect.scatter.add.f32 [tilespmem:s20], [sflag:$0x3], $0x80, s10, s17, $0xb8;
	[tilespmem:$0x1C400] =	vst v63  }
0xb1: {  	_ =	swait.ge [sflag:s14], $0x4000  }
0xb2: {  	s8 =	rddreg [dreg:$0x4]  }
0xb3: {  	s8 =	sadd.s32 $0x400, s8  }
0xb4: {  	[sflag:s14] =	ssyncset.done $0x0;
	s8 =	sshrl.u32 s8, $0x3  }
0xb5: {  	[sflag:s14] =	ssyncadd.s32 $0xFFFFC000;
	s12 =	sadd.s32 s5, s8  }
0xb6: {  	[tilespmem:s15], [sflag:$0x3] =	stream.linear.gather [hbm4b:s12+s4], $0x400, $0x38;
	[tilespmem:$0x1C400] =	vst v63  }
0xb7: {  	_ =	swait.ge [sflag:s14], $0x400  }
0xb8: {  	[sflag:s14] =	ssyncset.done $0x0  }
0xb9: {  	[sflag:s14] =	ssyncadd.s32 $0xFFFFFC00  }
0xba: {  	[tilespmem:s18], [sflag:$0x1] =	stream.indirect.gather [hbm4b:s1+s17], $0x80, s15, s17, $0xb8;
	[tilespmem:$0x1C400] =	vst v63  }
0xbb: {  	_ = 	snop  }
0xbc: {  	[tilespmem:s20], [sflag:$0x2] =	stream.indirect.gather [hbm4b:s1+s17], $0x80, s19, s17, $0xb8;
	[tilespmem:$0x1C400] =	vst v63  }
0xbd: {  	s8 =	sadd.s32 s6, s8  }
0xbe: {  	[tilespmem:s16], [sflag:$0x3] =	stream.linear.gather [hbm4b:s8+s4], $0x400, $0x38;
	[tilespmem:$0x1C400] =	vst v63  }
0xbf: {  	_ =	swait.ge [sflag:s14], $0x400  }
0xc0: {  	s12 =	simm.s32 $0x800;
	[sflag:s14] =	ssyncset.done $0x0  }
.LBB2_3:
0xc1: {  	[sflag:s14] =	ssyncadd.s32 $0xFFFFFC00  }
0xc2: {  	_ =	swait.ge [sflag:s21], $0x4000  }
0xc3: {  	[sflag:s21] =	ssyncset.done $0x0  }
0xc4: {  	[sflag:s21] =	ssyncadd.s32 $0xFFFFC000  }
0xc5: {  	[spmem:s3] =	stream.indirect.scatter.add.f32 [tilespmem:s18], [sflag:$0x3], $0x80, s16, s17, $0xb8;
	[tilespmem:$0x1C400] =	vst v63  }
0xc6: {  	_ =	swait.ge [sflag:s14], $0x4000  }
0xc7: {  	[sflag:s14] =	ssyncset.done $0x0  }
0xc8: {  	[sflag:s14] =	ssyncadd.s32 $0xFFFFC000  }
0xc9: {  	[tilespmem:s18], [sflag:$0x1] =	stream.indirect.gather [hbm4b:s1+s17], $0x80, s22, s17, $0xb8;
	[tilespmem:$0x1C400] =	vst v63  }
0xca: {  	_ =	swait.ge [sflag:s23], $0x4000  }
0xcb: {  	[sflag:s23] =	ssyncset.done $0x0  }
0xcc: {  	[sflag:s23] =	ssyncadd.s32 $0xFFFFC000  }
0xcd: {  	[spmem:s3] =	stream.indirect.scatter.add.f32 [tilespmem:s20], [sflag:$0x3], $0x80, s24, s17, $0xb8;
	[tilespmem:$0x1C400] =	vst v63  }
0xce: {  	_ =	swait.ge [sflag:s14], $0x4000  }
0xcf: {  	[sflag:s14] =	ssyncset.done $0x0  }
0xd0: {  	[sflag:s14] =	ssyncadd.s32 $0xFFFFC000  }
0xd1: {  	[tilespmem:s20], [sflag:$0x2] =	stream.indirect.gather [hbm4b:s1+s17], $0x80, s25, s17, $0xb8;
	[tilespmem:$0x1C400] =	vst v63  }
0xd2: {  	_ =	swait.ge [sflag:s21], $0x4000  }
0xd3: {  	[sflag:s21] =	ssyncset.done $0x0  }
0xd4: {  	[sflag:s21] =	ssyncadd.s32 $0xFFFFC000  }
0xd5: {  	[spmem:s3] =	stream.indirect.scatter.add.f32 [tilespmem:s18], [sflag:$0x3], $0x80, s26, s17, $0xb8;
	[tilespmem:$0x1C400] =	vst v63  }
0xd6: {  	_ =	swait.ge [sflag:s14], $0x4000  }
0xd7: {  	[sflag:s14] =	ssyncset.done $0x0  }
0xd8: {  	[sflag:s14] =	ssyncadd.s32 $0xFFFFC000  }
0xd9: {  	[tilespmem:s18], [sflag:$0x1] =	stream.indirect.gather [hbm4b:s1+s17], $0x80, s28, s17, $0xb8;
	[tilespmem:$0x1C400] =	vst v63  }
0xda: {  	_ =	swait.ge [sflag:s23], $0x4000  }
0xdb: {  	[sflag:s23] =	ssyncset.done $0x0  }
0xdc: {  	[sflag:s23] =	ssyncadd.s32 $0xFFFFC000  }
0xdd: {  	[spmem:s3] =	stream.indirect.scatter.add.f32 [tilespmem:s20], [sflag:$0x3], $0x80, s29, s17, $0xb8;
	[tilespmem:$0x1C400] =	vst v63  }
0xde: {  	_ =	swait.ge [sflag:s14], $0x4000  }
0xdf: {  	[sflag:s14] =	ssyncset.done $0x0  }
0xe0: {  	[sflag:s14] =	ssyncadd.s32 $0xFFFFC000  }
0xe1: {  	[tilespmem:s20], [sflag:$0x2] =	stream.indirect.gather [hbm4b:s1+s17], $0x80, s30, s17, $0xb8;
	[tilespmem:$0x1C400] =	vst v63  }
0xe2: {  	_ =	swait.ge [sflag:s21], $0x4000  }
0xe3: {  	[sflag:s21] =	ssyncset.done $0x0  }
0xe4: {  	[sflag:s21] =	ssyncadd.s32 $0xFFFFC000  }
0xe5: {  	[spmem:s3] =	stream.indirect.scatter.add.f32 [tilespmem:s18], [sflag:$0x3], $0x80, s31, s17, $0xb8;
	[tilespmem:$0x1C400] =	vst v63  }
0xe6: {  	_ =	swait.ge [sflag:s14], $0x4000  }
0xe7: {  	[sflag:s14] =	ssyncset.done $0x0  }
0xe8: {  	[sflag:s14] =	ssyncadd.s32 $0xFFFFC000  }
0xe9: {  	[tilespmem:s18], [sflag:$0x1] =	stream.indirect.gather [hbm4b:s1+s17], $0x80, s0, s17, $0xb8;
	[tilespmem:$0x1C400] =	vst v63  }
0xea: {  	_ =	swait.ge [sflag:s23], $0x4000  }
0xeb: {  	[sflag:s23] =	ssyncset.done $0x0  }
0xec: {  	[sflag:s23] =	ssyncadd.s32 $0xFFFFC000  }
0xed: {  	[spmem:s3] =	stream.indirect.scatter.add.f32 [tilespmem:s20], [sflag:$0x3], $0x80, s2, s17, $0xb8;
	[tilespmem:$0x1C400] =	vst v63  }
0xee: {  	_ =	swait.ge [sflag:s14], $0x4000  }
0xef: {  	[sflag:s14] =	ssyncset.done $0x0  }
0xf0: {  	[sflag:s14] =	ssyncadd.s32 $0xFFFFC000  }
0xf1: {  	[tilespmem:s20], [sflag:$0x2] =	stream.indirect.gather [hbm4b:s1+s17], $0x80, s7, s17, $0xb8;
	[tilespmem:$0x1C400] =	vst v63  }
0xf2: {  	_ =	swait.ge [sflag:s21], $0x4000  }
0xf3: {  	[sflag:s21] =	ssyncset.done $0x0  }
0xf4: {  	[sflag:s21] =	ssyncadd.s32 $0xFFFFC000  }
0xf5: {  	[spmem:s3] =	stream.indirect.scatter.add.f32 [tilespmem:s18], [sflag:$0x3], $0x80, s9, s17, $0xb8;
	[tilespmem:$0x1C400] =	vst v63  }
0xf6: {  	_ =	swait.ge [sflag:s14], $0x4000  }
0xf7: {  	[sflag:s14] =	ssyncset.done $0x0  }
0xf8: {  	[sflag:s14] =	ssyncadd.s32 $0xFFFFC000  }
0xf9: {  	_ =	swait.ge [sflag:s23], $0x4000  }
0xfa: {  	[sflag:s23] =	ssyncset.done $0x0  }
0xfb: {  	[sflag:s23] =	ssyncadd.s32 $0xFFFFC000  }
0xfc: {  	[spmem:s3] =	stream.indirect.scatter.add.f32 [tilespmem:s20], [sflag:$0x3], $0x80, s10, s17, $0xb8;
	[tilespmem:$0x1C400] =	vst v63  }
0xfd: {  	_ =	swait.ge [sflag:s14], $0x4000  }
0xfe: {  	s8 =	smov.u32 s12;
	s13 =	rddreg [dreg:$0x4]  }
0xff: {  	s8 =	sadd.s32 s8, s13  }
0x100: {  	[sflag:s14] =	ssyncset.done $0x0;
	s8 =	sshrl.u32 s8, $0x3  }
0x101: {  	[sflag:s14] =	ssyncadd.s32 $0xFFFFC000;
	s13 =	sadd.s32 s5, s8  }
0x102: {  	[tilespmem:s15], [sflag:$0x3] =	stream.linear.gather [hbm4b:s13+s4], $0x400, $0x38;
	[tilespmem:$0x1C400] =	vst v63  }
0x103: {  	_ =	swait.ge [sflag:s14], $0x400  }
0x104: {  	[sflag:s14] =	ssyncset.done $0x0  }
0x105: {  	[sflag:s14] =	ssyncadd.s32 $0xFFFFFC00  }
0x106: {  	[tilespmem:s18], [sflag:$0x1] =	stream.indirect.gather [hbm4b:s1+s17], $0x80, s15, s17, $0xb8;
	[tilespmem:$0x1C400] =	vst v63  }
0x107: {  	p1 =	sne.s32 s12, $0x4800  }
0x108: {  	[tilespmem:s20], [sflag:$0x2] =	stream.indirect.gather [hbm4b:s1+s17], $0x80, s19, s17, $0xb8;
	[tilespmem:$0x1C400] =	vst v63  }
.Ltmp3:
0x109: {  	_ = 	snop;
	(pc) =	sbr.rel @p1 .LBB2_3-.Ltmp3, $4  }
0x10a: {  	s8 =	sadd.s32 s6, s8  }
0x10b: {  	[tilespmem:s16], [sflag:$0x3] =	stream.linear.gather [hbm4b:s8+s4], $0x400, $0x38;
	[tilespmem:$0x1C400] =	vst v63  }
0x10c: {  	_ =	swait.ge [sflag:s14], $0x400  }
0x10d: {  	s12 =	sadd.s32 $0x400, s12;
	[sflag:s14] =	ssyncset.done $0x0  }
.Ltmp4:
0x10e: {  	_ = 	snop;
	(pc) =	sbr.rel .LBB2_4-.Ltmp4, $1  }
0x10f: {  	_ =	sdelay $0x3  }
.LBB2_6:
0x110: {  	_ =	sfence.sel $0x180000  }
0x111: {  	[bflag:$0x0] =	sbarrier.arrive $0xFFFF  }
0x112: {  	_ =	strace $0x9000004D  }
0x113: {  	s0 =	stileid.u32;
	[bflag:$0x2] =	sbarrier.arrive $0xFFFF  }
0x114: {  	p0 =	sne.s32 s0, $0x0;
	s0 =	rddreg [dreg:$0x3]  }
0x115: {  	s0 =	sadd.s32 @!p0 $0x100000, s0  }
0x116: {  	[sflag:s0] =	ssyncadd.tile.s32 @!p0 $0x1;
	_ =	shalt  }
.Lfunc_end2:
_tile_overlayer_lowered:
.L_overlay_start_2:
0x117: {  	(tag) =	ssettag $0x2  }
0x118: {  	s0 =	rddreg [dreg:$0x0];
	s2 =	stileid.u32  }
0x119: {  	s1 =	rddreg [dreg:$0x1];
	p0 =	sne.s32 s2, $0x0  }
0x11a: {  	s3 =	rddreg [dreg:$0x2];
	[bflag:$0x3] =	sbarrier.arrive $0xFFFF;
	s2 =	simm.s32 @!p0 $0x1C03  }
0x11b: {  	[timem:s3], [sflag:s2] =	dma.local @!p0 [hbm:s0], s1  }
0x11c: {  	s0 =	simm.s32 @!p0 $0x3  }
0x11d: {  	_ =	swait.ge @!p0 [sflag:s0], s1  }
0x11e: {  	s1 =	ssub.s32 @!p0 $0x0, s1;
	[sflag:s0] =	ssyncset.done @!p0 $0x0  }
0x11f: {  	[sflag:s0] =	ssyncadd.s32 @!p0 s1  }
0x120: {  	[bflag:$0x3] =	sbarrier.arrive $0xFFFF  }
0x121: {  	_ =	shalt  }

// kernel: kernel.19.cloned.1.call-start
scs
__scs_entry_jumppad:
0x0: {  	(pc) =	sbr.rel $0x88, $3  }
0x1: {  	(tag) =	ssettag $0x0;
	lr =	simm.s32 $0x1  }
0x2: {  	[smem:$0x3F93] =	sst lr;
	_ =	strace $0xD0000000  }
0x3: {  	_ = 	snop  }
0x4: {  	_ = 	snop  }
0x5: {  	_ = 	snop  }
0x6: {  	_ = 	snop  }
0x7: {  	_ = 	snop  }
__scs_overlays_trampoline_lowered:
0x8: {  	[smem:$0x3FA2] =	sst s0  }
0x9: {  	[smem:$0x3FA3] =	sst s1  }
0xa: {  	[smem:$0x3FA4] =	sst s2  }
0xb: {  	[smem:$0x3FA5] =	sst s3  }
0xc: {  	[smem:$0x3FA6] =	sst s4  }
0xd: {  	[smem:$0x3FA7] =	sst s5  }
0xe: {  	[smem:$0x3FA8] =	sst s6  }
0xf: {  	[smem:$0x3FA9] =	sst s7  }
0x10: {  	[smem:$0x3FAA] =	sst s8  }
0x11: {  	[smem:$0x3FAB] =	sst s9;
	s0 =	simm.s32 @!p0 $0x0  }
0x12: {  	s1 =	sld [smem:$0x3F91];
	s0 =	simm.s32 @p0 $0x1  }
0x13: {  	[smem:$0x3FAC] =	sst s0;
	s0 =	simm.s32 @!p1 $0x0  }
0x14: {  	s2 =	sld [smem:$0x3F90];
	s0 =	simm.s32 @p1 $0x1  }
0x15: {  	[smem:$0x3FAD] =	sst s0;
	s0 =	simm.s32 @!p2 $0x0  }
0x16: {  	s3 =	sld [smem:$0x3FDB];
	s0 =	simm.s32 @p2 $0x1  }
0x17: {  	s4 =	simm.s32 $0x1BF5;
	[smem:$0x3FAF] =	sst s0  }
0x18: {  	s0 =	sld [smem:$0x3F92];
	_ =	swait.ge [sflag:s4], $0x0  }
0x19: {  	s7 =	sld [smem:$0x3F93]  }
0x1a: {  	s8 =	sadd.s32 $0xFFFFE003, lr  }
0x1b: {  	s9 =	sadd.s32 $0xFFFFFEF7, lr;
	s5 =	simm.s32 $0xFFFFFFFF;
	p2 =	slt.u32 s8, $0xFFFFF086  }
0x1c: {  	p1 =	slt.u32 s9, $0xF7A;
	s5 =	simm.s32 @!p2 $0x0  }
0x1d: {  	s5 =	simm.s32 @p1 $0x1;
	p0 =	seq.s32 s7, s2  }
0x1e: {  	s7 =	smul.u32 @!p0 $0xF7A, s2;
	p2 =	seq.s32 @!p0 s5, $0x0  }
0x1f: {  	s9 =	smul.u32 $0xF7A, s1;
	s8 =	simm.s32 @!p0 $0x1BF5;
	p2 =	por !p2, p0  }
0x20: {  	[sflag:s8] =	ssyncset.s32 @!p0 $0xFFFFF086;
	s6 =	sadd.s32 @!p0 s3, s7;
	s7 =	simm.s32 @!p0 $0x108  }
0x21: {  	s3 =	sadd.s32 s3, s9;
	s6 =	sadd.s32 @!p0 $0x88, s6;
	s7 =	simm.s32 @p2 $0x1082  }
0x22: {  	[simem:s7], [sflag:s8] =	dma.local @!p0 [hbm:s6], $0xF7A  }
0x23: {  	s9 =	sor.u32 $0xD0000000, s2;
	s6 =	simm.s32 $0x108;
	_ =	swait.ge @!p0 [sflag:s8], $0x0  }
0x24: {  	s3 =	sadd.s32 $0x88, s3;
	s6 =	simm.s32 @!p1 $0x1082;
	[sflag:s4] =	ssyncset.s32 $0xFFFFF086  }
0x25: {  	[simem:s6], [sflag:s4] =	dma.local [hbm:s3], $0xF7A  }
0x26: {  	[smem:$0x3F93] =	sst s1;
	(tag) =	ssettag s2;
	_ =	strace s9  }
0x27: {  	s1 =	sld [smem:$0x3FA3]  }
0x28: {  	s2 =	sld [smem:$0x3FA4]  }
0x29: {  	s4 =	sld [smem:$0x3FA6]  }
0x2a: {  	p0 =	seq.s32 s5, $0x0;
	s5 =	sld [smem:$0x3FA7]  }
0x2b: {  	s6 =	sld [smem:$0x3FA8]  }
0x2c: {  	s7 =	sld [smem:$0x3FA9]  }
0x2d: {  	s3 =	simm.s32 $0x108;
	s8 =	sld [smem:$0x3FAA]  }
0x2e: {  	s3 =	simm.s32 @!p0 $0x1082;
	s9 =	sld [smem:$0x3FAB]  }
0x2f: {  	lr =	sadd.s32 s0, s3;
	s0 =	sld [smem:$0x3FA2]  }
0x30: {  	s3 =	sld [smem:$0x3FA5]  }
0x31: {  	[smem:$0x3FAE] =	sst s10  }
0x32: {  	s10 =	sld [smem:$0x3FAC];
	_ =	sdelay $0x3  }
0x33: {  	p0 =	seq.s32 s10, $0x1;
	s10 =	sld [smem:$0x3FAE];
	_ =	sdelay $0x3  }
0x34: {  	[smem:$0x3FAE] =	sst s10  }
0x35: {  	s10 =	sld [smem:$0x3FAD];
	_ =	sdelay $0x3  }
0x36: {  	p1 =	seq.s32 s10, $0x1;
	s10 =	sld [smem:$0x3FAE];
	_ =	sdelay $0x3  }
0x37: {  	[smem:$0x3FAE] =	sst s10  }
0x38: {  	s10 =	sld [smem:$0x3FAF]  }
0x39: {  	_ = 	snop;
	(pc) =	sbr.ind lr, $3  }
0x3a: {  	_ = 	snop  }
0x3b: {  	_ = 	snop  }
0x3c: {  	p2 =	seq.s32 s10, $0x1;
	s10 =	sld [smem:$0x3FAE]  }
0x3d: {  	_ =	shalt  }
0x3e: {  	_ =	shalt  }
0x3f: {  	_ =	shalt  }
0x40: {  	_ =	shalt  }
0x41: {  	_ =	shalt  }
0x42: {  	_ =	shalt  }
0x43: {  	_ =	shalt  }
0x44: {  	_ =	shalt  }
0x45: {  	_ =	shalt  }
0x46: {  	_ =	shalt  }
0x47: {  	_ =	shalt  }
0x48: {  	_ =	shalt  }
0x49: {  	_ =	shalt  }
0x4a: {  	_ =	shalt  }
0x4b: {  	_ =	shalt  }
0x4c: {  	_ =	shalt  }
0x4d: {  	_ =	shalt  }
0x4e: {  	_ =	shalt  }
0x4f: {  	_ =	shalt  }
0x50: {  	_ =	shalt  }
0x51: {  	_ =	shalt  }
0x52: {  	_ =	shalt  }
0x53: {  	_ =	shalt  }
0x54: {  	_ =	shalt  }
0x55: {  	_ =	shalt  }
0x56: {  	_ =	shalt  }
0x57: {  	_ =	shalt  }
0x58: {  	_ =	shalt  }
0x59: {  	_ =	shalt  }
0x5a: {  	_ =	shalt  }
0x5b: {  	_ =	shalt  }
0x5c: {  	_ =	shalt  }
0x5d: {  	_ =	shalt  }
0x5e: {  	_ =	shalt  }
0x5f: {  	_ =	shalt  }
0x60: {  	_ =	shalt  }
0x61: {  	_ =	shalt  }
0x62: {  	_ =	shalt  }
0x63: {  	_ =	shalt  }
0x64: {  	_ =	shalt  }
0x65: {  	_ =	shalt  }
0x66: {  	_ =	shalt  }
0x67: {  	_ =	shalt  }
0x68: {  	_ =	shalt  }
0x69: {  	_ =	shalt  }
0x6a: {  	_ =	shalt  }
0x6b: {  	_ =	shalt  }
0x6c: {  	_ =	shalt  }
0x6d: {  	_ =	shalt  }
0x6e: {  	_ =	shalt  }
0x6f: {  	_ =	shalt  }
0x70: {  	_ =	shalt  }
0x71: {  	_ =	shalt  }
0x72: {  	_ =	shalt  }
0x73: {  	_ =	shalt  }
0x74: {  	_ =	shalt  }
0x75: {  	_ =	shalt  }
0x76: {  	_ =	shalt  }
0x77: {  	_ =	shalt  }
0x78: {  	_ =	shalt  }
0x79: {  	_ =	shalt  }
0x7a: {  	_ =	shalt  }
0x7b: {  	_ =	shalt  }
0x7c: {  	_ =	shalt  }
0x7d: {  	_ =	shalt  }
0x7e: {  	_ =	shalt  }
0x7f: {  	_ =	shalt  }
0x80: {  	_ =	shalt  }
0x81: {  	_ =	shalt  }
0x82: {  	_ =	shalt  }
0x83: {  	_ =	shalt  }
0x84: {  	_ =	shalt  }
0x85: {  	_ =	shalt  }
0x86: {  	_ =	shalt  }
0x87: {  	_ =	shalt  }
.Lfunc_end0:
.L_simem_size_0:
called_computation.3_lowered:
.L_overlay_start_0:
0x88: {  	s2 =	sld [smem:$0x3FD9]  }
0x89: {  	s3 =	sld [smem:$0x3FFE];
	_ =	sdelay $0x1  }
0x8a: {  	s1 =	srdreg.scid  }
0x8b: {  	s0 =	sand.u32 $0x1, s1  }
0x8c: {  	s17 =	sshll.u32 s0, $0xA;
	s2 =	sadd.s32 s3, s2  }
0x8d: {  	s2 =	sadd.s32 s2, s17  }
0x8e: {  	[smem:$0x3FBA] =	sst s2  }
0x8f: {  	_ = 	snop  }
0x90: {  	s2 =	sld [smem:$0x3FD0];
	(tm) =	ssettm $0x1  }
0x91: {  	s18 =	sld [smem:$0x3FFB];
	_ =	sdelay $0x3  }
0x92: {  	_ =	strace s18  }
0x93: {  	s3 =	sld [smem:$0x3FFC];
	_ =	sdelay $0x3  }
0x94: {  	_ =	strace s3  }
0x95: {  	s3 =	sld [smem:$0x3FFD];
	_ =	sdelay $0x3  }
0x96: {  	_ =	strace s3  }
0x97: {  	_ =	strace $0x8FFFFFFF  }
0x98: {  	s19 =	sld [smem:$0x3FDB];
	_ =	sdelay $0x1  }
0x99: {  	s4 =	simm.s32 $_scs_section_size  }
0x9a: {  	s5 =	simm.s32 $_size__tile_overlayer_lowered;
	s6 =	simm.s32 $_tile_overlayer_lowered  }
0x9b: {  	s22 =	simm.s32 $0x1BFF;
	s21 =	sshll.u32 s6, $0x1;
	s3 =	sadd.s32 s4, s19  }
0x9c: {  	s7 =	simm.s32 $0x0;
	s20 =	sshll.u32 s5, $0x1;
	s5 =	sadd.s32 s21, s3  }
0x9d: {  	[timem:s7], [sflag:s22] =	dma.local [hbm:s5], s20  }
0x9e: {  	_ =	swait.ge [sflag:s22], s20  }
0x9f: {  	s4 =	ssub.s32 $0x0, s20;
	[sflag:s22] =	ssyncset.done $0x0  }
0xa0: {  	[sflag:s22] =	ssyncadd.s32 s4;
	_ =	sdelay $0x1  }
0xa1: {  	s23 =	simm.s32 $0x1B8B  }
0xa2: {  	_ =	swait.ge [sflag:s23], $0x1  }
0xa3: {  	[sflag:s23] =	ssyncset.done $0x0  }
0xa4: {  	s25 =	simm.s32 $0x1B8E;
	s24 =	sld [smem:$0x3FFE];
	[sflag:s23] =	ssyncadd.s32 $0xFFFFFFFF  }
0xa5: {  	s26 =	simm.s32 $execute0_lowered;
	[smem:$0x3FD2] =	sst s25  }
0xa6: {  	s5 =	sshll.u32 s26, $0x1;
	_ =	strace $0x8000004F;
	[dreg:$0x1] =	wrdreg $0xFFFFFFFF  }
0xa7: {  	s28 =	simm.s32 $_size_execute0_lowered;
	s3 =	sadd.s32 s3, s5;
	[dreg:$0x0] =	wrdreg $0x0  }
0xa8: {  	s5 =	sshll.u32 s28, $0x1;
	[dreg:$0x2] =	wrdreg s3  }
0xa9: {  	[dreg:$0x3] =	wrdreg s5  }
0xaa: {  	[dreg:$0x4] =	wrdreg $0xC0  }
0xab: {  	_ =	task [dreg:s7], $0x5FFFF  }
0xac: {  	[dreg:$0x1] =	wrdreg $0xFFFFFFFF  }
0xad: {  	[dreg:$0x0] =	wrdreg $0x60  }
0xae: {  	[dreg:$0x2] =	wrdreg s2  }
0xaf: {  	[dreg:$0x3] =	wrdreg s24  }
0xb0: {  	[dreg:$0x4] =	wrdreg $0x0  }
0xb1: {  	[dreg:$0x5] =	wrdreg $0x9  }
0xb2: {  	_ =	task.clear_ibuf [dreg:s7], $0x6FFFF;
	_ =	strace $0x9000004F  }
0xb3: {  	s29 =	simm.s32 $0x9;
	_ =	strace $0x80000051  }
0xb4: {  	_ =	swait.ge [sflag:s29], $0x1  }
0xb5: {  	[sflag:s29] =	ssyncadd.s32 $0xFFFFFFFF  }
0xb6: {  	_ =	strace $0x90000051  }
0xb7: {  	_ =	sfence  }
0xb8: {  	s30 =	sld [smem:$0x0];
	_ =	sdelay $0x2  }
0xb9: {  	s31 =	sshll.u32 s1, $0xD;
	s1 =	sshrl.u32 s1, $0x2  }
0xba: {  	s3 =	sand.u32 $0x4000, s31;
	s1 =	sadd.s32 s1, s30  }
0xbb: {  	s0 =	sor.u32 s3, s0;
	s1 =	sshll.u32 s1, $0x11  }
0xbc: {  	s0 =	sor.u32 s1, s0  }
0xbd: {  	s0 =	sadd.s32 $0x8F2B, s0  }
0xbe: {  	[sflag:s0] =	ssyncadd.remote.s32 $0x1  }
0xbf: {  	_ =	sfence.sel $0xFFFF  }
0xc0: {  	[dreg:$0x0] =	wrdreg $0xFFFFFFFF;
	(pc) =	sbr.abs _section_cstart, $3  }
0xc1: {  	[dreg:$0x1] =	wrdreg $0xFFFFFFFF  }
0xc2: {  	_ =	task.clear_ibuf [dreg:s7], $0x2FFFF;
	_ =	strace $0x9FFFFFFF  }
0xc3: {  	(tm) =	ssettm $0x7FFFFFFF  }
tec
execute0_lowered:
.L_overlay_start_1:
0x0: {  	(tag) =	ssettag $0x1  }
0x1: {  	s1 =	rddreg [dreg:$0x0]  }
0x2: {  	s0 =	rddreg [dreg:$0x1]  }
0x3: {  	s3 =	rddreg [dreg:$0x2]  }
0x4: {  	s2 =	srdreg.scid;
	s12 =	stileid.u32;
	s4 =	simm.s32 $0x0  }
0x5: {  	s15 =	simm.s32 $0x13C00;
	s16 =	simm.s32 $0x14000;
	s17 =	simm.s32 $0x80  }
0x6: {  	s18 =	simm.s32 $0x14400;
	s19 =	simm.s32 $0x13C80;
	s20 =	simm.s32 $0x18400  }
0x7: {  	s21 =	simm.s32 $0x1;
	s28 =	simm.s32 $0x13E00;
	s29 =	simm.s32 $0x14180  }
0x8: {  	s30 =	simm.s32 $0x13E80;
	s31 =	simm.s32 $0x14200;
	s2 =	sand.u32 $0x1, s2  }
0x9: {  	s7 =	smul.u32 $0x2780, s12;
	[smem:$0x7FF] =	sst s4;
	s5 =	sadd.s32 $0x8E600, s0  }
0xa: {  	s6 =	sadd.s32 $0x7B600, s0;
	s13 =	sadd.s32 $0x4E00, s0;
	s10 =	smul.u32 $0x4F000, s12  }
0xb: {  	s11 =	sshll.u32 s12, $0x6;
	s8 =	smul.u32 $0x27800, s2;
	_ =	strace $0x80000050  }
0xc: {  	s22 =	sshll.u32 s2, $0x4;
	s9 =	ssub.s32 $0x2, s2;
	s25 =	smul.u32 $0x4C000, s2  }
0xd: {  	s11 =	sor.u32 $0x1C03, s11;
	p0 =	sne.s32 s2, $0x0;
	s2 =	simm.s32 $0x14280  }
0xe: {  	[dreg:$0x5] =	wrdreg s13;
	s23 =	sshrl.u32 s9, $0x1;
	s24 =	sshrl.u32 s10, $0x2  }
0xf: {  	[dreg:$0x6] =	wrdreg s11;
	s10 =	simm.s32 $0x14380;
	s11 =	simm.s32 $0x0  }
0x10: {  	s7 =	sadd.s32 s7, s8;
	s8 =	sor.u32 s12, s22;
	s12 =	smul.u32 $0x4C00, s12  }
0x11: {  	s22 =	simm.s32 $0x13D00;
	s0 =	sadd.s32 s7, s0;
	s8 =	smul.u32 $0x4C00, s8  }
0x12: {  	s7 =	ssub.s32 s9, s23;
	s9 =	sadd.s32 s24, s3;
	s23 =	simm.s32 $0x2  }
0x13: {  	s24 =	simm.s32 $0x14080;
	s0 =	sadd.s32 $0x2C600, s0;
	s26 =	sadd.s32 s12, s25  }
0x14: {  	s7 =	smax.u32 s7, $0x1;
	s12 =	sshrl.u32 s9, $0x3;
	[dreg:$0x9] =	wrdreg s0  }
.Ltmp0:
0x15: {  	s25 =	simm.s32 $0x13D80;
	[dreg:$0xa] =	wrdreg s7;
	(pc) =	sbr.rel .LBB2_1-.Ltmp0, $4  }
0x16: {  	s9 =	simm.s32 $0x14300;
	s8 =	sshrl.u32 s8, $0x3;
	[dreg:$0x4] =	wrdreg s26  }
0x17: {  	s26 =	simm.s32 $0x14100;
	[dreg:$0xb] =	wrdreg s12;
	s14 =	sadd.s32 s5, s8  }
0x18: {  	s0 =	simm.s32 $0x13F00;
	s8 =	sadd.s32 s6, s8;
	[dreg:$0x7] =	wrdreg s14  }
0x19: {  	s7 =	simm.s32 $0x13F80;
	[dreg:$0x8] =	wrdreg s8;
	s14 =	simm.s32 $0x3  }
.LBB2_4:
0x1a: {  	[sflag:s14] =	ssyncadd.s32 $0xFFFFFC00  }
.LBB2_5:
0x1b: {  	_ =	swait.ge [sflag:s21], $0x4000  }
0x1c: {  	[sflag:s21] =	ssyncset.done $0x0  }
0x1d: {  	[sflag:s21] =	ssyncadd.s32 $0xFFFFC000  }
0x1e: {  	[spmem:s3] =	stream.indirect.scatter.add.f32 [tilespmem:s18], [sflag:$0x3], $0x80, s16, s17, $0xb8;
	[tilespmem:$0x1C400] =	vst v63  }
0x1f: {  	_ =	swait.ge [sflag:s14], $0x4000  }
0x20: {  	[sflag:s14] =	ssyncset.done $0x0  }
0x21: {  	[sflag:s14] =	ssyncadd.s32 $0xFFFFC000  }
0x22: {  	[tilespmem:s18], [sflag:$0x1] =	stream.indirect.gather [hbm4b:s1+s17], $0x80, s22, s17, $0xb8;
	[tilespmem:$0x1C400] =	vst v63  }
0x23: {  	_ =	swait.ge [sflag:s23], $0x4000  }
0x24: {  	[sflag:s23] =	ssyncset.done $0x0  }
0x25: {  	[sflag:s23] =	ssyncadd.s32 $0xFFFFC000  }
0x26: {  	[spmem:s3] =	stream.indirect.scatter.add.f32 [tilespmem:s20], [sflag:$0x3], $0x80, s24, s17, $0xb8;
	[tilespmem:$0x1C400] =	vst v63  }
0x27: {  	_ =	swait.ge [sflag:s14], $0x4000  }
0x28: {  	[sflag:s14] =	ssyncset.done $0x0  }
0x29: {  	[sflag:s14] =	ssyncadd.s32 $0xFFFFC000  }
0x2a: {  	[tilespmem:s20], [sflag:$0x2] =	stream.indirect.gather [hbm4b:s1+s17], $0x80, s25, s17, $0xb8;
	[tilespmem:$0x1C400] =	vst v63  }
0x2b: {  	_ =	swait.ge [sflag:s21], $0x4000  }
0x2c: {  	[sflag:s21] =	ssyncset.done $0x0  }
0x2d: {  	[sflag:s21] =	ssyncadd.s32 $0xFFFFC000  }
0x2e: {  	[spmem:s3] =	stream.indirect.scatter.add.f32 [tilespmem:s18], [sflag:$0x3], $0x80, s26, s17, $0xb8;
	[tilespmem:$0x1C400] =	vst v63  }
0x2f: {  	_ =	swait.ge [sflag:s14], $0x4000  }
0x30: {  	[sflag:s14] =	ssyncset.done $0x0  }
0x31: {  	[sflag:s14] =	ssyncadd.s32 $0xFFFFC000  }
0x32: {  	[tilespmem:s18], [sflag:$0x1] =	stream.indirect.gather [hbm4b:s1+s17], $0x80, s28, s17, $0xb8;
	[tilespmem:$0x1C400] =	vst v63  }
0x33: {  	_ =	swait.ge [sflag:s23], $0x4000  }
0x34: {  	[sflag:s23] =	ssyncset.done $0x0  }
0x35: {  	[sflag:s23] =	ssyncadd.s32 $0xFFFFC000  }
0x36: {  	[spmem:s3] =	stream.indirect.scatter.add.f32 [tilespmem:s20], [sflag:$0x3], $0x80, s29, s17, $0xb8;
	[tilespmem:$0x1C400] =	vst v63  }
0x37: {  	_ =	swait.ge [sflag:s14], $0x4000  }
0x38: {  	[sflag:s14] =	ssyncset.done $0x0  }
0x39: {  	[sflag:s14] =	ssyncadd.s32 $0xFFFFC000  }
0x3a: {  	[tilespmem:s20], [sflag:$0x2] =	stream.indirect.gather [hbm4b:s1+s17], $0x80, s30, s17, $0xb8;
	[tilespmem:$0x1C400] =	vst v63  }
0x3b: {  	_ =	swait.ge [sflag:s21], $0x4000  }
0x3c: {  	[sflag:s21] =	ssyncset.done $0x0  }
0x3d: {  	[sflag:s21] =	ssyncadd.s32 $0xFFFFC000  }
0x3e: {  	[spmem:s3] =	stream.indirect.scatter.add.f32 [tilespmem:s18], [sflag:$0x3], $0x80, s31, s17, $0xb8;
	[tilespmem:$0x1C400] =	vst v63  }
0x3f: {  	_ =	swait.ge [sflag:s14], $0x4000  }
0x40: {  	[sflag:s14] =	ssyncset.done $0x0  }
0x41: {  	[sflag:s14] =	ssyncadd.s32 $0xFFFFC000  }
0x42: {  	[tilespmem:s18], [sflag:$0x1] =	stream.indirect.gather [hbm4b:s1+s17], $0x80, s0, s17, $0xb8;
	[tilespmem:$0x1C400] =	vst v63  }
0x43: {  	_ =	swait.ge [sflag:s23], $0x4000  }
0x44: {  	[sflag:s23] =	ssyncset.done $0x0  }
0x45: {  	[sflag:s23] =	ssyncadd.s32 $0xFFFFC000  }
0x46: {  	[spmem:s3] =	stream.indirect.scatter.add.f32 [tilespmem:s20], [sflag:$0x3], $0x80, s2, s17, $0xb8;
	[tilespmem:$0x1C400] =	vst v63  }
0x47: {  	_ =	swait.ge [sflag:s14], $0x4000  }
0x48: {  	[sflag:s14] =	ssyncset.done $0x0  }
0x49: {  	[sflag:s14] =	ssyncadd.s32 $0xFFFFC000  }
0x4a: {  	[tilespmem:s20], [sflag:$0x2] =	stream.indirect.gather [hbm4b:s1+s17], $0x80, s7, s17, $0xb8;
	[tilespmem:$0x1C400] =	vst v63  }
0x4b: {  	_ =	swait.ge [sflag:s21], $0x4000  }
0x4c: {  	[sflag:s21] =	ssyncset.done $0x0  }
0x4d: {  	[sflag:s21] =	ssyncadd.s32 $0xFFFFC000  }
0x4e: {  	[spmem:s3] =	stream.indirect.scatter.add.f32 [tilespmem:s18], [sflag:$0x3], $0x80, s9, s17, $0xb8;
	[tilespmem:$0x1C400] =	vst v63  }
0x4f: {  	_ =	swait.ge [sflag:s14], $0x4000  }
0x50: {  	[sflag:s14] =	ssyncset.done $0x0  }
0x51: {  	[sflag:s14] =	ssyncadd.s32 $0xFFFFC000  }
0x52: {  	_ =	swait.ge [sflag:s23], $0x4000  }
0x53: {  	[sflag:s23] =	ssyncset.done $0x0  }
0x54: {  	[sflag:s23] =	ssyncadd.s32 $0xFFFFC000  }
0x55: {  	[spmem:s3] =	stream.indirect.scatter.add.f32 [tilespmem:s20], [sflag:$0x3], $0x80, s10, s17, $0xb8;
	[tilespmem:$0x1C400] =	vst v63  }
0x56: {  	_ =	swait.ge [sflag:s14], $0x4000  }
0x57: {  	[sflag:s14] =	ssyncset.done $0x0  }
0x58: {  	[sflag:s14] =	ssyncadd.s32 $0xFFFFC000  }
0x59: {  	[bflag:$0x0] =	sbarrier.arrive $0xFFFF  }
0x5a: {  	s12 =	rddreg [dreg:$0x9]  }
0x5b: {  	s13 =	rddreg [dreg:$0xb]  }
0x5c: {  	s8 =	rddreg [dreg:$0x6]  }
0x5d: {  	[hbm:s12], [sflag:s8] =	dma.local [spmem:s13], $0x2780  }
0x5e: {  	_ =	swait.ge [sflag:s14], $0x2780  }
0x5f: {  	s11 =	sadd.s32 $0x1, s11;
	s8 =	rddreg [dreg:$0xa]  }
0x60: {  	p1 =	sne.s32 s11, s8  }
.Ltmp1:
0x61: {  	_ = 	snop;
	(pc) =	sbr.rel @!p1 .LBB2_6-.Ltmp1, $3  }
0x62: {  	_ =	sdelay $0x1  }
0x63: {  	[sflag:s14] =	ssyncset.done $0x0  }
0x64: {  	s12 =	smov.u32 s13;
	s13 =	rddreg [dreg:$0x5];
	[sflag:s14] =	ssyncadd.s32 $0xFFFFD880  }
.LBB2_1:
0x65: {  	s8 =	rddreg [dreg:$0x6]  }
0x66: {  	[spmem:s12], [sflag:s8] =	dma.local [hbm:s13], $0x2780  }
0x67: {  	_ =	swait.ge [sflag:s14], $0x2780  }
0x68: {  	[sflag:s14] =	ssyncset.done $0x0  }
0x69: {  	s8 =	rddreg [dreg:$0x7];
	[sflag:s14] =	ssyncadd.s32 $0xFFFFD880  }
0x6a: {  	[tilespmem:s15], [sflag:$0x3] =	stream.linear.gather [hbm4b:s8+s4], $0x400, $0x38;
	[tilespmem:$0x1C400] =	vst v63  }
0x6b: {  	_ =	swait.ge [sflag:s14], $0x400  }
0x6c: {  	[sflag:s14] =	ssyncset.done $0x0  }
0x6d: {  	s13 =	rddreg [dreg:$0x8];
	[sflag:s14] =	ssyncadd.s32 $0xFFFFFC00  }
0x6e: {  	[tilespmem:s16], [sflag:$0x3] =	stream.linear.gather [hbm4b:s13+s4], $0x400, $0x38;
	[tilespmem:$0x1C400] =	vst v63  }
0x6f: {  	_ =	swait.ge [sflag:s14], $0x400  }
0x70: {  	[sflag:s14] =	ssyncset.done $0x0  }
.Ltmp2:
0x71: {  	[sflag:s14] =	ssyncadd.s32 $0xFFFFFC00;
	(pc) =	sbr.rel @p0 .LBB2_5-.Ltmp2, $4  }
0x72: {  	[bflag:$0x0] =	sbarrier.arrive $0xFFFF  }
0x73: {  	[tilespmem:s18], [sflag:$0x1] =	stream.indirect.gather [hbm4b:s1+s17], $0x80, s15, s17, $0xb8;
	[tilespmem:$0x1C400] =	vst v63  }
0x74: {  	_ = 	snop  }
0x75: {  	[tilespmem:s20], [sflag:$0x2] =	stream.indirect.gather [hbm4b:s1+s17], $0x80, s19, s17, $0xb8;
	[tilespmem:$0x1C400] =	vst v63  }
0x76: {  	_ =	swait.ge [sflag:s21], $0x4000  }
0x77: {  	[sflag:s21] =	ssyncset.done $0x0  }
0x78: {  	[sflag:s21] =	ssyncadd.s32 $0xFFFFC000  }
0x79: {  	[spmem:s3] =	stream.indirect.scatter.add.f32 [tilespmem:s18], [sflag:$0x3], $0x80, s16, s17, $0xb8;
	[tilespmem:$0x1C400] =	vst v63  }
0x7a: {  	_ =	swait.ge [sflag:s14], $0x4000  }
0x7b: {  	[sflag:s14] =	ssyncset.done $0x0  }
0x7c: {  	[sflag:s14] =	ssyncadd.s32 $0xFFFFC000  }
0x7d: {  	[tilespmem:s18], [sflag:$0x1] =	stream.indirect.gather [hbm4b:s1+s17], $0x80, s22, s17, $0xb8;
	[tilespmem:$0x1C400] =	vst v63  }
0x7e: {  	_ =	swait.ge [sflag:s23], $0x4000  }
0x7f: {  	[sflag:s23] =	ssyncset.done $0x0  }
0x80: {  	[sflag:s23] =	ssyncadd.s32 $0xFFFFC000  }
0x81: {  	[spmem:s3] =	stream.indirect.scatter.add.f32 [tilespmem:s20], [sflag:$0x3], $0x80, s24, s17, $0xb8;
	[tilespmem:$0x1C400] =	vst v63  }
0x82: {  	_ =	swait.ge [sflag:s14], $0x4000  }
0x83: {  	[sflag:s14] =	ssyncset.done $0x0  }
0x84: {  	[sflag:s14] =	ssyncadd.s32 $0xFFFFC000  }
0x85: {  	[tilespmem:s20], [sflag:$0x2] =	stream.indirect.gather [hbm4b:s1+s17], $0x80, s25, s17, $0xb8;
	[tilespmem:$0x1C400] =	vst v63  }
0x86: {  	_ =	swait.ge [sflag:s21], $0x4000  }
0x87: {  	[sflag:s21] =	ssyncset.done $0x0  }
0x88: {  	[sflag:s21] =	ssyncadd.s32 $0xFFFFC000  }
0x89: {  	[spmem:s3] =	stream.indirect.scatter.add.f32 [tilespmem:s18], [sflag:$0x3], $0x80, s26, s17, $0xb8;
	[tilespmem:$0x1C400] =	vst v63  }
0x8a: {  	_ =	swait.ge [sflag:s14], $0x4000  }
0x8b: {  	[sflag:s14] =	ssyncset.done $0x0  }
0x8c: {  	[sflag:s14] =	ssyncadd.s32 $0xFFFFC000  }
0x8d: {  	[tilespmem:s18], [sflag:$0x1] =	stream.indirect.gather [hbm4b:s1+s17], $0x80, s28, s17, $0xb8;
	[tilespmem:$0x1C400] =	vst v63  }
0x8e: {  	_ =	swait.ge [sflag:s23], $0x4000  }
0x8f: {  	[sflag:s23] =	ssyncset.done $0x0  }
0x90: {  	[sflag:s23] =	ssyncadd.s32 $0xFFFFC000  }
0x91: {  	[spmem:s3] =	stream.indirect.scatter.add.f32 [tilespmem:s20], [sflag:$0x3], $0x80, s29, s17, $0xb8;
	[tilespmem:$0x1C400] =	vst v63  }
0x92: {  	_ =	swait.ge [sflag:s14], $0x4000  }
0x93: {  	[sflag:s14] =	ssyncset.done $0x0  }
0x94: {  	[sflag:s14] =	ssyncadd.s32 $0xFFFFC000  }
0x95: {  	[tilespmem:s20], [sflag:$0x2] =	stream.indirect.gather [hbm4b:s1+s17], $0x80, s30, s17, $0xb8;
	[tilespmem:$0x1C400] =	vst v63  }
0x96: {  	_ =	swait.ge [sflag:s21], $0x4000  }
0x97: {  	[sflag:s21] =	ssyncset.done $0x0  }
0x98: {  	[sflag:s21] =	ssyncadd.s32 $0xFFFFC000  }
0x99: {  	[spmem:s3] =	stream.indirect.scatter.add.f32 [tilespmem:s18], [sflag:$0x3], $0x80, s31, s17, $0xb8;
	[tilespmem:$0x1C400] =	vst v63  }
0x9a: {  	_ =	swait.ge [sflag:s14], $0x4000  }
0x9b: {  	[sflag:s14] =	ssyncset.done $0x0  }
0x9c: {  	[sflag:s14] =	ssyncadd.s32 $0xFFFFC000  }
0x9d: {  	[tilespmem:s18], [sflag:$0x1] =	stream.indirect.gather [hbm4b:s1+s17], $0x80, s0, s17, $0xb8;
	[tilespmem:$0x1C400] =	vst v63  }
0x9e: {  	_ =	swait.ge [sflag:s23], $0x4000  }
0x9f: {  	[sflag:s23] =	ssyncset.done $0x0  }
0xa0: {  	[sflag:s23] =	ssyncadd.s32 $0xFFFFC000  }
0xa1: {  	[spmem:s3] =	stream.indirect.scatter.add.f32 [tilespmem:s20], [sflag:$0x3], $0x80, s2, s17, $0xb8;
	[tilespmem:$0x1C400] =	vst v63  }
0xa2: {  	_ =	swait.ge [sflag:s14], $0x4000  }
0xa3: {  	[sflag:s14] =	ssyncset.done $0x0  }
0xa4: {  	[sflag:s14] =	ssyncadd.s32 $0xFFFFC000  }
0xa5: {  	[tilespmem:s20], [sflag:$0x2] =	stream.indirect.gather [hbm4b:s1+s17], $0x80, s7, s17, $0xb8;
	[tilespmem:$0x1C400] =	vst v63  }
0xa6: {  	_ =	swait.ge [sflag:s21], $0x4000  }
0xa7: {  	[sflag:s21] =	ssyncset.done $0x0  }
0xa8: {  	[sflag:s21] =	ssyncadd.s32 $0xFFFFC000  }
0xa9: {  	[spmem:s3] =	stream.indirect.scatter.add.f32 [tilespmem:s18], [sflag:$0x3], $0x80, s9, s17, $0xb8;
	[tilespmem:$0x1C400] =	vst v63  }
0xaa: {  	_ =	swait.ge [sflag:s14], $0x4000  }
0xab: {  	[sflag:s14] =	ssyncset.done $0x0  }
0xac: {  	[sflag:s14] =	ssyncadd.s32 $0xFFFFC000  }
0xad: {  	_ =	swait.ge [sflag:s23], $0x4000  }
0xae: {  	[sflag:s23] =	ssyncset.done $0x0  }
0xaf: {  	[sflag:s23] =	ssyncadd.s32 $0xFFFFC000  }
0xb0: {  	[spmem:s3] =	stream.indirect.scatter.add.f32 [tilespmem:s20], [sflag:$0x3], $0x80, s10, s17, $0xb8;
	[tilespmem:$0x1C400] =	vst v63  }
0xb1: {  	_ =	swait.ge [sflag:s14], $0x4000  }
0xb2: {  	s8 =	rddreg [dreg:$0x4]  }
0xb3: {  	s8 =	sadd.s32 $0x400, s8  }
0xb4: {  	[sflag:s14] =	ssyncset.done $0x0;
	s8 =	sshrl.u32 s8, $0x3  }
0xb5: {  	[sflag:s14] =	ssyncadd.s32 $0xFFFFC000;
	s12 =	sadd.s32 s5, s8  }
0xb6: {  	[tilespmem:s15], [sflag:$0x3] =	stream.linear.gather [hbm4b:s12+s4], $0x400, $0x38;
	[tilespmem:$0x1C400] =	vst v63  }
0xb7: {  	_ =	swait.ge [sflag:s14], $0x400  }
0xb8: {  	[sflag:s14] =	ssyncset.done $0x0  }
0xb9: {  	[sflag:s14] =	ssyncadd.s32 $0xFFFFFC00  }
0xba: {  	[tilespmem:s18], [sflag:$0x1] =	stream.indirect.gather [hbm4b:s1+s17], $0x80, s15, s17, $0xb8;
	[tilespmem:$0x1C400] =	vst v63  }
0xbb: {  	_ = 	snop  }
0xbc: {  	[tilespmem:s20], [sflag:$0x2] =	stream.indirect.gather [hbm4b:s1+s17], $0x80, s19, s17, $0xb8;
	[tilespmem:$0x1C400] =	vst v63  }
0xbd: {  	s8 =	sadd.s32 s6, s8  }
0xbe: {  	[tilespmem:s16], [sflag:$0x3] =	stream.linear.gather [hbm4b:s8+s4], $0x400, $0x38;
	[tilespmem:$0x1C400] =	vst v63  }
0xbf: {  	_ =	swait.ge [sflag:s14], $0x400  }
0xc0: {  	s12 =	simm.s32 $0x800;
	[sflag:s14] =	ssyncset.done $0x0  }
.LBB2_3:
0xc1: {  	[sflag:s14] =	ssyncadd.s32 $0xFFFFFC00  }
0xc2: {  	_ =	swait.ge [sflag:s21], $0x4000  }
0xc3: {  	[sflag:s21] =	ssyncset.done $0x0  }
0xc4: {  	[sflag:s21] =	ssyncadd.s32 $0xFFFFC000  }
0xc5: {  	[spmem:s3] =	stream.indirect.scatter.add.f32 [tilespmem:s18], [sflag:$0x3], $0x80, s16, s17, $0xb8;
	[tilespmem:$0x1C400] =	vst v63  }
0xc6: {  	_ =	swait.ge [sflag:s14], $0x4000  }
0xc7: {  	[sflag:s14] =	ssyncset.done $0x0  }
0xc8: {  	[sflag:s14] =	ssyncadd.s32 $0xFFFFC000  }
0xc9: {  	[tilespmem:s18], [sflag:$0x1] =	stream.indirect.gather [hbm4b:s1+s17], $0x80, s22, s17, $0xb8;
	[tilespmem:$0x1C400] =	vst v63  }
0xca: {  	_ =	swait.ge [sflag:s23], $0x4000  }
0xcb: {  	[sflag:s23] =	ssyncset.done $0x0  }
0xcc: {  	[sflag:s23] =	ssyncadd.s32 $0xFFFFC000  }
0xcd: {  	[spmem:s3] =	stream.indirect.scatter.add.f32 [tilespmem:s20], [sflag:$0x3], $0x80, s24, s17, $0xb8;
	[tilespmem:$0x1C400] =	vst v63  }
0xce: {  	_ =	swait.ge [sflag:s14], $0x4000  }
0xcf: {  	[sflag:s14] =	ssyncset.done $0x0  }
0xd0: {  	[sflag:s14] =	ssyncadd.s32 $0xFFFFC000  }
0xd1: {  	[tilespmem:s20], [sflag:$0x2] =	stream.indirect.gather [hbm4b:s1+s17], $0x80, s25, s17, $0xb8;
	[tilespmem:$0x1C400] =	vst v63  }
0xd2: {  	_ =	swait.ge [sflag:s21], $0x4000  }
0xd3: {  	[sflag:s21] =	ssyncset.done $0x0  }
0xd4: {  	[sflag:s21] =	ssyncadd.s32 $0xFFFFC000  }
0xd5: {  	[spmem:s3] =	stream.indirect.scatter.add.f32 [tilespmem:s18], [sflag:$0x3], $0x80, s26, s17, $0xb8;
	[tilespmem:$0x1C400] =	vst v63  }
0xd6: {  	_ =	swait.ge [sflag:s14], $0x4000  }
0xd7: {  	[sflag:s14] =	ssyncset.done $0x0  }
0xd8: {  	[sflag:s14] =	ssyncadd.s32 $0xFFFFC000  }
0xd9: {  	[tilespmem:s18], [sflag:$0x1] =	stream.indirect.gather [hbm4b:s1+s17], $0x80, s28, s17, $0xb8;
	[tilespmem:$0x1C400] =	vst v63  }
0xda: {  	_ =	swait.ge [sflag:s23], $0x4000  }
0xdb: {  	[sflag:s23] =	ssyncset.done $0x0  }
0xdc: {  	[sflag:s23] =	ssyncadd.s32 $0xFFFFC000  }
0xdd: {  	[spmem:s3] =	stream.indirect.scatter.add.f32 [tilespmem:s20], [sflag:$0x3], $0x80, s29, s17, $0xb8;
	[tilespmem:$0x1C400] =	vst v63  }
0xde: {  	_ =	swait.ge [sflag:s14], $0x4000  }
0xdf: {  	[sflag:s14] =	ssyncset.done $0x0  }
0xe0: {  	[sflag:s14] =	ssyncadd.s32 $0xFFFFC000  }
0xe1: {  	[tilespmem:s20], [sflag:$0x2] =	stream.indirect.gather [hbm4b:s1+s17], $0x80, s30, s17, $0xb8;
	[tilespmem:$0x1C400] =	vst v63  }
0xe2: {  	_ =	swait.ge [sflag:s21], $0x4000  }
0xe3: {  	[sflag:s21] =	ssyncset.done $0x0  }
0xe4: {  	[sflag:s21] =	ssyncadd.s32 $0xFFFFC000  }
0xe5: {  	[spmem:s3] =	stream.indirect.scatter.add.f32 [tilespmem:s18], [sflag:$0x3], $0x80, s31, s17, $0xb8;
	[tilespmem:$0x1C400] =	vst v63  }
0xe6: {  	_ =	swait.ge [sflag:s14], $0x4000  }
0xe7: {  	[sflag:s14] =	ssyncset.done $0x0  }
0xe8: {  	[sflag:s14] =	ssyncadd.s32 $0xFFFFC000  }
0xe9: {  	[tilespmem:s18], [sflag:$0x1] =	stream.indirect.gather [hbm4b:s1+s17], $0x80, s0, s17, $0xb8;
	[tilespmem:$0x1C400] =	vst v63  }
0xea: {  	_ =	swait.ge [sflag:s23], $0x4000  }
0xeb: {  	[sflag:s23] =	ssyncset.done $0x0  }
0xec: {  	[sflag:s23] =	ssyncadd.s32 $0xFFFFC000  }
0xed: {  	[spmem:s3] =	stream.indirect.scatter.add.f32 [tilespmem:s20], [sflag:$0x3], $0x80, s2, s17, $0xb8;
	[tilespmem:$0x1C400] =	vst v63  }
0xee: {  	_ =	swait.ge [sflag:s14], $0x4000  }
0xef: {  	[sflag:s14] =	ssyncset.done $0x0  }
0xf0: {  	[sflag:s14] =	ssyncadd.s32 $0xFFFFC000  }
0xf1: {  	[tilespmem:s20], [sflag:$0x2] =	stream.indirect.gather [hbm4b:s1+s17], $0x80, s7, s17, $0xb8;
	[tilespmem:$0x1C400] =	vst v63  }
0xf2: {  	_ =	swait.ge [sflag:s21], $0x4000  }
0xf3: {  	[sflag:s21] =	ssyncset.done $0x0  }
0xf4: {  	[sflag:s21] =	ssyncadd.s32 $0xFFFFC000  }
0xf5: {  	[spmem:s3] =	stream.indirect.scatter.add.f32 [tilespmem:s18], [sflag:$0x3], $0x80, s9, s17, $0xb8;
	[tilespmem:$0x1C400] =	vst v63  }
0xf6: {  	_ =	swait.ge [sflag:s14], $0x4000  }
0xf7: {  	[sflag:s14] =	ssyncset.done $0x0  }
0xf8: {  	[sflag:s14] =	ssyncadd.s32 $0xFFFFC000  }
0xf9: {  	_ =	swait.ge [sflag:s23], $0x4000  }
0xfa: {  	[sflag:s23] =	ssyncset.done $0x0  }
0xfb: {  	[sflag:s23] =	ssyncadd.s32 $0xFFFFC000  }
0xfc: {  	[spmem:s3] =	stream.indirect.scatter.add.f32 [tilespmem:s20], [sflag:$0x3], $0x80, s10, s17, $0xb8;
	[tilespmem:$0x1C400] =	vst v63  }
0xfd: {  	_ =	swait.ge [sflag:s14], $0x4000  }
0xfe: {  	s8 =	smov.u32 s12;
	s13 =	rddreg [dreg:$0x4]  }
0xff: {  	s8 =	sadd.s32 s8, s13  }
0x100: {  	[sflag:s14] =	ssyncset.done $0x0;
	s8 =	sshrl.u32 s8, $0x3  }
0x101: {  	[sflag:s14] =	ssyncadd.s32 $0xFFFFC000;
	s13 =	sadd.s32 s5, s8  }
0x102: {  	[tilespmem:s15], [sflag:$0x3] =	stream.linear.gather [hbm4b:s13+s4], $0x400, $0x38;
	[tilespmem:$0x1C400] =	vst v63  }
0x103: {  	_ =	swait.ge [sflag:s14], $0x400  }
0x104: {  	[sflag:s14] =	ssyncset.done $0x0  }
0x105: {  	[sflag:s14] =	ssyncadd.s32 $0xFFFFFC00  }
0x106: {  	[tilespmem:s18], [sflag:$0x1] =	stream.indirect.gather [hbm4b:s1+s17], $0x80, s15, s17, $0xb8;
	[tilespmem:$0x1C400] =	vst v63  }
0x107: {  	p1 =	sne.s32 s12, $0x4800  }
0x108: {  	[tilespmem:s20], [sflag:$0x2] =	stream.indirect.gather [hbm4b:s1+s17], $0x80, s19, s17, $0xb8;
	[tilespmem:$0x1C400] =	vst v63  }
.Ltmp3:
0x109: {  	_ = 	snop;
	(pc) =	sbr.rel @p1 .LBB2_3-.Ltmp3, $4  }
0x10a: {  	s8 =	sadd.s32 s6, s8  }
0x10b: {  	[tilespmem:s16], [sflag:$0x3] =	stream.linear.gather [hbm4b:s8+s4], $0x400, $0x38;
	[tilespmem:$0x1C400] =	vst v63  }
0x10c: {  	_ =	swait.ge [sflag:s14], $0x400  }
0x10d: {  	s12 =	sadd.s32 $0x400, s12;
	[sflag:s14] =	ssyncset.done $0x0  }
.Ltmp4:
0x10e: {  	_ = 	snop;
	(pc) =	sbr.rel .LBB2_4-.Ltmp4, $1  }
0x10f: {  	_ =	sdelay $0x3  }
.LBB2_6:
0x110: {  	_ =	sfence.sel $0x180000  }
0x111: {  	[bflag:$0x0] =	sbarrier.arrive $0xFFFF  }
0x112: {  	_ =	strace $0x90000050  }
0x113: {  	s0 =	stileid.u32;
	[bflag:$0x2] =	sbarrier.arrive $0xFFFF  }
0x114: {  	p0 =	sne.s32 s0, $0x0;
	s0 =	rddreg [dreg:$0x3]  }
0x115: {  	s0 =	sadd.s32 @!p0 $0x100000, s0  }
0x116: {  	[sflag:s0] =	ssyncadd.tile.s32 @!p0 $0x1;
	_ =	shalt  }
.Lfunc_end2:
_tile_overlayer_lowered:
.L_overlay_start_2:
0x117: {  	(tag) =	ssettag $0x2  }
0x118: {  	s0 =	rddreg [dreg:$0x0];
	s2 =	stileid.u32  }
0x119: {  	s1 =	rddreg [dreg:$0x1];
	p0 =	sne.s32 s2, $0x0  }
0x11a: {  	s3 =	rddreg [dreg:$0x2];
	[bflag:$0x3] =	sbarrier.arrive $0xFFFF;
	s2 =	simm.s32 @!p0 $0x1C03  }
0x11b: {  	[timem:s3], [sflag:s2] =	dma.local @!p0 [hbm:s0], s1  }
0x11c: {  	s0 =	simm.s32 @!p0 $0x3  }
0x11d: {  	_ =	swait.ge @!p0 [sflag:s0], s1  }
0x11e: {  	s1 =	ssub.s32 @!p0 $0x0, s1;
	[sflag:s0] =	ssyncset.done @!p0 $0x0  }
0x11f: {  	[sflag:s0] =	ssyncadd.s32 @!p0 s1  }
0x120: {  	[bflag:$0x3] =	sbarrier.arrive $0xFFFF  }
0x121: {  	_ =	shalt  }

</sc_bundles>
